<compile_context>
chip_gen: v7x
topology: tpu7x:2x2x1
jax: 0.10.2.dev20260603
libtpu: 0.0.44.dev20260713+nightly
codegen_flags: <defaults>
</compile_context>

<pallas_src>
import functools

import jax
import jax.numpy as jnp
from jax import lax
from jax.experimental import pallas as pl
from jax.experimental.pallas import tpu as pltpu
from jax.experimental.pallas import tpu_sc as plsc

_B = 16384
_D = 16
_NW = 32
_BPW = _B // _NW
_V = 1000000
_WLAST = (_V // 128 - 1) * 128
_TAIL0 = (_V // 128) * 128
_NTAIL = _V - _TAIL0
_WD = 1e-05

_mesh = plsc.VectorSubcoreMesh(core_axis_name="c", subcore_axis_name="s")


def _vsqrt(x):
    i = lax.bitcast_convert_type(x, jnp.int32)
    y = lax.bitcast_convert_type(jnp.int32(0x5F3759DF) - (i >> 1), jnp.float32)
    for _ in range(3):
        y = y * (1.5 - 0.5 * x * y * y)
    return x * y


@functools.partial(
    pl.kernel,
    out_type=[
        jax.ShapeDtypeStruct((_B // 8, 128), jnp.float32),
        jax.ShapeDtypeStruct((_B,), jnp.float32),
    ],
    mesh=_mesh,
    compiler_params=pltpu.CompilerParams(needs_layout_passes=False,
                                         use_tc_tiling_on_sc=True),
    scratch_types=[
        pltpu.VMEM((4, 128), jnp.int32),
        pltpu.VMEM((4, 128), jnp.int32),
        pltpu.VMEM((16, 16, 128), jnp.float32),
        pltpu.VMEM((16, 16, 128), jnp.float32),
        pltpu.VMEM((16, _NTAIL), jnp.float32),
        pltpu.VMEM((16, _NTAIL), jnp.float32),
        pltpu.VMEM((64, 128), jnp.float32),
        pltpu.VMEM((64, 128), jnp.float32),
        pltpu.VMEM((64, 128), jnp.float32),
        pltpu.VMEM((_BPW,), jnp.float32),
        pltpu.SemaphoreType.DMA,
    ],
)
def _sc_embed(idxx_hbm, idxa_hbm, xt_hbm, at_hbm, op_hbm, owd_hbm,
              idxx_v, idxa_v, ringx, ringa, tailx, taila,
              xrows, arows, prod, wd_v, sem):
    cid = lax.axis_index("c")
    sid = lax.axis_index("s")
    wid = sid * 2 + cid
    base = wid * _BPW

    for ch in range(4):
        pltpu.sync_copy(idxx_hbm.at[pl.ds(base + ch * 128, 128)],
                        idxx_v.at[ch])
        pltpu.sync_copy(idxa_hbm.at[pl.ds(base + ch * 128, 128)],
                        idxa_v.at[ch])
    pltpu.sync_copy(xt_hbm.at[:, pl.ds(_TAIL0, _NTAIL)], tailx)
    pltpu.sync_copy(at_hbm.at[:, pl.ds(_TAIL0, _NTAIL)], taila)

    iota = lax.iota(jnp.int32, 16)

    def issue16(gvec, tt_hbm, ring):
        cps = []
        for k in range(16):
            w0 = jnp.minimum((gvec[k] >> 7) * 128, _WLAST)
            cps.append(pltpu.async_copy(
                tt_hbm.at[:, pl.ds(w0, 128)], ring.at[k], sem))
        return cps

    def drain16(q, gvec, cps, ring, tail, rows):
        for k in range(16):
            cps[k].wait()
            g = gvec[k]
            c = g - jnp.minimum((g >> 7) * 128, _WLAST)
            kf = jnp.full((16,), k, jnp.int32)
            cr = jnp.full((16,), jnp.minimum(c, 127), jnp.int32)
            ct = jnp.full((16,), jnp.maximum(c - 128, 0), jnp.int32)
            rv = plsc.load_gather(ring, [kf, iota, cr])
            tv = plsc.load_gather(tail, [iota, ct])
            rows[q * 2 + k // 8, pl.ds((k % 8) * 16, 16)] = (
                jnp.where(c < 128, rv, tv))

    def fetch_chunk(q, carry):
        gxv = idxx_v[q // 8, pl.ds((q % 8) * 16, 16)]
        gav = idxa_v[q // 8, pl.ds((q % 8) * 16, 16)]
        cpx = issue16(gxv, xt_hbm, ringx)
        cpa = issue16(gav, at_hbm, ringa)
        drain16(q, gxv, cpx, ringx, tailx, xrows)
        drain16(q, gav, cpa, ringa, taila, arows)
        rb = q * 16
        rvec = rb + iota
        r2 = rvec >> 3
        c0 = (rvec & 7) * 16
        accx = jnp.zeros((16,), jnp.float32)
        acca = jnp.zeros((16,), jnp.float32)
        for j in range(_D):
            cj = c0 + j
            gx = plsc.load_gather(xrows, [r2, cj])
            ga = plsc.load_gather(arows, [r2, cj])
            plsc.store_scatter(prod, [r2, cj], gx * ga)
            accx = accx + gx * gx
            acca = acca + ga * ga
        wd_v[pl.ds(rb, 16)] = _WD * (_vsqrt(accx) + _vsqrt(acca))
        return carry

    lax.fori_loop(0, _BPW // 16, fetch_chunk, 0)

    pltpu.sync_copy(prod, op_hbm.at[pl.ds(wid * 64, 64)])
    pltpu.sync_copy(wd_v, owd_hbm.at[pl.ds(base, _BPW)])


def kernel(x_raw, x_table, a_table):
    idx = x_raw.astype(jnp.int32)
    packed, wd = _sc_embed(idx[:, 0], idx[:, 1], x_table.T, a_table.T)
    return (packed.reshape(_B, _D), wd)

# --- scband reference (transcript-rebuilt; emitter-appended) ---
"""Pipeline reference for scband-learner-78271484003033 (READ-ONLY COPY).

The authoritative reference and input builder live on the scoring server;
editing this copy changes nothing except your own understanding.
"""

import jax, jax.numpy as jnp
import numpy as np

VOCAB_USER = 1000000
VOCAB_ITEM = 1000000
HALF_DIM = 16  # embedding_dim / 2
BATCH = 16384
WEIGHT_DECAY = 1e-05


def setup_inputs(seed: int = 0) -> dict:
    key = jax.random.key(seed)
    k1, k2, k3 = jax.random.split(key, 3)
    x_raw = jax.random.randint(k1, (BATCH, 2), 0, VOCAB_USER)
    x_table = jax.random.normal(k2, (VOCAB_USER, HALF_DIM), dtype=jnp.float32)
    a_table = jax.random.normal(k3, (VOCAB_ITEM, HALF_DIM), dtype=jnp.float32)
    return {"x_raw": x_raw, "x_table": x_table, "a_table": a_table}


def reference(x_raw, x_table, a_table):
    # Learner embedding path (feature_data=False, upstream_model='bprBPR'):
    #   x_emb = self.x_embedding_lookup(x_raw[:, 0]).reshape(-1, embedding_dim//2)
    #   a_emb = self.a_embedding_lookup(x_raw[:, 1]).reshape(-1, embedding_dim//2)
    #   x = torch.mul(x_emb, a_emb)
    #   weight_decay = wd * (x_emb.norm(dim=1) + a_emb.norm(dim=1))
    idx_x = x_raw[:, 0]
    idx_a = x_raw[:, 1]
    x_emb = jnp.take(x_table, idx_x, axis=0).reshape(-1, HALF_DIM)
    a_emb = jnp.take(a_table, idx_a, axis=0).reshape(-1, HALF_DIM)
    x = x_emb * a_emb
    weight_decay = WEIGHT_DECAY * (jnp.linalg.norm(x_emb, axis=1) + jnp.linalg.norm(a_emb, axis=1))
    return (x, weight_decay)

if __name__ == "__main__":
    import jax
    _d = setup_inputs()
    print(jax.jit(kernel)(*tuple(_d.values())))

</pallas_src>

<mosaic_0001>
#map = affine_map<(d0, d1) -> (0)>
#map1 = affine_map<(d0, d1) -> (0, 0)>
module attributes {stable_mosaic.version = 14 : i64} {
  func.func @_sc_embed(%arg0: i32, %arg1: i32, %arg2: memref<16384xi32, #tpu.memory_space<hbm>>, %arg3: memref<16384xi32, #tpu.memory_space<hbm>>, %arg4: memref<16x1000000xf32, #tpu.memory_space<hbm>>, %arg5: memref<16x1000000xf32, #tpu.memory_space<hbm>>, %arg6: memref<2048x128xf32, #tpu.memory_space<hbm>>, %arg7: memref<16384xf32, #tpu.memory_space<hbm>>, %arg8: memref<4x128xi32, #tpu.memory_space<vmem>>, %arg9: memref<4x128xi32, #tpu.memory_space<vmem>>, %arg10: memref<16x16x128xf32, #tpu.memory_space<vmem>>, %arg11: memref<16x16x128xf32, #tpu.memory_space<vmem>>, %arg12: memref<16x64xf32, #tpu.memory_space<vmem>>, %arg13: memref<16x64xf32, #tpu.memory_space<vmem>>, %arg14: memref<64x128xf32, #tpu.memory_space<vmem>>, %arg15: memref<64x128xf32, #tpu.memory_space<vmem>>, %arg16: memref<64x128xf32, #tpu.memory_space<vmem>>, %arg17: memref<512xf32, #tpu.memory_space<vmem>>, %arg18: memref<!tpu.dma_semaphore, #tpu.memory_space<semaphore_mem>>) attributes {dimension_semantics = [#tpu.dimension_semantics<core_parallel>, #tpu.dimension_semantics<subcore_parallel>], iteration_bounds = array<i64: 2, 16>, scalar_prefetch = 0 : i64, scratch_operands = 11 : i64, tpu.core_type = #tpu.core_type<sc_vector_subcore>, window_params = [{transform_indices = #map}, {transform_indices = #map}, {transform_indices = #map1}, {transform_indices = #map1}, {transform_indices = #map1}, {transform_indices = #map}]} {
    %mul3A = arith.constant 2 : i32
    %mul3A_0 = arith.muli %arg1, %mul3A : i32
    %add3A = arith.addi %mul3A_0, %arg0 : i32
    %mul3A_1 = arith.constant 512 : i32
    %mul3A_2 = arith.muli %add3A, %mul3A_1 : i32
    %add3A_3 = arith.constant 0 : i32
    %add3A_4 = arith.addi %mul3A_2, %add3A_3 : i32
    %run_scoped3A = arith.constant 0 : i32
    "tpu.region"() ({
      %run_scoped3A_33 = tpu.sem_alloc : memref<!tpu.dma_semaphore, #tpu.memory_space<semaphore_mem>>
      %dma_start3A = arith.constant 0 : i32
      %dma_start3A_34 = tpu.memref_slice %arg8[%run_scoped3A, %dma_start3A] : memref<4x128xi32, #tpu.memory_space<vmem>> -> memref<1x128xi32, #tpu.memory_space<vmem>>
      %dma_start3A_35 = tpu.memref_squeeze %dma_start3A_34 : memref<1x128xi32, #tpu.memory_space<vmem>> -> memref<128xi32, #tpu.memory_space<vmem>>
      %dma_start3A_36 = tpu.memref_slice %arg2[%add3A_4] : memref<16384xi32, #tpu.memory_space<hbm>> -> memref<128xi32, #tpu.memory_space<hbm>>
      %dma_start3A_37 = arith.constant 0 : i32
      %dma_start3A_38 = tpu.memref_slice %arg8[%run_scoped3A, %dma_start3A_37] : memref<4x128xi32, #tpu.memory_space<vmem>> -> memref<1x128xi32, #tpu.memory_space<vmem>>
      %dma_start3A_39 = tpu.memref_squeeze %dma_start3A_38 : memref<1x128xi32, #tpu.memory_space<vmem>> -> memref<128xi32, #tpu.memory_space<vmem>>
      %dma_start3A_40 = tpu.memref_slice %arg2[%add3A_4] : memref<16384xi32, #tpu.memory_space<hbm>> -> memref<128xi32, #tpu.memory_space<hbm>>
      tpu.enqueue_dma source(%dma_start3A_40 : memref<128xi32, #tpu.memory_space<hbm>>) target(%dma_start3A_39 : memref<128xi32, #tpu.memory_space<vmem>>) target_semaphore(%run_scoped3A_33 : memref<!tpu.dma_semaphore, #tpu.memory_space<semaphore_mem>>)
      %dma_wait3A = arith.constant 0 : i32
      %dma_wait3A_41 = tpu.memref_slice %arg8[%run_scoped3A, %dma_wait3A] : memref<4x128xi32, #tpu.memory_space<vmem>> -> memref<1x128xi32, #tpu.memory_space<vmem>>
      %dma_wait3A_42 = tpu.memref_squeeze %dma_wait3A_41 : memref<1x128xi32, #tpu.memory_space<vmem>> -> memref<128xi32, #tpu.memory_space<vmem>>
      %dma_wait3A_43 = tpu.memref_slice %arg2[%add3A_4] : memref<16384xi32, #tpu.memory_space<hbm>> -> memref<128xi32, #tpu.memory_space<hbm>>
      %dma_wait3A_44 = arith.constant 0 : i32
      %dma_wait3A_45 = tpu.memref_slice %arg8[%run_scoped3A, %dma_wait3A_44] : memref<4x128xi32, #tpu.memory_space<vmem>> -> memref<1x128xi32, #tpu.memory_space<vmem>>
      %dma_wait3A_46 = tpu.memref_squeeze %dma_wait3A_45 : memref<1x128xi32, #tpu.memory_space<vmem>> -> memref<128xi32, #tpu.memory_space<vmem>>
      %dma_wait3A_47 = tpu.memref_slice %arg2[%add3A_4] : memref<16384xi32, #tpu.memory_space<hbm>> -> memref<128xi32, #tpu.memory_space<hbm>>
      tpu.wait_dma2 semaphore(%run_scoped3A_33 : memref<!tpu.dma_semaphore, #tpu.memory_space<semaphore_mem>>) src(%dma_wait3A_47 : memref<128xi32, #tpu.memory_space<hbm>>) dst(%dma_wait3A_46 : memref<128xi32, #tpu.memory_space<vmem>>)
      tpu.yield
    }) : () -> ()
    %add3A_5 = arith.constant 0 : i32
    %add3A_6 = arith.addi %mul3A_2, %add3A_5 : i32
    %run_scoped3A_7 = arith.constant 0 : i32
    "tpu.region"() ({
      %run_scoped3A_33 = tpu.sem_alloc : memref<!tpu.dma_semaphore, #tpu.memory_space<semaphore_mem>>
      %dma_start3A = arith.constant 0 : i32
      %dma_start3A_34 = tpu.memref_slice %arg9[%run_scoped3A_7, %dma_start3A] : memref<4x128xi32, #tpu.memory_space<vmem>> -> memref<1x128xi32, #tpu.memory_space<vmem>>
      %dma_start3A_35 = tpu.memref_squeeze %dma_start3A_34 : memref<1x128xi32, #tpu.memory_space<vmem>> -> memref<128xi32, #tpu.memory_space<vmem>>
      %dma_start3A_36 = tpu.memref_slice %arg3[%add3A_6] : memref<16384xi32, #tpu.memory_space<hbm>> -> memref<128xi32, #tpu.memory_space<hbm>>
      %dma_start3A_37 = arith.constant 0 : i32
      %dma_start3A_38 = tpu.memref_slice %arg9[%run_scoped3A_7, %dma_start3A_37] : memref<4x128xi32, #tpu.memory_space<vmem>> -> memref<1x128xi32, #tpu.memory_space<vmem>>
      %dma_start3A_39 = tpu.memref_squeeze %dma_start3A_38 : memref<1x128xi32, #tpu.memory_space<vmem>> -> memref<128xi32, #tpu.memory_space<vmem>>
      %dma_start3A_40 = tpu.memref_slice %arg3[%add3A_6] : memref<16384xi32, #tpu.memory_space<hbm>> -> memref<128xi32, #tpu.memory_space<hbm>>
      tpu.enqueue_dma source(%dma_start3A_40 : memref<128xi32, #tpu.memory_space<hbm>>) target(%dma_start3A_39 : memref<128xi32, #tpu.memory_space<vmem>>) target_semaphore(%run_scoped3A_33 : memref<!tpu.dma_semaphore, #tpu.memory_space<semaphore_mem>>)
      %dma_wait3A = arith.constant 0 : i32
      %dma_wait3A_41 = tpu.memref_slice %arg9[%run_scoped3A_7, %dma_wait3A] : memref<4x128xi32, #tpu.memory_space<vmem>> -> memref<1x128xi32, #tpu.memory_space<vmem>>
      %dma_wait3A_42 = tpu.memref_squeeze %dma_wait3A_41 : memref<1x128xi32, #tpu.memory_space<vmem>> -> memref<128xi32, #tpu.memory_space<vmem>>
      %dma_wait3A_43 = tpu.memref_slice %arg3[%add3A_6] : memref<16384xi32, #tpu.memory_space<hbm>> -> memref<128xi32, #tpu.memory_space<hbm>>
      %dma_wait3A_44 = arith.constant 0 : i32
      %dma_wait3A_45 = tpu.memref_slice %arg9[%run_scoped3A_7, %dma_wait3A_44] : memref<4x128xi32, #tpu.memory_space<vmem>> -> memref<1x128xi32, #tpu.memory_space<vmem>>
      %dma_wait3A_46 = tpu.memref_squeeze %dma_wait3A_45 : memref<1x128xi32, #tpu.memory_space<vmem>> -> memref<128xi32, #tpu.memory_space<vmem>>
      %dma_wait3A_47 = tpu.memref_slice %arg3[%add3A_6] : memref<16384xi32, #tpu.memory_space<hbm>> -> memref<128xi32, #tpu.memory_space<hbm>>
      tpu.wait_dma2 semaphore(%run_scoped3A_33 : memref<!tpu.dma_semaphore, #tpu.memory_space<semaphore_mem>>) src(%dma_wait3A_47 : memref<128xi32, #tpu.memory_space<hbm>>) dst(%dma_wait3A_46 : memref<128xi32, #tpu.memory_space<vmem>>)
      tpu.yield
    }) : () -> ()
    %add3A_8 = arith.constant 128 : i32
    %add3A_9 = arith.addi %mul3A_2, %add3A_8 : i32
    %run_scoped3A_10 = arith.constant 1 : i32
    "tpu.region"() ({
      %run_scoped3A_33 = tpu.sem_alloc : memref<!tpu.dma_semaphore, #tpu.memory_space<semaphore_mem>>
      %dma_start3A = arith.constant 0 : i32
      %dma_start3A_34 = tpu.memref_slice %arg8[%run_scoped3A_10, %dma_start3A] : memref<4x128xi32, #tpu.memory_space<vmem>> -> memref<1x128xi32, #tpu.memory_space<vmem>>
      %dma_start3A_35 = tpu.memref_squeeze %dma_start3A_34 : memref<1x128xi32, #tpu.memory_space<vmem>> -> memref<128xi32, #tpu.memory_space<vmem>>
      %dma_start3A_36 = tpu.memref_slice %arg2[%add3A_9] : memref<16384xi32, #tpu.memory_space<hbm>> -> memref<128xi32, #tpu.memory_space<hbm>>
      %dma_start3A_37 = arith.constant 0 : i32
      %dma_start3A_38 = tpu.memref_slice %arg8[%run_scoped3A_10, %dma_start3A_37] : memref<4x128xi32, #tpu.memory_space<vmem>> -> memref<1x128xi32, #tpu.memory_space<vmem>>
      %dma_start3A_39 = tpu.memref_squeeze %dma_start3A_38 : memref<1x128xi32, #tpu.memory_space<vmem>> -> memref<128xi32, #tpu.memory_space<vmem>>
      %dma_start3A_40 = tpu.memref_slice %arg2[%add3A_9] : memref<16384xi32, #tpu.memory_space<hbm>> -> memref<128xi32, #tpu.memory_space<hbm>>
      tpu.enqueue_dma source(%dma_start3A_40 : memref<128xi32, #tpu.memory_space<hbm>>) target(%dma_start3A_39 : memref<128xi32, #tpu.memory_space<vmem>>) target_semaphore(%run_scoped3A_33 : memref<!tpu.dma_semaphore, #tpu.memory_space<semaphore_mem>>)
      %dma_wait3A = arith.constant 0 : i32
      %dma_wait3A_41 = tpu.memref_slice %arg8[%run_scoped3A_10, %dma_wait3A] : memref<4x128xi32, #tpu.memory_space<vmem>> -> memref<1x128xi32, #tpu.memory_space<vmem>>
      %dma_wait3A_42 = tpu.memref_squeeze %dma_wait3A_41 : memref<1x128xi32, #tpu.memory_space<vmem>> -> memref<128xi32, #tpu.memory_space<vmem>>
      %dma_wait3A_43 = tpu.memref_slice %arg2[%add3A_9] : memref<16384xi32, #tpu.memory_space<hbm>> -> memref<128xi32, #tpu.memory_space<hbm>>
      %dma_wait3A_44 = arith.constant 0 : i32
      %dma_wait3A_45 = tpu.memref_slice %arg8[%run_scoped3A_10, %dma_wait3A_44] : memref<4x128xi32, #tpu.memory_space<vmem>> -> memref<1x128xi32, #tpu.memory_space<vmem>>
      %dma_wait3A_46 = tpu.memref_squeeze %dma_wait3A_45 : memref<1x128xi32, #tpu.memory_space<vmem>> -> memref<128xi32, #tpu.memory_space<vmem>>
      %dma_wait3A_47 = tpu.memref_slice %arg2[%add3A_9] : memref<16384xi32, #tpu.memory_space<hbm>> -> memref<128xi32, #tpu.memory_space<hbm>>
      tpu.wait_dma2 semaphore(%run_scoped3A_33 : memref<!tpu.dma_semaphore, #tpu.memory_space<semaphore_mem>>) src(%dma_wait3A_47 : memref<128xi32, #tpu.memory_space<hbm>>) dst(%dma_wait3A_46 : memref<128xi32, #tpu.memory_space<vmem>>)
      tpu.yield
    }) : () -> ()
    %add3A_11 = arith.constant 128 : i32
    %add3A_12 = arith.addi %mul3A_2, %add3A_11 : i32
    %run_scoped3A_13 = arith.constant 1 : i32
    "tpu.region"() ({
      %run_scoped3A_33 = tpu.sem_alloc : memref<!tpu.dma_semaphore, #tpu.memory_space<semaphore_mem>>
      %dma_start3A = arith.constant 0 : i32
      %dma_start3A_34 = tpu.memref_slice %arg9[%run_scoped3A_13, %dma_start3A] : memref<4x128xi32, #tpu.memory_space<vmem>> -> memref<1x128xi32, #tpu.memory_space<vmem>>
      %dma_start3A_35 = tpu.memref_squeeze %dma_start3A_34 : memref<1x128xi32, #tpu.memory_space<vmem>> -> memref<128xi32, #tpu.memory_space<vmem>>
      %dma_start3A_36 = tpu.memref_slice %arg3[%add3A_12] : memref<16384xi32, #tpu.memory_space<hbm>> -> memref<128xi32, #tpu.memory_space<hbm>>
      %dma_start3A_37 = arith.constant 0 : i32
      %dma_start3A_38 = tpu.memref_slice %arg9[%run_scoped3A_13, %dma_start3A_37] : memref<4x128xi32, #tpu.memory_space<vmem>> -> memref<1x128xi32, #tpu.memory_space<vmem>>
      %dma_start3A_39 = tpu.memref_squeeze %dma_start3A_38 : memref<1x128xi32, #tpu.memory_space<vmem>> -> memref<128xi32, #tpu.memory_space<vmem>>
      %dma_start3A_40 = tpu.memref_slice %arg3[%add3A_12] : memref<16384xi32, #tpu.memory_space<hbm>> -> memref<128xi32, #tpu.memory_space<hbm>>
      tpu.enqueue_dma source(%dma_start3A_40 : memref<128xi32, #tpu.memory_space<hbm>>) target(%dma_start3A_39 : memref<128xi32, #tpu.memory_space<vmem>>) target_semaphore(%run_scoped3A_33 : memref<!tpu.dma_semaphore, #tpu.memory_space<semaphore_mem>>)
      %dma_wait3A = arith.constant 0 : i32
      %dma_wait3A_41 = tpu.memref_slice %arg9[%run_scoped3A_13, %dma_wait3A] : memref<4x128xi32, #tpu.memory_space<vmem>> -> memref<1x128xi32, #tpu.memory_space<vmem>>
      %dma_wait3A_42 = tpu.memref_squeeze %dma_wait3A_41 : memref<1x128xi32, #tpu.memory_space<vmem>> -> memref<128xi32, #tpu.memory_space<vmem>>
      %dma_wait3A_43 = tpu.memref_slice %arg3[%add3A_12] : memref<16384xi32, #tpu.memory_space<hbm>> -> memref<128xi32, #tpu.memory_space<hbm>>
      %dma_wait3A_44 = arith.constant 0 : i32
      %dma_wait3A_45 = tpu.memref_slice %arg9[%run_scoped3A_13, %dma_wait3A_44] : memref<4x128xi32, #tpu.memory_space<vmem>> -> memref<1x128xi32, #tpu.memory_space<vmem>>
      %dma_wait3A_46 = tpu.memref_squeeze %dma_wait3A_45 : memref<1x128xi32, #tpu.memory_space<vmem>> -> memref<128xi32, #tpu.memory_space<vmem>>
      %dma_wait3A_47 = tpu.memref_slice %arg3[%add3A_12] : memref<16384xi32, #tpu.memory_space<hbm>> -> memref<128xi32, #tpu.memory_space<hbm>>
      tpu.wait_dma2 semaphore(%run_scoped3A_33 : memref<!tpu.dma_semaphore, #tpu.memory_space<semaphore_mem>>) src(%dma_wait3A_47 : memref<128xi32, #tpu.memory_space<hbm>>) dst(%dma_wait3A_46 : memref<128xi32, #tpu.memory_space<vmem>>)
      tpu.yield
    }) : () -> ()
    %add3A_14 = arith.constant 256 : i32
    %add3A_15 = arith.addi %mul3A_2, %add3A_14 : i32
    %run_scoped3A_16 = arith.constant 2 : i32
    "tpu.region"() ({
      %run_scoped3A_33 = tpu.sem_alloc : memref<!tpu.dma_semaphore, #tpu.memory_space<semaphore_mem>>
      %dma_start3A = arith.constant 0 : i32
      %dma_start3A_34 = tpu.memref_slice %arg8[%run_scoped3A_16, %dma_start3A] : memref<4x128xi32, #tpu.memory_space<vmem>> -> memref<1x128xi32, #tpu.memory_space<vmem>>
      %dma_start3A_35 = tpu.memref_squeeze %dma_start3A_34 : memref<1x128xi32, #tpu.memory_space<vmem>> -> memref<128xi32, #tpu.memory_space<vmem>>
      %dma_start3A_36 = tpu.memref_slice %arg2[%add3A_15] : memref<16384xi32, #tpu.memory_space<hbm>> -> memref<128xi32, #tpu.memory_space<hbm>>
      %dma_start3A_37 = arith.constant 0 : i32
      %dma_start3A_38 = tpu.memref_slice %arg8[%run_scoped3A_16, %dma_start3A_37] : memref<4x128xi32, #tpu.memory_space<vmem>> -> memref<1x128xi32, #tpu.memory_space<vmem>>
      %dma_start3A_39 = tpu.memref_squeeze %dma_start3A_38 : memref<1x128xi32, #tpu.memory_space<vmem>> -> memref<128xi32, #tpu.memory_space<vmem>>
      %dma_start3A_40 = tpu.memref_slice %arg2[%add3A_15] : memref<16384xi32, #tpu.memory_space<hbm>> -> memref<128xi32, #tpu.memory_space<hbm>>
      tpu.enqueue_dma source(%dma_start3A_40 : memref<128xi32, #tpu.memory_space<hbm>>) target(%dma_start3A_39 : memref<128xi32, #tpu.memory_space<vmem>>) target_semaphore(%run_scoped3A_33 : memref<!tpu.dma_semaphore, #tpu.memory_space<semaphore_mem>>)
      %dma_wait3A = arith.constant 0 : i32
      %dma_wait3A_41 = tpu.memref_slice %arg8[%run_scoped3A_16, %dma_wait3A] : memref<4x128xi32, #tpu.memory_space<vmem>> -> memref<1x128xi32, #tpu.memory_space<vmem>>
      %dma_wait3A_42 = tpu.memref_squeeze %dma_wait3A_41 : memref<1x128xi32, #tpu.memory_space<vmem>> -> memref<128xi32, #tpu.memory_space<vmem>>
      %dma_wait3A_43 = tpu.memref_slice %arg2[%add3A_15] : memref<16384xi32, #tpu.memory_space<hbm>> -> memref<128xi32, #tpu.memory_space<hbm>>
      %dma_wait3A_44 = arith.constant 0 : i32
      %dma_wait3A_45 = tpu.memref_slice %arg8[%run_scoped3A_16, %dma_wait3A_44] : memref<4x128xi32, #tpu.memory_space<vmem>> -> memref<1x128xi32, #tpu.memory_space<vmem>>
      %dma_wait3A_46 = tpu.memref_squeeze %dma_wait3A_45 : memref<1x128xi32, #tpu.memory_space<vmem>> -> memref<128xi32, #tpu.memory_space<vmem>>
      %dma_wait3A_47 = tpu.memref_slice %arg2[%add3A_15] : memref<16384xi32, #tpu.memory_space<hbm>> -> memref<128xi32, #tpu.memory_space<hbm>>
      tpu.wait_dma2 semaphore(%run_scoped3A_33 : memref<!tpu.dma_semaphore, #tpu.memory_space<semaphore_mem>>) src(%dma_wait3A_47 : memref<128xi32, #tpu.memory_space<hbm>>) dst(%dma_wait3A_46 : memref<128xi32, #tpu.memory_space<vmem>>)
      tpu.yield
    }) : () -> ()
    %add3A_17 = arith.constant 256 : i32
    %add3A_18 = arith.addi %mul3A_2, %add3A_17 : i32
    %run_scoped3A_19 = arith.constant 2 : i32
    "tpu.region"() ({
      %run_scoped3A_33 = tpu.sem_alloc : memref<!tpu.dma_semaphore, #tpu.memory_space<semaphore_mem>>
      %dma_start3A = arith.constant 0 : i32
      %dma_start3A_34 = tpu.memref_slice %arg9[%run_scoped3A_19, %dma_start3A] : memref<4x128xi32, #tpu.memory_space<vmem>> -> memref<1x128xi32, #tpu.memory_space<vmem>>
      %dma_start3A_35 = tpu.memref_squeeze %dma_start3A_34 : memref<1x128xi32, #tpu.memory_space<vmem>> -> memref<128xi32, #tpu.memory_space<vmem>>
      %dma_start3A_36 = tpu.memref_slice %arg3[%add3A_18] : memref<16384xi32, #tpu.memory_space<hbm>> -> memref<128xi32, #tpu.memory_space<hbm>>
      %dma_start3A_37 = arith.constant 0 : i32
      %dma_start3A_38 = tpu.memref_slice %arg9[%run_scoped3A_19, %dma_start3A_37] : memref<4x128xi32, #tpu.memory_space<vmem>> -> memref<1x128xi32, #tpu.memory_space<vmem>>
      %dma_start3A_39 = tpu.memref_squeeze %dma_start3A_38 : memref<1x128xi32, #tpu.memory_space<vmem>> -> memref<128xi32, #tpu.memory_space<vmem>>
      %dma_start3A_40 = tpu.memref_slice %arg3[%add3A_18] : memref<16384xi32, #tpu.memory_space<hbm>> -> memref<128xi32, #tpu.memory_space<hbm>>
      tpu.enqueue_dma source(%dma_start3A_40 : memref<128xi32, #tpu.memory_space<hbm>>) target(%dma_start3A_39 : memref<128xi32, #tpu.memory_space<vmem>>) target_semaphore(%run_scoped3A_33 : memref<!tpu.dma_semaphore, #tpu.memory_space<semaphore_mem>>)
      %dma_wait3A = arith.constant 0 : i32
      %dma_wait3A_41 = tpu.memref_slice %arg9[%run_scoped3A_19, %dma_wait3A] : memref<4x128xi32, #tpu.memory_space<vmem>> -> memref<1x128xi32, #tpu.memory_space<vmem>>
      %dma_wait3A_42 = tpu.memref_squeeze %dma_wait3A_41 : memref<1x128xi32, #tpu.memory_space<vmem>> -> memref<128xi32, #tpu.memory_space<vmem>>
      %dma_wait3A_43 = tpu.memref_slice %arg3[%add3A_18] : memref<16384xi32, #tpu.memory_space<hbm>> -> memref<128xi32, #tpu.memory_space<hbm>>
      %dma_wait3A_44 = arith.constant 0 : i32
      %dma_wait3A_45 = tpu.memref_slice %arg9[%run_scoped3A_19, %dma_wait3A_44] : memref<4x128xi32, #tpu.memory_space<vmem>> -> memref<1x128xi32, #tpu.memory_space<vmem>>
      %dma_wait3A_46 = tpu.memref_squeeze %dma_wait3A_45 : memref<1x128xi32, #tpu.memory_space<vmem>> -> memref<128xi32, #tpu.memory_space<vmem>>
      %dma_wait3A_47 = tpu.memref_slice %arg3[%add3A_18] : memref<16384xi32, #tpu.memory_space<hbm>> -> memref<128xi32, #tpu.memory_space<hbm>>
      tpu.wait_dma2 semaphore(%run_scoped3A_33 : memref<!tpu.dma_semaphore, #tpu.memory_space<semaphore_mem>>) src(%dma_wait3A_47 : memref<128xi32, #tpu.memory_space<hbm>>) dst(%dma_wait3A_46 : memref<128xi32, #tpu.memory_space<vmem>>)
      tpu.yield
    }) : () -> ()
    %add3A_20 = arith.constant 384 : i32
    %add3A_21 = arith.addi %mul3A_2, %add3A_20 : i32
    %run_scoped3A_22 = arith.constant 3 : i32
    "tpu.region"() ({
      %run_scoped3A_33 = tpu.sem_alloc : memref<!tpu.dma_semaphore, #tpu.memory_space<semaphore_mem>>
      %dma_start3A = arith.constant 0 : i32
      %dma_start3A_34 = tpu.memref_slice %arg8[%run_scoped3A_22, %dma_start3A] : memref<4x128xi32, #tpu.memory_space<vmem>> -> memref<1x128xi32, #tpu.memory_space<vmem>>
      %dma_start3A_35 = tpu.memref_squeeze %dma_start3A_34 : memref<1x128xi32, #tpu.memory_space<vmem>> -> memref<128xi32, #tpu.memory_space<vmem>>
      %dma_start3A_36 = tpu.memref_slice %arg2[%add3A_21] : memref<16384xi32, #tpu.memory_space<hbm>> -> memref<128xi32, #tpu.memory_space<hbm>>
      %dma_start3A_37 = arith.constant 0 : i32
      %dma_start3A_38 = tpu.memref_slice %arg8[%run_scoped3A_22, %dma_start3A_37] : memref<4x128xi32, #tpu.memory_space<vmem>> -> memref<1x128xi32, #tpu.memory_space<vmem>>
      %dma_start3A_39 = tpu.memref_squeeze %dma_start3A_38 : memref<1x128xi32, #tpu.memory_space<vmem>> -> memref<128xi32, #tpu.memory_space<vmem>>
      %dma_start3A_40 = tpu.memref_slice %arg2[%add3A_21] : memref<16384xi32, #tpu.memory_space<hbm>> -> memref<128xi32, #tpu.memory_space<hbm>>
      tpu.enqueue_dma source(%dma_start3A_40 : memref<128xi32, #tpu.memory_space<hbm>>) target(%dma_start3A_39 : memref<128xi32, #tpu.memory_space<vmem>>) target_semaphore(%run_scoped3A_33 : memref<!tpu.dma_semaphore, #tpu.memory_space<semaphore_mem>>)
      %dma_wait3A = arith.constant 0 : i32
      %dma_wait3A_41 = tpu.memref_slice %arg8[%run_scoped3A_22, %dma_wait3A] : memref<4x128xi32, #tpu.memory_space<vmem>> -> memref<1x128xi32, #tpu.memory_space<vmem>>
      %dma_wait3A_42 = tpu.memref_squeeze %dma_wait3A_41 : memref<1x128xi32, #tpu.memory_space<vmem>> -> memref<128xi32, #tpu.memory_space<vmem>>
      %dma_wait3A_43 = tpu.memref_slice %arg2[%add3A_21] : memref<16384xi32, #tpu.memory_space<hbm>> -> memref<128xi32, #tpu.memory_space<hbm>>
      %dma_wait3A_44 = arith.constant 0 : i32
      %dma_wait3A_45 = tpu.memref_slice %arg8[%run_scoped3A_22, %dma_wait3A_44] : memref<4x128xi32, #tpu.memory_space<vmem>> -> memref<1x128xi32, #tpu.memory_space<vmem>>
      %dma_wait3A_46 = tpu.memref_squeeze %dma_wait3A_45 : memref<1x128xi32, #tpu.memory_space<vmem>> -> memref<128xi32, #tpu.memory_space<vmem>>
      %dma_wait3A_47 = tpu.memref_slice %arg2[%add3A_21] : memref<16384xi32, #tpu.memory_space<hbm>> -> memref<128xi32, #tpu.memory_space<hbm>>
      tpu.wait_dma2 semaphore(%run_scoped3A_33 : memref<!tpu.dma_semaphore, #tpu.memory_space<semaphore_mem>>) src(%dma_wait3A_47 : memref<128xi32, #tpu.memory_space<hbm>>) dst(%dma_wait3A_46 : memref<128xi32, #tpu.memory_space<vmem>>)
      tpu.yield
    }) : () -> ()
    %add3A_23 = arith.constant 384 : i32
    %add3A_24 = arith.addi %mul3A_2, %add3A_23 : i32
    %run_scoped3A_25 = arith.constant 3 : i32
    "tpu.region"() ({
      %run_scoped3A_33 = tpu.sem_alloc : memref<!tpu.dma_semaphore, #tpu.memory_space<semaphore_mem>>
      %dma_start3A = arith.constant 0 : i32
      %dma_start3A_34 = tpu.memref_slice %arg9[%run_scoped3A_25, %dma_start3A] : memref<4x128xi32, #tpu.memory_space<vmem>> -> memref<1x128xi32, #tpu.memory_space<vmem>>
      %dma_start3A_35 = tpu.memref_squeeze %dma_start3A_34 : memref<1x128xi32, #tpu.memory_space<vmem>> -> memref<128xi32, #tpu.memory_space<vmem>>
      %dma_start3A_36 = tpu.memref_slice %arg3[%add3A_24] : memref<16384xi32, #tpu.memory_space<hbm>> -> memref<128xi32, #tpu.memory_space<hbm>>
      %dma_start3A_37 = arith.constant 0 : i32
      %dma_start3A_38 = tpu.memref_slice %arg9[%run_scoped3A_25, %dma_start3A_37] : memref<4x128xi32, #tpu.memory_space<vmem>> -> memref<1x128xi32, #tpu.memory_space<vmem>>
      %dma_start3A_39 = tpu.memref_squeeze %dma_start3A_38 : memref<1x128xi32, #tpu.memory_space<vmem>> -> memref<128xi32, #tpu.memory_space<vmem>>
      %dma_start3A_40 = tpu.memref_slice %arg3[%add3A_24] : memref<16384xi32, #tpu.memory_space<hbm>> -> memref<128xi32, #tpu.memory_space<hbm>>
      tpu.enqueue_dma source(%dma_start3A_40 : memref<128xi32, #tpu.memory_space<hbm>>) target(%dma_start3A_39 : memref<128xi32, #tpu.memory_space<vmem>>) target_semaphore(%run_scoped3A_33 : memref<!tpu.dma_semaphore, #tpu.memory_space<semaphore_mem>>)
      %dma_wait3A = arith.constant 0 : i32
      %dma_wait3A_41 = tpu.memref_slice %arg9[%run_scoped3A_25, %dma_wait3A] : memref<4x128xi32, #tpu.memory_space<vmem>> -> memref<1x128xi32, #tpu.memory_space<vmem>>
      %dma_wait3A_42 = tpu.memref_squeeze %dma_wait3A_41 : memref<1x128xi32, #tpu.memory_space<vmem>> -> memref<128xi32, #tpu.memory_space<vmem>>
      %dma_wait3A_43 = tpu.memref_slice %arg3[%add3A_24] : memref<16384xi32, #tpu.memory_space<hbm>> -> memref<128xi32, #tpu.memory_space<hbm>>
      %dma_wait3A_44 = arith.constant 0 : i32
      %dma_wait3A_45 = tpu.memref_slice %arg9[%run_scoped3A_25, %dma_wait3A_44] : memref<4x128xi32, #tpu.memory_space<vmem>> -> memref<1x128xi32, #tpu.memory_space<vmem>>
      %dma_wait3A_46 = tpu.memref_squeeze %dma_wait3A_45 : memref<1x128xi32, #tpu.memory_space<vmem>> -> memref<128xi32, #tpu.memory_space<vmem>>
      %dma_wait3A_47 = tpu.memref_slice %arg3[%add3A_24] : memref<16384xi32, #tpu.memory_space<hbm>> -> memref<128xi32, #tpu.memory_space<hbm>>
      tpu.wait_dma2 semaphore(%run_scoped3A_33 : memref<!tpu.dma_semaphore, #tpu.memory_space<semaphore_mem>>) src(%dma_wait3A_47 : memref<128xi32, #tpu.memory_space<hbm>>) dst(%dma_wait3A_46 : memref<128xi32, #tpu.memory_space<vmem>>)
      tpu.yield
    }) : () -> ()
    "tpu.region"() ({
      %run_scoped3A_33 = tpu.sem_alloc : memref<!tpu.dma_semaphore, #tpu.memory_space<semaphore_mem>>
      %dma_start3A = arith.constant 0 : i32
      %dma_start3A_34 = arith.constant 999936 : i32
      %dma_start3A_35 = tpu.memref_slice %arg4[%dma_start3A, %dma_start3A_34] : memref<16x1000000xf32, #tpu.memory_space<hbm>> -> memref<16x64xf32, #tpu.memory_space<hbm>>
      %dma_start3A_36 = arith.constant 0 : i32
      %dma_start3A_37 = arith.constant 999936 : i32
      %dma_start3A_38 = tpu.memref_slice %arg4[%dma_start3A_36, %dma_start3A_37] : memref<16x1000000xf32, #tpu.memory_space<hbm>> -> memref<16x64xf32, #tpu.memory_space<hbm>>
      tpu.enqueue_dma source(%dma_start3A_38 : memref<16x64xf32, #tpu.memory_space<hbm>>) target(%arg12 : memref<16x64xf32, #tpu.memory_space<vmem>>) target_semaphore(%run_scoped3A_33 : memref<!tpu.dma_semaphore, #tpu.memory_space<semaphore_mem>>)
      %dma_wait3A = arith.constant 0 : i32
      %dma_wait3A_39 = arith.constant 999936 : i32
      %dma_wait3A_40 = tpu.memref_slice %arg4[%dma_wait3A, %dma_wait3A_39] : memref<16x1000000xf32, #tpu.memory_space<hbm>> -> memref<16x64xf32, #tpu.memory_space<hbm>>
      %dma_wait3A_41 = arith.constant 0 : i32
      %dma_wait3A_42 = arith.constant 999936 : i32
      %dma_wait3A_43 = tpu.memref_slice %arg4[%dma_wait3A_41, %dma_wait3A_42] : memref<16x1000000xf32, #tpu.memory_space<hbm>> -> memref<16x64xf32, #tpu.memory_space<hbm>>
      tpu.wait_dma2 semaphore(%run_scoped3A_33 : memref<!tpu.dma_semaphore, #tpu.memory_space<semaphore_mem>>) src(%dma_wait3A_43 : memref<16x64xf32, #tpu.memory_space<hbm>>) dst(%arg12 : memref<16x64xf32, #tpu.memory_space<vmem>>)
      tpu.yield
    }) : () -> ()
    "tpu.region"() ({
      %run_scoped3A_33 = tpu.sem_alloc : memref<!tpu.dma_semaphore, #tpu.memory_space<semaphore_mem>>
      %dma_start3A = arith.constant 0 : i32
      %dma_start3A_34 = arith.constant 999936 : i32
      %dma_start3A_35 = tpu.memref_slice %arg5[%dma_start3A, %dma_start3A_34] : memref<16x1000000xf32, #tpu.memory_space<hbm>> -> memref<16x64xf32, #tpu.memory_space<hbm>>
      %dma_start3A_36 = arith.constant 0 : i32
      %dma_start3A_37 = arith.constant 999936 : i32
      %dma_start3A_38 = tpu.memref_slice %arg5[%dma_start3A_36, %dma_start3A_37] : memref<16x1000000xf32, #tpu.memory_space<hbm>> -> memref<16x64xf32, #tpu.memory_space<hbm>>
      tpu.enqueue_dma source(%dma_start3A_38 : memref<16x64xf32, #tpu.memory_space<hbm>>) target(%arg13 : memref<16x64xf32, #tpu.memory_space<vmem>>) target_semaphore(%run_scoped3A_33 : memref<!tpu.dma_semaphore, #tpu.memory_space<semaphore_mem>>)
      %dma_wait3A = arith.constant 0 : i32
      %dma_wait3A_39 = arith.constant 999936 : i32
      %dma_wait3A_40 = tpu.memref_slice %arg5[%dma_wait3A, %dma_wait3A_39] : memref<16x1000000xf32, #tpu.memory_space<hbm>> -> memref<16x64xf32, #tpu.memory_space<hbm>>
      %dma_wait3A_41 = arith.constant 0 : i32
      %dma_wait3A_42 = arith.constant 999936 : i32
      %dma_wait3A_43 = tpu.memref_slice %arg5[%dma_wait3A_41, %dma_wait3A_42] : memref<16x1000000xf32, #tpu.memory_space<hbm>> -> memref<16x64xf32, #tpu.memory_space<hbm>>
      tpu.wait_dma2 semaphore(%run_scoped3A_33 : memref<!tpu.dma_semaphore, #tpu.memory_space<semaphore_mem>>) src(%dma_wait3A_43 : memref<16x64xf32, #tpu.memory_space<hbm>>) dst(%arg13 : memref<16x64xf32, #tpu.memory_space<vmem>>)
      tpu.yield
    }) : () -> ()
    %iota3A = tpu.iota {dimensions = array<i32: 0>} : vector<16xi32>
    %scan3A = arith.constant 0 : i32
    %scan3A_26 = arith.constant 0 : i32
    %scan3A_27 = arith.constant 32 : i32
    %scan3A_28 = arith.addi %scan3A_26, %scan3A_27 : i32
    %scan3A_29 = arith.constant 1 : i32
    scf.for %scan3A_33 = %scan3A_26 to %scan3A_28 step %scan3A_29  : i32 {
      %jit3A = arith.constant 8 : i32
      %div3A = arith.divsi %scan3A_33, %jit3A : i32
      %sign3A = arith.constant 0 : i32
      %sign3A_34 = arith.cmpi sgt, %scan3A_33, %sign3A : i32
      %sign3A_35 = arith.extui %sign3A_34 : i1 to i32
      %sign3A_36 = arith.constant 0 : i32
      %sign3A_37 = arith.cmpi slt, %scan3A_33, %sign3A_36 : i32
      %sign3A_38 = arith.extui %sign3A_37 : i1 to i32
      %sign3A_39 = arith.subi %sign3A_35, %sign3A_38 : i32
      %sign3A_40 = arith.constant 0 : i32
      %sign3A_41 = arith.cmpi sgt, %jit3A, %sign3A_40 : i32
      %sign3A_42 = arith.extui %sign3A_41 : i1 to i32
      %sign3A_43 = arith.constant 0 : i32
      %sign3A_44 = arith.cmpi slt, %jit3A, %sign3A_43 : i32
      %sign3A_45 = arith.extui %sign3A_44 : i1 to i32
      %sign3A_46 = arith.subi %sign3A_42, %sign3A_45 : i32
      %ne3A = arith.cmpi ne, %sign3A_39, %sign3A_46 : i32
      %rem3A = arith.remsi %scan3A_33, %jit3A : i32
      %ne3A_47 = arith.constant 0 : i32
      %ne3A_48 = arith.cmpi ne, %rem3A, %ne3A_47 : i32
      %and3A = arith.andi %ne3A, %ne3A_48 : i1
      %sub3A = arith.constant 1 : i32
      %sub3A_49 = arith.subi %div3A, %sub3A : i32
      %select_n3A = arith.select %and3A, %sub3A_49, %div3A : i32
      %jit3A_50 = arith.constant 8 : i32
      %eq3A = arith.constant 0 : i32
      %eq3A_51 = arith.cmpi eq, %jit3A_50, %eq3A : i32
      %jit3A_52 = arith.constant 1 : i32
      %select_n3A_53 = arith.select %eq3A_51, %jit3A_52, %jit3A_50 : i32
      %rem3A_54 = arith.remsi %scan3A_33, %select_n3A_53 : i32
      %ne3A_55 = arith.constant 0 : i32
      %ne3A_56 = arith.cmpi ne, %rem3A_54, %ne3A_55 : i32
      %lt3A = arith.constant 0 : i32
      %lt3A_57 = arith.cmpi slt, %rem3A_54, %lt3A : i32
      %lt3A_58 = arith.constant 0 : i32
      %lt3A_59 = arith.cmpi slt, %select_n3A_53, %lt3A_58 : i32
      %ne3A_60 = arith.xori %lt3A_57, %lt3A_59 : i1
      %and3A_61 = arith.andi %ne3A_60, %ne3A_56 : i1
      %add3A_62 = arith.addi %rem3A_54, %select_n3A_53 : i32
      %select_n3A_63 = arith.select %and3A_61, %add3A_62, %rem3A_54 : i32
      %mul3A_64 = arith.constant 16 : i32
      %mul3A_65 = arith.muli %select_n3A_63, %mul3A_64 : i32
      %get3A = arith.index_cast %select_n3A : i32 to index
      %get3A_66 = arith.index_cast %mul3A_65 : i32 to index
      %get3A_67 = tpu.vector_load %arg8[%get3A, %get3A_66] {strides = array<i32>} : memref<4x128xi32, #tpu.memory_space<vmem>>, vector<16xi32>,
      %jit3A_68 = arith.constant 8 : i32
      %div3A_69 = arith.divsi %scan3A_33, %jit3A_68 : i32
      %sign3A_70 = arith.constant 0 : i32
      %sign3A_71 = arith.cmpi sgt, %scan3A_33, %sign3A_70 : i32
      %sign3A_72 = arith.extui %sign3A_71 : i1 to i32
      %sign3A_73 = arith.constant 0 : i32
      %sign3A_74 = arith.cmpi slt, %scan3A_33, %sign3A_73 : i32
      %sign3A_75 = arith.extui %sign3A_74 : i1 to i32
      %sign3A_76 = arith.subi %sign3A_72, %sign3A_75 : i32
      %sign3A_77 = arith.constant 0 : i32
      %sign3A_78 = arith.cmpi sgt, %jit3A_68, %sign3A_77 : i32
      %sign3A_79 = arith.extui %sign3A_78 : i1 to i32
      %sign3A_80 = arith.constant 0 : i32
      %sign3A_81 = arith.cmpi slt, %jit3A_68, %sign3A_80 : i32
      %sign3A_82 = arith.extui %sign3A_81 : i1 to i32
      %sign3A_83 = arith.subi %sign3A_79, %sign3A_82 : i32
      %ne3A_84 = arith.cmpi ne, %sign3A_76, %sign3A_83 : i32
      %rem3A_85 = arith.remsi %scan3A_33, %jit3A_68 : i32
      %ne3A_86 = arith.constant 0 : i32
      %ne3A_87 = arith.cmpi ne, %rem3A_85, %ne3A_86 : i32
      %and3A_88 = arith.andi %ne3A_84, %ne3A_87 : i1
      %sub3A_89 = arith.constant 1 : i32
      %sub3A_90 = arith.subi %div3A_69, %sub3A_89 : i32
      %select_n3A_91 = arith.select %and3A_88, %sub3A_90, %div3A_69 : i32
      %jit3A_92 = arith.constant 8 : i32
      %eq3A_93 = arith.constant 0 : i32
      %eq3A_94 = arith.cmpi eq, %jit3A_92, %eq3A_93 : i32
      %jit3A_95 = arith.constant 1 : i32
      %select_n3A_96 = arith.select %eq3A_94, %jit3A_95, %jit3A_92 : i32
      %rem3A_97 = arith.remsi %scan3A_33, %select_n3A_96 : i32
      %ne3A_98 = arith.constant 0 : i32
      %ne3A_99 = arith.cmpi ne, %rem3A_97, %ne3A_98 : i32
      %lt3A_100 = arith.constant 0 : i32
      %lt3A_101 = arith.cmpi slt, %rem3A_97, %lt3A_100 : i32
      %lt3A_102 = arith.constant 0 : i32
      %lt3A_103 = arith.cmpi slt, %select_n3A_96, %lt3A_102 : i32
      %ne3A_104 = arith.xori %lt3A_101, %lt3A_103 : i1
      %and3A_105 = arith.andi %ne3A_104, %ne3A_99 : i1
      %add3A_106 = arith.addi %rem3A_97, %select_n3A_96 : i32
      %select_n3A_107 = arith.select %and3A_105, %add3A_106, %rem3A_97 : i32
      %mul3A_108 = arith.constant 16 : i32
      %mul3A_109 = arith.muli %select_n3A_107, %mul3A_108 : i32
      %get3A_110 = arith.index_cast %select_n3A_91 : i32 to index
      %get3A_111 = arith.index_cast %mul3A_109 : i32 to index
      %get3A_112 = tpu.vector_load %arg9[%get3A_110, %get3A_111] {strides = array<i32>} : memref<4x128xi32, #tpu.memory_space<vmem>>, vector<16xi32>,
      %slice3A = vector.extract_strided_slice %get3A_67 {offsets = [0], sizes = [1], strides = [1]} : vector<16xi32> to vector<1xi32>
      %squeeze3A = vector.extract %slice3A[0] : i32 from vector<1xi32>
      %shift_right_arithmetic3A = arith.constant 7 : i32
      %shift_right_arithmetic3A_113 = arith.shrsi %squeeze3A, %shift_right_arithmetic3A : i32
      %mul3A_114 = arith.constant 128 : i32
      %mul3A_115 = arith.muli %shift_right_arithmetic3A_113, %mul3A_114 : i32
      %min3A = arith.constant 999808 : i32
      %min3A_116 = arith.minsi %mul3A_115, %min3A : i32
      %dma_start3A = arith.constant 0 : i32
      %dma_start3A_117 = arith.constant 0 : i32
      %dma_start3A_118 = arith.constant 0 : i32
      %dma_start3A_119 = tpu.memref_slice %arg10[%dma_start3A, %dma_start3A_117, %dma_start3A_118] : memref<16x16x128xf32, #tpu.memory_space<vmem>> -> memref<1x16x128xf32, #tpu.memory_space<vmem>>
      %dma_start3A_120 = tpu.memref_squeeze %dma_start3A_119 : memref<1x16x128xf32, #tpu.memory_space<vmem>> -> memref<16x128xf32, #tpu.memory_space<vmem>>
      %dma_start3A_121 = arith.constant 0 : i32
      %dma_start3A_122 = tpu.memref_slice %arg4[%dma_start3A_121, %min3A_116] : memref<16x1000000xf32, #tpu.memory_space<hbm>> -> memref<16x128xf32, #tpu.memory_space<hbm>>
      %dma_start3A_123 = arith.constant 0 : i32
      %dma_start3A_124 = arith.constant 0 : i32
      %dma_start3A_125 = tpu.memref_slice %arg10[%dma_start3A, %dma_start3A_123, %dma_start3A_124] : memref<16x16x128xf32, #tpu.memory_space<vmem>> -> memref<1x16x128xf32, #tpu.memory_space<vmem>>
      %dma_start3A_126 = tpu.memref_squeeze %dma_start3A_125 : memref<1x16x128xf32, #tpu.memory_space<vmem>> -> memref<16x128xf32, #tpu.memory_space<vmem>>
      %dma_start3A_127 = arith.constant 0 : i32
      %dma_start3A_128 = tpu.memref_slice %arg4[%dma_start3A_127, %min3A_116] : memref<16x1000000xf32, #tpu.memory_space<hbm>> -> memref<16x128xf32, #tpu.memory_space<hbm>>
      tpu.enqueue_dma source(%dma_start3A_128 : memref<16x128xf32, #tpu.memory_space<hbm>>) target(%dma_start3A_126 : memref<16x128xf32, #tpu.memory_space<vmem>>) target_semaphore(%arg18 : memref<!tpu.dma_semaphore, #tpu.memory_space<semaphore_mem>>)
      %slice3A_129 = vector.extract_strided_slice %get3A_67 {offsets = [1], sizes = [1], strides = [1]} : vector<16xi32> to vector<1xi32>
      %squeeze3A_130 = vector.extract %slice3A_129[0] : i32 from vector<1xi32>
      %shift_right_arithmetic3A_131 = arith.constant 7 : i32
      %shift_right_arithmetic3A_132 = arith.shrsi %squeeze3A_130, %shift_right_arithmetic3A_131 : i32
      %mul3A_133 = arith.constant 128 : i32
      %mul3A_134 = arith.muli %shift_right_arithmetic3A_132, %mul3A_133 : i32
      %min3A_135 = arith.constant 999808 : i32
      %min3A_136 = arith.minsi %mul3A_134, %min3A_135 : i32
      %dma_start3A_137 = arith.constant 1 : i32
      %dma_start3A_138 = arith.constant 0 : i32
      %dma_start3A_139 = arith.constant 0 : i32
      %dma_start3A_140 = tpu.memref_slice %arg10[%dma_start3A_137, %dma_start3A_138, %dma_start3A_139] : memref<16x16x128xf32, #tpu.memory_space<vmem>> -> memref<1x16x128xf32, #tpu.memory_space<vmem>>
      %dma_start3A_141 = tpu.memref_squeeze %dma_start3A_140 : memref<1x16x128xf32, #tpu.memory_space<vmem>> -> memref<16x128xf32, #tpu.memory_space<vmem>>
      %dma_start3A_142 = arith.constant 0 : i32
      %dma_start3A_143 = tpu.memref_slice %arg4[%dma_start3A_142, %min3A_136] : memref<16x1000000xf32, #tpu.memory_space<hbm>> -> memref<16x128xf32, #tpu.memory_space<hbm>>
      %dma_start3A_144 = arith.constant 0 : i32
      %dma_start3A_145 = arith.constant 0 : i32
      %dma_start3A_146 = tpu.memref_slice %arg10[%dma_start3A_137, %dma_start3A_144, %dma_start3A_145] : memref<16x16x128xf32, #tpu.memory_space<vmem>> -> memref<1x16x128xf32, #tpu.memory_space<vmem>>
      %dma_start3A_147 = tpu.memref_squeeze %dma_start3A_146 : memref<1x16x128xf32, #tpu.memory_space<vmem>> -> memref<16x128xf32, #tpu.memory_space<vmem>>
      %dma_start3A_148 = arith.constant 0 : i32
      %dma_start3A_149 = tpu.memref_slice %arg4[%dma_start3A_148, %min3A_136] : memref<16x1000000xf32, #tpu.memory_space<hbm>> -> memref<16x128xf32, #tpu.memory_space<hbm>>
      tpu.enqueue_dma source(%dma_start3A_149 : memref<16x128xf32, #tpu.memory_space<hbm>>) target(%dma_start3A_147 : memref<16x128xf32, #tpu.memory_space<vmem>>) target_semaphore(%arg18 : memref<!tpu.dma_semaphore, #tpu.memory_space<semaphore_mem>>)
      %slice3A_150 = vector.extract_strided_slice %get3A_67 {offsets = [2], sizes = [1], strides = [1]} : vector<16xi32> to vector<1xi32>
      %squeeze3A_151 = vector.extract %slice3A_150[0] : i32 from vector<1xi32>
      %shift_right_arithmetic3A_152 = arith.constant 7 : i32
      %shift_right_arithmetic3A_153 = arith.shrsi %squeeze3A_151, %shift_right_arithmetic3A_152 : i32
      %mul3A_154 = arith.constant 128 : i32
      %mul3A_155 = arith.muli %shift_right_arithmetic3A_153, %mul3A_154 : i32
      %min3A_156 = arith.constant 999808 : i32
      %min3A_157 = arith.minsi %mul3A_155, %min3A_156 : i32
      %dma_start3A_158 = arith.constant 2 : i32
      %dma_start3A_159 = arith.constant 0 : i32
      %dma_start3A_160 = arith.constant 0 : i32
      %dma_start3A_161 = tpu.memref_slice %arg10[%dma_start3A_158, %dma_start3A_159, %dma_start3A_160] : memref<16x16x128xf32, #tpu.memory_space<vmem>> -> memref<1x16x128xf32, #tpu.memory_space<vmem>>
      %dma_start3A_162 = tpu.memref_squeeze %dma_start3A_161 : memref<1x16x128xf32, #tpu.memory_space<vmem>> -> memref<16x128xf32, #tpu.memory_space<vmem>>
      %dma_start3A_163 = arith.constant 0 : i32
      %dma_start3A_164 = tpu.memref_slice %arg4[%dma_start3A_163, %min3A_157] : memref<16x1000000xf32, #tpu.memory_space<hbm>> -> memref<16x128xf32, #tpu.memory_space<hbm>>
      %dma_start3A_165 = arith.constant 0 : i32
      %dma_start3A_166 = arith.constant 0 : i32
      %dma_start3A_167 = tpu.memref_slice %arg10[%dma_start3A_158, %dma_start3A_165, %dma_start3A_166] : memref<16x16x128xf32, #tpu.memory_space<vmem>> -> memref<1x16x128xf32, #tpu.memory_space<vmem>>
      %dma_start3A_168 = tpu.memref_squeeze %dma_start3A_167 : memref<1x16x128xf32, #tpu.memory_space<vmem>> -> memref<16x128xf32, #tpu.memory_space<vmem>>
      %dma_start3A_169 = arith.constant 0 : i32
      %dma_start3A_170 = tpu.memref_slice %arg4[%dma_start3A_169, %min3A_157] : memref<16x1000000xf32, #tpu.memory_space<hbm>> -> memref<16x128xf32, #tpu.memory_space<hbm>>
      tpu.enqueue_dma source(%dma_start3A_170 : memref<16x128xf32, #tpu.memory_space<hbm>>) target(%dma_start3A_168 : memref<16x128xf32, #tpu.memory_space<vmem>>) target_semaphore(%arg18 : memref<!tpu.dma_semaphore, #tpu.memory_space<semaphore_mem>>)
      %slice3A_171 = vector.extract_strided_slice %get3A_67 {offsets = [3], sizes = [1], strides = [1]} : vector<16xi32> to vector<1xi32>
      %squeeze3A_172 = vector.extract %slice3A_171[0] : i32 from vector<1xi32>
      %shift_right_arithmetic3A_173 = arith.constant 7 : i32
      %shift_right_arithmetic3A_174 = arith.shrsi %squeeze3A_172, %shift_right_arithmetic3A_173 : i32
      %mul3A_175 = arith.constant 128 : i32
      %mul3A_176 = arith.muli %shift_right_arithmetic3A_174, %mul3A_175 : i32
      %min3A_177 = arith.constant 999808 : i32
      %min3A_178 = arith.minsi %mul3A_176, %min3A_177 : i32
      %dma_start3A_179 = arith.constant 3 : i32
      %dma_start3A_180 = arith.constant 0 : i32
      %dma_start3A_181 = arith.constant 0 : i32
      %dma_start3A_182 = tpu.memref_slice %arg10[%dma_start3A_179, %dma_start3A_180, %dma_start3A_181] : memref<16x16x128xf32, #tpu.memory_space<vmem>> -> memref<1x16x128xf32, #tpu.memory_space<vmem>>
      %dma_start3A_183 = tpu.memref_squeeze %dma_start3A_182 : memref<1x16x128xf32, #tpu.memory_space<vmem>> -> memref<16x128xf32, #tpu.memory_space<vmem>>
      %dma_start3A_184 = arith.constant 0 : i32
      %dma_start3A_185 = tpu.memref_slice %arg4[%dma_start3A_184, %min3A_178] : memref<16x1000000xf32, #tpu.memory_space<hbm>> -> memref<16x128xf32, #tpu.memory_space<hbm>>
      %dma_start3A_186 = arith.constant 0 : i32
      %dma_start3A_187 = arith.constant 0 : i32
      %dma_start3A_188 = tpu.memref_slice %arg10[%dma_start3A_179, %dma_start3A_186, %dma_start3A_187] : memref<16x16x128xf32, #tpu.memory_space<vmem>> -> memref<1x16x128xf32, #tpu.memory_space<vmem>>
      %dma_start3A_189 = tpu.memref_squeeze %dma_start3A_188 : memref<1x16x128xf32, #tpu.memory_space<vmem>> -> memref<16x128xf32, #tpu.memory_space<vmem>>
      %dma_start3A_190 = arith.constant 0 : i32
      %dma_start3A_191 = tpu.memref_slice %arg4[%dma_start3A_190, %min3A_178] : memref<16x1000000xf32, #tpu.memory_space<hbm>> -> memref<16x128xf32, #tpu.memory_space<hbm>>
      tpu.enqueue_dma source(%dma_start3A_191 : memref<16x128xf32, #tpu.memory_space<hbm>>) target(%dma_start3A_189 : memref<16x128xf32, #tpu.memory_space<vmem>>) target_semaphore(%arg18 : memref<!tpu.dma_semaphore, #tpu.memory_space<semaphore_mem>>)
      %slice3A_192 = vector.extract_strided_slice %get3A_67 {offsets = [4], sizes = [1], strides = [1]} : vector<16xi32> to vector<1xi32>
      %squeeze3A_193 = vector.extract %slice3A_192[0] : i32 from vector<1xi32>
      %shift_right_arithmetic3A_194 = arith.constant 7 : i32
      %shift_right_arithmetic3A_195 = arith.shrsi %squeeze3A_193, %shift_right_arithmetic3A_194 : i32
      %mul3A_196 = arith.constant 128 : i32
      %mul3A_197 = arith.muli %shift_right_arithmetic3A_195, %mul3A_196 : i32
      %min3A_198 = arith.constant 999808 : i32
      %min3A_199 = arith.minsi %mul3A_197, %min3A_198 : i32
      %dma_start3A_200 = arith.constant 4 : i32
      %dma_start3A_201 = arith.constant 0 : i32
      %dma_start3A_202 = arith.constant 0 : i32
      %dma_start3A_203 = tpu.memref_slice %arg10[%dma_start3A_200, %dma_start3A_201, %dma_start3A_202] : memref<16x16x128xf32, #tpu.memory_space<vmem>> -> memref<1x16x128xf32, #tpu.memory_space<vmem>>
      %dma_start3A_204 = tpu.memref_squeeze %dma_start3A_203 : memref<1x16x128xf32, #tpu.memory_space<vmem>> -> memref<16x128xf32, #tpu.memory_space<vmem>>
      %dma_start3A_205 = arith.constant 0 : i32
      %dma_start3A_206 = tpu.memref_slice %arg4[%dma_start3A_205, %min3A_199] : memref<16x1000000xf32, #tpu.memory_space<hbm>> -> memref<16x128xf32, #tpu.memory_space<hbm>>
      %dma_start3A_207 = arith.constant 0 : i32
      %dma_start3A_208 = arith.constant 0 : i32
      %dma_start3A_209 = tpu.memref_slice %arg10[%dma_start3A_200, %dma_start3A_207, %dma_start3A_208] : memref<16x16x128xf32, #tpu.memory_space<vmem>> -> memref<1x16x128xf32, #tpu.memory_space<vmem>>
      %dma_start3A_210 = tpu.memref_squeeze %dma_start3A_209 : memref<1x16x128xf32, #tpu.memory_space<vmem>> -> memref<16x128xf32, #tpu.memory_space<vmem>>
      %dma_start3A_211 = arith.constant 0 : i32
      %dma_start3A_212 = tpu.memref_slice %arg4[%dma_start3A_211, %min3A_199] : memref<16x1000000xf32, #tpu.memory_space<hbm>> -> memref<16x128xf32, #tpu.memory_space<hbm>>
      tpu.enqueue_dma source(%dma_start3A_212 : memref<16x128xf32, #tpu.memory_space<hbm>>) target(%dma_start3A_210 : memref<16x128xf32, #tpu.memory_space<vmem>>) target_semaphore(%arg18 : memref<!tpu.dma_semaphore, #tpu.memory_space<semaphore_mem>>)
      %slice3A_213 = vector.extract_strided_slice %get3A_67 {offsets = [5], sizes = [1], strides = [1]} : vector<16xi32> to vector<1xi32>
      %squeeze3A_214 = vector.extract %slice3A_213[0] : i32 from vector<1xi32>
      %shift_right_arithmetic3A_215 = arith.constant 7 : i32
      %shift_right_arithmetic3A_216 = arith.shrsi %squeeze3A_214, %shift_right_arithmetic3A_215 : i32
      %mul3A_217 = arith.constant 128 : i32
      %mul3A_218 = arith.muli %shift_right_arithmetic3A_216, %mul3A_217 : i32
      %min3A_219 = arith.constant 999808 : i32
      %min3A_220 = arith.minsi %mul3A_218, %min3A_219 : i32
      %dma_start3A_221 = arith.constant 5 : i32
      %dma_start3A_222 = arith.constant 0 : i32
      %dma_start3A_223 = arith.constant 0 : i32
      %dma_start3A_224 = tpu.memref_slice %arg10[%dma_start3A_221, %dma_start3A_222, %dma_start3A_223] : memref<16x16x128xf32, #tpu.memory_space<vmem>> -> memref<1x16x128xf32, #tpu.memory_space<vmem>>
      %dma_start3A_225 = tpu.memref_squeeze %dma_start3A_224 : memref<1x16x128xf32, #tpu.memory_space<vmem>> -> memref<16x128xf32, #tpu.memory_space<vmem>>
      %dma_start3A_226 = arith.constant 0 : i32
      %dma_start3A_227 = tpu.memref_slice %arg4[%dma_start3A_226, %min3A_220] : memref<16x1000000xf32, #tpu.memory_space<hbm>> -> memref<16x128xf32, #tpu.memory_space<hbm>>
      %dma_start3A_228 = arith.constant 0 : i32
      %dma_start3A_229 = arith.constant 0 : i32
      %dma_start3A_230 = tpu.memref_slice %arg10[%dma_start3A_221, %dma_start3A_228, %dma_start3A_229] : memref<16x16x128xf32, #tpu.memory_space<vmem>> -> memref<1x16x128xf32, #tpu.memory_space<vmem>>
      %dma_start3A_231 = tpu.memref_squeeze %dma_start3A_230 : memref<1x16x128xf32, #tpu.memory_space<vmem>> -> memref<16x128xf32, #tpu.memory_space<vmem>>
      %dma_start3A_232 = arith.constant 0 : i32
      %dma_start3A_233 = tpu.memref_slice %arg4[%dma_start3A_232, %min3A_220] : memref<16x1000000xf32, #tpu.memory_space<hbm>> -> memref<16x128xf32, #tpu.memory_space<hbm>>
      tpu.enqueue_dma source(%dma_start3A_233 : memref<16x128xf32, #tpu.memory_space<hbm>>) target(%dma_start3A_231 : memref<16x128xf32, #tpu.memory_space<vmem>>) target_semaphore(%arg18 : memref<!tpu.dma_semaphore, #tpu.memory_space<semaphore_mem>>)
      %slice3A_234 = vector.extract_strided_slice %get3A_67 {offsets = [6], sizes = [1], strides = [1]} : vector<16xi32> to vector<1xi32>
      %squeeze3A_235 = vector.extract %slice3A_234[0] : i32 from vector<1xi32>
      %shift_right_arithmetic3A_236 = arith.constant 7 : i32
      %shift_right_arithmetic3A_237 = arith.shrsi %squeeze3A_235, %shift_right_arithmetic3A_236 : i32
      %mul3A_238 = arith.constant 128 : i32
      %mul3A_239 = arith.muli %shift_right_arithmetic3A_237, %mul3A_238 : i32
      %min3A_240 = arith.constant 999808 : i32
      %min3A_241 = arith.minsi %mul3A_239, %min3A_240 : i32
      %dma_start3A_242 = arith.constant 6 : i32
      %dma_start3A_243 = arith.constant 0 : i32
      %dma_start3A_244 = arith.constant 0 : i32
      %dma_start3A_245 = tpu.memref_slice %arg10[%dma_start3A_242, %dma_start3A_243, %dma_start3A_244] : memref<16x16x128xf32, #tpu.memory_space<vmem>> -> memref<1x16x128xf32, #tpu.memory_space<vmem>>
      %dma_start3A_246 = tpu.memref_squeeze %dma_start3A_245 : memref<1x16x128xf32, #tpu.memory_space<vmem>> -> memref<16x128xf32, #tpu.memory_space<vmem>>
      %dma_start3A_247 = arith.constant 0 : i32
      %dma_start3A_248 = tpu.memref_slice %arg4[%dma_start3A_247, %min3A_241] : memref<16x1000000xf32, #tpu.memory_space<hbm>> -> memref<16x128xf32, #tpu.memory_space<hbm>>
      %dma_start3A_249 = arith.constant 0 : i32
      %dma_start3A_250 = arith.constant 0 : i32
      %dma_start3A_251 = tpu.memref_slice %arg10[%dma_start3A_242, %dma_start3A_249, %dma_start3A_250] : memref<16x16x128xf32, #tpu.memory_space<vmem>> -> memref<1x16x128xf32, #tpu.memory_space<vmem>>
      %dma_start3A_252 = tpu.memref_squeeze %dma_start3A_251 : memref<1x16x128xf32, #tpu.memory_space<vmem>> -> memref<16x128xf32, #tpu.memory_space<vmem>>
      %dma_start3A_253 = arith.constant 0 : i32
      %dma_start3A_254 = tpu.memref_slice %arg4[%dma_start3A_253, %min3A_241] : memref<16x1000000xf32, #tpu.memory_space<hbm>> -> memref<16x128xf32, #tpu.memory_space<hbm>>
      tpu.enqueue_dma source(%dma_start3A_254 : memref<16x128xf32, #tpu.memory_space<hbm>>) target(%dma_start3A_252 : memref<16x128xf32, #tpu.memory_space<vmem>>) target_semaphore(%arg18 : memref<!tpu.dma_semaphore, #tpu.memory_space<semaphore_mem>>)
      %slice3A_255 = vector.extract_strided_slice %get3A_67 {offsets = [7], sizes = [1], strides = [1]} : vector<16xi32> to vector<1xi32>
      %squeeze3A_256 = vector.extract %slice3A_255[0] : i32 from vector<1xi32>
      %shift_right_arithmetic3A_257 = arith.constant 7 : i32
      %shift_right_arithmetic3A_258 = arith.shrsi %squeeze3A_256, %shift_right_arithmetic3A_257 : i32
      %mul3A_259 = arith.constant 128 : i32
      %mul3A_260 = arith.muli %shift_right_arithmetic3A_258, %mul3A_259 : i32
      %min3A_261 = arith.constant 999808 : i32
      %min3A_262 = arith.minsi %mul3A_260, %min3A_261 : i32
      %dma_start3A_263 = arith.constant 7 : i32
      %dma_start3A_264 = arith.constant 0 : i32
      %dma_start3A_265 = arith.constant 0 : i32
      %dma_start3A_266 = tpu.memref_slice %arg10[%dma_start3A_263, %dma_start3A_264, %dma_start3A_265] : memref<16x16x128xf32, #tpu.memory_space<vmem>> -> memref<1x16x128xf32, #tpu.memory_space<vmem>>
      %dma_start3A_267 = tpu.memref_squeeze %dma_start3A_266 : memref<1x16x128xf32, #tpu.memory_space<vmem>> -> memref<16x128xf32, #tpu.memory_space<vmem>>
      %dma_start3A_268 = arith.constant 0 : i32
      %dma_start3A_269 = tpu.memref_slice %arg4[%dma_start3A_268, %min3A_262] : memref<16x1000000xf32, #tpu.memory_space<hbm>> -> memref<16x128xf32, #tpu.memory_space<hbm>>
      %dma_start3A_270 = arith.constant 0 : i32
      %dma_start3A_271 = arith.constant 0 : i32
      %dma_start3A_272 = tpu.memref_slice %arg10[%dma_start3A_263, %dma_start3A_270, %dma_start3A_271] : memref<16x16x128xf32, #tpu.memory_space<vmem>> -> memref<1x16x128xf32, #tpu.memory_space<vmem>>
      %dma_start3A_273 = tpu.memref_squeeze %dma_start3A_272 : memref<1x16x128xf32, #tpu.memory_space<vmem>> -> memref<16x128xf32, #tpu.memory_space<vmem>>
      %dma_start3A_274 = arith.constant 0 : i32
      %dma_start3A_275 = tpu.memref_slice %arg4[%dma_start3A_274, %min3A_262] : memref<16x1000000xf32, #tpu.memory_space<hbm>> -> memref<16x128xf32, #tpu.memory_space<hbm>>
      tpu.enqueue_dma source(%dma_start3A_275 : memref<16x128xf32, #tpu.memory_space<hbm>>) target(%dma_start3A_273 : memref<16x128xf32, #tpu.memory_space<vmem>>) target_semaphore(%arg18 : memref<!tpu.dma_semaphore, #tpu.memory_space<semaphore_mem>>)
      %slice3A_276 = vector.extract_strided_slice %get3A_67 {offsets = [8], sizes = [1], strides = [1]} : vector<16xi32> to vector<1xi32>
      %squeeze3A_277 = vector.extract %slice3A_276[0] : i32 from vector<1xi32>
      %shift_right_arithmetic3A_278 = arith.constant 7 : i32
      %shift_right_arithmetic3A_279 = arith.shrsi %squeeze3A_277, %shift_right_arithmetic3A_278 : i32
      %mul3A_280 = arith.constant 128 : i32
      %mul3A_281 = arith.muli %shift_right_arithmetic3A_279, %mul3A_280 : i32
      %min3A_282 = arith.constant 999808 : i32
      %min3A_283 = arith.minsi %mul3A_281, %min3A_282 : i32
      %dma_start3A_284 = arith.constant 8 : i32
      %dma_start3A_285 = arith.constant 0 : i32
      %dma_start3A_286 = arith.constant 0 : i32
      %dma_start3A_287 = tpu.memref_slice %arg10[%dma_start3A_284, %dma_start3A_285, %dma_start3A_286] : memref<16x16x128xf32, #tpu.memory_space<vmem>> -> memref<1x16x128xf32, #tpu.memory_space<vmem>>
      %dma_start3A_288 = tpu.memref_squeeze %dma_start3A_287 : memref<1x16x128xf32, #tpu.memory_space<vmem>> -> memref<16x128xf32, #tpu.memory_space<vmem>>
      %dma_start3A_289 = arith.constant 0 : i32
      %dma_start3A_290 = tpu.memref_slice %arg4[%dma_start3A_289, %min3A_283] : memref<16x1000000xf32, #tpu.memory_space<hbm>> -> memref<16x128xf32, #tpu.memory_space<hbm>>
      %dma_start3A_291 = arith.constant 0 : i32
      %dma_start3A_292 = arith.constant 0 : i32
      %dma_start3A_293 = tpu.memref_slice %arg10[%dma_start3A_284, %dma_start3A_291, %dma_start3A_292] : memref<16x16x128xf32, #tpu.memory_space<vmem>> -> memref<1x16x128xf32, #tpu.memory_space<vmem>>
      %dma_start3A_294 = tpu.memref_squeeze %dma_start3A_293 : memref<1x16x128xf32, #tpu.memory_space<vmem>> -> memref<16x128xf32, #tpu.memory_space<vmem>>
      %dma_start3A_295 = arith.constant 0 : i32
      %dma_start3A_296 = tpu.memref_slice %arg4[%dma_start3A_295, %min3A_283] : memref<16x1000000xf32, #tpu.memory_space<hbm>> -> memref<16x128xf32, #tpu.memory_space<hbm>>
      tpu.enqueue_dma source(%dma_start3A_296 : memref<16x128xf32, #tpu.memory_space<hbm>>) target(%dma_start3A_294 : memref<16x128xf32, #tpu.memory_space<vmem>>) target_semaphore(%arg18 : memref<!tpu.dma_semaphore, #tpu.memory_space<semaphore_mem>>)
      %slice3A_297 = vector.extract_strided_slice %get3A_67 {offsets = [9], sizes = [1], strides = [1]} : vector<16xi32> to vector<1xi32>
      %squeeze3A_298 = vector.extract %slice3A_297[0] : i32 from vector<1xi32>
      %shift_right_arithmetic3A_299 = arith.constant 7 : i32
      %shift_right_arithmetic3A_300 = arith.shrsi %squeeze3A_298, %shift_right_arithmetic3A_299 : i32
      %mul3A_301 = arith.constant 128 : i32
      %mul3A_302 = arith.muli %shift_right_arithmetic3A_300, %mul3A_301 : i32
      %min3A_303 = arith.constant 999808 : i32
      %min3A_304 = arith.minsi %mul3A_302, %min3A_303 : i32
      %dma_start3A_305 = arith.constant 9 : i32
      %dma_start3A_306 = arith.constant 0 : i32
      %dma_start3A_307 = arith.constant 0 : i32
      %dma_start3A_308 = tpu.memref_slice %arg10[%dma_start3A_305, %dma_start3A_306, %dma_start3A_307] : memref<16x16x128xf32, #tpu.memory_space<vmem>> -> memref<1x16x128xf32, #tpu.memory_space<vmem>>
      %dma_start3A_309 = tpu.memref_squeeze %dma_start3A_308 : memref<1x16x128xf32, #tpu.memory_space<vmem>> -> memref<16x128xf32, #tpu.memory_space<vmem>>
      %dma_start3A_310 = arith.constant 0 : i32
      %dma_start3A_311 = tpu.memref_slice %arg4[%dma_start3A_310, %min3A_304] : memref<16x1000000xf32, #tpu.memory_space<hbm>> -> memref<16x128xf32, #tpu.memory_space<hbm>>
      %dma_start3A_312 = arith.constant 0 : i32
      %dma_start3A_313 = arith.constant 0 : i32
      %dma_start3A_314 = tpu.memref_slice %arg10[%dma_start3A_305, %dma_start3A_312, %dma_start3A_313] : memref<16x16x128xf32, #tpu.memory_space<vmem>> -> memref<1x16x128xf32, #tpu.memory_space<vmem>>
      %dma_start3A_315 = tpu.memref_squeeze %dma_start3A_314 : memref<1x16x128xf32, #tpu.memory_space<vmem>> -> memref<16x128xf32, #tpu.memory_space<vmem>>
      %dma_start3A_316 = arith.constant 0 : i32
      %dma_start3A_317 = tpu.memref_slice %arg4[%dma_start3A_316, %min3A_304] : memref<16x1000000xf32, #tpu.memory_space<hbm>> -> memref<16x128xf32, #tpu.memory_space<hbm>>
      tpu.enqueue_dma source(%dma_start3A_317 : memref<16x128xf32, #tpu.memory_space<hbm>>) target(%dma_start3A_315 : memref<16x128xf32, #tpu.memory_space<vmem>>) target_semaphore(%arg18 : memref<!tpu.dma_semaphore, #tpu.memory_space<semaphore_mem>>)
      %slice3A_318 = vector.extract_strided_slice %get3A_67 {offsets = [10], sizes = [1], strides = [1]} : vector<16xi32> to vector<1xi32>
      %squeeze3A_319 = vector.extract %slice3A_318[0] : i32 from vector<1xi32>
      %shift_right_arithmetic3A_320 = arith.constant 7 : i32
      %shift_right_arithmetic3A_321 = arith.shrsi %squeeze3A_319, %shift_right_arithmetic3A_320 : i32
      %mul3A_322 = arith.constant 128 : i32
      %mul3A_323 = arith.muli %shift_right_arithmetic3A_321, %mul3A_322 : i32
      %min3A_324 = arith.constant 999808 : i32
      %min3A_325 = arith.minsi %mul3A_323, %min3A_324 : i32
      %dma_start3A_326 = arith.constant 10 : i32
      %dma_start3A_327 = arith.constant 0 : i32
      %dma_start3A_328 = arith.constant 0 : i32
      %dma_start3A_329 = tpu.memref_slice %arg10[%dma_start3A_326, %dma_start3A_327, %dma_start3A_328] : memref<16x16x128xf32, #tpu.memory_space<vmem>> -> memref<1x16x128xf32, #tpu.memory_space<vmem>>
      %dma_start3A_330 = tpu.memref_squeeze %dma_start3A_329 : memref<1x16x128xf32, #tpu.memory_space<vmem>> -> memref<16x128xf32, #tpu.memory_space<vmem>>
      %dma_start3A_331 = arith.constant 0 : i32
      %dma_start3A_332 = tpu.memref_slice %arg4[%dma_start3A_331, %min3A_325] : memref<16x1000000xf32, #tpu.memory_space<hbm>> -> memref<16x128xf32, #tpu.memory_space<hbm>>
      %dma_start3A_333 = arith.constant 0 : i32
      %dma_start3A_334 = arith.constant 0 : i32
      %dma_start3A_335 = tpu.memref_slice %arg10[%dma_start3A_326, %dma_start3A_333, %dma_start3A_334] : memref<16x16x128xf32, #tpu.memory_space<vmem>> -> memref<1x16x128xf32, #tpu.memory_space<vmem>>
      %dma_start3A_336 = tpu.memref_squeeze %dma_start3A_335 : memref<1x16x128xf32, #tpu.memory_space<vmem>> -> memref<16x128xf32, #tpu.memory_space<vmem>>
      %dma_start3A_337 = arith.constant 0 : i32
      %dma_start3A_338 = tpu.memref_slice %arg4[%dma_start3A_337, %min3A_325] : memref<16x1000000xf32, #tpu.memory_space<hbm>> -> memref<16x128xf32, #tpu.memory_space<hbm>>
      tpu.enqueue_dma source(%dma_start3A_338 : memref<16x128xf32, #tpu.memory_space<hbm>>) target(%dma_start3A_336 : memref<16x128xf32, #tpu.memory_space<vmem>>) target_semaphore(%arg18 : memref<!tpu.dma_semaphore, #tpu.memory_space<semaphore_mem>>)
      %slice3A_339 = vector.extract_strided_slice %get3A_67 {offsets = [11], sizes = [1], strides = [1]} : vector<16xi32> to vector<1xi32>
      %squeeze3A_340 = vector.extract %slice3A_339[0] : i32 from vector<1xi32>
      %shift_right_arithmetic3A_341 = arith.constant 7 : i32
      %shift_right_arithmetic3A_342 = arith.shrsi %squeeze3A_340, %shift_right_arithmetic3A_341 : i32
      %mul3A_343 = arith.constant 128 : i32
      %mul3A_344 = arith.muli %shift_right_arithmetic3A_342, %mul3A_343 : i32
      %min3A_345 = arith.constant 999808 : i32
      %min3A_346 = arith.minsi %mul3A_344, %min3A_345 : i32
      %dma_start3A_347 = arith.constant 11 : i32
      %dma_start3A_348 = arith.constant 0 : i32
      %dma_start3A_349 = arith.constant 0 : i32
      %dma_start3A_350 = tpu.memref_slice %arg10[%dma_start3A_347, %dma_start3A_348, %dma_start3A_349] : memref<16x16x128xf32, #tpu.memory_space<vmem>> -> memref<1x16x128xf32, #tpu.memory_space<vmem>>
      %dma_start3A_351 = tpu.memref_squeeze %dma_start3A_350 : memref<1x16x128xf32, #tpu.memory_space<vmem>> -> memref<16x128xf32, #tpu.memory_space<vmem>>
      %dma_start3A_352 = arith.constant 0 : i32
      %dma_start3A_353 = tpu.memref_slice %arg4[%dma_start3A_352, %min3A_346] : memref<16x1000000xf32, #tpu.memory_space<hbm>> -> memref<16x128xf32, #tpu.memory_space<hbm>>
      %dma_start3A_354 = arith.constant 0 : i32
      %dma_start3A_355 = arith.constant 0 : i32
      %dma_start3A_356 = tpu.memref_slice %arg10[%dma_start3A_347, %dma_start3A_354, %dma_start3A_355] : memref<16x16x128xf32, #tpu.memory_space<vmem>> -> memref<1x16x128xf32, #tpu.memory_space<vmem>>
      %dma_start3A_357 = tpu.memref_squeeze %dma_start3A_356 : memref<1x16x128xf32, #tpu.memory_space<vmem>> -> memref<16x128xf32, #tpu.memory_space<vmem>>
      %dma_start3A_358 = arith.constant 0 : i32
      %dma_start3A_359 = tpu.memref_slice %arg4[%dma_start3A_358, %min3A_346] : memref<16x1000000xf32, #tpu.memory_space<hbm>> -> memref<16x128xf32, #tpu.memory_space<hbm>>
      tpu.enqueue_dma source(%dma_start3A_359 : memref<16x128xf32, #tpu.memory_space<hbm>>) target(%dma_start3A_357 : memref<16x128xf32, #tpu.memory_space<vmem>>) target_semaphore(%arg18 : memref<!tpu.dma_semaphore, #tpu.memory_space<semaphore_mem>>)
      %slice3A_360 = vector.extract_strided_slice %get3A_67 {offsets = [12], sizes = [1], strides = [1]} : vector<16xi32> to vector<1xi32>
      %squeeze3A_361 = vector.extract %slice3A_360[0] : i32 from vector<1xi32>
      %shift_right_arithmetic3A_362 = arith.constant 7 : i32
      %shift_right_arithmetic3A_363 = arith.shrsi %squeeze3A_361, %shift_right_arithmetic3A_362 : i32
      %mul3A_364 = arith.constant 128 : i32
      %mul3A_365 = arith.muli %shift_right_arithmetic3A_363, %mul3A_364 : i32
      %min3A_366 = arith.constant 999808 : i32
      %min3A_367 = arith.minsi %mul3A_365, %min3A_366 : i32
      %dma_start3A_368 = arith.constant 12 : i32
      %dma_start3A_369 = arith.constant 0 : i32
      %dma_start3A_370 = arith.constant 0 : i32
      %dma_start3A_371 = tpu.memref_slice %arg10[%dma_start3A_368, %dma_start3A_369, %dma_start3A_370] : memref<16x16x128xf32, #tpu.memory_space<vmem>> -> memref<1x16x128xf32, #tpu.memory_space<vmem>>
      %dma_start3A_372 = tpu.memref_squeeze %dma_start3A_371 : memref<1x16x128xf32, #tpu.memory_space<vmem>> -> memref<16x128xf32, #tpu.memory_space<vmem>>
      %dma_start3A_373 = arith.constant 0 : i32
      %dma_start3A_374 = tpu.memref_slice %arg4[%dma_start3A_373, %min3A_367] : memref<16x1000000xf32, #tpu.memory_space<hbm>> -> memref<16x128xf32, #tpu.memory_space<hbm>>
      %dma_start3A_375 = arith.constant 0 : i32
      %dma_start3A_376 = arith.constant 0 : i32
      %dma_start3A_377 = tpu.memref_slice %arg10[%dma_start3A_368, %dma_start3A_375, %dma_start3A_376] : memref<16x16x128xf32, #tpu.memory_space<vmem>> -> memref<1x16x128xf32, #tpu.memory_space<vmem>>
      %dma_start3A_378 = tpu.memref_squeeze %dma_start3A_377 : memref<1x16x128xf32, #tpu.memory_space<vmem>> -> memref<16x128xf32, #tpu.memory_space<vmem>>
      %dma_start3A_379 = arith.constant 0 : i32
      %dma_start3A_380 = tpu.memref_slice %arg4[%dma_start3A_379, %min3A_367] : memref<16x1000000xf32, #tpu.memory_space<hbm>> -> memref<16x128xf32, #tpu.memory_space<hbm>>
      tpu.enqueue_dma source(%dma_start3A_380 : memref<16x128xf32, #tpu.memory_space<hbm>>) target(%dma_start3A_378 : memref<16x128xf32, #tpu.memory_space<vmem>>) target_semaphore(%arg18 : memref<!tpu.dma_semaphore, #tpu.memory_space<semaphore_mem>>)
      %slice3A_381 = vector.extract_strided_slice %get3A_67 {offsets = [13], sizes = [1], strides = [1]} : vector<16xi32> to vector<1xi32>
      %squeeze3A_382 = vector.extract %slice3A_381[0] : i32 from vector<1xi32>
      %shift_right_arithmetic3A_383 = arith.constant 7 : i32
      %shift_right_arithmetic3A_384 = arith.shrsi %squeeze3A_382, %shift_right_arithmetic3A_383 : i32
      %mul3A_385 = arith.constant 128 : i32
      %mul3A_386 = arith.muli %shift_right_arithmetic3A_384, %mul3A_385 : i32
      %min3A_387 = arith.constant 999808 : i32
      %min3A_388 = arith.minsi %mul3A_386, %min3A_387 : i32
      %dma_start3A_389 = arith.constant 13 : i32
      %dma_start3A_390 = arith.constant 0 : i32
      %dma_start3A_391 = arith.constant 0 : i32
      %dma_start3A_392 = tpu.memref_slice %arg10[%dma_start3A_389, %dma_start3A_390, %dma_start3A_391] : memref<16x16x128xf32, #tpu.memory_space<vmem>> -> memref<1x16x128xf32, #tpu.memory_space<vmem>>
      %dma_start3A_393 = tpu.memref_squeeze %dma_start3A_392 : memref<1x16x128xf32, #tpu.memory_space<vmem>> -> memref<16x128xf32, #tpu.memory_space<vmem>>
      %dma_start3A_394 = arith.constant 0 : i32
      %dma_start3A_395 = tpu.memref_slice %arg4[%dma_start3A_394, %min3A_388] : memref<16x1000000xf32, #tpu.memory_space<hbm>> -> memref<16x128xf32, #tpu.memory_space<hbm>>
      %dma_start3A_396 = arith.constant 0 : i32
      %dma_start3A_397 = arith.constant 0 : i32
      %dma_start3A_398 = tpu.memref_slice %arg10[%dma_start3A_389, %dma_start3A_396, %dma_start3A_397] : memref<16x16x128xf32, #tpu.memory_space<vmem>> -> memref<1x16x128xf32, #tpu.memory_space<vmem>>
      %dma_start3A_399 = tpu.memref_squeeze %dma_start3A_398 : memref<1x16x128xf32, #tpu.memory_space<vmem>> -> memref<16x128xf32, #tpu.memory_space<vmem>>
      %dma_start3A_400 = arith.constant 0 : i32
      %dma_start3A_401 = tpu.memref_slice %arg4[%dma_start3A_400, %min3A_388] : memref<16x1000000xf32, #tpu.memory_space<hbm>> -> memref<16x128xf32, #tpu.memory_space<hbm>>
      tpu.enqueue_dma source(%dma_start3A_401 : memref<16x128xf32, #tpu.memory_space<hbm>>) target(%dma_start3A_399 : memref<16x128xf32, #tpu.memory_space<vmem>>) target_semaphore(%arg18 : memref<!tpu.dma_semaphore, #tpu.memory_space<semaphore_mem>>)
      %slice3A_402 = vector.extract_strided_slice %get3A_67 {offsets = [14], sizes = [1], strides = [1]} : vector<16xi32> to vector<1xi32>
      %squeeze3A_403 = vector.extract %slice3A_402[0] : i32 from vector<1xi32>
      %shift_right_arithmetic3A_404 = arith.constant 7 : i32
      %shift_right_arithmetic3A_405 = arith.shrsi %squeeze3A_403, %shift_right_arithmetic3A_404 : i32
      %mul3A_406 = arith.constant 128 : i32
      %mul3A_407 = arith.muli %shift_right_arithmetic3A_405, %mul3A_406 : i32
      %min3A_408 = arith.constant 999808 : i32
      %min3A_409 = arith.minsi %mul3A_407, %min3A_408 : i32
      %dma_start3A_410 = arith.constant 14 : i32
      %dma_start3A_411 = arith.constant 0 : i32
      %dma_start3A_412 = arith.constant 0 : i32
      %dma_start3A_413 = tpu.memref_slice %arg10[%dma_start3A_410, %dma_start3A_411, %dma_start3A_412] : memref<16x16x128xf32, #tpu.memory_space<vmem>> -> memref<1x16x128xf32, #tpu.memory_space<vmem>>
      %dma_start3A_414 = tpu.memref_squeeze %dma_start3A_413 : memref<1x16x128xf32, #tpu.memory_space<vmem>> -> memref<16x128xf32, #tpu.memory_space<vmem>>
      %dma_start3A_415 = arith.constant 0 : i32
      %dma_start3A_416 = tpu.memref_slice %arg4[%dma_start3A_415, %min3A_409] : memref<16x1000000xf32, #tpu.memory_space<hbm>> -> memref<16x128xf32, #tpu.memory_space<hbm>>
      %dma_start3A_417 = arith.constant 0 : i32
      %dma_start3A_418 = arith.constant 0 : i32
      %dma_start3A_419 = tpu.memref_slice %arg10[%dma_start3A_410, %dma_start3A_417, %dma_start3A_418] : memref<16x16x128xf32, #tpu.memory_space<vmem>> -> memref<1x16x128xf32, #tpu.memory_space<vmem>>
      %dma_start3A_420 = tpu.memref_squeeze %dma_start3A_419 : memref<1x16x128xf32, #tpu.memory_space<vmem>> -> memref<16x128xf32, #tpu.memory_space<vmem>>
      %dma_start3A_421 = arith.constant 0 : i32
      %dma_start3A_422 = tpu.memref_slice %arg4[%dma_start3A_421, %min3A_409] : memref<16x1000000xf32, #tpu.memory_space<hbm>> -> memref<16x128xf32, #tpu.memory_space<hbm>>
      tpu.enqueue_dma source(%dma_start3A_422 : memref<16x128xf32, #tpu.memory_space<hbm>>) target(%dma_start3A_420 : memref<16x128xf32, #tpu.memory_space<vmem>>) target_semaphore(%arg18 : memref<!tpu.dma_semaphore, #tpu.memory_space<semaphore_mem>>)
      %slice3A_423 = vector.extract_strided_slice %get3A_67 {offsets = [15], sizes = [1], strides = [1]} : vector<16xi32> to vector<1xi32>
      %squeeze3A_424 = vector.extract %slice3A_423[0] : i32 from vector<1xi32>
      %shift_right_arithmetic3A_425 = arith.constant 7 : i32
      %shift_right_arithmetic3A_426 = arith.shrsi %squeeze3A_424, %shift_right_arithmetic3A_425 : i32
      %mul3A_427 = arith.constant 128 : i32
      %mul3A_428 = arith.muli %shift_right_arithmetic3A_426, %mul3A_427 : i32
      %min3A_429 = arith.constant 999808 : i32
      %min3A_430 = arith.minsi %mul3A_428, %min3A_429 : i32
      %dma_start3A_431 = arith.constant 15 : i32
      %dma_start3A_432 = arith.constant 0 : i32
      %dma_start3A_433 = arith.constant 0 : i32
      %dma_start3A_434 = tpu.memref_slice %arg10[%dma_start3A_431, %dma_start3A_432, %dma_start3A_433] : memref<16x16x128xf32, #tpu.memory_space<vmem>> -> memref<1x16x128xf32, #tpu.memory_space<vmem>>
      %dma_start3A_435 = tpu.memref_squeeze %dma_start3A_434 : memref<1x16x128xf32, #tpu.memory_space<vmem>> -> memref<16x128xf32, #tpu.memory_space<vmem>>
      %dma_start3A_436 = arith.constant 0 : i32
      %dma_start3A_437 = tpu.memref_slice %arg4[%dma_start3A_436, %min3A_430] : memref<16x1000000xf32, #tpu.memory_space<hbm>> -> memref<16x128xf32, #tpu.memory_space<hbm>>
      %dma_start3A_438 = arith.constant 0 : i32
      %dma_start3A_439 = arith.constant 0 : i32
      %dma_start3A_440 = tpu.memref_slice %arg10[%dma_start3A_431, %dma_start3A_438, %dma_start3A_439] : memref<16x16x128xf32, #tpu.memory_space<vmem>> -> memref<1x16x128xf32, #tpu.memory_space<vmem>>
      %dma_start3A_441 = tpu.memref_squeeze %dma_start3A_440 : memref<1x16x128xf32, #tpu.memory_space<vmem>> -> memref<16x128xf32, #tpu.memory_space<vmem>>
      %dma_start3A_442 = arith.constant 0 : i32
      %dma_start3A_443 = tpu.memref_slice %arg4[%dma_start3A_442, %min3A_430] : memref<16x1000000xf32, #tpu.memory_space<hbm>> -> memref<16x128xf32, #tpu.memory_space<hbm>>
      tpu.enqueue_dma source(%dma_start3A_443 : memref<16x128xf32, #tpu.memory_space<hbm>>) target(%dma_start3A_441 : memref<16x128xf32, #tpu.memory_space<vmem>>) target_semaphore(%arg18 : memref<!tpu.dma_semaphore, #tpu.memory_space<semaphore_mem>>)
      %slice3A_444 = vector.extract_strided_slice %get3A_112 {offsets = [0], sizes = [1], strides = [1]} : vector<16xi32> to vector<1xi32>
      %squeeze3A_445 = vector.extract %slice3A_444[0] : i32 from vector<1xi32>
      %shift_right_arithmetic3A_446 = arith.constant 7 : i32
      %shift_right_arithmetic3A_447 = arith.shrsi %squeeze3A_445, %shift_right_arithmetic3A_446 : i32
      %mul3A_448 = arith.constant 128 : i32
      %mul3A_449 = arith.muli %shift_right_arithmetic3A_447, %mul3A_448 : i32
      %min3A_450 = arith.constant 999808 : i32
      %min3A_451 = arith.minsi %mul3A_449, %min3A_450 : i32
      %dma_start3A_452 = arith.constant 0 : i32
      %dma_start3A_453 = arith.constant 0 : i32
      %dma_start3A_454 = arith.constant 0 : i32
      %dma_start3A_455 = tpu.memref_slice %arg11[%dma_start3A_452, %dma_start3A_453, %dma_start3A_454] : memref<16x16x128xf32, #tpu.memory_space<vmem>> -> memref<1x16x128xf32, #tpu.memory_space<vmem>>
      %dma_start3A_456 = tpu.memref_squeeze %dma_start3A_455 : memref<1x16x128xf32, #tpu.memory_space<vmem>> -> memref<16x128xf32, #tpu.memory_space<vmem>>
      %dma_start3A_457 = arith.constant 0 : i32
      %dma_start3A_458 = tpu.memref_slice %arg5[%dma_start3A_457, %min3A_451] : memref<16x1000000xf32, #tpu.memory_space<hbm>> -> memref<16x128xf32, #tpu.memory_space<hbm>>
      %dma_start3A_459 = arith.constant 0 : i32
      %dma_start3A_460 = arith.constant 0 : i32
      %dma_start3A_461 = tpu.memref_slice %arg11[%dma_start3A_452, %dma_start3A_459, %dma_start3A_460] : memref<16x16x128xf32, #tpu.memory_space<vmem>> -> memref<1x16x128xf32, #tpu.memory_space<vmem>>
      %dma_start3A_462 = tpu.memref_squeeze %dma_start3A_461 : memref<1x16x128xf32, #tpu.memory_space<vmem>> -> memref<16x128xf32, #tpu.memory_space<vmem>>
      %dma_start3A_463 = arith.constant 0 : i32
      %dma_start3A_464 = tpu.memref_slice %arg5[%dma_start3A_463, %min3A_451] : memref<16x1000000xf32, #tpu.memory_space<hbm>> -> memref<16x128xf32, #tpu.memory_space<hbm>>
      tpu.enqueue_dma source(%dma_start3A_464 : memref<16x128xf32, #tpu.memory_space<hbm>>) target(%dma_start3A_462 : memref<16x128xf32, #tpu.memory_space<vmem>>) target_semaphore(%arg18 : memref<!tpu.dma_semaphore, #tpu.memory_space<semaphore_mem>>)
      %slice3A_465 = vector.extract_strided_slice %get3A_112 {offsets = [1], sizes = [1], strides = [1]} : vector<16xi32> to vector<1xi32>
      %squeeze3A_466 = vector.extract %slice3A_465[0] : i32 from vector<1xi32>
      %shift_right_arithmetic3A_467 = arith.constant 7 : i32
      %shift_right_arithmetic3A_468 = arith.shrsi %squeeze3A_466, %shift_right_arithmetic3A_467 : i32
      %mul3A_469 = arith.constant 128 : i32
      %mul3A_470 = arith.muli %shift_right_arithmetic3A_468, %mul3A_469 : i32
      %min3A_471 = arith.constant 999808 : i32
      %min3A_472 = arith.minsi %mul3A_470, %min3A_471 : i32
      %dma_start3A_473 = arith.constant 1 : i32
      %dma_start3A_474 = arith.constant 0 : i32
      %dma_start3A_475 = arith.constant 0 : i32
      %dma_start3A_476 = tpu.memref_slice %arg11[%dma_start3A_473, %dma_start3A_474, %dma_start3A_475] : memref<16x16x128xf32, #tpu.memory_space<vmem>> -> memref<1x16x128xf32, #tpu.memory_space<vmem>>
      %dma_start3A_477 = tpu.memref_squeeze %dma_start3A_476 : memref<1x16x128xf32, #tpu.memory_space<vmem>> -> memref<16x128xf32, #tpu.memory_space<vmem>>
      %dma_start3A_478 = arith.constant 0 : i32
      %dma_start3A_479 = tpu.memref_slice %arg5[%dma_start3A_478, %min3A_472] : memref<16x1000000xf32, #tpu.memory_space<hbm>> -> memref<16x128xf32, #tpu.memory_space<hbm>>
      %dma_start3A_480 = arith.constant 0 : i32
      %dma_start3A_481 = arith.constant 0 : i32
      %dma_start3A_482 = tpu.memref_slice %arg11[%dma_start3A_473, %dma_start3A_480, %dma_start3A_481] : memref<16x16x128xf32, #tpu.memory_space<vmem>> -> memref<1x16x128xf32, #tpu.memory_space<vmem>>
      %dma_start3A_483 = tpu.memref_squeeze %dma_start3A_482 : memref<1x16x128xf32, #tpu.memory_space<vmem>> -> memref<16x128xf32, #tpu.memory_space<vmem>>
      %dma_start3A_484 = arith.constant 0 : i32
      %dma_start3A_485 = tpu.memref_slice %arg5[%dma_start3A_484, %min3A_472] : memref<16x1000000xf32, #tpu.memory_space<hbm>> -> memref<16x128xf32, #tpu.memory_space<hbm>>
      tpu.enqueue_dma source(%dma_start3A_485 : memref<16x128xf32, #tpu.memory_space<hbm>>) target(%dma_start3A_483 : memref<16x128xf32, #tpu.memory_space<vmem>>) target_semaphore(%arg18 : memref<!tpu.dma_semaphore, #tpu.memory_space<semaphore_mem>>)
      %slice3A_486 = vector.extract_strided_slice %get3A_112 {offsets = [2], sizes = [1], strides = [1]} : vector<16xi32> to vector<1xi32>
      %squeeze3A_487 = vector.extract %slice3A_486[0] : i32 from vector<1xi32>
      %shift_right_arithmetic3A_488 = arith.constant 7 : i32
      %shift_right_arithmetic3A_489 = arith.shrsi %squeeze3A_487, %shift_right_arithmetic3A_488 : i32
      %mul3A_490 = arith.constant 128 : i32
      %mul3A_491 = arith.muli %shift_right_arithmetic3A_489, %mul3A_490 : i32
      %min3A_492 = arith.constant 999808 : i32
      %min3A_493 = arith.minsi %mul3A_491, %min3A_492 : i32
      %dma_start3A_494 = arith.constant 2 : i32
      %dma_start3A_495 = arith.constant 0 : i32
      %dma_start3A_496 = arith.constant 0 : i32
      %dma_start3A_497 = tpu.memref_slice %arg11[%dma_start3A_494, %dma_start3A_495, %dma_start3A_496] : memref<16x16x128xf32, #tpu.memory_space<vmem>> -> memref<1x16x128xf32, #tpu.memory_space<vmem>>
      %dma_start3A_498 = tpu.memref_squeeze %dma_start3A_497 : memref<1x16x128xf32, #tpu.memory_space<vmem>> -> memref<16x128xf32, #tpu.memory_space<vmem>>
      %dma_start3A_499 = arith.constant 0 : i32
      %dma_start3A_500 = tpu.memref_slice %arg5[%dma_start3A_499, %min3A_493] : memref<16x1000000xf32, #tpu.memory_space<hbm>> -> memref<16x128xf32, #tpu.memory_space<hbm>>
      %dma_start3A_501 = arith.constant 0 : i32
      %dma_start3A_502 = arith.constant 0 : i32
      %dma_start3A_503 = tpu.memref_slice %arg11[%dma_start3A_494, %dma_start3A_501, %dma_start3A_502] : memref<16x16x128xf32, #tpu.memory_space<vmem>> -> memref<1x16x128xf32, #tpu.memory_space<vmem>>
      %dma_start3A_504 = tpu.memref_squeeze %dma_start3A_503 : memref<1x16x128xf32, #tpu.memory_space<vmem>> -> memref<16x128xf32, #tpu.memory_space<vmem>>
      %dma_start3A_505 = arith.constant 0 : i32
      %dma_start3A_506 = tpu.memref_slice %arg5[%dma_start3A_505, %min3A_493] : memref<16x1000000xf32, #tpu.memory_space<hbm>> -> memref<16x128xf32, #tpu.memory_space<hbm>>
      tpu.enqueue_dma source(%dma_start3A_506 : memref<16x128xf32, #tpu.memory_space<hbm>>) target(%dma_start3A_504 : memref<16x128xf32, #tpu.memory_space<vmem>>) target_semaphore(%arg18 : memref<!tpu.dma_semaphore, #tpu.memory_space<semaphore_mem>>)
      %slice3A_507 = vector.extract_strided_slice %get3A_112 {offsets = [3], sizes = [1], strides = [1]} : vector<16xi32> to vector<1xi32>
      %squeeze3A_508 = vector.extract %slice3A_507[0] : i32 from vector<1xi32>
      %shift_right_arithmetic3A_509 = arith.constant 7 : i32
      %shift_right_arithmetic3A_510 = arith.shrsi %squeeze3A_508, %shift_right_arithmetic3A_509 : i32
      %mul3A_511 = arith.constant 128 : i32
      %mul3A_512 = arith.muli %shift_right_arithmetic3A_510, %mul3A_511 : i32
      %min3A_513 = arith.constant 999808 : i32
      %min3A_514 = arith.minsi %mul3A_512, %min3A_513 : i32
      %dma_start3A_515 = arith.constant 3 : i32
      %dma_start3A_516 = arith.constant 0 : i32
      %dma_start3A_517 = arith.constant 0 : i32
      %dma_start3A_518 = tpu.memref_slice %arg11[%dma_start3A_515, %dma_start3A_516, %dma_start3A_517] : memref<16x16x128xf32, #tpu.memory_space<vmem>> -> memref<1x16x128xf32, #tpu.memory_space<vmem>>
      %dma_start3A_519 = tpu.memref_squeeze %dma_start3A_518 : memref<1x16x128xf32, #tpu.memory_space<vmem>> -> memref<16x128xf32, #tpu.memory_space<vmem>>
      %dma_start3A_520 = arith.constant 0 : i32
      %dma_start3A_521 = tpu.memref_slice %arg5[%dma_start3A_520, %min3A_514] : memref<16x1000000xf32, #tpu.memory_space<hbm>> -> memref<16x128xf32, #tpu.memory_space<hbm>>
      %dma_start3A_522 = arith.constant 0 : i32
      %dma_start3A_523 = arith.constant 0 : i32
      %dma_start3A_524 = tpu.memref_slice %arg11[%dma_start3A_515, %dma_start3A_522, %dma_start3A_523] : memref<16x16x128xf32, #tpu.memory_space<vmem>> -> memref<1x16x128xf32, #tpu.memory_space<vmem>>
      %dma_start3A_525 = tpu.memref_squeeze %dma_start3A_524 : memref<1x16x128xf32, #tpu.memory_space<vmem>> -> memref<16x128xf32, #tpu.memory_space<vmem>>
      %dma_start3A_526 = arith.constant 0 : i32
      %dma_start3A_527 = tpu.memref_slice %arg5[%dma_start3A_526, %min3A_514] : memref<16x1000000xf32, #tpu.memory_space<hbm>> -> memref<16x128xf32, #tpu.memory_space<hbm>>
      tpu.enqueue_dma source(%dma_start3A_527 : memref<16x128xf32, #tpu.memory_space<hbm>>) target(%dma_start3A_525 : memref<16x128xf32, #tpu.memory_space<vmem>>) target_semaphore(%arg18 : memref<!tpu.dma_semaphore, #tpu.memory_space<semaphore_mem>>)
      %slice3A_528 = vector.extract_strided_slice %get3A_112 {offsets = [4], sizes = [1], strides = [1]} : vector<16xi32> to vector<1xi32>
      %squeeze3A_529 = vector.extract %slice3A_528[0] : i32 from vector<1xi32>
      %shift_right_arithmetic3A_530 = arith.constant 7 : i32
      %shift_right_arithmetic3A_531 = arith.shrsi %squeeze3A_529, %shift_right_arithmetic3A_530 : i32
      %mul3A_532 = arith.constant 128 : i32
      %mul3A_533 = arith.muli %shift_right_arithmetic3A_531, %mul3A_532 : i32
      %min3A_534 = arith.constant 999808 : i32
      %min3A_535 = arith.minsi %mul3A_533, %min3A_534 : i32
      %dma_start3A_536 = arith.constant 4 : i32
      %dma_start3A_537 = arith.constant 0 : i32
      %dma_start3A_538 = arith.constant 0 : i32
      %dma_start3A_539 = tpu.memref_slice %arg11[%dma_start3A_536, %dma_start3A_537, %dma_start3A_538] : memref<16x16x128xf32, #tpu.memory_space<vmem>> -> memref<1x16x128xf32, #tpu.memory_space<vmem>>
      %dma_start3A_540 = tpu.memref_squeeze %dma_start3A_539 : memref<1x16x128xf32, #tpu.memory_space<vmem>> -> memref<16x128xf32, #tpu.memory_space<vmem>>
      %dma_start3A_541 = arith.constant 0 : i32
      %dma_start3A_542 = tpu.memref_slice %arg5[%dma_start3A_541, %min3A_535] : memref<16x1000000xf32, #tpu.memory_space<hbm>> -> memref<16x128xf32, #tpu.memory_space<hbm>>
      %dma_start3A_543 = arith.constant 0 : i32
      %dma_start3A_544 = arith.constant 0 : i32
      %dma_start3A_545 = tpu.memref_slice %arg11[%dma_start3A_536, %dma_start3A_543, %dma_start3A_544] : memref<16x16x128xf32, #tpu.memory_space<vmem>> -> memref<1x16x128xf32, #tpu.memory_space<vmem>>
      %dma_start3A_546 = tpu.memref_squeeze %dma_start3A_545 : memref<1x16x128xf32, #tpu.memory_space<vmem>> -> memref<16x128xf32, #tpu.memory_space<vmem>>
      %dma_start3A_547 = arith.constant 0 : i32
      %dma_start3A_548 = tpu.memref_slice %arg5[%dma_start3A_547, %min3A_535] : memref<16x1000000xf32, #tpu.memory_space<hbm>> -> memref<16x128xf32, #tpu.memory_space<hbm>>
      tpu.enqueue_dma source(%dma_start3A_548 : memref<16x128xf32, #tpu.memory_space<hbm>>) target(%dma_start3A_546 : memref<16x128xf32, #tpu.memory_space<vmem>>) target_semaphore(%arg18 : memref<!tpu.dma_semaphore, #tpu.memory_space<semaphore_mem>>)
      %slice3A_549 = vector.extract_strided_slice %get3A_112 {offsets = [5], sizes = [1], strides = [1]} : vector<16xi32> to vector<1xi32>
      %squeeze3A_550 = vector.extract %slice3A_549[0] : i32 from vector<1xi32>
      %shift_right_arithmetic3A_551 = arith.constant 7 : i32
      %shift_right_arithmetic3A_552 = arith.shrsi %squeeze3A_550, %shift_right_arithmetic3A_551 : i32
      %mul3A_553 = arith.constant 128 : i32
      %mul3A_554 = arith.muli %shift_right_arithmetic3A_552, %mul3A_553 : i32
      %min3A_555 = arith.constant 999808 : i32
      %min3A_556 = arith.minsi %mul3A_554, %min3A_555 : i32
      %dma_start3A_557 = arith.constant 5 : i32
      %dma_start3A_558 = arith.constant 0 : i32
      %dma_start3A_559 = arith.constant 0 : i32
      %dma_start3A_560 = tpu.memref_slice %arg11[%dma_start3A_557, %dma_start3A_558, %dma_start3A_559] : memref<16x16x128xf32, #tpu.memory_space<vmem>> -> memref<1x16x128xf32, #tpu.memory_space<vmem>>
      %dma_start3A_561 = tpu.memref_squeeze %dma_start3A_560 : memref<1x16x128xf32, #tpu.memory_space<vmem>> -> memref<16x128xf32, #tpu.memory_space<vmem>>
      %dma_start3A_562 = arith.constant 0 : i32
      %dma_start3A_563 = tpu.memref_slice %arg5[%dma_start3A_562, %min3A_556] : memref<16x1000000xf32, #tpu.memory_space<hbm>> -> memref<16x128xf32, #tpu.memory_space<hbm>>
      %dma_start3A_564 = arith.constant 0 : i32
      %dma_start3A_565 = arith.constant 0 : i32
      %dma_start3A_566 = tpu.memref_slice %arg11[%dma_start3A_557, %dma_start3A_564, %dma_start3A_565] : memref<16x16x128xf32, #tpu.memory_space<vmem>> -> memref<1x16x128xf32, #tpu.memory_space<vmem>>
      %dma_start3A_567 = tpu.memref_squeeze %dma_start3A_566 : memref<1x16x128xf32, #tpu.memory_space<vmem>> -> memref<16x128xf32, #tpu.memory_space<vmem>>
      %dma_start3A_568 = arith.constant 0 : i32
      %dma_start3A_569 = tpu.memref_slice %arg5[%dma_start3A_568, %min3A_556] : memref<16x1000000xf32, #tpu.memory_space<hbm>> -> memref<16x128xf32, #tpu.memory_space<hbm>>
      tpu.enqueue_dma source(%dma_start3A_569 : memref<16x128xf32, #tpu.memory_space<hbm>>) target(%dma_start3A_567 : memref<16x128xf32, #tpu.memory_space<vmem>>) target_semaphore(%arg18 : memref<!tpu.dma_semaphore, #tpu.memory_space<semaphore_mem>>)
      %slice3A_570 = vector.extract_strided_slice %get3A_112 {offsets = [6], sizes = [1], strides = [1]} : vector<16xi32> to vector<1xi32>
      %squeeze3A_571 = vector.extract %slice3A_570[0] : i32 from vector<1xi32>
      %shift_right_arithmetic3A_572 = arith.constant 7 : i32
      %shift_right_arithmetic3A_573 = arith.shrsi %squeeze3A_571, %shift_right_arithmetic3A_572 : i32
      %mul3A_574 = arith.constant 128 : i32
      %mul3A_575 = arith.muli %shift_right_arithmetic3A_573, %mul3A_574 : i32
      %min3A_576 = arith.constant 999808 : i32
      %min3A_577 = arith.minsi %mul3A_575, %min3A_576 : i32
      %dma_start3A_578 = arith.constant 6 : i32
      %dma_start3A_579 = arith.constant 0 : i32
      %dma_start3A_580 = arith.constant 0 : i32
      %dma_start3A_581 = tpu.memref_slice %arg11[%dma_start3A_578, %dma_start3A_579, %dma_start3A_580] : memref<16x16x128xf32, #tpu.memory_space<vmem>> -> memref<1x16x128xf32, #tpu.memory_space<vmem>>
      %dma_start3A_582 = tpu.memref_squeeze %dma_start3A_581 : memref<1x16x128xf32, #tpu.memory_space<vmem>> -> memref<16x128xf32, #tpu.memory_space<vmem>>
      %dma_start3A_583 = arith.constant 0 : i32
      %dma_start3A_584 = tpu.memref_slice %arg5[%dma_start3A_583, %min3A_577] : memref<16x1000000xf32, #tpu.memory_space<hbm>> -> memref<16x128xf32, #tpu.memory_space<hbm>>
      %dma_start3A_585 = arith.constant 0 : i32
      %dma_start3A_586 = arith.constant 0 : i32
      %dma_start3A_587 = tpu.memref_slice %arg11[%dma_start3A_578, %dma_start3A_585, %dma_start3A_586] : memref<16x16x128xf32, #tpu.memory_space<vmem>> -> memref<1x16x128xf32, #tpu.memory_space<vmem>>
      %dma_start3A_588 = tpu.memref_squeeze %dma_start3A_587 : memref<1x16x128xf32, #tpu.memory_space<vmem>> -> memref<16x128xf32, #tpu.memory_space<vmem>>
      %dma_start3A_589 = arith.constant 0 : i32
      %dma_start3A_590 = tpu.memref_slice %arg5[%dma_start3A_589, %min3A_577] : memref<16x1000000xf32, #tpu.memory_space<hbm>> -> memref<16x128xf32, #tpu.memory_space<hbm>>
      tpu.enqueue_dma source(%dma_start3A_590 : memref<16x128xf32, #tpu.memory_space<hbm>>) target(%dma_start3A_588 : memref<16x128xf32, #tpu.memory_space<vmem>>) target_semaphore(%arg18 : memref<!tpu.dma_semaphore, #tpu.memory_space<semaphore_mem>>)
      %slice3A_591 = vector.extract_strided_slice %get3A_112 {offsets = [7], sizes = [1], strides = [1]} : vector<16xi32> to vector<1xi32>
      %squeeze3A_592 = vector.extract %slice3A_591[0] : i32 from vector<1xi32>
      %shift_right_arithmetic3A_593 = arith.constant 7 : i32
      %shift_right_arithmetic3A_594 = arith.shrsi %squeeze3A_592, %shift_right_arithmetic3A_593 : i32
      %mul3A_595 = arith.constant 128 : i32
      %mul3A_596 = arith.muli %shift_right_arithmetic3A_594, %mul3A_595 : i32
      %min3A_597 = arith.constant 999808 : i32
      %min3A_598 = arith.minsi %mul3A_596, %min3A_597 : i32
      %dma_start3A_599 = arith.constant 7 : i32
      %dma_start3A_600 = arith.constant 0 : i32
      %dma_start3A_601 = arith.constant 0 : i32
      %dma_start3A_602 = tpu.memref_slice %arg11[%dma_start3A_599, %dma_start3A_600, %dma_start3A_601] : memref<16x16x128xf32, #tpu.memory_space<vmem>> -> memref<1x16x128xf32, #tpu.memory_space<vmem>>
      %dma_start3A_603 = tpu.memref_squeeze %dma_start3A_602 : memref<1x16x128xf32, #tpu.memory_space<vmem>> -> memref<16x128xf32, #tpu.memory_space<vmem>>
      %dma_start3A_604 = arith.constant 0 : i32
      %dma_start3A_605 = tpu.memref_slice %arg5[%dma_start3A_604, %min3A_598] : memref<16x1000000xf32, #tpu.memory_space<hbm>> -> memref<16x128xf32, #tpu.memory_space<hbm>>
      %dma_start3A_606 = arith.constant 0 : i32
      %dma_start3A_607 = arith.constant 0 : i32
      %dma_start3A_608 = tpu.memref_slice %arg11[%dma_start3A_599, %dma_start3A_606, %dma_start3A_607] : memref<16x16x128xf32, #tpu.memory_space<vmem>> -> memref<1x16x128xf32, #tpu.memory_space<vmem>>
      %dma_start3A_609 = tpu.memref_squeeze %dma_start3A_608 : memref<1x16x128xf32, #tpu.memory_space<vmem>> -> memref<16x128xf32, #tpu.memory_space<vmem>>
      %dma_start3A_610 = arith.constant 0 : i32
      %dma_start3A_611 = tpu.memref_slice %arg5[%dma_start3A_610, %min3A_598] : memref<16x1000000xf32, #tpu.memory_space<hbm>> -> memref<16x128xf32, #tpu.memory_space<hbm>>
      tpu.enqueue_dma source(%dma_start3A_611 : memref<16x128xf32, #tpu.memory_space<hbm>>) target(%dma_start3A_609 : memref<16x128xf32, #tpu.memory_space<vmem>>) target_semaphore(%arg18 : memref<!tpu.dma_semaphore, #tpu.memory_space<semaphore_mem>>)
      %slice3A_612 = vector.extract_strided_slice %get3A_112 {offsets = [8], sizes = [1], strides = [1]} : vector<16xi32> to vector<1xi32>
      %squeeze3A_613 = vector.extract %slice3A_612[0] : i32 from vector<1xi32>
      %shift_right_arithmetic3A_614 = arith.constant 7 : i32
      %shift_right_arithmetic3A_615 = arith.shrsi %squeeze3A_613, %shift_right_arithmetic3A_614 : i32
      %mul3A_616 = arith.constant 128 : i32
      %mul3A_617 = arith.muli %shift_right_arithmetic3A_615, %mul3A_616 : i32
      %min3A_618 = arith.constant 999808 : i32
      %min3A_619 = arith.minsi %mul3A_617, %min3A_618 : i32
      %dma_start3A_620 = arith.constant 8 : i32
      %dma_start3A_621 = arith.constant 0 : i32
      %dma_start3A_622 = arith.constant 0 : i32
      %dma_start3A_623 = tpu.memref_slice %arg11[%dma_start3A_620, %dma_start3A_621, %dma_start3A_622] : memref<16x16x128xf32, #tpu.memory_space<vmem>> -> memref<1x16x128xf32, #tpu.memory_space<vmem>>
      %dma_start3A_624 = tpu.memref_squeeze %dma_start3A_623 : memref<1x16x128xf32, #tpu.memory_space<vmem>> -> memref<16x128xf32, #tpu.memory_space<vmem>>
      %dma_start3A_625 = arith.constant 0 : i32
      %dma_start3A_626 = tpu.memref_slice %arg5[%dma_start3A_625, %min3A_619] : memref<16x1000000xf32, #tpu.memory_space<hbm>> -> memref<16x128xf32, #tpu.memory_space<hbm>>
      %dma_start3A_627 = arith.constant 0 : i32
      %dma_start3A_628 = arith.constant 0 : i32
      %dma_start3A_629 = tpu.memref_slice %arg11[%dma_start3A_620, %dma_start3A_627, %dma_start3A_628] : memref<16x16x128xf32, #tpu.memory_space<vmem>> -> memref<1x16x128xf32, #tpu.memory_space<vmem>>
      %dma_start3A_630 = tpu.memref_squeeze %dma_start3A_629 : memref<1x16x128xf32, #tpu.memory_space<vmem>> -> memref<16x128xf32, #tpu.memory_space<vmem>>
      %dma_start3A_631 = arith.constant 0 : i32
      %dma_start3A_632 = tpu.memref_slice %arg5[%dma_start3A_631, %min3A_619] : memref<16x1000000xf32, #tpu.memory_space<hbm>> -> memref<16x128xf32, #tpu.memory_space<hbm>>
      tpu.enqueue_dma source(%dma_start3A_632 : memref<16x128xf32, #tpu.memory_space<hbm>>) target(%dma_start3A_630 : memref<16x128xf32, #tpu.memory_space<vmem>>) target_semaphore(%arg18 : memref<!tpu.dma_semaphore, #tpu.memory_space<semaphore_mem>>)
      %slice3A_633 = vector.extract_strided_slice %get3A_112 {offsets = [9], sizes = [1], strides = [1]} : vector<16xi32> to vector<1xi32>
      %squeeze3A_634 = vector.extract %slice3A_633[0] : i32 from vector<1xi32>
      %shift_right_arithmetic3A_635 = arith.constant 7 : i32
      %shift_right_arithmetic3A_636 = arith.shrsi %squeeze3A_634, %shift_right_arithmetic3A_635 : i32
      %mul3A_637 = arith.constant 128 : i32
      %mul3A_638 = arith.muli %shift_right_arithmetic3A_636, %mul3A_637 : i32
      %min3A_639 = arith.constant 999808 : i32
      %min3A_640 = arith.minsi %mul3A_638, %min3A_639 : i32
      %dma_start3A_641 = arith.constant 9 : i32
      %dma_start3A_642 = arith.constant 0 : i32
      %dma_start3A_643 = arith.constant 0 : i32
      %dma_start3A_644 = tpu.memref_slice %arg11[%dma_start3A_641, %dma_start3A_642, %dma_start3A_643] : memref<16x16x128xf32, #tpu.memory_space<vmem>> -> memref<1x16x128xf32, #tpu.memory_space<vmem>>
      %dma_start3A_645 = tpu.memref_squeeze %dma_start3A_644 : memref<1x16x128xf32, #tpu.memory_space<vmem>> -> memref<16x128xf32, #tpu.memory_space<vmem>>
      %dma_start3A_646 = arith.constant 0 : i32
      %dma_start3A_647 = tpu.memref_slice %arg5[%dma_start3A_646, %min3A_640] : memref<16x1000000xf32, #tpu.memory_space<hbm>> -> memref<16x128xf32, #tpu.memory_space<hbm>>
      %dma_start3A_648 = arith.constant 0 : i32
      %dma_start3A_649 = arith.constant 0 : i32
      %dma_start3A_650 = tpu.memref_slice %arg11[%dma_start3A_641, %dma_start3A_648, %dma_start3A_649] : memref<16x16x128xf32, #tpu.memory_space<vmem>> -> memref<1x16x128xf32, #tpu.memory_space<vmem>>
      %dma_start3A_651 = tpu.memref_squeeze %dma_start3A_650 : memref<1x16x128xf32, #tpu.memory_space<vmem>> -> memref<16x128xf32, #tpu.memory_space<vmem>>
      %dma_start3A_652 = arith.constant 0 : i32
      %dma_start3A_653 = tpu.memref_slice %arg5[%dma_start3A_652, %min3A_640] : memref<16x1000000xf32, #tpu.memory_space<hbm>> -> memref<16x128xf32, #tpu.memory_space<hbm>>
      tpu.enqueue_dma source(%dma_start3A_653 : memref<16x128xf32, #tpu.memory_space<hbm>>) target(%dma_start3A_651 : memref<16x128xf32, #tpu.memory_space<vmem>>) target_semaphore(%arg18 : memref<!tpu.dma_semaphore, #tpu.memory_space<semaphore_mem>>)
      %slice3A_654 = vector.extract_strided_slice %get3A_112 {offsets = [10], sizes = [1], strides = [1]} : vector<16xi32> to vector<1xi32>
      %squeeze3A_655 = vector.extract %slice3A_654[0] : i32 from vector<1xi32>
      %shift_right_arithmetic3A_656 = arith.constant 7 : i32
      %shift_right_arithmetic3A_657 = arith.shrsi %squeeze3A_655, %shift_right_arithmetic3A_656 : i32
      %mul3A_658 = arith.constant 128 : i32
      %mul3A_659 = arith.muli %shift_right_arithmetic3A_657, %mul3A_658 : i32
      %min3A_660 = arith.constant 999808 : i32
      %min3A_661 = arith.minsi %mul3A_659, %min3A_660 : i32
      %dma_start3A_662 = arith.constant 10 : i32
      %dma_start3A_663 = arith.constant 0 : i32
      %dma_start3A_664 = arith.constant 0 : i32
      %dma_start3A_665 = tpu.memref_slice %arg11[%dma_start3A_662, %dma_start3A_663, %dma_start3A_664] : memref<16x16x128xf32, #tpu.memory_space<vmem>> -> memref<1x16x128xf32, #tpu.memory_space<vmem>>
      %dma_start3A_666 = tpu.memref_squeeze %dma_start3A_665 : memref<1x16x128xf32, #tpu.memory_space<vmem>> -> memref<16x128xf32, #tpu.memory_space<vmem>>
      %dma_start3A_667 = arith.constant 0 : i32
      %dma_start3A_668 = tpu.memref_slice %arg5[%dma_start3A_667, %min3A_661] : memref<16x1000000xf32, #tpu.memory_space<hbm>> -> memref<16x128xf32, #tpu.memory_space<hbm>>
      %dma_start3A_669 = arith.constant 0 : i32
      %dma_start3A_670 = arith.constant 0 : i32
      %dma_start3A_671 = tpu.memref_slice %arg11[%dma_start3A_662, %dma_start3A_669, %dma_start3A_670] : memref<16x16x128xf32, #tpu.memory_space<vmem>> -> memref<1x16x128xf32, #tpu.memory_space<vmem>>
      %dma_start3A_672 = tpu.memref_squeeze %dma_start3A_671 : memref<1x16x128xf32, #tpu.memory_space<vmem>> -> memref<16x128xf32, #tpu.memory_space<vmem>>
      %dma_start3A_673 = arith.constant 0 : i32
      %dma_start3A_674 = tpu.memref_slice %arg5[%dma_start3A_673, %min3A_661] : memref<16x1000000xf32, #tpu.memory_space<hbm>> -> memref<16x128xf32, #tpu.memory_space<hbm>>
      tpu.enqueue_dma source(%dma_start3A_674 : memref<16x128xf32, #tpu.memory_space<hbm>>) target(%dma_start3A_672 : memref<16x128xf32, #tpu.memory_space<vmem>>) target_semaphore(%arg18 : memref<!tpu.dma_semaphore, #tpu.memory_space<semaphore_mem>>)
      %slice3A_675 = vector.extract_strided_slice %get3A_112 {offsets = [11], sizes = [1], strides = [1]} : vector<16xi32> to vector<1xi32>
      %squeeze3A_676 = vector.extract %slice3A_675[0] : i32 from vector<1xi32>
      %shift_right_arithmetic3A_677 = arith.constant 7 : i32
      %shift_right_arithmetic3A_678 = arith.shrsi %squeeze3A_676, %shift_right_arithmetic3A_677 : i32
      %mul3A_679 = arith.constant 128 : i32
      %mul3A_680 = arith.muli %shift_right_arithmetic3A_678, %mul3A_679 : i32
      %min3A_681 = arith.constant 999808 : i32
      %min3A_682 = arith.minsi %mul3A_680, %min3A_681 : i32
      %dma_start3A_683 = arith.constant 11 : i32
      %dma_start3A_684 = arith.constant 0 : i32
      %dma_start3A_685 = arith.constant 0 : i32
      %dma_start3A_686 = tpu.memref_slice %arg11[%dma_start3A_683, %dma_start3A_684, %dma_start3A_685] : memref<16x16x128xf32, #tpu.memory_space<vmem>> -> memref<1x16x128xf32, #tpu.memory_space<vmem>>
      %dma_start3A_687 = tpu.memref_squeeze %dma_start3A_686 : memref<1x16x128xf32, #tpu.memory_space<vmem>> -> memref<16x128xf32, #tpu.memory_space<vmem>>
      %dma_start3A_688 = arith.constant 0 : i32
      %dma_start3A_689 = tpu.memref_slice %arg5[%dma_start3A_688, %min3A_682] : memref<16x1000000xf32, #tpu.memory_space<hbm>> -> memref<16x128xf32, #tpu.memory_space<hbm>>
      %dma_start3A_690 = arith.constant 0 : i32
      %dma_start3A_691 = arith.constant 0 : i32
      %dma_start3A_692 = tpu.memref_slice %arg11[%dma_start3A_683, %dma_start3A_690, %dma_start3A_691] : memref<16x16x128xf32, #tpu.memory_space<vmem>> -> memref<1x16x128xf32, #tpu.memory_space<vmem>>
      %dma_start3A_693 = tpu.memref_squeeze %dma_start3A_692 : memref<1x16x128xf32, #tpu.memory_space<vmem>> -> memref<16x128xf32, #tpu.memory_space<vmem>>
      %dma_start3A_694 = arith.constant 0 : i32
      %dma_start3A_695 = tpu.memref_slice %arg5[%dma_start3A_694, %min3A_682] : memref<16x1000000xf32, #tpu.memory_space<hbm>> -> memref<16x128xf32, #tpu.memory_space<hbm>>
      tpu.enqueue_dma source(%dma_start3A_695 : memref<16x128xf32, #tpu.memory_space<hbm>>) target(%dma_start3A_693 : memref<16x128xf32, #tpu.memory_space<vmem>>) target_semaphore(%arg18 : memref<!tpu.dma_semaphore, #tpu.memory_space<semaphore_mem>>)
      %slice3A_696 = vector.extract_strided_slice %get3A_112 {offsets = [12], sizes = [1], strides = [1]} : vector<16xi32> to vector<1xi32>
      %squeeze3A_697 = vector.extract %slice3A_696[0] : i32 from vector<1xi32>
      %shift_right_arithmetic3A_698 = arith.constant 7 : i32
      %shift_right_arithmetic3A_699 = arith.shrsi %squeeze3A_697, %shift_right_arithmetic3A_698 : i32
      %mul3A_700 = arith.constant 128 : i32
      %mul3A_701 = arith.muli %shift_right_arithmetic3A_699, %mul3A_700 : i32
      %min3A_702 = arith.constant 999808 : i32
      %min3A_703 = arith.minsi %mul3A_701, %min3A_702 : i32
      %dma_start3A_704 = arith.constant 12 : i32
      %dma_start3A_705 = arith.constant 0 : i32
      %dma_start3A_706 = arith.constant 0 : i32
      %dma_start3A_707 = tpu.memref_slice %arg11[%dma_start3A_704, %dma_start3A_705, %dma_start3A_706] : memref<16x16x128xf32, #tpu.memory_space<vmem>> -> memref<1x16x128xf32, #tpu.memory_space<vmem>>
      %dma_start3A_708 = tpu.memref_squeeze %dma_start3A_707 : memref<1x16x128xf32, #tpu.memory_space<vmem>> -> memref<16x128xf32, #tpu.memory_space<vmem>>
      %dma_start3A_709 = arith.constant 0 : i32
      %dma_start3A_710 = tpu.memref_slice %arg5[%dma_start3A_709, %min3A_703] : memref<16x1000000xf32, #tpu.memory_space<hbm>> -> memref<16x128xf32, #tpu.memory_space<hbm>>
      %dma_start3A_711 = arith.constant 0 : i32
      %dma_start3A_712 = arith.constant 0 : i32
      %dma_start3A_713 = tpu.memref_slice %arg11[%dma_start3A_704, %dma_start3A_711, %dma_start3A_712] : memref<16x16x128xf32, #tpu.memory_space<vmem>> -> memref<1x16x128xf32, #tpu.memory_space<vmem>>
      %dma_start3A_714 = tpu.memref_squeeze %dma_start3A_713 : memref<1x16x128xf32, #tpu.memory_space<vmem>> -> memref<16x128xf32, #tpu.memory_space<vmem>>
      %dma_start3A_715 = arith.constant 0 : i32
      %dma_start3A_716 = tpu.memref_slice %arg5[%dma_start3A_715, %min3A_703] : memref<16x1000000xf32, #tpu.memory_space<hbm>> -> memref<16x128xf32, #tpu.memory_space<hbm>>
      tpu.enqueue_dma source(%dma_start3A_716 : memref<16x128xf32, #tpu.memory_space<hbm>>) target(%dma_start3A_714 : memref<16x128xf32, #tpu.memory_space<vmem>>) target_semaphore(%arg18 : memref<!tpu.dma_semaphore, #tpu.memory_space<semaphore_mem>>)
      %slice3A_717 = vector.extract_strided_slice %get3A_112 {offsets = [13], sizes = [1], strides = [1]} : vector<16xi32> to vector<1xi32>
      %squeeze3A_718 = vector.extract %slice3A_717[0] : i32 from vector<1xi32>
      %shift_right_arithmetic3A_719 = arith.constant 7 : i32
      %shift_right_arithmetic3A_720 = arith.shrsi %squeeze3A_718, %shift_right_arithmetic3A_719 : i32
      %mul3A_721 = arith.constant 128 : i32
      %mul3A_722 = arith.muli %shift_right_arithmetic3A_720, %mul3A_721 : i32
      %min3A_723 = arith.constant 999808 : i32
      %min3A_724 = arith.minsi %mul3A_722, %min3A_723 : i32
      %dma_start3A_725 = arith.constant 13 : i32
      %dma_start3A_726 = arith.constant 0 : i32
      %dma_start3A_727 = arith.constant 0 : i32
      %dma_start3A_728 = tpu.memref_slice %arg11[%dma_start3A_725, %dma_start3A_726, %dma_start3A_727] : memref<16x16x128xf32, #tpu.memory_space<vmem>> -> memref<1x16x128xf32, #tpu.memory_space<vmem>>
      %dma_start3A_729 = tpu.memref_squeeze %dma_start3A_728 : memref<1x16x128xf32, #tpu.memory_space<vmem>> -> memref<16x128xf32, #tpu.memory_space<vmem>>
      %dma_start3A_730 = arith.constant 0 : i32
      %dma_start3A_731 = tpu.memref_slice %arg5[%dma_start3A_730, %min3A_724] : memref<16x1000000xf32, #tpu.memory_space<hbm>> -> memref<16x128xf32, #tpu.memory_space<hbm>>
      %dma_start3A_732 = arith.constant 0 : i32
      %dma_start3A_733 = arith.constant 0 : i32
      %dma_start3A_734 = tpu.memref_slice %arg11[%dma_start3A_725, %dma_start3A_732, %dma_start3A_733] : memref<16x16x128xf32, #tpu.memory_space<vmem>> -> memref<1x16x128xf32, #tpu.memory_space<vmem>>
      %dma_start3A_735 = tpu.memref_squeeze %dma_start3A_734 : memref<1x16x128xf32, #tpu.memory_space<vmem>> -> memref<16x128xf32, #tpu.memory_space<vmem>>
      %dma_start3A_736 = arith.constant 0 : i32
      %dma_start3A_737 = tpu.memref_slice %arg5[%dma_start3A_736, %min3A_724] : memref<16x1000000xf32, #tpu.memory_space<hbm>> -> memref<16x128xf32, #tpu.memory_space<hbm>>
      tpu.enqueue_dma source(%dma_start3A_737 : memref<16x128xf32, #tpu.memory_space<hbm>>) target(%dma_start3A_735 : memref<16x128xf32, #tpu.memory_space<vmem>>) target_semaphore(%arg18 : memref<!tpu.dma_semaphore, #tpu.memory_space<semaphore_mem>>)
      %slice3A_738 = vector.extract_strided_slice %get3A_112 {offsets = [14], sizes = [1], strides = [1]} : vector<16xi32> to vector<1xi32>
      %squeeze3A_739 = vector.extract %slice3A_738[0] : i32 from vector<1xi32>
      %shift_right_arithmetic3A_740 = arith.constant 7 : i32
      %shift_right_arithmetic3A_741 = arith.shrsi %squeeze3A_739, %shift_right_arithmetic3A_740 : i32
      %mul3A_742 = arith.constant 128 : i32
      %mul3A_743 = arith.muli %shift_right_arithmetic3A_741, %mul3A_742 : i32
      %min3A_744 = arith.constant 999808 : i32
      %min3A_745 = arith.minsi %mul3A_743, %min3A_744 : i32
      %dma_start3A_746 = arith.constant 14 : i32
      %dma_start3A_747 = arith.constant 0 : i32
      %dma_start3A_748 = arith.constant 0 : i32
      %dma_start3A_749 = tpu.memref_slice %arg11[%dma_start3A_746, %dma_start3A_747, %dma_start3A_748] : memref<16x16x128xf32, #tpu.memory_space<vmem>> -> memref<1x16x128xf32, #tpu.memory_space<vmem>>
      %dma_start3A_750 = tpu.memref_squeeze %dma_start3A_749 : memref<1x16x128xf32, #tpu.memory_space<vmem>> -> memref<16x128xf32, #tpu.memory_space<vmem>>
      %dma_start3A_751 = arith.constant 0 : i32
      %dma_start3A_752 = tpu.memref_slice %arg5[%dma_start3A_751, %min3A_745] : memref<16x1000000xf32, #tpu.memory_space<hbm>> -> memref<16x128xf32, #tpu.memory_space<hbm>>
      %dma_start3A_753 = arith.constant 0 : i32
      %dma_start3A_754 = arith.constant 0 : i32
      %dma_start3A_755 = tpu.memref_slice %arg11[%dma_start3A_746, %dma_start3A_753, %dma_start3A_754] : memref<16x16x128xf32, #tpu.memory_space<vmem>> -> memref<1x16x128xf32, #tpu.memory_space<vmem>>
      %dma_start3A_756 = tpu.memref_squeeze %dma_start3A_755 : memref<1x16x128xf32, #tpu.memory_space<vmem>> -> memref<16x128xf32, #tpu.memory_space<vmem>>
      %dma_start3A_757 = arith.constant 0 : i32
      %dma_start3A_758 = tpu.memref_slice %arg5[%dma_start3A_757, %min3A_745] : memref<16x1000000xf32, #tpu.memory_space<hbm>> -> memref<16x128xf32, #tpu.memory_space<hbm>>
      tpu.enqueue_dma source(%dma_start3A_758 : memref<16x128xf32, #tpu.memory_space<hbm>>) target(%dma_start3A_756 : memref<16x128xf32, #tpu.memory_space<vmem>>) target_semaphore(%arg18 : memref<!tpu.dma_semaphore, #tpu.memory_space<semaphore_mem>>)
      %slice3A_759 = vector.extract_strided_slice %get3A_112 {offsets = [15], sizes = [1], strides = [1]} : vector<16xi32> to vector<1xi32>
      %squeeze3A_760 = vector.extract %slice3A_759[0] : i32 from vector<1xi32>
      %shift_right_arithmetic3A_761 = arith.constant 7 : i32
      %shift_right_arithmetic3A_762 = arith.shrsi %squeeze3A_760, %shift_right_arithmetic3A_761 : i32
      %mul3A_763 = arith.constant 128 : i32
      %mul3A_764 = arith.muli %shift_right_arithmetic3A_762, %mul3A_763 : i32
      %min3A_765 = arith.constant 999808 : i32
      %min3A_766 = arith.minsi %mul3A_764, %min3A_765 : i32
      %dma_start3A_767 = arith.constant 15 : i32
      %dma_start3A_768 = arith.constant 0 : i32
      %dma_start3A_769 = arith.constant 0 : i32
      %dma_start3A_770 = tpu.memref_slice %arg11[%dma_start3A_767, %dma_start3A_768, %dma_start3A_769] : memref<16x16x128xf32, #tpu.memory_space<vmem>> -> memref<1x16x128xf32, #tpu.memory_space<vmem>>
      %dma_start3A_771 = tpu.memref_squeeze %dma_start3A_770 : memref<1x16x128xf32, #tpu.memory_space<vmem>> -> memref<16x128xf32, #tpu.memory_space<vmem>>
      %dma_start3A_772 = arith.constant 0 : i32
      %dma_start3A_773 = tpu.memref_slice %arg5[%dma_start3A_772, %min3A_766] : memref<16x1000000xf32, #tpu.memory_space<hbm>> -> memref<16x128xf32, #tpu.memory_space<hbm>>
      %dma_start3A_774 = arith.constant 0 : i32
      %dma_start3A_775 = arith.constant 0 : i32
      %dma_start3A_776 = tpu.memref_slice %arg11[%dma_start3A_767, %dma_start3A_774, %dma_start3A_775] : memref<16x16x128xf32, #tpu.memory_space<vmem>> -> memref<1x16x128xf32, #tpu.memory_space<vmem>>
      %dma_start3A_777 = tpu.memref_squeeze %dma_start3A_776 : memref<1x16x128xf32, #tpu.memory_space<vmem>> -> memref<16x128xf32, #tpu.memory_space<vmem>>
      %dma_start3A_778 = arith.constant 0 : i32
      %dma_start3A_779 = tpu.memref_slice %arg5[%dma_start3A_778, %min3A_766] : memref<16x1000000xf32, #tpu.memory_space<hbm>> -> memref<16x128xf32, #tpu.memory_space<hbm>>
      tpu.enqueue_dma source(%dma_start3A_779 : memref<16x128xf32, #tpu.memory_space<hbm>>) target(%dma_start3A_777 : memref<16x128xf32, #tpu.memory_space<vmem>>) target_semaphore(%arg18 : memref<!tpu.dma_semaphore, #tpu.memory_space<semaphore_mem>>)
      %dma_wait3A = arith.constant 0 : i32
      %dma_wait3A_780 = arith.constant 0 : i32
      %dma_wait3A_781 = arith.constant 0 : i32
      %dma_wait3A_782 = tpu.memref_slice %arg10[%dma_wait3A, %dma_wait3A_780, %dma_wait3A_781] : memref<16x16x128xf32, #tpu.memory_space<vmem>> -> memref<1x16x128xf32, #tpu.memory_space<vmem>>
      %dma_wait3A_783 = tpu.memref_squeeze %dma_wait3A_782 : memref<1x16x128xf32, #tpu.memory_space<vmem>> -> memref<16x128xf32, #tpu.memory_space<vmem>>
      %dma_wait3A_784 = arith.constant 0 : i32
      %dma_wait3A_785 = tpu.memref_slice %arg4[%dma_wait3A_784, %min3A_116] : memref<16x1000000xf32, #tpu.memory_space<hbm>> -> memref<16x128xf32, #tpu.memory_space<hbm>>
      %dma_wait3A_786 = arith.constant 0 : i32
      %dma_wait3A_787 = arith.constant 0 : i32
      %dma_wait3A_788 = tpu.memref_slice %arg10[%dma_wait3A, %dma_wait3A_786, %dma_wait3A_787] : memref<16x16x128xf32, #tpu.memory_space<vmem>> -> memref<1x16x128xf32, #tpu.memory_space<vmem>>
      %dma_wait3A_789 = tpu.memref_squeeze %dma_wait3A_788 : memref<1x16x128xf32, #tpu.memory_space<vmem>> -> memref<16x128xf32, #tpu.memory_space<vmem>>
      %dma_wait3A_790 = arith.constant 0 : i32
      %dma_wait3A_791 = tpu.memref_slice %arg4[%dma_wait3A_790, %min3A_116] : memref<16x1000000xf32, #tpu.memory_space<hbm>> -> memref<16x128xf32, #tpu.memory_space<hbm>>
      tpu.wait_dma2 semaphore(%arg18 : memref<!tpu.dma_semaphore, #tpu.memory_space<semaphore_mem>>) src(%dma_wait3A_791 : memref<16x128xf32, #tpu.memory_space<hbm>>) dst(%dma_wait3A_789 : memref<16x128xf32, #tpu.memory_space<vmem>>)
      %slice3A_792 = vector.extract_strided_slice %get3A_67 {offsets = [0], sizes = [1], strides = [1]} : vector<16xi32> to vector<1xi32>
      %squeeze3A_793 = vector.extract %slice3A_792[0] : i32 from vector<1xi32>
      %shift_right_arithmetic3A_794 = arith.constant 7 : i32
      %shift_right_arithmetic3A_795 = arith.shrsi %squeeze3A_793, %shift_right_arithmetic3A_794 : i32
      %mul3A_796 = arith.constant 128 : i32
      %mul3A_797 = arith.muli %shift_right_arithmetic3A_795, %mul3A_796 : i32
      %min3A_798 = arith.constant 999808 : i32
      %min3A_799 = arith.minsi %mul3A_797, %min3A_798 : i32
      %sub3A_800 = arith.subi %squeeze3A_793, %min3A_799 : i32
      %broadcast_in_dim3A = arith.constant 0 : i32
      %broadcast_in_dim3A_801 = vector.broadcast %broadcast_in_dim3A : i32 to vector<16xi32>
      %min3A_802 = arith.constant 127 : i32
      %min3A_803 = arith.minsi %sub3A_800, %min3A_802 : i32
      %broadcast_in_dim3A_804 = vector.broadcast %min3A_803 : i32 to vector<16xi32>
      %sub3A_805 = arith.constant 128 : i32
      %sub3A_806 = arith.subi %sub3A_800, %sub3A_805 : i32
      %max3A = arith.constant 0 : i32
      %max3A_807 = arith.maxsi %sub3A_806, %max3A : i32
      %broadcast_in_dim3A_808 = vector.broadcast %max3A_807 : i32 to vector<16xi32>
      %gather3A = tpu.vector_load_idx %arg10[%broadcast_in_dim3A_801, %iota3A, %broadcast_in_dim3A_804] : memref<16x16x128xf32, #tpu.memory_space<vmem>>[vector<16xi32>, vector<16xi32>, vector<16xi32>], vector<16xf32>,
      %gather3A_809 = tpu.vector_load_idx %arg12[%iota3A, %broadcast_in_dim3A_808] : memref<16x64xf32, #tpu.memory_space<vmem>>[vector<16xi32>, vector<16xi32>], vector<16xf32>,
      %lt3A_810 = arith.constant 128 : i32
      %lt3A_811 = arith.cmpi slt, %sub3A_800, %lt3A_810 : i32
      %select_n3A_812 = arith.select %lt3A_811, %gather3A, %gather3A_809 : vector<16xf32>
      %mul3A_813 = arith.constant 2 : i32
      %mul3A_814 = arith.muli %scan3A_33, %mul3A_813 : i32
      %add3A_815 = arith.constant 0 : i32
      %add3A_816 = arith.addi %mul3A_814, %add3A_815 : i32
      %swap3A = arith.index_cast %add3A_816 : i32 to index
      %swap3A_817 = arith.constant 0 : index
      %swap3A_818 = tpu.vector_load %arg14[%swap3A, %swap3A_817] {strides = array<i32>} : memref<64x128xf32, #tpu.memory_space<vmem>>, vector<16xf32>,
      tpu.vector_store %arg14[%swap3A, %swap3A_817], %select_n3A_812 {strides = array<i32>} : memref<64x128xf32, #tpu.memory_space<vmem>>, vector<16xf32>,
      %dma_wait3A_819 = arith.constant 1 : i32
      %dma_wait3A_820 = arith.constant 0 : i32
      %dma_wait3A_821 = arith.constant 0 : i32
      %dma_wait3A_822 = tpu.memref_slice %arg10[%dma_wait3A_819, %dma_wait3A_820, %dma_wait3A_821] : memref<16x16x128xf32, #tpu.memory_space<vmem>> -> memref<1x16x128xf32, #tpu.memory_space<vmem>>
      %dma_wait3A_823 = tpu.memref_squeeze %dma_wait3A_822 : memref<1x16x128xf32, #tpu.memory_space<vmem>> -> memref<16x128xf32, #tpu.memory_space<vmem>>
      %dma_wait3A_824 = arith.constant 0 : i32
      %dma_wait3A_825 = tpu.memref_slice %arg4[%dma_wait3A_824, %min3A_136] : memref<16x1000000xf32, #tpu.memory_space<hbm>> -> memref<16x128xf32, #tpu.memory_space<hbm>>
      %dma_wait3A_826 = arith.constant 0 : i32
      %dma_wait3A_827 = arith.constant 0 : i32
      %dma_wait3A_828 = tpu.memref_slice %arg10[%dma_wait3A_819, %dma_wait3A_826, %dma_wait3A_827] : memref<16x16x128xf32, #tpu.memory_space<vmem>> -> memref<1x16x128xf32, #tpu.memory_space<vmem>>
      %dma_wait3A_829 = tpu.memref_squeeze %dma_wait3A_828 : memref<1x16x128xf32, #tpu.memory_space<vmem>> -> memref<16x128xf32, #tpu.memory_space<vmem>>
      %dma_wait3A_830 = arith.constant 0 : i32
      %dma_wait3A_831 = tpu.memref_slice %arg4[%dma_wait3A_830, %min3A_136] : memref<16x1000000xf32, #tpu.memory_space<hbm>> -> memref<16x128xf32, #tpu.memory_space<hbm>>
      tpu.wait_dma2 semaphore(%arg18 : memref<!tpu.dma_semaphore, #tpu.memory_space<semaphore_mem>>) src(%dma_wait3A_831 : memref<16x128xf32, #tpu.memory_space<hbm>>) dst(%dma_wait3A_829 : memref<16x128xf32, #tpu.memory_space<vmem>>)
      %slice3A_832 = vector.extract_strided_slice %get3A_67 {offsets = [1], sizes = [1], strides = [1]} : vector<16xi32> to vector<1xi32>
      %squeeze3A_833 = vector.extract %slice3A_832[0] : i32 from vector<1xi32>
      %shift_right_arithmetic3A_834 = arith.constant 7 : i32
      %shift_right_arithmetic3A_835 = arith.shrsi %squeeze3A_833, %shift_right_arithmetic3A_834 : i32
      %mul3A_836 = arith.constant 128 : i32
      %mul3A_837 = arith.muli %shift_right_arithmetic3A_835, %mul3A_836 : i32
      %min3A_838 = arith.constant 999808 : i32
      %min3A_839 = arith.minsi %mul3A_837, %min3A_838 : i32
      %sub3A_840 = arith.subi %squeeze3A_833, %min3A_839 : i32
      %broadcast_in_dim3A_841 = arith.constant 1 : i32
      %broadcast_in_dim3A_842 = vector.broadcast %broadcast_in_dim3A_841 : i32 to vector<16xi32>
      %min3A_843 = arith.constant 127 : i32
      %min3A_844 = arith.minsi %sub3A_840, %min3A_843 : i32
      %broadcast_in_dim3A_845 = vector.broadcast %min3A_844 : i32 to vector<16xi32>
      %sub3A_846 = arith.constant 128 : i32
      %sub3A_847 = arith.subi %sub3A_840, %sub3A_846 : i32
      %max3A_848 = arith.constant 0 : i32
      %max3A_849 = arith.maxsi %sub3A_847, %max3A_848 : i32
      %broadcast_in_dim3A_850 = vector.broadcast %max3A_849 : i32 to vector<16xi32>
      %gather3A_851 = tpu.vector_load_idx %arg10[%broadcast_in_dim3A_842, %iota3A, %broadcast_in_dim3A_845] : memref<16x16x128xf32, #tpu.memory_space<vmem>>[vector<16xi32>, vector<16xi32>, vector<16xi32>], vector<16xf32>,
      %gather3A_852 = tpu.vector_load_idx %arg12[%iota3A, %broadcast_in_dim3A_850] : memref<16x64xf32, #tpu.memory_space<vmem>>[vector<16xi32>, vector<16xi32>], vector<16xf32>,
      %lt3A_853 = arith.constant 128 : i32
      %lt3A_854 = arith.cmpi slt, %sub3A_840, %lt3A_853 : i32
      %select_n3A_855 = arith.select %lt3A_854, %gather3A_851, %gather3A_852 : vector<16xf32>
      %mul3A_856 = arith.constant 2 : i32
      %mul3A_857 = arith.muli %scan3A_33, %mul3A_856 : i32
      %add3A_858 = arith.constant 0 : i32
      %add3A_859 = arith.addi %mul3A_857, %add3A_858 : i32
      %swap3A_860 = arith.index_cast %add3A_859 : i32 to index
      %swap3A_861 = arith.constant 16 : index
      %swap3A_862 = tpu.vector_load %arg14[%swap3A_860, %swap3A_861] {strides = array<i32>} : memref<64x128xf32, #tpu.memory_space<vmem>>, vector<16xf32>,
      tpu.vector_store %arg14[%swap3A_860, %swap3A_861], %select_n3A_855 {strides = array<i32>} : memref<64x128xf32, #tpu.memory_space<vmem>>, vector<16xf32>,
      %dma_wait3A_863 = arith.constant 2 : i32
      %dma_wait3A_864 = arith.constant 0 : i32
      %dma_wait3A_865 = arith.constant 0 : i32
      %dma_wait3A_866 = tpu.memref_slice %arg10[%dma_wait3A_863, %dma_wait3A_864, %dma_wait3A_865] : memref<16x16x128xf32, #tpu.memory_space<vmem>> -> memref<1x16x128xf32, #tpu.memory_space<vmem>>
      %dma_wait3A_867 = tpu.memref_squeeze %dma_wait3A_866 : memref<1x16x128xf32, #tpu.memory_space<vmem>> -> memref<16x128xf32, #tpu.memory_space<vmem>>
      %dma_wait3A_868 = arith.constant 0 : i32
      %dma_wait3A_869 = tpu.memref_slice %arg4[%dma_wait3A_868, %min3A_157] : memref<16x1000000xf32, #tpu.memory_space<hbm>> -> memref<16x128xf32, #tpu.memory_space<hbm>>
      %dma_wait3A_870 = arith.constant 0 : i32
      %dma_wait3A_871 = arith.constant 0 : i32
      %dma_wait3A_872 = tpu.memref_slice %arg10[%dma_wait3A_863, %dma_wait3A_870, %dma_wait3A_871] : memref<16x16x128xf32, #tpu.memory_space<vmem>> -> memref<1x16x128xf32, #tpu.memory_space<vmem>>
      %dma_wait3A_873 = tpu.memref_squeeze %dma_wait3A_872 : memref<1x16x128xf32, #tpu.memory_space<vmem>> -> memref<16x128xf32, #tpu.memory_space<vmem>>
      %dma_wait3A_874 = arith.constant 0 : i32
      %dma_wait3A_875 = tpu.memref_slice %arg4[%dma_wait3A_874, %min3A_157] : memref<16x1000000xf32, #tpu.memory_space<hbm>> -> memref<16x128xf32, #tpu.memory_space<hbm>>
      tpu.wait_dma2 semaphore(%arg18 : memref<!tpu.dma_semaphore, #tpu.memory_space<semaphore_mem>>) src(%dma_wait3A_875 : memref<16x128xf32, #tpu.memory_space<hbm>>) dst(%dma_wait3A_873 : memref<16x128xf32, #tpu.memory_space<vmem>>)
      %slice3A_876 = vector.extract_strided_slice %get3A_67 {offsets = [2], sizes = [1], strides = [1]} : vector<16xi32> to vector<1xi32>
      %squeeze3A_877 = vector.extract %slice3A_876[0] : i32 from vector<1xi32>
      %shift_right_arithmetic3A_878 = arith.constant 7 : i32
      %shift_right_arithmetic3A_879 = arith.shrsi %squeeze3A_877, %shift_right_arithmetic3A_878 : i32
      %mul3A_880 = arith.constant 128 : i32
      %mul3A_881 = arith.muli %shift_right_arithmetic3A_879, %mul3A_880 : i32
      %min3A_882 = arith.constant 999808 : i32
      %min3A_883 = arith.minsi %mul3A_881, %min3A_882 : i32
      %sub3A_884 = arith.subi %squeeze3A_877, %min3A_883 : i32
      %broadcast_in_dim3A_885 = arith.constant 2 : i32
      %broadcast_in_dim3A_886 = vector.broadcast %broadcast_in_dim3A_885 : i32 to vector<16xi32>
      %min3A_887 = arith.constant 127 : i32
      %min3A_888 = arith.minsi %sub3A_884, %min3A_887 : i32
      %broadcast_in_dim3A_889 = vector.broadcast %min3A_888 : i32 to vector<16xi32>
      %sub3A_890 = arith.constant 128 : i32
      %sub3A_891 = arith.subi %sub3A_884, %sub3A_890 : i32
      %max3A_892 = arith.constant 0 : i32
      %max3A_893 = arith.maxsi %sub3A_891, %max3A_892 : i32
      %broadcast_in_dim3A_894 = vector.broadcast %max3A_893 : i32 to vector<16xi32>
      %gather3A_895 = tpu.vector_load_idx %arg10[%broadcast_in_dim3A_886, %iota3A, %broadcast_in_dim3A_889] : memref<16x16x128xf32, #tpu.memory_space<vmem>>[vector<16xi32>, vector<16xi32>, vector<16xi32>], vector<16xf32>,
      %gather3A_896 = tpu.vector_load_idx %arg12[%iota3A, %broadcast_in_dim3A_894] : memref<16x64xf32, #tpu.memory_space<vmem>>[vector<16xi32>, vector<16xi32>], vector<16xf32>,
      %lt3A_897 = arith.constant 128 : i32
      %lt3A_898 = arith.cmpi slt, %sub3A_884, %lt3A_897 : i32
      %select_n3A_899 = arith.select %lt3A_898, %gather3A_895, %gather3A_896 : vector<16xf32>
      %mul3A_900 = arith.constant 2 : i32
      %mul3A_901 = arith.muli %scan3A_33, %mul3A_900 : i32
      %add3A_902 = arith.constant 0 : i32
      %add3A_903 = arith.addi %mul3A_901, %add3A_902 : i32
      %swap3A_904 = arith.index_cast %add3A_903 : i32 to index
      %swap3A_905 = arith.constant 32 : index
      %swap3A_906 = tpu.vector_load %arg14[%swap3A_904, %swap3A_905] {strides = array<i32>} : memref<64x128xf32, #tpu.memory_space<vmem>>, vector<16xf32>,
      tpu.vector_store %arg14[%swap3A_904, %swap3A_905], %select_n3A_899 {strides = array<i32>} : memref<64x128xf32, #tpu.memory_space<vmem>>, vector<16xf32>,
      %dma_wait3A_907 = arith.constant 3 : i32
      %dma_wait3A_908 = arith.constant 0 : i32
      %dma_wait3A_909 = arith.constant 0 : i32
      %dma_wait3A_910 = tpu.memref_slice %arg10[%dma_wait3A_907, %dma_wait3A_908, %dma_wait3A_909] : memref<16x16x128xf32, #tpu.memory_space<vmem>> -> memref<1x16x128xf32, #tpu.memory_space<vmem>>
      %dma_wait3A_911 = tpu.memref_squeeze %dma_wait3A_910 : memref<1x16x128xf32, #tpu.memory_space<vmem>> -> memref<16x128xf32, #tpu.memory_space<vmem>>
      %dma_wait3A_912 = arith.constant 0 : i32
      %dma_wait3A_913 = tpu.memref_slice %arg4[%dma_wait3A_912, %min3A_178] : memref<16x1000000xf32, #tpu.memory_space<hbm>> -> memref<16x128xf32, #tpu.memory_space<hbm>>
      %dma_wait3A_914 = arith.constant 0 : i32
      %dma_wait3A_915 = arith.constant 0 : i32
      %dma_wait3A_916 = tpu.memref_slice %arg10[%dma_wait3A_907, %dma_wait3A_914, %dma_wait3A_915] : memref<16x16x128xf32, #tpu.memory_space<vmem>> -> memref<1x16x128xf32, #tpu.memory_space<vmem>>
      %dma_wait3A_917 = tpu.memref_squeeze %dma_wait3A_916 : memref<1x16x128xf32, #tpu.memory_space<vmem>> -> memref<16x128xf32, #tpu.memory_space<vmem>>
      %dma_wait3A_918 = arith.constant 0 : i32
      %dma_wait3A_919 = tpu.memref_slice %arg4[%dma_wait3A_918, %min3A_178] : memref<16x1000000xf32, #tpu.memory_space<hbm>> -> memref<16x128xf32, #tpu.memory_space<hbm>>
      tpu.wait_dma2 semaphore(%arg18 : memref<!tpu.dma_semaphore, #tpu.memory_space<semaphore_mem>>) src(%dma_wait3A_919 : memref<16x128xf32, #tpu.memory_space<hbm>>) dst(%dma_wait3A_917 : memref<16x128xf32, #tpu.memory_space<vmem>>)
      %slice3A_920 = vector.extract_strided_slice %get3A_67 {offsets = [3], sizes = [1], strides = [1]} : vector<16xi32> to vector<1xi32>
      %squeeze3A_921 = vector.extract %slice3A_920[0] : i32 from vector<1xi32>
      %shift_right_arithmetic3A_922 = arith.constant 7 : i32
      %shift_right_arithmetic3A_923 = arith.shrsi %squeeze3A_921, %shift_right_arithmetic3A_922 : i32
      %mul3A_924 = arith.constant 128 : i32
      %mul3A_925 = arith.muli %shift_right_arithmetic3A_923, %mul3A_924 : i32
      %min3A_926 = arith.constant 999808 : i32
      %min3A_927 = arith.minsi %mul3A_925, %min3A_926 : i32
      %sub3A_928 = arith.subi %squeeze3A_921, %min3A_927 : i32
      %broadcast_in_dim3A_929 = arith.constant 3 : i32
      %broadcast_in_dim3A_930 = vector.broadcast %broadcast_in_dim3A_929 : i32 to vector<16xi32>
      %min3A_931 = arith.constant 127 : i32
      %min3A_932 = arith.minsi %sub3A_928, %min3A_931 : i32
      %broadcast_in_dim3A_933 = vector.broadcast %min3A_932 : i32 to vector<16xi32>
      %sub3A_934 = arith.constant 128 : i32
      %sub3A_935 = arith.subi %sub3A_928, %sub3A_934 : i32
      %max3A_936 = arith.constant 0 : i32
      %max3A_937 = arith.maxsi %sub3A_935, %max3A_936 : i32
      %broadcast_in_dim3A_938 = vector.broadcast %max3A_937 : i32 to vector<16xi32>
      %gather3A_939 = tpu.vector_load_idx %arg10[%broadcast_in_dim3A_930, %iota3A, %broadcast_in_dim3A_933] : memref<16x16x128xf32, #tpu.memory_space<vmem>>[vector<16xi32>, vector<16xi32>, vector<16xi32>], vector<16xf32>,
      %gather3A_940 = tpu.vector_load_idx %arg12[%iota3A, %broadcast_in_dim3A_938] : memref<16x64xf32, #tpu.memory_space<vmem>>[vector<16xi32>, vector<16xi32>], vector<16xf32>,
      %lt3A_941 = arith.constant 128 : i32
      %lt3A_942 = arith.cmpi slt, %sub3A_928, %lt3A_941 : i32
      %select_n3A_943 = arith.select %lt3A_942, %gather3A_939, %gather3A_940 : vector<16xf32>
      %mul3A_944 = arith.constant 2 : i32
      %mul3A_945 = arith.muli %scan3A_33, %mul3A_944 : i32
      %add3A_946 = arith.constant 0 : i32
      %add3A_947 = arith.addi %mul3A_945, %add3A_946 : i32
      %swap3A_948 = arith.index_cast %add3A_947 : i32 to index
      %swap3A_949 = arith.constant 48 : index
      %swap3A_950 = tpu.vector_load %arg14[%swap3A_948, %swap3A_949] {strides = array<i32>} : memref<64x128xf32, #tpu.memory_space<vmem>>, vector<16xf32>,
      tpu.vector_store %arg14[%swap3A_948, %swap3A_949], %select_n3A_943 {strides = array<i32>} : memref<64x128xf32, #tpu.memory_space<vmem>>, vector<16xf32>,
      %dma_wait3A_951 = arith.constant 4 : i32
      %dma_wait3A_952 = arith.constant 0 : i32
      %dma_wait3A_953 = arith.constant 0 : i32
      %dma_wait3A_954 = tpu.memref_slice %arg10[%dma_wait3A_951, %dma_wait3A_952, %dma_wait3A_953] : memref<16x16x128xf32, #tpu.memory_space<vmem>> -> memref<1x16x128xf32, #tpu.memory_space<vmem>>
      %dma_wait3A_955 = tpu.memref_squeeze %dma_wait3A_954 : memref<1x16x128xf32, #tpu.memory_space<vmem>> -> memref<16x128xf32, #tpu.memory_space<vmem>>
      %dma_wait3A_956 = arith.constant 0 : i32
      %dma_wait3A_957 = tpu.memref_slice %arg4[%dma_wait3A_956, %min3A_199] : memref<16x1000000xf32, #tpu.memory_space<hbm>> -> memref<16x128xf32, #tpu.memory_space<hbm>>
      %dma_wait3A_958 = arith.constant 0 : i32
      %dma_wait3A_959 = arith.constant 0 : i32
      %dma_wait3A_960 = tpu.memref_slice %arg10[%dma_wait3A_951, %dma_wait3A_958, %dma_wait3A_959] : memref<16x16x128xf32, #tpu.memory_space<vmem>> -> memref<1x16x128xf32, #tpu.memory_space<vmem>>
      %dma_wait3A_961 = tpu.memref_squeeze %dma_wait3A_960 : memref<1x16x128xf32, #tpu.memory_space<vmem>> -> memref<16x128xf32, #tpu.memory_space<vmem>>
      %dma_wait3A_962 = arith.constant 0 : i32
      %dma_wait3A_963 = tpu.memref_slice %arg4[%dma_wait3A_962, %min3A_199] : memref<16x1000000xf32, #tpu.memory_space<hbm>> -> memref<16x128xf32, #tpu.memory_space<hbm>>
      tpu.wait_dma2 semaphore(%arg18 : memref<!tpu.dma_semaphore, #tpu.memory_space<semaphore_mem>>) src(%dma_wait3A_963 : memref<16x128xf32, #tpu.memory_space<hbm>>) dst(%dma_wait3A_961 : memref<16x128xf32, #tpu.memory_space<vmem>>)
      %slice3A_964 = vector.extract_strided_slice %get3A_67 {offsets = [4], sizes = [1], strides = [1]} : vector<16xi32> to vector<1xi32>
      %squeeze3A_965 = vector.extract %slice3A_964[0] : i32 from vector<1xi32>
      %shift_right_arithmetic3A_966 = arith.constant 7 : i32
      %shift_right_arithmetic3A_967 = arith.shrsi %squeeze3A_965, %shift_right_arithmetic3A_966 : i32
      %mul3A_968 = arith.constant 128 : i32
      %mul3A_969 = arith.muli %shift_right_arithmetic3A_967, %mul3A_968 : i32
      %min3A_970 = arith.constant 999808 : i32
      %min3A_971 = arith.minsi %mul3A_969, %min3A_970 : i32
      %sub3A_972 = arith.subi %squeeze3A_965, %min3A_971 : i32
      %broadcast_in_dim3A_973 = arith.constant 4 : i32
      %broadcast_in_dim3A_974 = vector.broadcast %broadcast_in_dim3A_973 : i32 to vector<16xi32>
      %min3A_975 = arith.constant 127 : i32
      %min3A_976 = arith.minsi %sub3A_972, %min3A_975 : i32
      %broadcast_in_dim3A_977 = vector.broadcast %min3A_976 : i32 to vector<16xi32>
      %sub3A_978 = arith.constant 128 : i32
      %sub3A_979 = arith.subi %sub3A_972, %sub3A_978 : i32
      %max3A_980 = arith.constant 0 : i32
      %max3A_981 = arith.maxsi %sub3A_979, %max3A_980 : i32
      %broadcast_in_dim3A_982 = vector.broadcast %max3A_981 : i32 to vector<16xi32>
      %gather3A_983 = tpu.vector_load_idx %arg10[%broadcast_in_dim3A_974, %iota3A, %broadcast_in_dim3A_977] : memref<16x16x128xf32, #tpu.memory_space<vmem>>[vector<16xi32>, vector<16xi32>, vector<16xi32>], vector<16xf32>,
      %gather3A_984 = tpu.vector_load_idx %arg12[%iota3A, %broadcast_in_dim3A_982] : memref<16x64xf32, #tpu.memory_space<vmem>>[vector<16xi32>, vector<16xi32>], vector<16xf32>,
      %lt3A_985 = arith.constant 128 : i32
      %lt3A_986 = arith.cmpi slt, %sub3A_972, %lt3A_985 : i32
      %select_n3A_987 = arith.select %lt3A_986, %gather3A_983, %gather3A_984 : vector<16xf32>
      %mul3A_988 = arith.constant 2 : i32
      %mul3A_989 = arith.muli %scan3A_33, %mul3A_988 : i32
      %add3A_990 = arith.constant 0 : i32
      %add3A_991 = arith.addi %mul3A_989, %add3A_990 : i32
      %swap3A_992 = arith.index_cast %add3A_991 : i32 to index
      %swap3A_993 = arith.constant 64 : index
      %swap3A_994 = tpu.vector_load %arg14[%swap3A_992, %swap3A_993] {strides = array<i32>} : memref<64x128xf32, #tpu.memory_space<vmem>>, vector<16xf32>,
      tpu.vector_store %arg14[%swap3A_992, %swap3A_993], %select_n3A_987 {strides = array<i32>} : memref<64x128xf32, #tpu.memory_space<vmem>>, vector<16xf32>,
      %dma_wait3A_995 = arith.constant 5 : i32
      %dma_wait3A_996 = arith.constant 0 : i32
      %dma_wait3A_997 = arith.constant 0 : i32
      %dma_wait3A_998 = tpu.memref_slice %arg10[%dma_wait3A_995, %dma_wait3A_996, %dma_wait3A_997] : memref<16x16x128xf32, #tpu.memory_space<vmem>> -> memref<1x16x128xf32, #tpu.memory_space<vmem>>
      %dma_wait3A_999 = tpu.memref_squeeze %dma_wait3A_998 : memref<1x16x128xf32, #tpu.memory_space<vmem>> -> memref<16x128xf32, #tpu.memory_space<vmem>>
      %dma_wait3A_1000 = arith.constant 0 : i32
      %dma_wait3A_1001 = tpu.memref_slice %arg4[%dma_wait3A_1000, %min3A_220] : memref<16x1000000xf32, #tpu.memory_space<hbm>> -> memref<16x128xf32, #tpu.memory_space<hbm>>
      %dma_wait3A_1002 = arith.constant 0 : i32
      %dma_wait3A_1003 = arith.constant 0 : i32
      %dma_wait3A_1004 = tpu.memref_slice %arg10[%dma_wait3A_995, %dma_wait3A_1002, %dma_wait3A_1003] : memref<16x16x128xf32, #tpu.memory_space<vmem>> -> memref<1x16x128xf32, #tpu.memory_space<vmem>>
      %dma_wait3A_1005 = tpu.memref_squeeze %dma_wait3A_1004 : memref<1x16x128xf32, #tpu.memory_space<vmem>> -> memref<16x128xf32, #tpu.memory_space<vmem>>
      %dma_wait3A_1006 = arith.constant 0 : i32
      %dma_wait3A_1007 = tpu.memref_slice %arg4[%dma_wait3A_1006, %min3A_220] : memref<16x1000000xf32, #tpu.memory_space<hbm>> -> memref<16x128xf32, #tpu.memory_space<hbm>>
      tpu.wait_dma2 semaphore(%arg18 : memref<!tpu.dma_semaphore, #tpu.memory_space<semaphore_mem>>) src(%dma_wait3A_1007 : memref<16x128xf32, #tpu.memory_space<hbm>>) dst(%dma_wait3A_1005 : memref<16x128xf32, #tpu.memory_space<vmem>>)
      %slice3A_1008 = vector.extract_strided_slice %get3A_67 {offsets = [5], sizes = [1], strides = [1]} : vector<16xi32> to vector<1xi32>
      %squeeze3A_1009 = vector.extract %slice3A_1008[0] : i32 from vector<1xi32>
      %shift_right_arithmetic3A_1010 = arith.constant 7 : i32
      %shift_right_arithmetic3A_1011 = arith.shrsi %squeeze3A_1009, %shift_right_arithmetic3A_1010 : i32
      %mul3A_1012 = arith.constant 128 : i32
      %mul3A_1013 = arith.muli %shift_right_arithmetic3A_1011, %mul3A_1012 : i32
      %min3A_1014 = arith.constant 999808 : i32
      %min3A_1015 = arith.minsi %mul3A_1013, %min3A_1014 : i32
      %sub3A_1016 = arith.subi %squeeze3A_1009, %min3A_1015 : i32
      %broadcast_in_dim3A_1017 = arith.constant 5 : i32
      %broadcast_in_dim3A_1018 = vector.broadcast %broadcast_in_dim3A_1017 : i32 to vector<16xi32>
      %min3A_1019 = arith.constant 127 : i32
      %min3A_1020 = arith.minsi %sub3A_1016, %min3A_1019 : i32
      %broadcast_in_dim3A_1021 = vector.broadcast %min3A_1020 : i32 to vector<16xi32>
      %sub3A_1022 = arith.constant 128 : i32
      %sub3A_1023 = arith.subi %sub3A_1016, %sub3A_1022 : i32
      %max3A_1024 = arith.constant 0 : i32
      %max3A_1025 = arith.maxsi %sub3A_1023, %max3A_1024 : i32
      %broadcast_in_dim3A_1026 = vector.broadcast %max3A_1025 : i32 to vector<16xi32>
      %gather3A_1027 = tpu.vector_load_idx %arg10[%broadcast_in_dim3A_1018, %iota3A, %broadcast_in_dim3A_1021] : memref<16x16x128xf32, #tpu.memory_space<vmem>>[vector<16xi32>, vector<16xi32>, vector<16xi32>], vector<16xf32>,
      %gather3A_1028 = tpu.vector_load_idx %arg12[%iota3A, %broadcast_in_dim3A_1026] : memref<16x64xf32, #tpu.memory_space<vmem>>[vector<16xi32>, vector<16xi32>], vector<16xf32>,
      %lt3A_1029 = arith.constant 128 : i32
      %lt3A_1030 = arith.cmpi slt, %sub3A_1016, %lt3A_1029 : i32
      %select_n3A_1031 = arith.select %lt3A_1030, %gather3A_1027, %gather3A_1028 : vector<16xf32>
      %mul3A_1032 = arith.constant 2 : i32
      %mul3A_1033 = arith.muli %scan3A_33, %mul3A_1032 : i32
      %add3A_1034 = arith.constant 0 : i32
      %add3A_1035 = arith.addi %mul3A_1033, %add3A_1034 : i32
      %swap3A_1036 = arith.index_cast %add3A_1035 : i32 to index
      %swap3A_1037 = arith.constant 80 : index
      %swap3A_1038 = tpu.vector_load %arg14[%swap3A_1036, %swap3A_1037] {strides = array<i32>} : memref<64x128xf32, #tpu.memory_space<vmem>>, vector<16xf32>,
      tpu.vector_store %arg14[%swap3A_1036, %swap3A_1037], %select_n3A_1031 {strides = array<i32>} : memref<64x128xf32, #tpu.memory_space<vmem>>, vector<16xf32>,
      %dma_wait3A_1039 = arith.constant 6 : i32
      %dma_wait3A_1040 = arith.constant 0 : i32
      %dma_wait3A_1041 = arith.constant 0 : i32
      %dma_wait3A_1042 = tpu.memref_slice %arg10[%dma_wait3A_1039, %dma_wait3A_1040, %dma_wait3A_1041] : memref<16x16x128xf32, #tpu.memory_space<vmem>> -> memref<1x16x128xf32, #tpu.memory_space<vmem>>
      %dma_wait3A_1043 = tpu.memref_squeeze %dma_wait3A_1042 : memref<1x16x128xf32, #tpu.memory_space<vmem>> -> memref<16x128xf32, #tpu.memory_space<vmem>>
      %dma_wait3A_1044 = arith.constant 0 : i32
      %dma_wait3A_1045 = tpu.memref_slice %arg4[%dma_wait3A_1044, %min3A_241] : memref<16x1000000xf32, #tpu.memory_space<hbm>> -> memref<16x128xf32, #tpu.memory_space<hbm>>
      %dma_wait3A_1046 = arith.constant 0 : i32
      %dma_wait3A_1047 = arith.constant 0 : i32
      %dma_wait3A_1048 = tpu.memref_slice %arg10[%dma_wait3A_1039, %dma_wait3A_1046, %dma_wait3A_1047] : memref<16x16x128xf32, #tpu.memory_space<vmem>> -> memref<1x16x128xf32, #tpu.memory_space<vmem>>
      %dma_wait3A_1049 = tpu.memref_squeeze %dma_wait3A_1048 : memref<1x16x128xf32, #tpu.memory_space<vmem>> -> memref<16x128xf32, #tpu.memory_space<vmem>>
      %dma_wait3A_1050 = arith.constant 0 : i32
      %dma_wait3A_1051 = tpu.memref_slice %arg4[%dma_wait3A_1050, %min3A_241] : memref<16x1000000xf32, #tpu.memory_space<hbm>> -> memref<16x128xf32, #tpu.memory_space<hbm>>
      tpu.wait_dma2 semaphore(%arg18 : memref<!tpu.dma_semaphore, #tpu.memory_space<semaphore_mem>>) src(%dma_wait3A_1051 : memref<16x128xf32, #tpu.memory_space<hbm>>) dst(%dma_wait3A_1049 : memref<16x128xf32, #tpu.memory_space<vmem>>)
      %slice3A_1052 = vector.extract_strided_slice %get3A_67 {offsets = [6], sizes = [1], strides = [1]} : vector<16xi32> to vector<1xi32>
      %squeeze3A_1053 = vector.extract %slice3A_1052[0] : i32 from vector<1xi32>
      %shift_right_arithmetic3A_1054 = arith.constant 7 : i32
      %shift_right_arithmetic3A_1055 = arith.shrsi %squeeze3A_1053, %shift_right_arithmetic3A_1054 : i32
      %mul3A_1056 = arith.constant 128 : i32
      %mul3A_1057 = arith.muli %shift_right_arithmetic3A_1055, %mul3A_1056 : i32
      %min3A_1058 = arith.constant 999808 : i32
      %min3A_1059 = arith.minsi %mul3A_1057, %min3A_1058 : i32
      %sub3A_1060 = arith.subi %squeeze3A_1053, %min3A_1059 : i32
      %broadcast_in_dim3A_1061 = arith.constant 6 : i32
      %broadcast_in_dim3A_1062 = vector.broadcast %broadcast_in_dim3A_1061 : i32 to vector<16xi32>
      %min3A_1063 = arith.constant 127 : i32
      %min3A_1064 = arith.minsi %sub3A_1060, %min3A_1063 : i32
      %broadcast_in_dim3A_1065 = vector.broadcast %min3A_1064 : i32 to vector<16xi32>
      %sub3A_1066 = arith.constant 128 : i32
      %sub3A_1067 = arith.subi %sub3A_1060, %sub3A_1066 : i32
      %max3A_1068 = arith.constant 0 : i32
      %max3A_1069 = arith.maxsi %sub3A_1067, %max3A_1068 : i32
      %broadcast_in_dim3A_1070 = vector.broadcast %max3A_1069 : i32 to vector<16xi32>
      %gather3A_1071 = tpu.vector_load_idx %arg10[%broadcast_in_dim3A_1062, %iota3A, %broadcast_in_dim3A_1065] : memref<16x16x128xf32, #tpu.memory_space<vmem>>[vector<16xi32>, vector<16xi32>, vector<16xi32>], vector<16xf32>,
      %gather3A_1072 = tpu.vector_load_idx %arg12[%iota3A, %broadcast_in_dim3A_1070] : memref<16x64xf32, #tpu.memory_space<vmem>>[vector<16xi32>, vector<16xi32>], vector<16xf32>,
      %lt3A_1073 = arith.constant 128 : i32
      %lt3A_1074 = arith.cmpi slt, %sub3A_1060, %lt3A_1073 : i32
      %select_n3A_1075 = arith.select %lt3A_1074, %gather3A_1071, %gather3A_1072 : vector<16xf32>
      %mul3A_1076 = arith.constant 2 : i32
      %mul3A_1077 = arith.muli %scan3A_33, %mul3A_1076 : i32
      %add3A_1078 = arith.constant 0 : i32
      %add3A_1079 = arith.addi %mul3A_1077, %add3A_1078 : i32
      %swap3A_1080 = arith.index_cast %add3A_1079 : i32 to index
      %swap3A_1081 = arith.constant 96 : index
      %swap3A_1082 = tpu.vector_load %arg14[%swap3A_1080, %swap3A_1081] {strides = array<i32>} : memref<64x128xf32, #tpu.memory_space<vmem>>, vector<16xf32>,
      tpu.vector_store %arg14[%swap3A_1080, %swap3A_1081], %select_n3A_1075 {strides = array<i32>} : memref<64x128xf32, #tpu.memory_space<vmem>>, vector<16xf32>,
      %dma_wait3A_1083 = arith.constant 7 : i32
      %dma_wait3A_1084 = arith.constant 0 : i32
      %dma_wait3A_1085 = arith.constant 0 : i32
      %dma_wait3A_1086 = tpu.memref_slice %arg10[%dma_wait3A_1083, %dma_wait3A_1084, %dma_wait3A_1085] : memref<16x16x128xf32, #tpu.memory_space<vmem>> -> memref<1x16x128xf32, #tpu.memory_space<vmem>>
      %dma_wait3A_1087 = tpu.memref_squeeze %dma_wait3A_1086 : memref<1x16x128xf32, #tpu.memory_space<vmem>> -> memref<16x128xf32, #tpu.memory_space<vmem>>
      %dma_wait3A_1088 = arith.constant 0 : i32
      %dma_wait3A_1089 = tpu.memref_slice %arg4[%dma_wait3A_1088, %min3A_262] : memref<16x1000000xf32, #tpu.memory_space<hbm>> -> memref<16x128xf32, #tpu.memory_space<hbm>>
      %dma_wait3A_1090 = arith.constant 0 : i32
      %dma_wait3A_1091 = arith.constant 0 : i32
      %dma_wait3A_1092 = tpu.memref_slice %arg10[%dma_wait3A_1083, %dma_wait3A_1090, %dma_wait3A_1091] : memref<16x16x128xf32, #tpu.memory_space<vmem>> -> memref<1x16x128xf32, #tpu.memory_space<vmem>>
      %dma_wait3A_1093 = tpu.memref_squeeze %dma_wait3A_1092 : memref<1x16x128xf32, #tpu.memory_space<vmem>> -> memref<16x128xf32, #tpu.memory_space<vmem>>
      %dma_wait3A_1094 = arith.constant 0 : i32
      %dma_wait3A_1095 = tpu.memref_slice %arg4[%dma_wait3A_1094, %min3A_262] : memref<16x1000000xf32, #tpu.memory_space<hbm>> -> memref<16x128xf32, #tpu.memory_space<hbm>>
      tpu.wait_dma2 semaphore(%arg18 : memref<!tpu.dma_semaphore, #tpu.memory_space<semaphore_mem>>) src(%dma_wait3A_1095 : memref<16x128xf32, #tpu.memory_space<hbm>>) dst(%dma_wait3A_1093 : memref<16x128xf32, #tpu.memory_space<vmem>>)
      %slice3A_1096 = vector.extract_strided_slice %get3A_67 {offsets = [7], sizes = [1], strides = [1]} : vector<16xi32> to vector<1xi32>
      %squeeze3A_1097 = vector.extract %slice3A_1096[0] : i32 from vector<1xi32>
      %shift_right_arithmetic3A_1098 = arith.constant 7 : i32
      %shift_right_arithmetic3A_1099 = arith.shrsi %squeeze3A_1097, %shift_right_arithmetic3A_1098 : i32
      %mul3A_1100 = arith.constant 128 : i32
      %mul3A_1101 = arith.muli %shift_right_arithmetic3A_1099, %mul3A_1100 : i32
      %min3A_1102 = arith.constant 999808 : i32
      %min3A_1103 = arith.minsi %mul3A_1101, %min3A_1102 : i32
      %sub3A_1104 = arith.subi %squeeze3A_1097, %min3A_1103 : i32
      %broadcast_in_dim3A_1105 = arith.constant 7 : i32
      %broadcast_in_dim3A_1106 = vector.broadcast %broadcast_in_dim3A_1105 : i32 to vector<16xi32>
      %min3A_1107 = arith.constant 127 : i32
      %min3A_1108 = arith.minsi %sub3A_1104, %min3A_1107 : i32
      %broadcast_in_dim3A_1109 = vector.broadcast %min3A_1108 : i32 to vector<16xi32>
      %sub3A_1110 = arith.constant 128 : i32
      %sub3A_1111 = arith.subi %sub3A_1104, %sub3A_1110 : i32
      %max3A_1112 = arith.constant 0 : i32
      %max3A_1113 = arith.maxsi %sub3A_1111, %max3A_1112 : i32
      %broadcast_in_dim3A_1114 = vector.broadcast %max3A_1113 : i32 to vector<16xi32>
      %gather3A_1115 = tpu.vector_load_idx %arg10[%broadcast_in_dim3A_1106, %iota3A, %broadcast_in_dim3A_1109] : memref<16x16x128xf32, #tpu.memory_space<vmem>>[vector<16xi32>, vector<16xi32>, vector<16xi32>], vector<16xf32>,
      %gather3A_1116 = tpu.vector_load_idx %arg12[%iota3A, %broadcast_in_dim3A_1114] : memref<16x64xf32, #tpu.memory_space<vmem>>[vector<16xi32>, vector<16xi32>], vector<16xf32>,
      %lt3A_1117 = arith.constant 128 : i32
      %lt3A_1118 = arith.cmpi slt, %sub3A_1104, %lt3A_1117 : i32
      %select_n3A_1119 = arith.select %lt3A_1118, %gather3A_1115, %gather3A_1116 : vector<16xf32>
      %mul3A_1120 = arith.constant 2 : i32
      %mul3A_1121 = arith.muli %scan3A_33, %mul3A_1120 : i32
      %add3A_1122 = arith.constant 0 : i32
      %add3A_1123 = arith.addi %mul3A_1121, %add3A_1122 : i32
      %swap3A_1124 = arith.index_cast %add3A_1123 : i32 to index
      %swap3A_1125 = arith.constant 112 : index
      %swap3A_1126 = tpu.vector_load %arg14[%swap3A_1124, %swap3A_1125] {strides = array<i32>} : memref<64x128xf32, #tpu.memory_space<vmem>>, vector<16xf32>,
      tpu.vector_store %arg14[%swap3A_1124, %swap3A_1125], %select_n3A_1119 {strides = array<i32>} : memref<64x128xf32, #tpu.memory_space<vmem>>, vector<16xf32>,
      %dma_wait3A_1127 = arith.constant 8 : i32
      %dma_wait3A_1128 = arith.constant 0 : i32
      %dma_wait3A_1129 = arith.constant 0 : i32
      %dma_wait3A_1130 = tpu.memref_slice %arg10[%dma_wait3A_1127, %dma_wait3A_1128, %dma_wait3A_1129] : memref<16x16x128xf32, #tpu.memory_space<vmem>> -> memref<1x16x128xf32, #tpu.memory_space<vmem>>
      %dma_wait3A_1131 = tpu.memref_squeeze %dma_wait3A_1130 : memref<1x16x128xf32, #tpu.memory_space<vmem>> -> memref<16x128xf32, #tpu.memory_space<vmem>>
      %dma_wait3A_1132 = arith.constant 0 : i32
      %dma_wait3A_1133 = tpu.memref_slice %arg4[%dma_wait3A_1132, %min3A_283] : memref<16x1000000xf32, #tpu.memory_space<hbm>> -> memref<16x128xf32, #tpu.memory_space<hbm>>
      %dma_wait3A_1134 = arith.constant 0 : i32
      %dma_wait3A_1135 = arith.constant 0 : i32
      %dma_wait3A_1136 = tpu.memref_slice %arg10[%dma_wait3A_1127, %dma_wait3A_1134, %dma_wait3A_1135] : memref<16x16x128xf32, #tpu.memory_space<vmem>> -> memref<1x16x128xf32, #tpu.memory_space<vmem>>
      %dma_wait3A_1137 = tpu.memref_squeeze %dma_wait3A_1136 : memref<1x16x128xf32, #tpu.memory_space<vmem>> -> memref<16x128xf32, #tpu.memory_space<vmem>>
      %dma_wait3A_1138 = arith.constant 0 : i32
      %dma_wait3A_1139 = tpu.memref_slice %arg4[%dma_wait3A_1138, %min3A_283] : memref<16x1000000xf32, #tpu.memory_space<hbm>> -> memref<16x128xf32, #tpu.memory_space<hbm>>
      tpu.wait_dma2 semaphore(%arg18 : memref<!tpu.dma_semaphore, #tpu.memory_space<semaphore_mem>>) src(%dma_wait3A_1139 : memref<16x128xf32, #tpu.memory_space<hbm>>) dst(%dma_wait3A_1137 : memref<16x128xf32, #tpu.memory_space<vmem>>)
      %slice3A_1140 = vector.extract_strided_slice %get3A_67 {offsets = [8], sizes = [1], strides = [1]} : vector<16xi32> to vector<1xi32>
      %squeeze3A_1141 = vector.extract %slice3A_1140[0] : i32 from vector<1xi32>
      %shift_right_arithmetic3A_1142 = arith.constant 7 : i32
      %shift_right_arithmetic3A_1143 = arith.shrsi %squeeze3A_1141, %shift_right_arithmetic3A_1142 : i32
      %mul3A_1144 = arith.constant 128 : i32
      %mul3A_1145 = arith.muli %shift_right_arithmetic3A_1143, %mul3A_1144 : i32
      %min3A_1146 = arith.constant 999808 : i32
      %min3A_1147 = arith.minsi %mul3A_1145, %min3A_1146 : i32
      %sub3A_1148 = arith.subi %squeeze3A_1141, %min3A_1147 : i32
      %broadcast_in_dim3A_1149 = arith.constant 8 : i32
      %broadcast_in_dim3A_1150 = vector.broadcast %broadcast_in_dim3A_1149 : i32 to vector<16xi32>
      %min3A_1151 = arith.constant 127 : i32
      %min3A_1152 = arith.minsi %sub3A_1148, %min3A_1151 : i32
      %broadcast_in_dim3A_1153 = vector.broadcast %min3A_1152 : i32 to vector<16xi32>
      %sub3A_1154 = arith.constant 128 : i32
      %sub3A_1155 = arith.subi %sub3A_1148, %sub3A_1154 : i32
      %max3A_1156 = arith.constant 0 : i32
      %max3A_1157 = arith.maxsi %sub3A_1155, %max3A_1156 : i32
      %broadcast_in_dim3A_1158 = vector.broadcast %max3A_1157 : i32 to vector<16xi32>
      %gather3A_1159 = tpu.vector_load_idx %arg10[%broadcast_in_dim3A_1150, %iota3A, %broadcast_in_dim3A_1153] : memref<16x16x128xf32, #tpu.memory_space<vmem>>[vector<16xi32>, vector<16xi32>, vector<16xi32>], vector<16xf32>,
      %gather3A_1160 = tpu.vector_load_idx %arg12[%iota3A, %broadcast_in_dim3A_1158] : memref<16x64xf32, #tpu.memory_space<vmem>>[vector<16xi32>, vector<16xi32>], vector<16xf32>,
      %lt3A_1161 = arith.constant 128 : i32
      %lt3A_1162 = arith.cmpi slt, %sub3A_1148, %lt3A_1161 : i32
      %select_n3A_1163 = arith.select %lt3A_1162, %gather3A_1159, %gather3A_1160 : vector<16xf32>
      %mul3A_1164 = arith.constant 2 : i32
      %mul3A_1165 = arith.muli %scan3A_33, %mul3A_1164 : i32
      %add3A_1166 = arith.constant 1 : i32
      %add3A_1167 = arith.addi %mul3A_1165, %add3A_1166 : i32
      %swap3A_1168 = arith.index_cast %add3A_1167 : i32 to index
      %swap3A_1169 = arith.constant 0 : index
      %swap3A_1170 = tpu.vector_load %arg14[%swap3A_1168, %swap3A_1169] {strides = array<i32>} : memref<64x128xf32, #tpu.memory_space<vmem>>, vector<16xf32>,
      tpu.vector_store %arg14[%swap3A_1168, %swap3A_1169], %select_n3A_1163 {strides = array<i32>} : memref<64x128xf32, #tpu.memory_space<vmem>>, vector<16xf32>,
      %dma_wait3A_1171 = arith.constant 9 : i32
      %dma_wait3A_1172 = arith.constant 0 : i32
      %dma_wait3A_1173 = arith.constant 0 : i32
      %dma_wait3A_1174 = tpu.memref_slice %arg10[%dma_wait3A_1171, %dma_wait3A_1172, %dma_wait3A_1173] : memref<16x16x128xf32, #tpu.memory_space<vmem>> -> memref<1x16x128xf32, #tpu.memory_space<vmem>>
      %dma_wait3A_1175 = tpu.memref_squeeze %dma_wait3A_1174 : memref<1x16x128xf32, #tpu.memory_space<vmem>> -> memref<16x128xf32, #tpu.memory_space<vmem>>
      %dma_wait3A_1176 = arith.constant 0 : i32
      %dma_wait3A_1177 = tpu.memref_slice %arg4[%dma_wait3A_1176, %min3A_304] : memref<16x1000000xf32, #tpu.memory_space<hbm>> -> memref<16x128xf32, #tpu.memory_space<hbm>>
      %dma_wait3A_1178 = arith.constant 0 : i32
      %dma_wait3A_1179 = arith.constant 0 : i32
      %dma_wait3A_1180 = tpu.memref_slice %arg10[%dma_wait3A_1171, %dma_wait3A_1178, %dma_wait3A_1179] : memref<16x16x128xf32, #tpu.memory_space<vmem>> -> memref<1x16x128xf32, #tpu.memory_space<vmem>>
      %dma_wait3A_1181 = tpu.memref_squeeze %dma_wait3A_1180 : memref<1x16x128xf32, #tpu.memory_space<vmem>> -> memref<16x128xf32, #tpu.memory_space<vmem>>
      %dma_wait3A_1182 = arith.constant 0 : i32
      %dma_wait3A_1183 = tpu.memref_slice %arg4[%dma_wait3A_1182, %min3A_304] : memref<16x1000000xf32, #tpu.memory_space<hbm>> -> memref<16x128xf32, #tpu.memory_space<hbm>>
      tpu.wait_dma2 semaphore(%arg18 : memref<!tpu.dma_semaphore, #tpu.memory_space<semaphore_mem>>) src(%dma_wait3A_1183 : memref<16x128xf32, #tpu.memory_space<hbm>>) dst(%dma_wait3A_1181 : memref<16x128xf32, #tpu.memory_space<vmem>>)
      %slice3A_1184 = vector.extract_strided_slice %get3A_67 {offsets = [9], sizes = [1], strides = [1]} : vector<16xi32> to vector<1xi32>
      %squeeze3A_1185 = vector.extract %slice3A_1184[0] : i32 from vector<1xi32>
      %shift_right_arithmetic3A_1186 = arith.constant 7 : i32
      %shift_right_arithmetic3A_1187 = arith.shrsi %squeeze3A_1185, %shift_right_arithmetic3A_1186 : i32
      %mul3A_1188 = arith.constant 128 : i32
      %mul3A_1189 = arith.muli %shift_right_arithmetic3A_1187, %mul3A_1188 : i32
      %min3A_1190 = arith.constant 999808 : i32
      %min3A_1191 = arith.minsi %mul3A_1189, %min3A_1190 : i32
      %sub3A_1192 = arith.subi %squeeze3A_1185, %min3A_1191 : i32
      %broadcast_in_dim3A_1193 = arith.constant 9 : i32
      %broadcast_in_dim3A_1194 = vector.broadcast %broadcast_in_dim3A_1193 : i32 to vector<16xi32>
      %min3A_1195 = arith.constant 127 : i32
      %min3A_1196 = arith.minsi %sub3A_1192, %min3A_1195 : i32
      %broadcast_in_dim3A_1197 = vector.broadcast %min3A_1196 : i32 to vector<16xi32>
      %sub3A_1198 = arith.constant 128 : i32
      %sub3A_1199 = arith.subi %sub3A_1192, %sub3A_1198 : i32
      %max3A_1200 = arith.constant 0 : i32
      %max3A_1201 = arith.maxsi %sub3A_1199, %max3A_1200 : i32
      %broadcast_in_dim3A_1202 = vector.broadcast %max3A_1201 : i32 to vector<16xi32>
      %gather3A_1203 = tpu.vector_load_idx %arg10[%broadcast_in_dim3A_1194, %iota3A, %broadcast_in_dim3A_1197] : memref<16x16x128xf32, #tpu.memory_space<vmem>>[vector<16xi32>, vector<16xi32>, vector<16xi32>], vector<16xf32>,
      %gather3A_1204 = tpu.vector_load_idx %arg12[%iota3A, %broadcast_in_dim3A_1202] : memref<16x64xf32, #tpu.memory_space<vmem>>[vector<16xi32>, vector<16xi32>], vector<16xf32>,
      %lt3A_1205 = arith.constant 128 : i32
      %lt3A_1206 = arith.cmpi slt, %sub3A_1192, %lt3A_1205 : i32
      %select_n3A_1207 = arith.select %lt3A_1206, %gather3A_1203, %gather3A_1204 : vector<16xf32>
      %mul3A_1208 = arith.constant 2 : i32
      %mul3A_1209 = arith.muli %scan3A_33, %mul3A_1208 : i32
      %add3A_1210 = arith.constant 1 : i32
      %add3A_1211 = arith.addi %mul3A_1209, %add3A_1210 : i32
      %swap3A_1212 = arith.index_cast %add3A_1211 : i32 to index
      %swap3A_1213 = arith.constant 16 : index
      %swap3A_1214 = tpu.vector_load %arg14[%swap3A_1212, %swap3A_1213] {strides = array<i32>} : memref<64x128xf32, #tpu.memory_space<vmem>>, vector<16xf32>,
      tpu.vector_store %arg14[%swap3A_1212, %swap3A_1213], %select_n3A_1207 {strides = array<i32>} : memref<64x128xf32, #tpu.memory_space<vmem>>, vector<16xf32>,
      %dma_wait3A_1215 = arith.constant 10 : i32
      %dma_wait3A_1216 = arith.constant 0 : i32
      %dma_wait3A_1217 = arith.constant 0 : i32
      %dma_wait3A_1218 = tpu.memref_slice %arg10[%dma_wait3A_1215, %dma_wait3A_1216, %dma_wait3A_1217] : memref<16x16x128xf32, #tpu.memory_space<vmem>> -> memref<1x16x128xf32, #tpu.memory_space<vmem>>
      %dma_wait3A_1219 = tpu.memref_squeeze %dma_wait3A_1218 : memref<1x16x128xf32, #tpu.memory_space<vmem>> -> memref<16x128xf32, #tpu.memory_space<vmem>>
      %dma_wait3A_1220 = arith.constant 0 : i32
      %dma_wait3A_1221 = tpu.memref_slice %arg4[%dma_wait3A_1220, %min3A_325] : memref<16x1000000xf32, #tpu.memory_space<hbm>> -> memref<16x128xf32, #tpu.memory_space<hbm>>
      %dma_wait3A_1222 = arith.constant 0 : i32
      %dma_wait3A_1223 = arith.constant 0 : i32
      %dma_wait3A_1224 = tpu.memref_slice %arg10[%dma_wait3A_1215, %dma_wait3A_1222, %dma_wait3A_1223] : memref<16x16x128xf32, #tpu.memory_space<vmem>> -> memref<1x16x128xf32, #tpu.memory_space<vmem>>
      %dma_wait3A_1225 = tpu.memref_squeeze %dma_wait3A_1224 : memref<1x16x128xf32, #tpu.memory_space<vmem>> -> memref<16x128xf32, #tpu.memory_space<vmem>>
      %dma_wait3A_1226 = arith.constant 0 : i32
      %dma_wait3A_1227 = tpu.memref_slice %arg4[%dma_wait3A_1226, %min3A_325] : memref<16x1000000xf32, #tpu.memory_space<hbm>> -> memref<16x128xf32, #tpu.memory_space<hbm>>
      tpu.wait_dma2 semaphore(%arg18 : memref<!tpu.dma_semaphore, #tpu.memory_space<semaphore_mem>>) src(%dma_wait3A_1227 : memref<16x128xf32, #tpu.memory_space<hbm>>) dst(%dma_wait3A_1225 : memref<16x128xf32, #tpu.memory_space<vmem>>)
      %slice3A_1228 = vector.extract_strided_slice %get3A_67 {offsets = [10], sizes = [1], strides = [1]} : vector<16xi32> to vector<1xi32>
      %squeeze3A_1229 = vector.extract %slice3A_1228[0] : i32 from vector<1xi32>
      %shift_right_arithmetic3A_1230 = arith.constant 7 : i32
      %shift_right_arithmetic3A_1231 = arith.shrsi %squeeze3A_1229, %shift_right_arithmetic3A_1230 : i32
      %mul3A_1232 = arith.constant 128 : i32
      %mul3A_1233 = arith.muli %shift_right_arithmetic3A_1231, %mul3A_1232 : i32
      %min3A_1234 = arith.constant 999808 : i32
      %min3A_1235 = arith.minsi %mul3A_1233, %min3A_1234 : i32
      %sub3A_1236 = arith.subi %squeeze3A_1229, %min3A_1235 : i32
      %broadcast_in_dim3A_1237 = arith.constant 10 : i32
      %broadcast_in_dim3A_1238 = vector.broadcast %broadcast_in_dim3A_1237 : i32 to vector<16xi32>
      %min3A_1239 = arith.constant 127 : i32
      %min3A_1240 = arith.minsi %sub3A_1236, %min3A_1239 : i32
      %broadcast_in_dim3A_1241 = vector.broadcast %min3A_1240 : i32 to vector<16xi32>
      %sub3A_1242 = arith.constant 128 : i32
      %sub3A_1243 = arith.subi %sub3A_1236, %sub3A_1242 : i32
      %max3A_1244 = arith.constant 0 : i32
      %max3A_1245 = arith.maxsi %sub3A_1243, %max3A_1244 : i32
      %broadcast_in_dim3A_1246 = vector.broadcast %max3A_1245 : i32 to vector<16xi32>
      %gather3A_1247 = tpu.vector_load_idx %arg10[%broadcast_in_dim3A_1238, %iota3A, %broadcast_in_dim3A_1241] : memref<16x16x128xf32, #tpu.memory_space<vmem>>[vector<16xi32>, vector<16xi32>, vector<16xi32>], vector<16xf32>,
      %gather3A_1248 = tpu.vector_load_idx %arg12[%iota3A, %broadcast_in_dim3A_1246] : memref<16x64xf32, #tpu.memory_space<vmem>>[vector<16xi32>, vector<16xi32>], vector<16xf32>,
      %lt3A_1249 = arith.constant 128 : i32
      %lt3A_1250 = arith.cmpi slt, %sub3A_1236, %lt3A_1249 : i32
      %select_n3A_1251 = arith.select %lt3A_1250, %gather3A_1247, %gather3A_1248 : vector<16xf32>
      %mul3A_1252 = arith.constant 2 : i32
      %mul3A_1253 = arith.muli %scan3A_33, %mul3A_1252 : i32
      %add3A_1254 = arith.constant 1 : i32
      %add3A_1255 = arith.addi %mul3A_1253, %add3A_1254 : i32
      %swap3A_1256 = arith.index_cast %add3A_1255 : i32 to index
      %swap3A_1257 = arith.constant 32 : index
      %swap3A_1258 = tpu.vector_load %arg14[%swap3A_1256, %swap3A_1257] {strides = array<i32>} : memref<64x128xf32, #tpu.memory_space<vmem>>, vector<16xf32>,
      tpu.vector_store %arg14[%swap3A_1256, %swap3A_1257], %select_n3A_1251 {strides = array<i32>} : memref<64x128xf32, #tpu.memory_space<vmem>>, vector<16xf32>,
      %dma_wait3A_1259 = arith.constant 11 : i32
      %dma_wait3A_1260 = arith.constant 0 : i32
      %dma_wait3A_1261 = arith.constant 0 : i32
      %dma_wait3A_1262 = tpu.memref_slice %arg10[%dma_wait3A_1259, %dma_wait3A_1260, %dma_wait3A_1261] : memref<16x16x128xf32, #tpu.memory_space<vmem>> -> memref<1x16x128xf32, #tpu.memory_space<vmem>>
      %dma_wait3A_1263 = tpu.memref_squeeze %dma_wait3A_1262 : memref<1x16x128xf32, #tpu.memory_space<vmem>> -> memref<16x128xf32, #tpu.memory_space<vmem>>
      %dma_wait3A_1264 = arith.constant 0 : i32
      %dma_wait3A_1265 = tpu.memref_slice %arg4[%dma_wait3A_1264, %min3A_346] : memref<16x1000000xf32, #tpu.memory_space<hbm>> -> memref<16x128xf32, #tpu.memory_space<hbm>>
      %dma_wait3A_1266 = arith.constant 0 : i32
      %dma_wait3A_1267 = arith.constant 0 : i32
      %dma_wait3A_1268 = tpu.memref_slice %arg10[%dma_wait3A_1259, %dma_wait3A_1266, %dma_wait3A_1267] : memref<16x16x128xf32, #tpu.memory_space<vmem>> -> memref<1x16x128xf32, #tpu.memory_space<vmem>>
      %dma_wait3A_1269 = tpu.memref_squeeze %dma_wait3A_1268 : memref<1x16x128xf32, #tpu.memory_space<vmem>> -> memref<16x128xf32, #tpu.memory_space<vmem>>
      %dma_wait3A_1270 = arith.constant 0 : i32
      %dma_wait3A_1271 = tpu.memref_slice %arg4[%dma_wait3A_1270, %min3A_346] : memref<16x1000000xf32, #tpu.memory_space<hbm>> -> memref<16x128xf32, #tpu.memory_space<hbm>>
      tpu.wait_dma2 semaphore(%arg18 : memref<!tpu.dma_semaphore, #tpu.memory_space<semaphore_mem>>) src(%dma_wait3A_1271 : memref<16x128xf32, #tpu.memory_space<hbm>>) dst(%dma_wait3A_1269 : memref<16x128xf32, #tpu.memory_space<vmem>>)
      %slice3A_1272 = vector.extract_strided_slice %get3A_67 {offsets = [11], sizes = [1], strides = [1]} : vector<16xi32> to vector<1xi32>
      %squeeze3A_1273 = vector.extract %slice3A_1272[0] : i32 from vector<1xi32>
      %shift_right_arithmetic3A_1274 = arith.constant 7 : i32
      %shift_right_arithmetic3A_1275 = arith.shrsi %squeeze3A_1273, %shift_right_arithmetic3A_1274 : i32
      %mul3A_1276 = arith.constant 128 : i32
      %mul3A_1277 = arith.muli %shift_right_arithmetic3A_1275, %mul3A_1276 : i32
      %min3A_1278 = arith.constant 999808 : i32
      %min3A_1279 = arith.minsi %mul3A_1277, %min3A_1278 : i32
      %sub3A_1280 = arith.subi %squeeze3A_1273, %min3A_1279 : i32
      %broadcast_in_dim3A_1281 = arith.constant 11 : i32
      %broadcast_in_dim3A_1282 = vector.broadcast %broadcast_in_dim3A_1281 : i32 to vector<16xi32>
      %min3A_1283 = arith.constant 127 : i32
      %min3A_1284 = arith.minsi %sub3A_1280, %min3A_1283 : i32
      %broadcast_in_dim3A_1285 = vector.broadcast %min3A_1284 : i32 to vector<16xi32>
      %sub3A_1286 = arith.constant 128 : i32
      %sub3A_1287 = arith.subi %sub3A_1280, %sub3A_1286 : i32
      %max3A_1288 = arith.constant 0 : i32
      %max3A_1289 = arith.maxsi %sub3A_1287, %max3A_1288 : i32
      %broadcast_in_dim3A_1290 = vector.broadcast %max3A_1289 : i32 to vector<16xi32>
      %gather3A_1291 = tpu.vector_load_idx %arg10[%broadcast_in_dim3A_1282, %iota3A, %broadcast_in_dim3A_1285] : memref<16x16x128xf32, #tpu.memory_space<vmem>>[vector<16xi32>, vector<16xi32>, vector<16xi32>], vector<16xf32>,
      %gather3A_1292 = tpu.vector_load_idx %arg12[%iota3A, %broadcast_in_dim3A_1290] : memref<16x64xf32, #tpu.memory_space<vmem>>[vector<16xi32>, vector<16xi32>], vector<16xf32>,
      %lt3A_1293 = arith.constant 128 : i32
      %lt3A_1294 = arith.cmpi slt, %sub3A_1280, %lt3A_1293 : i32
      %select_n3A_1295 = arith.select %lt3A_1294, %gather3A_1291, %gather3A_1292 : vector<16xf32>
      %mul3A_1296 = arith.constant 2 : i32
      %mul3A_1297 = arith.muli %scan3A_33, %mul3A_1296 : i32
      %add3A_1298 = arith.constant 1 : i32
      %add3A_1299 = arith.addi %mul3A_1297, %add3A_1298 : i32
      %swap3A_1300 = arith.index_cast %add3A_1299 : i32 to index
      %swap3A_1301 = arith.constant 48 : index
      %swap3A_1302 = tpu.vector_load %arg14[%swap3A_1300, %swap3A_1301] {strides = array<i32>} : memref<64x128xf32, #tpu.memory_space<vmem>>, vector<16xf32>,
      tpu.vector_store %arg14[%swap3A_1300, %swap3A_1301], %select_n3A_1295 {strides = array<i32>} : memref<64x128xf32, #tpu.memory_space<vmem>>, vector<16xf32>,
      %dma_wait3A_1303 = arith.constant 12 : i32
      %dma_wait3A_1304 = arith.constant 0 : i32
      %dma_wait3A_1305 = arith.constant 0 : i32
      %dma_wait3A_1306 = tpu.memref_slice %arg10[%dma_wait3A_1303, %dma_wait3A_1304, %dma_wait3A_1305] : memref<16x16x128xf32, #tpu.memory_space<vmem>> -> memref<1x16x128xf32, #tpu.memory_space<vmem>>
      %dma_wait3A_1307 = tpu.memref_squeeze %dma_wait3A_1306 : memref<1x16x128xf32, #tpu.memory_space<vmem>> -> memref<16x128xf32, #tpu.memory_space<vmem>>
      %dma_wait3A_1308 = arith.constant 0 : i32
      %dma_wait3A_1309 = tpu.memref_slice %arg4[%dma_wait3A_1308, %min3A_367] : memref<16x1000000xf32, #tpu.memory_space<hbm>> -> memref<16x128xf32, #tpu.memory_space<hbm>>
      %dma_wait3A_1310 = arith.constant 0 : i32
      %dma_wait3A_1311 = arith.constant 0 : i32
      %dma_wait3A_1312 = tpu.memref_slice %arg10[%dma_wait3A_1303, %dma_wait3A_1310, %dma_wait3A_1311] : memref<16x16x128xf32, #tpu.memory_space<vmem>> -> memref<1x16x128xf32, #tpu.memory_space<vmem>>
      %dma_wait3A_1313 = tpu.memref_squeeze %dma_wait3A_1312 : memref<1x16x128xf32, #tpu.memory_space<vmem>> -> memref<16x128xf32, #tpu.memory_space<vmem>>
      %dma_wait3A_1314 = arith.constant 0 : i32
      %dma_wait3A_1315 = tpu.memref_slice %arg4[%dma_wait3A_1314, %min3A_367] : memref<16x1000000xf32, #tpu.memory_space<hbm>> -> memref<16x128xf32, #tpu.memory_space<hbm>>
      tpu.wait_dma2 semaphore(%arg18 : memref<!tpu.dma_semaphore, #tpu.memory_space<semaphore_mem>>) src(%dma_wait3A_1315 : memref<16x128xf32, #tpu.memory_space<hbm>>) dst(%dma_wait3A_1313 : memref<16x128xf32, #tpu.memory_space<vmem>>)
      %slice3A_1316 = vector.extract_strided_slice %get3A_67 {offsets = [12], sizes = [1], strides = [1]} : vector<16xi32> to vector<1xi32>
      %squeeze3A_1317 = vector.extract %slice3A_1316[0] : i32 from vector<1xi32>
      %shift_right_arithmetic3A_1318 = arith.constant 7 : i32
      %shift_right_arithmetic3A_1319 = arith.shrsi %squeeze3A_1317, %shift_right_arithmetic3A_1318 : i32
      %mul3A_1320 = arith.constant 128 : i32
      %mul3A_1321 = arith.muli %shift_right_arithmetic3A_1319, %mul3A_1320 : i32
      %min3A_1322 = arith.constant 999808 : i32
      %min3A_1323 = arith.minsi %mul3A_1321, %min3A_1322 : i32
      %sub3A_1324 = arith.subi %squeeze3A_1317, %min3A_1323 : i32
      %broadcast_in_dim3A_1325 = arith.constant 12 : i32
      %broadcast_in_dim3A_1326 = vector.broadcast %broadcast_in_dim3A_1325 : i32 to vector<16xi32>
      %min3A_1327 = arith.constant 127 : i32
      %min3A_1328 = arith.minsi %sub3A_1324, %min3A_1327 : i32
      %broadcast_in_dim3A_1329 = vector.broadcast %min3A_1328 : i32 to vector<16xi32>
      %sub3A_1330 = arith.constant 128 : i32
      %sub3A_1331 = arith.subi %sub3A_1324, %sub3A_1330 : i32
      %max3A_1332 = arith.constant 0 : i32
      %max3A_1333 = arith.maxsi %sub3A_1331, %max3A_1332 : i32
      %broadcast_in_dim3A_1334 = vector.broadcast %max3A_1333 : i32 to vector<16xi32>
      %gather3A_1335 = tpu.vector_load_idx %arg10[%broadcast_in_dim3A_1326, %iota3A, %broadcast_in_dim3A_1329] : memref<16x16x128xf32, #tpu.memory_space<vmem>>[vector<16xi32>, vector<16xi32>, vector<16xi32>], vector<16xf32>,
      %gather3A_1336 = tpu.vector_load_idx %arg12[%iota3A, %broadcast_in_dim3A_1334] : memref<16x64xf32, #tpu.memory_space<vmem>>[vector<16xi32>, vector<16xi32>], vector<16xf32>,
      %lt3A_1337 = arith.constant 128 : i32
      %lt3A_1338 = arith.cmpi slt, %sub3A_1324, %lt3A_1337 : i32
      %select_n3A_1339 = arith.select %lt3A_1338, %gather3A_1335, %gather3A_1336 : vector<16xf32>
      %mul3A_1340 = arith.constant 2 : i32
      %mul3A_1341 = arith.muli %scan3A_33, %mul3A_1340 : i32
      %add3A_1342 = arith.constant 1 : i32
      %add3A_1343 = arith.addi %mul3A_1341, %add3A_1342 : i32
      %swap3A_1344 = arith.index_cast %add3A_1343 : i32 to index
      %swap3A_1345 = arith.constant 64 : index
      %swap3A_1346 = tpu.vector_load %arg14[%swap3A_1344, %swap3A_1345] {strides = array<i32>} : memref<64x128xf32, #tpu.memory_space<vmem>>, vector<16xf32>,
      tpu.vector_store %arg14[%swap3A_1344, %swap3A_1345], %select_n3A_1339 {strides = array<i32>} : memref<64x128xf32, #tpu.memory_space<vmem>>, vector<16xf32>,
      %dma_wait3A_1347 = arith.constant 13 : i32
      %dma_wait3A_1348 = arith.constant 0 : i32
      %dma_wait3A_1349 = arith.constant 0 : i32
      %dma_wait3A_1350 = tpu.memref_slice %arg10[%dma_wait3A_1347, %dma_wait3A_1348, %dma_wait3A_1349] : memref<16x16x128xf32, #tpu.memory_space<vmem>> -> memref<1x16x128xf32, #tpu.memory_space<vmem>>
      %dma_wait3A_1351 = tpu.memref_squeeze %dma_wait3A_1350 : memref<1x16x128xf32, #tpu.memory_space<vmem>> -> memref<16x128xf32, #tpu.memory_space<vmem>>
      %dma_wait3A_1352 = arith.constant 0 : i32
      %dma_wait3A_1353 = tpu.memref_slice %arg4[%dma_wait3A_1352, %min3A_388] : memref<16x1000000xf32, #tpu.memory_space<hbm>> -> memref<16x128xf32, #tpu.memory_space<hbm>>
      %dma_wait3A_1354 = arith.constant 0 : i32
      %dma_wait3A_1355 = arith.constant 0 : i32
      %dma_wait3A_1356 = tpu.memref_slice %arg10[%dma_wait3A_1347, %dma_wait3A_1354, %dma_wait3A_1355] : memref<16x16x128xf32, #tpu.memory_space<vmem>> -> memref<1x16x128xf32, #tpu.memory_space<vmem>>
      %dma_wait3A_1357 = tpu.memref_squeeze %dma_wait3A_1356 : memref<1x16x128xf32, #tpu.memory_space<vmem>> -> memref<16x128xf32, #tpu.memory_space<vmem>>
      %dma_wait3A_1358 = arith.constant 0 : i32
      %dma_wait3A_1359 = tpu.memref_slice %arg4[%dma_wait3A_1358, %min3A_388] : memref<16x1000000xf32, #tpu.memory_space<hbm>> -> memref<16x128xf32, #tpu.memory_space<hbm>>
      tpu.wait_dma2 semaphore(%arg18 : memref<!tpu.dma_semaphore, #tpu.memory_space<semaphore_mem>>) src(%dma_wait3A_1359 : memref<16x128xf32, #tpu.memory_space<hbm>>) dst(%dma_wait3A_1357 : memref<16x128xf32, #tpu.memory_space<vmem>>)
      %slice3A_1360 = vector.extract_strided_slice %get3A_67 {offsets = [13], sizes = [1], strides = [1]} : vector<16xi32> to vector<1xi32>
      %squeeze3A_1361 = vector.extract %slice3A_1360[0] : i32 from vector<1xi32>
      %shift_right_arithmetic3A_1362 = arith.constant 7 : i32
      %shift_right_arithmetic3A_1363 = arith.shrsi %squeeze3A_1361, %shift_right_arithmetic3A_1362 : i32
      %mul3A_1364 = arith.constant 128 : i32
      %mul3A_1365 = arith.muli %shift_right_arithmetic3A_1363, %mul3A_1364 : i32
      %min3A_1366 = arith.constant 999808 : i32
      %min3A_1367 = arith.minsi %mul3A_1365, %min3A_1366 : i32
      %sub3A_1368 = arith.subi %squeeze3A_1361, %min3A_1367 : i32
      %broadcast_in_dim3A_1369 = arith.constant 13 : i32
      %broadcast_in_dim3A_1370 = vector.broadcast %broadcast_in_dim3A_1369 : i32 to vector<16xi32>
      %min3A_1371 = arith.constant 127 : i32
      %min3A_1372 = arith.minsi %sub3A_1368, %min3A_1371 : i32
      %broadcast_in_dim3A_1373 = vector.broadcast %min3A_1372 : i32 to vector<16xi32>
      %sub3A_1374 = arith.constant 128 : i32
      %sub3A_1375 = arith.subi %sub3A_1368, %sub3A_1374 : i32
      %max3A_1376 = arith.constant 0 : i32
      %max3A_1377 = arith.maxsi %sub3A_1375, %max3A_1376 : i32
      %broadcast_in_dim3A_1378 = vector.broadcast %max3A_1377 : i32 to vector<16xi32>
      %gather3A_1379 = tpu.vector_load_idx %arg10[%broadcast_in_dim3A_1370, %iota3A, %broadcast_in_dim3A_1373] : memref<16x16x128xf32, #tpu.memory_space<vmem>>[vector<16xi32>, vector<16xi32>, vector<16xi32>], vector<16xf32>,
      %gather3A_1380 = tpu.vector_load_idx %arg12[%iota3A, %broadcast_in_dim3A_1378] : memref<16x64xf32, #tpu.memory_space<vmem>>[vector<16xi32>, vector<16xi32>], vector<16xf32>,
      %lt3A_1381 = arith.constant 128 : i32
      %lt3A_1382 = arith.cmpi slt, %sub3A_1368, %lt3A_1381 : i32
      %select_n3A_1383 = arith.select %lt3A_1382, %gather3A_1379, %gather3A_1380 : vector<16xf32>
      %mul3A_1384 = arith.constant 2 : i32
      %mul3A_1385 = arith.muli %scan3A_33, %mul3A_1384 : i32
      %add3A_1386 = arith.constant 1 : i32
      %add3A_1387 = arith.addi %mul3A_1385, %add3A_1386 : i32
      %swap3A_1388 = arith.index_cast %add3A_1387 : i32 to index
      %swap3A_1389 = arith.constant 80 : index
      %swap3A_1390 = tpu.vector_load %arg14[%swap3A_1388, %swap3A_1389] {strides = array<i32>} : memref<64x128xf32, #tpu.memory_space<vmem>>, vector<16xf32>,
      tpu.vector_store %arg14[%swap3A_1388, %swap3A_1389], %select_n3A_1383 {strides = array<i32>} : memref<64x128xf32, #tpu.memory_space<vmem>>, vector<16xf32>,
      %dma_wait3A_1391 = arith.constant 14 : i32
      %dma_wait3A_1392 = arith.constant 0 : i32
      %dma_wait3A_1393 = arith.constant 0 : i32
      %dma_wait3A_1394 = tpu.memref_slice %arg10[%dma_wait3A_1391, %dma_wait3A_1392, %dma_wait3A_1393] : memref<16x16x128xf32, #tpu.memory_space<vmem>> -> memref<1x16x128xf32, #tpu.memory_space<vmem>>
      %dma_wait3A_1395 = tpu.memref_squeeze %dma_wait3A_1394 : memref<1x16x128xf32, #tpu.memory_space<vmem>> -> memref<16x128xf32, #tpu.memory_space<vmem>>
      %dma_wait3A_1396 = arith.constant 0 : i32
      %dma_wait3A_1397 = tpu.memref_slice %arg4[%dma_wait3A_1396, %min3A_409] : memref<16x1000000xf32, #tpu.memory_space<hbm>> -> memref<16x128xf32, #tpu.memory_space<hbm>>
      %dma_wait3A_1398 = arith.constant 0 : i32
      %dma_wait3A_1399 = arith.constant 0 : i32
      %dma_wait3A_1400 = tpu.memref_slice %arg10[%dma_wait3A_1391, %dma_wait3A_1398, %dma_wait3A_1399] : memref<16x16x128xf32, #tpu.memory_space<vmem>> -> memref<1x16x128xf32, #tpu.memory_space<vmem>>
      %dma_wait3A_1401 = tpu.memref_squeeze %dma_wait3A_1400 : memref<1x16x128xf32, #tpu.memory_space<vmem>> -> memref<16x128xf32, #tpu.memory_space<vmem>>
      %dma_wait3A_1402 = arith.constant 0 : i32
      %dma_wait3A_1403 = tpu.memref_slice %arg4[%dma_wait3A_1402, %min3A_409] : memref<16x1000000xf32, #tpu.memory_space<hbm>> -> memref<16x128xf32, #tpu.memory_space<hbm>>
      tpu.wait_dma2 semaphore(%arg18 : memref<!tpu.dma_semaphore, #tpu.memory_space<semaphore_mem>>) src(%dma_wait3A_1403 : memref<16x128xf32, #tpu.memory_space<hbm>>) dst(%dma_wait3A_1401 : memref<16x128xf32, #tpu.memory_space<vmem>>)
      %slice3A_1404 = vector.extract_strided_slice %get3A_67 {offsets = [14], sizes = [1], strides = [1]} : vector<16xi32> to vector<1xi32>
      %squeeze3A_1405 = vector.extract %slice3A_1404[0] : i32 from vector<1xi32>
      %shift_right_arithmetic3A_1406 = arith.constant 7 : i32
      %shift_right_arithmetic3A_1407 = arith.shrsi %squeeze3A_1405, %shift_right_arithmetic3A_1406 : i32
      %mul3A_1408 = arith.constant 128 : i32
      %mul3A_1409 = arith.muli %shift_right_arithmetic3A_1407, %mul3A_1408 : i32
      %min3A_1410 = arith.constant 999808 : i32
      %min3A_1411 = arith.minsi %mul3A_1409, %min3A_1410 : i32
      %sub3A_1412 = arith.subi %squeeze3A_1405, %min3A_1411 : i32
      %broadcast_in_dim3A_1413 = arith.constant 14 : i32
      %broadcast_in_dim3A_1414 = vector.broadcast %broadcast_in_dim3A_1413 : i32 to vector<16xi32>
      %min3A_1415 = arith.constant 127 : i32
      %min3A_1416 = arith.minsi %sub3A_1412, %min3A_1415 : i32
      %broadcast_in_dim3A_1417 = vector.broadcast %min3A_1416 : i32 to vector<16xi32>
      %sub3A_1418 = arith.constant 128 : i32
      %sub3A_1419 = arith.subi %sub3A_1412, %sub3A_1418 : i32
      %max3A_1420 = arith.constant 0 : i32
      %max3A_1421 = arith.maxsi %sub3A_1419, %max3A_1420 : i32
      %broadcast_in_dim3A_1422 = vector.broadcast %max3A_1421 : i32 to vector<16xi32>
      %gather3A_1423 = tpu.vector_load_idx %arg10[%broadcast_in_dim3A_1414, %iota3A, %broadcast_in_dim3A_1417] : memref<16x16x128xf32, #tpu.memory_space<vmem>>[vector<16xi32>, vector<16xi32>, vector<16xi32>], vector<16xf32>,
      %gather3A_1424 = tpu.vector_load_idx %arg12[%iota3A, %broadcast_in_dim3A_1422] : memref<16x64xf32, #tpu.memory_space<vmem>>[vector<16xi32>, vector<16xi32>], vector<16xf32>,
      %lt3A_1425 = arith.constant 128 : i32
      %lt3A_1426 = arith.cmpi slt, %sub3A_1412, %lt3A_1425 : i32
      %select_n3A_1427 = arith.select %lt3A_1426, %gather3A_1423, %gather3A_1424 : vector<16xf32>
      %mul3A_1428 = arith.constant 2 : i32
      %mul3A_1429 = arith.muli %scan3A_33, %mul3A_1428 : i32
      %add3A_1430 = arith.constant 1 : i32
      %add3A_1431 = arith.addi %mul3A_1429, %add3A_1430 : i32
      %swap3A_1432 = arith.index_cast %add3A_1431 : i32 to index
      %swap3A_1433 = arith.constant 96 : index
      %swap3A_1434 = tpu.vector_load %arg14[%swap3A_1432, %swap3A_1433] {strides = array<i32>} : memref<64x128xf32, #tpu.memory_space<vmem>>, vector<16xf32>,
      tpu.vector_store %arg14[%swap3A_1432, %swap3A_1433], %select_n3A_1427 {strides = array<i32>} : memref<64x128xf32, #tpu.memory_space<vmem>>, vector<16xf32>,
      %dma_wait3A_1435 = arith.constant 15 : i32
      %dma_wait3A_1436 = arith.constant 0 : i32
      %dma_wait3A_1437 = arith.constant 0 : i32
      %dma_wait3A_1438 = tpu.memref_slice %arg10[%dma_wait3A_1435, %dma_wait3A_1436, %dma_wait3A_1437] : memref<16x16x128xf32, #tpu.memory_space<vmem>> -> memref<1x16x128xf32, #tpu.memory_space<vmem>>
      %dma_wait3A_1439 = tpu.memref_squeeze %dma_wait3A_1438 : memref<1x16x128xf32, #tpu.memory_space<vmem>> -> memref<16x128xf32, #tpu.memory_space<vmem>>
      %dma_wait3A_1440 = arith.constant 0 : i32
      %dma_wait3A_1441 = tpu.memref_slice %arg4[%dma_wait3A_1440, %min3A_430] : memref<16x1000000xf32, #tpu.memory_space<hbm>> -> memref<16x128xf32, #tpu.memory_space<hbm>>
      %dma_wait3A_1442 = arith.constant 0 : i32
      %dma_wait3A_1443 = arith.constant 0 : i32
      %dma_wait3A_1444 = tpu.memref_slice %arg10[%dma_wait3A_1435, %dma_wait3A_1442, %dma_wait3A_1443] : memref<16x16x128xf32, #tpu.memory_space<vmem>> -> memref<1x16x128xf32, #tpu.memory_space<vmem>>
      %dma_wait3A_1445 = tpu.memref_squeeze %dma_wait3A_1444 : memref<1x16x128xf32, #tpu.memory_space<vmem>> -> memref<16x128xf32, #tpu.memory_space<vmem>>
      %dma_wait3A_1446 = arith.constant 0 : i32
      %dma_wait3A_1447 = tpu.memref_slice %arg4[%dma_wait3A_1446, %min3A_430] : memref<16x1000000xf32, #tpu.memory_space<hbm>> -> memref<16x128xf32, #tpu.memory_space<hbm>>
      tpu.wait_dma2 semaphore(%arg18 : memref<!tpu.dma_semaphore, #tpu.memory_space<semaphore_mem>>) src(%dma_wait3A_1447 : memref<16x128xf32, #tpu.memory_space<hbm>>) dst(%dma_wait3A_1445 : memref<16x128xf32, #tpu.memory_space<vmem>>)
      %slice3A_1448 = vector.extract_strided_slice %get3A_67 {offsets = [15], sizes = [1], strides = [1]} : vector<16xi32> to vector<1xi32>
      %squeeze3A_1449 = vector.extract %slice3A_1448[0] : i32 from vector<1xi32>
      %shift_right_arithmetic3A_1450 = arith.constant 7 : i32
      %shift_right_arithmetic3A_1451 = arith.shrsi %squeeze3A_1449, %shift_right_arithmetic3A_1450 : i32
      %mul3A_1452 = arith.constant 128 : i32
      %mul3A_1453 = arith.muli %shift_right_arithmetic3A_1451, %mul3A_1452 : i32
      %min3A_1454 = arith.constant 999808 : i32
      %min3A_1455 = arith.minsi %mul3A_1453, %min3A_1454 : i32
      %sub3A_1456 = arith.subi %squeeze3A_1449, %min3A_1455 : i32
      %broadcast_in_dim3A_1457 = arith.constant 15 : i32
      %broadcast_in_dim3A_1458 = vector.broadcast %broadcast_in_dim3A_1457 : i32 to vector<16xi32>
      %min3A_1459 = arith.constant 127 : i32
      %min3A_1460 = arith.minsi %sub3A_1456, %min3A_1459 : i32
      %broadcast_in_dim3A_1461 = vector.broadcast %min3A_1460 : i32 to vector<16xi32>
      %sub3A_1462 = arith.constant 128 : i32
      %sub3A_1463 = arith.subi %sub3A_1456, %sub3A_1462 : i32
      %max3A_1464 = arith.constant 0 : i32
      %max3A_1465 = arith.maxsi %sub3A_1463, %max3A_1464 : i32
      %broadcast_in_dim3A_1466 = vector.broadcast %max3A_1465 : i32 to vector<16xi32>
      %gather3A_1467 = tpu.vector_load_idx %arg10[%broadcast_in_dim3A_1458, %iota3A, %broadcast_in_dim3A_1461] : memref<16x16x128xf32, #tpu.memory_space<vmem>>[vector<16xi32>, vector<16xi32>, vector<16xi32>], vector<16xf32>,
      %gather3A_1468 = tpu.vector_load_idx %arg12[%iota3A, %broadcast_in_dim3A_1466] : memref<16x64xf32, #tpu.memory_space<vmem>>[vector<16xi32>, vector<16xi32>], vector<16xf32>,
      %lt3A_1469 = arith.constant 128 : i32
      %lt3A_1470 = arith.cmpi slt, %sub3A_1456, %lt3A_1469 : i32
      %select_n3A_1471 = arith.select %lt3A_1470, %gather3A_1467, %gather3A_1468 : vector<16xf32>
      %mul3A_1472 = arith.constant 2 : i32
      %mul3A_1473 = arith.muli %scan3A_33, %mul3A_1472 : i32
      %add3A_1474 = arith.constant 1 : i32
      %add3A_1475 = arith.addi %mul3A_1473, %add3A_1474 : i32
      %swap3A_1476 = arith.index_cast %add3A_1475 : i32 to index
      %swap3A_1477 = arith.constant 112 : index
      %swap3A_1478 = tpu.vector_load %arg14[%swap3A_1476, %swap3A_1477] {strides = array<i32>} : memref<64x128xf32, #tpu.memory_space<vmem>>, vector<16xf32>,
      tpu.vector_store %arg14[%swap3A_1476, %swap3A_1477], %select_n3A_1471 {strides = array<i32>} : memref<64x128xf32, #tpu.memory_space<vmem>>, vector<16xf32>,
      %dma_wait3A_1479 = arith.constant 0 : i32
      %dma_wait3A_1480 = arith.constant 0 : i32
      %dma_wait3A_1481 = arith.constant 0 : i32
      %dma_wait3A_1482 = tpu.memref_slice %arg11[%dma_wait3A_1479, %dma_wait3A_1480, %dma_wait3A_1481] : memref<16x16x128xf32, #tpu.memory_space<vmem>> -> memref<1x16x128xf32, #tpu.memory_space<vmem>>
      %dma_wait3A_1483 = tpu.memref_squeeze %dma_wait3A_1482 : memref<1x16x128xf32, #tpu.memory_space<vmem>> -> memref<16x128xf32, #tpu.memory_space<vmem>>
      %dma_wait3A_1484 = arith.constant 0 : i32
      %dma_wait3A_1485 = tpu.memref_slice %arg5[%dma_wait3A_1484, %min3A_451] : memref<16x1000000xf32, #tpu.memory_space<hbm>> -> memref<16x128xf32, #tpu.memory_space<hbm>>
      %dma_wait3A_1486 = arith.constant 0 : i32
      %dma_wait3A_1487 = arith.constant 0 : i32
      %dma_wait3A_1488 = tpu.memref_slice %arg11[%dma_wait3A_1479, %dma_wait3A_1486, %dma_wait3A_1487] : memref<16x16x128xf32, #tpu.memory_space<vmem>> -> memref<1x16x128xf32, #tpu.memory_space<vmem>>
      %dma_wait3A_1489 = tpu.memref_squeeze %dma_wait3A_1488 : memref<1x16x128xf32, #tpu.memory_space<vmem>> -> memref<16x128xf32, #tpu.memory_space<vmem>>
      %dma_wait3A_1490 = arith.constant 0 : i32
      %dma_wait3A_1491 = tpu.memref_slice %arg5[%dma_wait3A_1490, %min3A_451] : memref<16x1000000xf32, #tpu.memory_space<hbm>> -> memref<16x128xf32, #tpu.memory_space<hbm>>
      tpu.wait_dma2 semaphore(%arg18 : memref<!tpu.dma_semaphore, #tpu.memory_space<semaphore_mem>>) src(%dma_wait3A_1491 : memref<16x128xf32, #tpu.memory_space<hbm>>) dst(%dma_wait3A_1489 : memref<16x128xf32, #tpu.memory_space<vmem>>)
      %slice3A_1492 = vector.extract_strided_slice %get3A_112 {offsets = [0], sizes = [1], strides = [1]} : vector<16xi32> to vector<1xi32>
      %squeeze3A_1493 = vector.extract %slice3A_1492[0] : i32 from vector<1xi32>
      %shift_right_arithmetic3A_1494 = arith.constant 7 : i32
      %shift_right_arithmetic3A_1495 = arith.shrsi %squeeze3A_1493, %shift_right_arithmetic3A_1494 : i32
      %mul3A_1496 = arith.constant 128 : i32
      %mul3A_1497 = arith.muli %shift_right_arithmetic3A_1495, %mul3A_1496 : i32
      %min3A_1498 = arith.constant 999808 : i32
      %min3A_1499 = arith.minsi %mul3A_1497, %min3A_1498 : i32
      %sub3A_1500 = arith.subi %squeeze3A_1493, %min3A_1499 : i32
      %broadcast_in_dim3A_1501 = arith.constant 0 : i32
      %broadcast_in_dim3A_1502 = vector.broadcast %broadcast_in_dim3A_1501 : i32 to vector<16xi32>
      %min3A_1503 = arith.constant 127 : i32
      %min3A_1504 = arith.minsi %sub3A_1500, %min3A_1503 : i32
      %broadcast_in_dim3A_1505 = vector.broadcast %min3A_1504 : i32 to vector<16xi32>
      %sub3A_1506 = arith.constant 128 : i32
      %sub3A_1507 = arith.subi %sub3A_1500, %sub3A_1506 : i32
      %max3A_1508 = arith.constant 0 : i32
      %max3A_1509 = arith.maxsi %sub3A_1507, %max3A_1508 : i32
      %broadcast_in_dim3A_1510 = vector.broadcast %max3A_1509 : i32 to vector<16xi32>
      %gather3A_1511 = tpu.vector_load_idx %arg11[%broadcast_in_dim3A_1502, %iota3A, %broadcast_in_dim3A_1505] : memref<16x16x128xf32, #tpu.memory_space<vmem>>[vector<16xi32>, vector<16xi32>, vector<16xi32>], vector<16xf32>,
      %gather3A_1512 = tpu.vector_load_idx %arg13[%iota3A, %broadcast_in_dim3A_1510] : memref<16x64xf32, #tpu.memory_space<vmem>>[vector<16xi32>, vector<16xi32>], vector<16xf32>,
      %lt3A_1513 = arith.constant 128 : i32
      %lt3A_1514 = arith.cmpi slt, %sub3A_1500, %lt3A_1513 : i32
      %select_n3A_1515 = arith.select %lt3A_1514, %gather3A_1511, %gather3A_1512 : vector<16xf32>
      %mul3A_1516 = arith.constant 2 : i32
      %mul3A_1517 = arith.muli %scan3A_33, %mul3A_1516 : i32
      %add3A_1518 = arith.constant 0 : i32
      %add3A_1519 = arith.addi %mul3A_1517, %add3A_1518 : i32
      %swap3A_1520 = arith.index_cast %add3A_1519 : i32 to index
      %swap3A_1521 = arith.constant 0 : index
      %swap3A_1522 = tpu.vector_load %arg15[%swap3A_1520, %swap3A_1521] {strides = array<i32>} : memref<64x128xf32, #tpu.memory_space<vmem>>, vector<16xf32>,
      tpu.vector_store %arg15[%swap3A_1520, %swap3A_1521], %select_n3A_1515 {strides = array<i32>} : memref<64x128xf32, #tpu.memory_space<vmem>>, vector<16xf32>,
      %dma_wait3A_1523 = arith.constant 1 : i32
      %dma_wait3A_1524 = arith.constant 0 : i32
      %dma_wait3A_1525 = arith.constant 0 : i32
      %dma_wait3A_1526 = tpu.memref_slice %arg11[%dma_wait3A_1523, %dma_wait3A_1524, %dma_wait3A_1525] : memref<16x16x128xf32, #tpu.memory_space<vmem>> -> memref<1x16x128xf32, #tpu.memory_space<vmem>>
      %dma_wait3A_1527 = tpu.memref_squeeze %dma_wait3A_1526 : memref<1x16x128xf32, #tpu.memory_space<vmem>> -> memref<16x128xf32, #tpu.memory_space<vmem>>
      %dma_wait3A_1528 = arith.constant 0 : i32
      %dma_wait3A_1529 = tpu.memref_slice %arg5[%dma_wait3A_1528, %min3A_472] : memref<16x1000000xf32, #tpu.memory_space<hbm>> -> memref<16x128xf32, #tpu.memory_space<hbm>>
      %dma_wait3A_1530 = arith.constant 0 : i32
      %dma_wait3A_1531 = arith.constant 0 : i32
      %dma_wait3A_1532 = tpu.memref_slice %arg11[%dma_wait3A_1523, %dma_wait3A_1530, %dma_wait3A_1531] : memref<16x16x128xf32, #tpu.memory_space<vmem>> -> memref<1x16x128xf32, #tpu.memory_space<vmem>>
      %dma_wait3A_1533 = tpu.memref_squeeze %dma_wait3A_1532 : memref<1x16x128xf32, #tpu.memory_space<vmem>> -> memref<16x128xf32, #tpu.memory_space<vmem>>
      %dma_wait3A_1534 = arith.constant 0 : i32
      %dma_wait3A_1535 = tpu.memref_slice %arg5[%dma_wait3A_1534, %min3A_472] : memref<16x1000000xf32, #tpu.memory_space<hbm>> -> memref<16x128xf32, #tpu.memory_space<hbm>>
      tpu.wait_dma2 semaphore(%arg18 : memref<!tpu.dma_semaphore, #tpu.memory_space<semaphore_mem>>) src(%dma_wait3A_1535 : memref<16x128xf32, #tpu.memory_space<hbm>>) dst(%dma_wait3A_1533 : memref<16x128xf32, #tpu.memory_space<vmem>>)
      %slice3A_1536 = vector.extract_strided_slice %get3A_112 {offsets = [1], sizes = [1], strides = [1]} : vector<16xi32> to vector<1xi32>
      %squeeze3A_1537 = vector.extract %slice3A_1536[0] : i32 from vector<1xi32>
      %shift_right_arithmetic3A_1538 = arith.constant 7 : i32
      %shift_right_arithmetic3A_1539 = arith.shrsi %squeeze3A_1537, %shift_right_arithmetic3A_1538 : i32
      %mul3A_1540 = arith.constant 128 : i32
      %mul3A_1541 = arith.muli %shift_right_arithmetic3A_1539, %mul3A_1540 : i32
      %min3A_1542 = arith.constant 999808 : i32
      %min3A_1543 = arith.minsi %mul3A_1541, %min3A_1542 : i32
      %sub3A_1544 = arith.subi %squeeze3A_1537, %min3A_1543 : i32
      %broadcast_in_dim3A_1545 = arith.constant 1 : i32
      %broadcast_in_dim3A_1546 = vector.broadcast %broadcast_in_dim3A_1545 : i32 to vector<16xi32>
      %min3A_1547 = arith.constant 127 : i32
      %min3A_1548 = arith.minsi %sub3A_1544, %min3A_1547 : i32
      %broadcast_in_dim3A_1549 = vector.broadcast %min3A_1548 : i32 to vector<16xi32>
      %sub3A_1550 = arith.constant 128 : i32
      %sub3A_1551 = arith.subi %sub3A_1544, %sub3A_1550 : i32
      %max3A_1552 = arith.constant 0 : i32
      %max3A_1553 = arith.maxsi %sub3A_1551, %max3A_1552 : i32
      %broadcast_in_dim3A_1554 = vector.broadcast %max3A_1553 : i32 to vector<16xi32>
      %gather3A_1555 = tpu.vector_load_idx %arg11[%broadcast_in_dim3A_1546, %iota3A, %broadcast_in_dim3A_1549] : memref<16x16x128xf32, #tpu.memory_space<vmem>>[vector<16xi32>, vector<16xi32>, vector<16xi32>], vector<16xf32>,
      %gather3A_1556 = tpu.vector_load_idx %arg13[%iota3A, %broadcast_in_dim3A_1554] : memref<16x64xf32, #tpu.memory_space<vmem>>[vector<16xi32>, vector<16xi32>], vector<16xf32>,
      %lt3A_1557 = arith.constant 128 : i32
      %lt3A_1558 = arith.cmpi slt, %sub3A_1544, %lt3A_1557 : i32
      %select_n3A_1559 = arith.select %lt3A_1558, %gather3A_1555, %gather3A_1556 : vector<16xf32>
      %mul3A_1560 = arith.constant 2 : i32
      %mul3A_1561 = arith.muli %scan3A_33, %mul3A_1560 : i32
      %add3A_1562 = arith.constant 0 : i32
      %add3A_1563 = arith.addi %mul3A_1561, %add3A_1562 : i32
      %swap3A_1564 = arith.index_cast %add3A_1563 : i32 to index
      %swap3A_1565 = arith.constant 16 : index
      %swap3A_1566 = tpu.vector_load %arg15[%swap3A_1564, %swap3A_1565] {strides = array<i32>} : memref<64x128xf32, #tpu.memory_space<vmem>>, vector<16xf32>,
      tpu.vector_store %arg15[%swap3A_1564, %swap3A_1565], %select_n3A_1559 {strides = array<i32>} : memref<64x128xf32, #tpu.memory_space<vmem>>, vector<16xf32>,
      %dma_wait3A_1567 = arith.constant 2 : i32
      %dma_wait3A_1568 = arith.constant 0 : i32
      %dma_wait3A_1569 = arith.constant 0 : i32
      %dma_wait3A_1570 = tpu.memref_slice %arg11[%dma_wait3A_1567, %dma_wait3A_1568, %dma_wait3A_1569] : memref<16x16x128xf32, #tpu.memory_space<vmem>> -> memref<1x16x128xf32, #tpu.memory_space<vmem>>
      %dma_wait3A_1571 = tpu.memref_squeeze %dma_wait3A_1570 : memref<1x16x128xf32, #tpu.memory_space<vmem>> -> memref<16x128xf32, #tpu.memory_space<vmem>>
      %dma_wait3A_1572 = arith.constant 0 : i32
      %dma_wait3A_1573 = tpu.memref_slice %arg5[%dma_wait3A_1572, %min3A_493] : memref<16x1000000xf32, #tpu.memory_space<hbm>> -> memref<16x128xf32, #tpu.memory_space<hbm>>
      %dma_wait3A_1574 = arith.constant 0 : i32
      %dma_wait3A_1575 = arith.constant 0 : i32
      %dma_wait3A_1576 = tpu.memref_slice %arg11[%dma_wait3A_1567, %dma_wait3A_1574, %dma_wait3A_1575] : memref<16x16x128xf32, #tpu.memory_space<vmem>> -> memref<1x16x128xf32, #tpu.memory_space<vmem>>
      %dma_wait3A_1577 = tpu.memref_squeeze %dma_wait3A_1576 : memref<1x16x128xf32, #tpu.memory_space<vmem>> -> memref<16x128xf32, #tpu.memory_space<vmem>>
      %dma_wait3A_1578 = arith.constant 0 : i32
      %dma_wait3A_1579 = tpu.memref_slice %arg5[%dma_wait3A_1578, %min3A_493] : memref<16x1000000xf32, #tpu.memory_space<hbm>> -> memref<16x128xf32, #tpu.memory_space<hbm>>
      tpu.wait_dma2 semaphore(%arg18 : memref<!tpu.dma_semaphore, #tpu.memory_space<semaphore_mem>>) src(%dma_wait3A_1579 : memref<16x128xf32, #tpu.memory_space<hbm>>) dst(%dma_wait3A_1577 : memref<16x128xf32, #tpu.memory_space<vmem>>)
      %slice3A_1580 = vector.extract_strided_slice %get3A_112 {offsets = [2], sizes = [1], strides = [1]} : vector<16xi32> to vector<1xi32>
      %squeeze3A_1581 = vector.extract %slice3A_1580[0] : i32 from vector<1xi32>
      %shift_right_arithmetic3A_1582 = arith.constant 7 : i32
      %shift_right_arithmetic3A_1583 = arith.shrsi %squeeze3A_1581, %shift_right_arithmetic3A_1582 : i32
      %mul3A_1584 = arith.constant 128 : i32
      %mul3A_1585 = arith.muli %shift_right_arithmetic3A_1583, %mul3A_1584 : i32
      %min3A_1586 = arith.constant 999808 : i32
      %min3A_1587 = arith.minsi %mul3A_1585, %min3A_1586 : i32
      %sub3A_1588 = arith.subi %squeeze3A_1581, %min3A_1587 : i32
      %broadcast_in_dim3A_1589 = arith.constant 2 : i32
      %broadcast_in_dim3A_1590 = vector.broadcast %broadcast_in_dim3A_1589 : i32 to vector<16xi32>
      %min3A_1591 = arith.constant 127 : i32
      %min3A_1592 = arith.minsi %sub3A_1588, %min3A_1591 : i32
      %broadcast_in_dim3A_1593 = vector.broadcast %min3A_1592 : i32 to vector<16xi32>
      %sub3A_1594 = arith.constant 128 : i32
      %sub3A_1595 = arith.subi %sub3A_1588, %sub3A_1594 : i32
      %max3A_1596 = arith.constant 0 : i32
      %max3A_1597 = arith.maxsi %sub3A_1595, %max3A_1596 : i32
      %broadcast_in_dim3A_1598 = vector.broadcast %max3A_1597 : i32 to vector<16xi32>
      %gather3A_1599 = tpu.vector_load_idx %arg11[%broadcast_in_dim3A_1590, %iota3A, %broadcast_in_dim3A_1593] : memref<16x16x128xf32, #tpu.memory_space<vmem>>[vector<16xi32>, vector<16xi32>, vector<16xi32>], vector<16xf32>,
      %gather3A_1600 = tpu.vector_load_idx %arg13[%iota3A, %broadcast_in_dim3A_1598] : memref<16x64xf32, #tpu.memory_space<vmem>>[vector<16xi32>, vector<16xi32>], vector<16xf32>,
      %lt3A_1601 = arith.constant 128 : i32
      %lt3A_1602 = arith.cmpi slt, %sub3A_1588, %lt3A_1601 : i32
      %select_n3A_1603 = arith.select %lt3A_1602, %gather3A_1599, %gather3A_1600 : vector<16xf32>
      %mul3A_1604 = arith.constant 2 : i32
      %mul3A_1605 = arith.muli %scan3A_33, %mul3A_1604 : i32
      %add3A_1606 = arith.constant 0 : i32
      %add3A_1607 = arith.addi %mul3A_1605, %add3A_1606 : i32
      %swap3A_1608 = arith.index_cast %add3A_1607 : i32 to index
      %swap3A_1609 = arith.constant 32 : index
      %swap3A_1610 = tpu.vector_load %arg15[%swap3A_1608, %swap3A_1609] {strides = array<i32>} : memref<64x128xf32, #tpu.memory_space<vmem>>, vector<16xf32>,
      tpu.vector_store %arg15[%swap3A_1608, %swap3A_1609], %select_n3A_1603 {strides = array<i32>} : memref<64x128xf32, #tpu.memory_space<vmem>>, vector<16xf32>,
      %dma_wait3A_1611 = arith.constant 3 : i32
      %dma_wait3A_1612 = arith.constant 0 : i32
      %dma_wait3A_1613 = arith.constant 0 : i32
      %dma_wait3A_1614 = tpu.memref_slice %arg11[%dma_wait3A_1611, %dma_wait3A_1612, %dma_wait3A_1613] : memref<16x16x128xf32, #tpu.memory_space<vmem>> -> memref<1x16x128xf32, #tpu.memory_space<vmem>>
      %dma_wait3A_1615 = tpu.memref_squeeze %dma_wait3A_1614 : memref<1x16x128xf32, #tpu.memory_space<vmem>> -> memref<16x128xf32, #tpu.memory_space<vmem>>
      %dma_wait3A_1616 = arith.constant 0 : i32
      %dma_wait3A_1617 = tpu.memref_slice %arg5[%dma_wait3A_1616, %min3A_514] : memref<16x1000000xf32, #tpu.memory_space<hbm>> -> memref<16x128xf32, #tpu.memory_space<hbm>>
      %dma_wait3A_1618 = arith.constant 0 : i32
      %dma_wait3A_1619 = arith.constant 0 : i32
      %dma_wait3A_1620 = tpu.memref_slice %arg11[%dma_wait3A_1611, %dma_wait3A_1618, %dma_wait3A_1619] : memref<16x16x128xf32, #tpu.memory_space<vmem>> -> memref<1x16x128xf32, #tpu.memory_space<vmem>>
      %dma_wait3A_1621 = tpu.memref_squeeze %dma_wait3A_1620 : memref<1x16x128xf32, #tpu.memory_space<vmem>> -> memref<16x128xf32, #tpu.memory_space<vmem>>
      %dma_wait3A_1622 = arith.constant 0 : i32
      %dma_wait3A_1623 = tpu.memref_slice %arg5[%dma_wait3A_1622, %min3A_514] : memref<16x1000000xf32, #tpu.memory_space<hbm>> -> memref<16x128xf32, #tpu.memory_space<hbm>>
      tpu.wait_dma2 semaphore(%arg18 : memref<!tpu.dma_semaphore, #tpu.memory_space<semaphore_mem>>) src(%dma_wait3A_1623 : memref<16x128xf32, #tpu.memory_space<hbm>>) dst(%dma_wait3A_1621 : memref<16x128xf32, #tpu.memory_space<vmem>>)
      %slice3A_1624 = vector.extract_strided_slice %get3A_112 {offsets = [3], sizes = [1], strides = [1]} : vector<16xi32> to vector<1xi32>
      %squeeze3A_1625 = vector.extract %slice3A_1624[0] : i32 from vector<1xi32>
      %shift_right_arithmetic3A_1626 = arith.constant 7 : i32
      %shift_right_arithmetic3A_1627 = arith.shrsi %squeeze3A_1625, %shift_right_arithmetic3A_1626 : i32
      %mul3A_1628 = arith.constant 128 : i32
      %mul3A_1629 = arith.muli %shift_right_arithmetic3A_1627, %mul3A_1628 : i32
      %min3A_1630 = arith.constant 999808 : i32
      %min3A_1631 = arith.minsi %mul3A_1629, %min3A_1630 : i32
      %sub3A_1632 = arith.subi %squeeze3A_1625, %min3A_1631 : i32
      %broadcast_in_dim3A_1633 = arith.constant 3 : i32
      %broadcast_in_dim3A_1634 = vector.broadcast %broadcast_in_dim3A_1633 : i32 to vector<16xi32>
      %min3A_1635 = arith.constant 127 : i32
      %min3A_1636 = arith.minsi %sub3A_1632, %min3A_1635 : i32
      %broadcast_in_dim3A_1637 = vector.broadcast %min3A_1636 : i32 to vector<16xi32>
      %sub3A_1638 = arith.constant 128 : i32
      %sub3A_1639 = arith.subi %sub3A_1632, %sub3A_1638 : i32
      %max3A_1640 = arith.constant 0 : i32
      %max3A_1641 = arith.maxsi %sub3A_1639, %max3A_1640 : i32
      %broadcast_in_dim3A_1642 = vector.broadcast %max3A_1641 : i32 to vector<16xi32>
      %gather3A_1643 = tpu.vector_load_idx %arg11[%broadcast_in_dim3A_1634, %iota3A, %broadcast_in_dim3A_1637] : memref<16x16x128xf32, #tpu.memory_space<vmem>>[vector<16xi32>, vector<16xi32>, vector<16xi32>], vector<16xf32>,
      %gather3A_1644 = tpu.vector_load_idx %arg13[%iota3A, %broadcast_in_dim3A_1642] : memref<16x64xf32, #tpu.memory_space<vmem>>[vector<16xi32>, vector<16xi32>], vector<16xf32>,
      %lt3A_1645 = arith.constant 128 : i32
      %lt3A_1646 = arith.cmpi slt, %sub3A_1632, %lt3A_1645 : i32
      %select_n3A_1647 = arith.select %lt3A_1646, %gather3A_1643, %gather3A_1644 : vector<16xf32>
      %mul3A_1648 = arith.constant 2 : i32
      %mul3A_1649 = arith.muli %scan3A_33, %mul3A_1648 : i32
      %add3A_1650 = arith.constant 0 : i32
      %add3A_1651 = arith.addi %mul3A_1649, %add3A_1650 : i32
      %swap3A_1652 = arith.index_cast %add3A_1651 : i32 to index
      %swap3A_1653 = arith.constant 48 : index
      %swap3A_1654 = tpu.vector_load %arg15[%swap3A_1652, %swap3A_1653] {strides = array<i32>} : memref<64x128xf32, #tpu.memory_space<vmem>>, vector<16xf32>,
      tpu.vector_store %arg15[%swap3A_1652, %swap3A_1653], %select_n3A_1647 {strides = array<i32>} : memref<64x128xf32, #tpu.memory_space<vmem>>, vector<16xf32>,
      %dma_wait3A_1655 = arith.constant 4 : i32
      %dma_wait3A_1656 = arith.constant 0 : i32
      %dma_wait3A_1657 = arith.constant 0 : i32
      %dma_wait3A_1658 = tpu.memref_slice %arg11[%dma_wait3A_1655, %dma_wait3A_1656, %dma_wait3A_1657] : memref<16x16x128xf32, #tpu.memory_space<vmem>> -> memref<1x16x128xf32, #tpu.memory_space<vmem>>
      %dma_wait3A_1659 = tpu.memref_squeeze %dma_wait3A_1658 : memref<1x16x128xf32, #tpu.memory_space<vmem>> -> memref<16x128xf32, #tpu.memory_space<vmem>>
      %dma_wait3A_1660 = arith.constant 0 : i32
      %dma_wait3A_1661 = tpu.memref_slice %arg5[%dma_wait3A_1660, %min3A_535] : memref<16x1000000xf32, #tpu.memory_space<hbm>> -> memref<16x128xf32, #tpu.memory_space<hbm>>
      %dma_wait3A_1662 = arith.constant 0 : i32
      %dma_wait3A_1663 = arith.constant 0 : i32
      %dma_wait3A_1664 = tpu.memref_slice %arg11[%dma_wait3A_1655, %dma_wait3A_1662, %dma_wait3A_1663] : memref<16x16x128xf32, #tpu.memory_space<vmem>> -> memref<1x16x128xf32, #tpu.memory_space<vmem>>
      %dma_wait3A_1665 = tpu.memref_squeeze %dma_wait3A_1664 : memref<1x16x128xf32, #tpu.memory_space<vmem>> -> memref<16x128xf32, #tpu.memory_space<vmem>>
      %dma_wait3A_1666 = arith.constant 0 : i32
      %dma_wait3A_1667 = tpu.memref_slice %arg5[%dma_wait3A_1666, %min3A_535] : memref<16x1000000xf32, #tpu.memory_space<hbm>> -> memref<16x128xf32, #tpu.memory_space<hbm>>
      tpu.wait_dma2 semaphore(%arg18 : memref<!tpu.dma_semaphore, #tpu.memory_space<semaphore_mem>>) src(%dma_wait3A_1667 : memref<16x128xf32, #tpu.memory_space<hbm>>) dst(%dma_wait3A_1665 : memref<16x128xf32, #tpu.memory_space<vmem>>)
      %slice3A_1668 = vector.extract_strided_slice %get3A_112 {offsets = [4], sizes = [1], strides = [1]} : vector<16xi32> to vector<1xi32>
      %squeeze3A_1669 = vector.extract %slice3A_1668[0] : i32 from vector<1xi32>
      %shift_right_arithmetic3A_1670 = arith.constant 7 : i32
      %shift_right_arithmetic3A_1671 = arith.shrsi %squeeze3A_1669, %shift_right_arithmetic3A_1670 : i32
      %mul3A_1672 = arith.constant 128 : i32
      %mul3A_1673 = arith.muli %shift_right_arithmetic3A_1671, %mul3A_1672 : i32
      %min3A_1674 = arith.constant 999808 : i32
      %min3A_1675 = arith.minsi %mul3A_1673, %min3A_1674 : i32
      %sub3A_1676 = arith.subi %squeeze3A_1669, %min3A_1675 : i32
      %broadcast_in_dim3A_1677 = arith.constant 4 : i32
      %broadcast_in_dim3A_1678 = vector.broadcast %broadcast_in_dim3A_1677 : i32 to vector<16xi32>
      %min3A_1679 = arith.constant 127 : i32
      %min3A_1680 = arith.minsi %sub3A_1676, %min3A_1679 : i32
      %broadcast_in_dim3A_1681 = vector.broadcast %min3A_1680 : i32 to vector<16xi32>
      %sub3A_1682 = arith.constant 128 : i32
      %sub3A_1683 = arith.subi %sub3A_1676, %sub3A_1682 : i32
      %max3A_1684 = arith.constant 0 : i32
      %max3A_1685 = arith.maxsi %sub3A_1683, %max3A_1684 : i32
      %broadcast_in_dim3A_1686 = vector.broadcast %max3A_1685 : i32 to vector<16xi32>
      %gather3A_1687 = tpu.vector_load_idx %arg11[%broadcast_in_dim3A_1678, %iota3A, %broadcast_in_dim3A_1681] : memref<16x16x128xf32, #tpu.memory_space<vmem>>[vector<16xi32>, vector<16xi32>, vector<16xi32>], vector<16xf32>,
      %gather3A_1688 = tpu.vector_load_idx %arg13[%iota3A, %broadcast_in_dim3A_1686] : memref<16x64xf32, #tpu.memory_space<vmem>>[vector<16xi32>, vector<16xi32>], vector<16xf32>,
      %lt3A_1689 = arith.constant 128 : i32
      %lt3A_1690 = arith.cmpi slt, %sub3A_1676, %lt3A_1689 : i32
      %select_n3A_1691 = arith.select %lt3A_1690, %gather3A_1687, %gather3A_1688 : vector<16xf32>
      %mul3A_1692 = arith.constant 2 : i32
      %mul3A_1693 = arith.muli %scan3A_33, %mul3A_1692 : i32
      %add3A_1694 = arith.constant 0 : i32
      %add3A_1695 = arith.addi %mul3A_1693, %add3A_1694 : i32
      %swap3A_1696 = arith.index_cast %add3A_1695 : i32 to index
      %swap3A_1697 = arith.constant 64 : index
      %swap3A_1698 = tpu.vector_load %arg15[%swap3A_1696, %swap3A_1697] {strides = array<i32>} : memref<64x128xf32, #tpu.memory_space<vmem>>, vector<16xf32>,
      tpu.vector_store %arg15[%swap3A_1696, %swap3A_1697], %select_n3A_1691 {strides = array<i32>} : memref<64x128xf32, #tpu.memory_space<vmem>>, vector<16xf32>,
      %dma_wait3A_1699 = arith.constant 5 : i32
      %dma_wait3A_1700 = arith.constant 0 : i32
      %dma_wait3A_1701 = arith.constant 0 : i32
      %dma_wait3A_1702 = tpu.memref_slice %arg11[%dma_wait3A_1699, %dma_wait3A_1700, %dma_wait3A_1701] : memref<16x16x128xf32, #tpu.memory_space<vmem>> -> memref<1x16x128xf32, #tpu.memory_space<vmem>>
      %dma_wait3A_1703 = tpu.memref_squeeze %dma_wait3A_1702 : memref<1x16x128xf32, #tpu.memory_space<vmem>> -> memref<16x128xf32, #tpu.memory_space<vmem>>
      %dma_wait3A_1704 = arith.constant 0 : i32
      %dma_wait3A_1705 = tpu.memref_slice %arg5[%dma_wait3A_1704, %min3A_556] : memref<16x1000000xf32, #tpu.memory_space<hbm>> -> memref<16x128xf32, #tpu.memory_space<hbm>>
      %dma_wait3A_1706 = arith.constant 0 : i32
      %dma_wait3A_1707 = arith.constant 0 : i32
      %dma_wait3A_1708 = tpu.memref_slice %arg11[%dma_wait3A_1699, %dma_wait3A_1706, %dma_wait3A_1707] : memref<16x16x128xf32, #tpu.memory_space<vmem>> -> memref<1x16x128xf32, #tpu.memory_space<vmem>>
      %dma_wait3A_1709 = tpu.memref_squeeze %dma_wait3A_1708 : memref<1x16x128xf32, #tpu.memory_space<vmem>> -> memref<16x128xf32, #tpu.memory_space<vmem>>
      %dma_wait3A_1710 = arith.constant 0 : i32
      %dma_wait3A_1711 = tpu.memref_slice %arg5[%dma_wait3A_1710, %min3A_556] : memref<16x1000000xf32, #tpu.memory_space<hbm>> -> memref<16x128xf32, #tpu.memory_space<hbm>>
      tpu.wait_dma2 semaphore(%arg18 : memref<!tpu.dma_semaphore, #tpu.memory_space<semaphore_mem>>) src(%dma_wait3A_1711 : memref<16x128xf32, #tpu.memory_space<hbm>>) dst(%dma_wait3A_1709 : memref<16x128xf32, #tpu.memory_space<vmem>>)
      %slice3A_1712 = vector.extract_strided_slice %get3A_112 {offsets = [5], sizes = [1], strides = [1]} : vector<16xi32> to vector<1xi32>
      %squeeze3A_1713 = vector.extract %slice3A_1712[0] : i32 from vector<1xi32>
      %shift_right_arithmetic3A_1714 = arith.constant 7 : i32
      %shift_right_arithmetic3A_1715 = arith.shrsi %squeeze3A_1713, %shift_right_arithmetic3A_1714 : i32
      %mul3A_1716 = arith.constant 128 : i32
      %mul3A_1717 = arith.muli %shift_right_arithmetic3A_1715, %mul3A_1716 : i32
      %min3A_1718 = arith.constant 999808 : i32
      %min3A_1719 = arith.minsi %mul3A_1717, %min3A_1718 : i32
      %sub3A_1720 = arith.subi %squeeze3A_1713, %min3A_1719 : i32
      %broadcast_in_dim3A_1721 = arith.constant 5 : i32
      %broadcast_in_dim3A_1722 = vector.broadcast %broadcast_in_dim3A_1721 : i32 to vector<16xi32>
      %min3A_1723 = arith.constant 127 : i32
      %min3A_1724 = arith.minsi %sub3A_1720, %min3A_1723 : i32
      %broadcast_in_dim3A_1725 = vector.broadcast %min3A_1724 : i32 to vector<16xi32>
      %sub3A_1726 = arith.constant 128 : i32
      %sub3A_1727 = arith.subi %sub3A_1720, %sub3A_1726 : i32
      %max3A_1728 = arith.constant 0 : i32
      %max3A_1729 = arith.maxsi %sub3A_1727, %max3A_1728 : i32
      %broadcast_in_dim3A_1730 = vector.broadcast %max3A_1729 : i32 to vector<16xi32>
      %gather3A_1731 = tpu.vector_load_idx %arg11[%broadcast_in_dim3A_1722, %iota3A, %broadcast_in_dim3A_1725] : memref<16x16x128xf32, #tpu.memory_space<vmem>>[vector<16xi32>, vector<16xi32>, vector<16xi32>], vector<16xf32>,
      %gather3A_1732 = tpu.vector_load_idx %arg13[%iota3A, %broadcast_in_dim3A_1730] : memref<16x64xf32, #tpu.memory_space<vmem>>[vector<16xi32>, vector<16xi32>], vector<16xf32>,
      %lt3A_1733 = arith.constant 128 : i32
      %lt3A_1734 = arith.cmpi slt, %sub3A_1720, %lt3A_1733 : i32
      %select_n3A_1735 = arith.select %lt3A_1734, %gather3A_1731, %gather3A_1732 : vector<16xf32>
      %mul3A_1736 = arith.constant 2 : i32
      %mul3A_1737 = arith.muli %scan3A_33, %mul3A_1736 : i32
      %add3A_1738 = arith.constant 0 : i32
      %add3A_1739 = arith.addi %mul3A_1737, %add3A_1738 : i32
      %swap3A_1740 = arith.index_cast %add3A_1739 : i32 to index
      %swap3A_1741 = arith.constant 80 : index
      %swap3A_1742 = tpu.vector_load %arg15[%swap3A_1740, %swap3A_1741] {strides = array<i32>} : memref<64x128xf32, #tpu.memory_space<vmem>>, vector<16xf32>,
      tpu.vector_store %arg15[%swap3A_1740, %swap3A_1741], %select_n3A_1735 {strides = array<i32>} : memref<64x128xf32, #tpu.memory_space<vmem>>, vector<16xf32>,
      %dma_wait3A_1743 = arith.constant 6 : i32
      %dma_wait3A_1744 = arith.constant 0 : i32
      %dma_wait3A_1745 = arith.constant 0 : i32
      %dma_wait3A_1746 = tpu.memref_slice %arg11[%dma_wait3A_1743, %dma_wait3A_1744, %dma_wait3A_1745] : memref<16x16x128xf32, #tpu.memory_space<vmem>> -> memref<1x16x128xf32, #tpu.memory_space<vmem>>
      %dma_wait3A_1747 = tpu.memref_squeeze %dma_wait3A_1746 : memref<1x16x128xf32, #tpu.memory_space<vmem>> -> memref<16x128xf32, #tpu.memory_space<vmem>>
      %dma_wait3A_1748 = arith.constant 0 : i32
      %dma_wait3A_1749 = tpu.memref_slice %arg5[%dma_wait3A_1748, %min3A_577] : memref<16x1000000xf32, #tpu.memory_space<hbm>> -> memref<16x128xf32, #tpu.memory_space<hbm>>
      %dma_wait3A_1750 = arith.constant 0 : i32
      %dma_wait3A_1751 = arith.constant 0 : i32
      %dma_wait3A_1752 = tpu.memref_slice %arg11[%dma_wait3A_1743, %dma_wait3A_1750, %dma_wait3A_1751] : memref<16x16x128xf32, #tpu.memory_space<vmem>> -> memref<1x16x128xf32, #tpu.memory_space<vmem>>
      %dma_wait3A_1753 = tpu.memref_squeeze %dma_wait3A_1752 : memref<1x16x128xf32, #tpu.memory_space<vmem>> -> memref<16x128xf32, #tpu.memory_space<vmem>>
      %dma_wait3A_1754 = arith.constant 0 : i32
      %dma_wait3A_1755 = tpu.memref_slice %arg5[%dma_wait3A_1754, %min3A_577] : memref<16x1000000xf32, #tpu.memory_space<hbm>> -> memref<16x128xf32, #tpu.memory_space<hbm>>
      tpu.wait_dma2 semaphore(%arg18 : memref<!tpu.dma_semaphore, #tpu.memory_space<semaphore_mem>>) src(%dma_wait3A_1755 : memref<16x128xf32, #tpu.memory_space<hbm>>) dst(%dma_wait3A_1753 : memref<16x128xf32, #tpu.memory_space<vmem>>)
      %slice3A_1756 = vector.extract_strided_slice %get3A_112 {offsets = [6], sizes = [1], strides = [1]} : vector<16xi32> to vector<1xi32>
      %squeeze3A_1757 = vector.extract %slice3A_1756[0] : i32 from vector<1xi32>
      %shift_right_arithmetic3A_1758 = arith.constant 7 : i32
      %shift_right_arithmetic3A_1759 = arith.shrsi %squeeze3A_1757, %shift_right_arithmetic3A_1758 : i32
      %mul3A_1760 = arith.constant 128 : i32
      %mul3A_1761 = arith.muli %shift_right_arithmetic3A_1759, %mul3A_1760 : i32
      %min3A_1762 = arith.constant 999808 : i32
      %min3A_1763 = arith.minsi %mul3A_1761, %min3A_1762 : i32
      %sub3A_1764 = arith.subi %squeeze3A_1757, %min3A_1763 : i32
      %broadcast_in_dim3A_1765 = arith.constant 6 : i32
      %broadcast_in_dim3A_1766 = vector.broadcast %broadcast_in_dim3A_1765 : i32 to vector<16xi32>
      %min3A_1767 = arith.constant 127 : i32
      %min3A_1768 = arith.minsi %sub3A_1764, %min3A_1767 : i32
      %broadcast_in_dim3A_1769 = vector.broadcast %min3A_1768 : i32 to vector<16xi32>
      %sub3A_1770 = arith.constant 128 : i32
      %sub3A_1771 = arith.subi %sub3A_1764, %sub3A_1770 : i32
      %max3A_1772 = arith.constant 0 : i32
      %max3A_1773 = arith.maxsi %sub3A_1771, %max3A_1772 : i32
      %broadcast_in_dim3A_1774 = vector.broadcast %max3A_1773 : i32 to vector<16xi32>
      %gather3A_1775 = tpu.vector_load_idx %arg11[%broadcast_in_dim3A_1766, %iota3A, %broadcast_in_dim3A_1769] : memref<16x16x128xf32, #tpu.memory_space<vmem>>[vector<16xi32>, vector<16xi32>, vector<16xi32>], vector<16xf32>,
      %gather3A_1776 = tpu.vector_load_idx %arg13[%iota3A, %broadcast_in_dim3A_1774] : memref<16x64xf32, #tpu.memory_space<vmem>>[vector<16xi32>, vector<16xi32>], vector<16xf32>,
      %lt3A_1777 = arith.constant 128 : i32
      %lt3A_1778 = arith.cmpi slt, %sub3A_1764, %lt3A_1777 : i32
      %select_n3A_1779 = arith.select %lt3A_1778, %gather3A_1775, %gather3A_1776 : vector<16xf32>
      %mul3A_1780 = arith.constant 2 : i32
      %mul3A_1781 = arith.muli %scan3A_33, %mul3A_1780 : i32
      %add3A_1782 = arith.constant 0 : i32
      %add3A_1783 = arith.addi %mul3A_1781, %add3A_1782 : i32
      %swap3A_1784 = arith.index_cast %add3A_1783 : i32 to index
      %swap3A_1785 = arith.constant 96 : index
      %swap3A_1786 = tpu.vector_load %arg15[%swap3A_1784, %swap3A_1785] {strides = array<i32>} : memref<64x128xf32, #tpu.memory_space<vmem>>, vector<16xf32>,
      tpu.vector_store %arg15[%swap3A_1784, %swap3A_1785], %select_n3A_1779 {strides = array<i32>} : memref<64x128xf32, #tpu.memory_space<vmem>>, vector<16xf32>,
      %dma_wait3A_1787 = arith.constant 7 : i32
      %dma_wait3A_1788 = arith.constant 0 : i32
      %dma_wait3A_1789 = arith.constant 0 : i32
      %dma_wait3A_1790 = tpu.memref_slice %arg11[%dma_wait3A_1787, %dma_wait3A_1788, %dma_wait3A_1789] : memref<16x16x128xf32, #tpu.memory_space<vmem>> -> memref<1x16x128xf32, #tpu.memory_space<vmem>>
      %dma_wait3A_1791 = tpu.memref_squeeze %dma_wait3A_1790 : memref<1x16x128xf32, #tpu.memory_space<vmem>> -> memref<16x128xf32, #tpu.memory_space<vmem>>
      %dma_wait3A_1792 = arith.constant 0 : i32
      %dma_wait3A_1793 = tpu.memref_slice %arg5[%dma_wait3A_1792, %min3A_598] : memref<16x1000000xf32, #tpu.memory_space<hbm>> -> memref<16x128xf32, #tpu.memory_space<hbm>>
      %dma_wait3A_1794 = arith.constant 0 : i32
      %dma_wait3A_1795 = arith.constant 0 : i32
      %dma_wait3A_1796 = tpu.memref_slice %arg11[%dma_wait3A_1787, %dma_wait3A_1794, %dma_wait3A_1795] : memref<16x16x128xf32, #tpu.memory_space<vmem>> -> memref<1x16x128xf32, #tpu.memory_space<vmem>>
      %dma_wait3A_1797 = tpu.memref_squeeze %dma_wait3A_1796 : memref<1x16x128xf32, #tpu.memory_space<vmem>> -> memref<16x128xf32, #tpu.memory_space<vmem>>
      %dma_wait3A_1798 = arith.constant 0 : i32
      %dma_wait3A_1799 = tpu.memref_slice %arg5[%dma_wait3A_1798, %min3A_598] : memref<16x1000000xf32, #tpu.memory_space<hbm>> -> memref<16x128xf32, #tpu.memory_space<hbm>>
      tpu.wait_dma2 semaphore(%arg18 : memref<!tpu.dma_semaphore, #tpu.memory_space<semaphore_mem>>) src(%dma_wait3A_1799 : memref<16x128xf32, #tpu.memory_space<hbm>>) dst(%dma_wait3A_1797 : memref<16x128xf32, #tpu.memory_space<vmem>>)
      %slice3A_1800 = vector.extract_strided_slice %get3A_112 {offsets = [7], sizes = [1], strides = [1]} : vector<16xi32> to vector<1xi32>
      %squeeze3A_1801 = vector.extract %slice3A_1800[0] : i32 from vector<1xi32>
      %shift_right_arithmetic3A_1802 = arith.constant 7 : i32
      %shift_right_arithmetic3A_1803 = arith.shrsi %squeeze3A_1801, %shift_right_arithmetic3A_1802 : i32
      %mul3A_1804 = arith.constant 128 : i32
      %mul3A_1805 = arith.muli %shift_right_arithmetic3A_1803, %mul3A_1804 : i32
      %min3A_1806 = arith.constant 999808 : i32
      %min3A_1807 = arith.minsi %mul3A_1805, %min3A_1806 : i32
      %sub3A_1808 = arith.subi %squeeze3A_1801, %min3A_1807 : i32
      %broadcast_in_dim3A_1809 = arith.constant 7 : i32
      %broadcast_in_dim3A_1810 = vector.broadcast %broadcast_in_dim3A_1809 : i32 to vector<16xi32>
      %min3A_1811 = arith.constant 127 : i32
      %min3A_1812 = arith.minsi %sub3A_1808, %min3A_1811 : i32
      %broadcast_in_dim3A_1813 = vector.broadcast %min3A_1812 : i32 to vector<16xi32>
      %sub3A_1814 = arith.constant 128 : i32
      %sub3A_1815 = arith.subi %sub3A_1808, %sub3A_1814 : i32
      %max3A_1816 = arith.constant 0 : i32
      %max3A_1817 = arith.maxsi %sub3A_1815, %max3A_1816 : i32
      %broadcast_in_dim3A_1818 = vector.broadcast %max3A_1817 : i32 to vector<16xi32>
      %gather3A_1819 = tpu.vector_load_idx %arg11[%broadcast_in_dim3A_1810, %iota3A, %broadcast_in_dim3A_1813] : memref<16x16x128xf32, #tpu.memory_space<vmem>>[vector<16xi32>, vector<16xi32>, vector<16xi32>], vector<16xf32>,
      %gather3A_1820 = tpu.vector_load_idx %arg13[%iota3A, %broadcast_in_dim3A_1818] : memref<16x64xf32, #tpu.memory_space<vmem>>[vector<16xi32>, vector<16xi32>], vector<16xf32>,
      %lt3A_1821 = arith.constant 128 : i32
      %lt3A_1822 = arith.cmpi slt, %sub3A_1808, %lt3A_1821 : i32
      %select_n3A_1823 = arith.select %lt3A_1822, %gather3A_1819, %gather3A_1820 : vector<16xf32>
      %mul3A_1824 = arith.constant 2 : i32
      %mul3A_1825 = arith.muli %scan3A_33, %mul3A_1824 : i32
      %add3A_1826 = arith.constant 0 : i32
      %add3A_1827 = arith.addi %mul3A_1825, %add3A_1826 : i32
      %swap3A_1828 = arith.index_cast %add3A_1827 : i32 to index
      %swap3A_1829 = arith.constant 112 : index
      %swap3A_1830 = tpu.vector_load %arg15[%swap3A_1828, %swap3A_1829] {strides = array<i32>} : memref<64x128xf32, #tpu.memory_space<vmem>>, vector<16xf32>,
      tpu.vector_store %arg15[%swap3A_1828, %swap3A_1829], %select_n3A_1823 {strides = array<i32>} : memref<64x128xf32, #tpu.memory_space<vmem>>, vector<16xf32>,
      %dma_wait3A_1831 = arith.constant 8 : i32
      %dma_wait3A_1832 = arith.constant 0 : i32
      %dma_wait3A_1833 = arith.constant 0 : i32
      %dma_wait3A_1834 = tpu.memref_slice %arg11[%dma_wait3A_1831, %dma_wait3A_1832, %dma_wait3A_1833] : memref<16x16x128xf32, #tpu.memory_space<vmem>> -> memref<1x16x128xf32, #tpu.memory_space<vmem>>
      %dma_wait3A_1835 = tpu.memref_squeeze %dma_wait3A_1834 : memref<1x16x128xf32, #tpu.memory_space<vmem>> -> memref<16x128xf32, #tpu.memory_space<vmem>>
      %dma_wait3A_1836 = arith.constant 0 : i32
      %dma_wait3A_1837 = tpu.memref_slice %arg5[%dma_wait3A_1836, %min3A_619] : memref<16x1000000xf32, #tpu.memory_space<hbm>> -> memref<16x128xf32, #tpu.memory_space<hbm>>
      %dma_wait3A_1838 = arith.constant 0 : i32
      %dma_wait3A_1839 = arith.constant 0 : i32
      %dma_wait3A_1840 = tpu.memref_slice %arg11[%dma_wait3A_1831, %dma_wait3A_1838, %dma_wait3A_1839] : memref<16x16x128xf32, #tpu.memory_space<vmem>> -> memref<1x16x128xf32, #tpu.memory_space<vmem>>
      %dma_wait3A_1841 = tpu.memref_squeeze %dma_wait3A_1840 : memref<1x16x128xf32, #tpu.memory_space<vmem>> -> memref<16x128xf32, #tpu.memory_space<vmem>>
      %dma_wait3A_1842 = arith.constant 0 : i32
      %dma_wait3A_1843 = tpu.memref_slice %arg5[%dma_wait3A_1842, %min3A_619] : memref<16x1000000xf32, #tpu.memory_space<hbm>> -> memref<16x128xf32, #tpu.memory_space<hbm>>
      tpu.wait_dma2 semaphore(%arg18 : memref<!tpu.dma_semaphore, #tpu.memory_space<semaphore_mem>>) src(%dma_wait3A_1843 : memref<16x128xf32, #tpu.memory_space<hbm>>) dst(%dma_wait3A_1841 : memref<16x128xf32, #tpu.memory_space<vmem>>)
      %slice3A_1844 = vector.extract_strided_slice %get3A_112 {offsets = [8], sizes = [1], strides = [1]} : vector<16xi32> to vector<1xi32>
      %squeeze3A_1845 = vector.extract %slice3A_1844[0] : i32 from vector<1xi32>
      %shift_right_arithmetic3A_1846 = arith.constant 7 : i32
      %shift_right_arithmetic3A_1847 = arith.shrsi %squeeze3A_1845, %shift_right_arithmetic3A_1846 : i32
      %mul3A_1848 = arith.constant 128 : i32
      %mul3A_1849 = arith.muli %shift_right_arithmetic3A_1847, %mul3A_1848 : i32
      %min3A_1850 = arith.constant 999808 : i32
      %min3A_1851 = arith.minsi %mul3A_1849, %min3A_1850 : i32
      %sub3A_1852 = arith.subi %squeeze3A_1845, %min3A_1851 : i32
      %broadcast_in_dim3A_1853 = arith.constant 8 : i32
      %broadcast_in_dim3A_1854 = vector.broadcast %broadcast_in_dim3A_1853 : i32 to vector<16xi32>
      %min3A_1855 = arith.constant 127 : i32
      %min3A_1856 = arith.minsi %sub3A_1852, %min3A_1855 : i32
      %broadcast_in_dim3A_1857 = vector.broadcast %min3A_1856 : i32 to vector<16xi32>
      %sub3A_1858 = arith.constant 128 : i32
      %sub3A_1859 = arith.subi %sub3A_1852, %sub3A_1858 : i32
      %max3A_1860 = arith.constant 0 : i32
      %max3A_1861 = arith.maxsi %sub3A_1859, %max3A_1860 : i32
      %broadcast_in_dim3A_1862 = vector.broadcast %max3A_1861 : i32 to vector<16xi32>
      %gather3A_1863 = tpu.vector_load_idx %arg11[%broadcast_in_dim3A_1854, %iota3A, %broadcast_in_dim3A_1857] : memref<16x16x128xf32, #tpu.memory_space<vmem>>[vector<16xi32>, vector<16xi32>, vector<16xi32>], vector<16xf32>,
      %gather3A_1864 = tpu.vector_load_idx %arg13[%iota3A, %broadcast_in_dim3A_1862] : memref<16x64xf32, #tpu.memory_space<vmem>>[vector<16xi32>, vector<16xi32>], vector<16xf32>,
      %lt3A_1865 = arith.constant 128 : i32
      %lt3A_1866 = arith.cmpi slt, %sub3A_1852, %lt3A_1865 : i32
      %select_n3A_1867 = arith.select %lt3A_1866, %gather3A_1863, %gather3A_1864 : vector<16xf32>
      %mul3A_1868 = arith.constant 2 : i32
      %mul3A_1869 = arith.muli %scan3A_33, %mul3A_1868 : i32
      %add3A_1870 = arith.constant 1 : i32
      %add3A_1871 = arith.addi %mul3A_1869, %add3A_1870 : i32
      %swap3A_1872 = arith.index_cast %add3A_1871 : i32 to index
      %swap3A_1873 = arith.constant 0 : index
      %swap3A_1874 = tpu.vector_load %arg15[%swap3A_1872, %swap3A_1873] {strides = array<i32>} : memref<64x128xf32, #tpu.memory_space<vmem>>, vector<16xf32>,
      tpu.vector_store %arg15[%swap3A_1872, %swap3A_1873], %select_n3A_1867 {strides = array<i32>} : memref<64x128xf32, #tpu.memory_space<vmem>>, vector<16xf32>,
      %dma_wait3A_1875 = arith.constant 9 : i32
      %dma_wait3A_1876 = arith.constant 0 : i32
      %dma_wait3A_1877 = arith.constant 0 : i32
      %dma_wait3A_1878 = tpu.memref_slice %arg11[%dma_wait3A_1875, %dma_wait3A_1876, %dma_wait3A_1877] : memref<16x16x128xf32, #tpu.memory_space<vmem>> -> memref<1x16x128xf32, #tpu.memory_space<vmem>>
      %dma_wait3A_1879 = tpu.memref_squeeze %dma_wait3A_1878 : memref<1x16x128xf32, #tpu.memory_space<vmem>> -> memref<16x128xf32, #tpu.memory_space<vmem>>
      %dma_wait3A_1880 = arith.constant 0 : i32
      %dma_wait3A_1881 = tpu.memref_slice %arg5[%dma_wait3A_1880, %min3A_640] : memref<16x1000000xf32, #tpu.memory_space<hbm>> -> memref<16x128xf32, #tpu.memory_space<hbm>>
      %dma_wait3A_1882 = arith.constant 0 : i32
      %dma_wait3A_1883 = arith.constant 0 : i32
      %dma_wait3A_1884 = tpu.memref_slice %arg11[%dma_wait3A_1875, %dma_wait3A_1882, %dma_wait3A_1883] : memref<16x16x128xf32, #tpu.memory_space<vmem>> -> memref<1x16x128xf32, #tpu.memory_space<vmem>>
      %dma_wait3A_1885 = tpu.memref_squeeze %dma_wait3A_1884 : memref<1x16x128xf32, #tpu.memory_space<vmem>> -> memref<16x128xf32, #tpu.memory_space<vmem>>
      %dma_wait3A_1886 = arith.constant 0 : i32
      %dma_wait3A_1887 = tpu.memref_slice %arg5[%dma_wait3A_1886, %min3A_640] : memref<16x1000000xf32, #tpu.memory_space<hbm>> -> memref<16x128xf32, #tpu.memory_space<hbm>>
      tpu.wait_dma2 semaphore(%arg18 : memref<!tpu.dma_semaphore, #tpu.memory_space<semaphore_mem>>) src(%dma_wait3A_1887 : memref<16x128xf32, #tpu.memory_space<hbm>>) dst(%dma_wait3A_1885 : memref<16x128xf32, #tpu.memory_space<vmem>>)
      %slice3A_1888 = vector.extract_strided_slice %get3A_112 {offsets = [9], sizes = [1], strides = [1]} : vector<16xi32> to vector<1xi32>
      %squeeze3A_1889 = vector.extract %slice3A_1888[0] : i32 from vector<1xi32>
      %shift_right_arithmetic3A_1890 = arith.constant 7 : i32
      %shift_right_arithmetic3A_1891 = arith.shrsi %squeeze3A_1889, %shift_right_arithmetic3A_1890 : i32
      %mul3A_1892 = arith.constant 128 : i32
      %mul3A_1893 = arith.muli %shift_right_arithmetic3A_1891, %mul3A_1892 : i32
      %min3A_1894 = arith.constant 999808 : i32
      %min3A_1895 = arith.minsi %mul3A_1893, %min3A_1894 : i32
      %sub3A_1896 = arith.subi %squeeze3A_1889, %min3A_1895 : i32
      %broadcast_in_dim3A_1897 = arith.constant 9 : i32
      %broadcast_in_dim3A_1898 = vector.broadcast %broadcast_in_dim3A_1897 : i32 to vector<16xi32>
      %min3A_1899 = arith.constant 127 : i32
      %min3A_1900 = arith.minsi %sub3A_1896, %min3A_1899 : i32
      %broadcast_in_dim3A_1901 = vector.broadcast %min3A_1900 : i32 to vector<16xi32>
      %sub3A_1902 = arith.constant 128 : i32
      %sub3A_1903 = arith.subi %sub3A_1896, %sub3A_1902 : i32
      %max3A_1904 = arith.constant 0 : i32
      %max3A_1905 = arith.maxsi %sub3A_1903, %max3A_1904 : i32
      %broadcast_in_dim3A_1906 = vector.broadcast %max3A_1905 : i32 to vector<16xi32>
      %gather3A_1907 = tpu.vector_load_idx %arg11[%broadcast_in_dim3A_1898, %iota3A, %broadcast_in_dim3A_1901] : memref<16x16x128xf32, #tpu.memory_space<vmem>>[vector<16xi32>, vector<16xi32>, vector<16xi32>], vector<16xf32>,
      %gather3A_1908 = tpu.vector_load_idx %arg13[%iota3A, %broadcast_in_dim3A_1906] : memref<16x64xf32, #tpu.memory_space<vmem>>[vector<16xi32>, vector<16xi32>], vector<16xf32>,
      %lt3A_1909 = arith.constant 128 : i32
      %lt3A_1910 = arith.cmpi slt, %sub3A_1896, %lt3A_1909 : i32
      %select_n3A_1911 = arith.select %lt3A_1910, %gather3A_1907, %gather3A_1908 : vector<16xf32>
      %mul3A_1912 = arith.constant 2 : i32
      %mul3A_1913 = arith.muli %scan3A_33, %mul3A_1912 : i32
      %add3A_1914 = arith.constant 1 : i32
      %add3A_1915 = arith.addi %mul3A_1913, %add3A_1914 : i32
      %swap3A_1916 = arith.index_cast %add3A_1915 : i32 to index
      %swap3A_1917 = arith.constant 16 : index
      %swap3A_1918 = tpu.vector_load %arg15[%swap3A_1916, %swap3A_1917] {strides = array<i32>} : memref<64x128xf32, #tpu.memory_space<vmem>>, vector<16xf32>,
      tpu.vector_store %arg15[%swap3A_1916, %swap3A_1917], %select_n3A_1911 {strides = array<i32>} : memref<64x128xf32, #tpu.memory_space<vmem>>, vector<16xf32>,
      %dma_wait3A_1919 = arith.constant 10 : i32
      %dma_wait3A_1920 = arith.constant 0 : i32
      %dma_wait3A_1921 = arith.constant 0 : i32
      %dma_wait3A_1922 = tpu.memref_slice %arg11[%dma_wait3A_1919, %dma_wait3A_1920, %dma_wait3A_1921] : memref<16x16x128xf32, #tpu.memory_space<vmem>> -> memref<1x16x128xf32, #tpu.memory_space<vmem>>
      %dma_wait3A_1923 = tpu.memref_squeeze %dma_wait3A_1922 : memref<1x16x128xf32, #tpu.memory_space<vmem>> -> memref<16x128xf32, #tpu.memory_space<vmem>>
      %dma_wait3A_1924 = arith.constant 0 : i32
      %dma_wait3A_1925 = tpu.memref_slice %arg5[%dma_wait3A_1924, %min3A_661] : memref<16x1000000xf32, #tpu.memory_space<hbm>> -> memref<16x128xf32, #tpu.memory_space<hbm>>
      %dma_wait3A_1926 = arith.constant 0 : i32
      %dma_wait3A_1927 = arith.constant 0 : i32
      %dma_wait3A_1928 = tpu.memref_slice %arg11[%dma_wait3A_1919, %dma_wait3A_1926, %dma_wait3A_1927] : memref<16x16x128xf32, #tpu.memory_space<vmem>> -> memref<1x16x128xf32, #tpu.memory_space<vmem>>
      %dma_wait3A_1929 = tpu.memref_squeeze %dma_wait3A_1928 : memref<1x16x128xf32, #tpu.memory_space<vmem>> -> memref<16x128xf32, #tpu.memory_space<vmem>>
      %dma_wait3A_1930 = arith.constant 0 : i32
      %dma_wait3A_1931 = tpu.memref_slice %arg5[%dma_wait3A_1930, %min3A_661] : memref<16x1000000xf32, #tpu.memory_space<hbm>> -> memref<16x128xf32, #tpu.memory_space<hbm>>
      tpu.wait_dma2 semaphore(%arg18 : memref<!tpu.dma_semaphore, #tpu.memory_space<semaphore_mem>>) src(%dma_wait3A_1931 : memref<16x128xf32, #tpu.memory_space<hbm>>) dst(%dma_wait3A_1929 : memref<16x128xf32, #tpu.memory_space<vmem>>)
      %slice3A_1932 = vector.extract_strided_slice %get3A_112 {offsets = [10], sizes = [1], strides = [1]} : vector<16xi32> to vector<1xi32>
      %squeeze3A_1933 = vector.extract %slice3A_1932[0] : i32 from vector<1xi32>
      %shift_right_arithmetic3A_1934 = arith.constant 7 : i32
      %shift_right_arithmetic3A_1935 = arith.shrsi %squeeze3A_1933, %shift_right_arithmetic3A_1934 : i32
      %mul3A_1936 = arith.constant 128 : i32
      %mul3A_1937 = arith.muli %shift_right_arithmetic3A_1935, %mul3A_1936 : i32
      %min3A_1938 = arith.constant 999808 : i32
      %min3A_1939 = arith.minsi %mul3A_1937, %min3A_1938 : i32
      %sub3A_1940 = arith.subi %squeeze3A_1933, %min3A_1939 : i32
      %broadcast_in_dim3A_1941 = arith.constant 10 : i32
      %broadcast_in_dim3A_1942 = vector.broadcast %broadcast_in_dim3A_1941 : i32 to vector<16xi32>
      %min3A_1943 = arith.constant 127 : i32
      %min3A_1944 = arith.minsi %sub3A_1940, %min3A_1943 : i32
      %broadcast_in_dim3A_1945 = vector.broadcast %min3A_1944 : i32 to vector<16xi32>
      %sub3A_1946 = arith.constant 128 : i32
      %sub3A_1947 = arith.subi %sub3A_1940, %sub3A_1946 : i32
      %max3A_1948 = arith.constant 0 : i32
      %max3A_1949 = arith.maxsi %sub3A_1947, %max3A_1948 : i32
      %broadcast_in_dim3A_1950 = vector.broadcast %max3A_1949 : i32 to vector<16xi32>
      %gather3A_1951 = tpu.vector_load_idx %arg11[%broadcast_in_dim3A_1942, %iota3A, %broadcast_in_dim3A_1945] : memref<16x16x128xf32, #tpu.memory_space<vmem>>[vector<16xi32>, vector<16xi32>, vector<16xi32>], vector<16xf32>,
      %gather3A_1952 = tpu.vector_load_idx %arg13[%iota3A, %broadcast_in_dim3A_1950] : memref<16x64xf32, #tpu.memory_space<vmem>>[vector<16xi32>, vector<16xi32>], vector<16xf32>,
      %lt3A_1953 = arith.constant 128 : i32
      %lt3A_1954 = arith.cmpi slt, %sub3A_1940, %lt3A_1953 : i32
      %select_n3A_1955 = arith.select %lt3A_1954, %gather3A_1951, %gather3A_1952 : vector<16xf32>
      %mul3A_1956 = arith.constant 2 : i32
      %mul3A_1957 = arith.muli %scan3A_33, %mul3A_1956 : i32
      %add3A_1958 = arith.constant 1 : i32
      %add3A_1959 = arith.addi %mul3A_1957, %add3A_1958 : i32
      %swap3A_1960 = arith.index_cast %add3A_1959 : i32 to index
      %swap3A_1961 = arith.constant 32 : index
      %swap3A_1962 = tpu.vector_load %arg15[%swap3A_1960, %swap3A_1961] {strides = array<i32>} : memref<64x128xf32, #tpu.memory_space<vmem>>, vector<16xf32>,
      tpu.vector_store %arg15[%swap3A_1960, %swap3A_1961], %select_n3A_1955 {strides = array<i32>} : memref<64x128xf32, #tpu.memory_space<vmem>>, vector<16xf32>,
      %dma_wait3A_1963 = arith.constant 11 : i32
      %dma_wait3A_1964 = arith.constant 0 : i32
      %dma_wait3A_1965 = arith.constant 0 : i32
      %dma_wait3A_1966 = tpu.memref_slice %arg11[%dma_wait3A_1963, %dma_wait3A_1964, %dma_wait3A_1965] : memref<16x16x128xf32, #tpu.memory_space<vmem>> -> memref<1x16x128xf32, #tpu.memory_space<vmem>>
      %dma_wait3A_1967 = tpu.memref_squeeze %dma_wait3A_1966 : memref<1x16x128xf32, #tpu.memory_space<vmem>> -> memref<16x128xf32, #tpu.memory_space<vmem>>
      %dma_wait3A_1968 = arith.constant 0 : i32
      %dma_wait3A_1969 = tpu.memref_slice %arg5[%dma_wait3A_1968, %min3A_682] : memref<16x1000000xf32, #tpu.memory_space<hbm>> -> memref<16x128xf32, #tpu.memory_space<hbm>>
      %dma_wait3A_1970 = arith.constant 0 : i32
      %dma_wait3A_1971 = arith.constant 0 : i32
      %dma_wait3A_1972 = tpu.memref_slice %arg11[%dma_wait3A_1963, %dma_wait3A_1970, %dma_wait3A_1971] : memref<16x16x128xf32, #tpu.memory_space<vmem>> -> memref<1x16x128xf32, #tpu.memory_space<vmem>>
      %dma_wait3A_1973 = tpu.memref_squeeze %dma_wait3A_1972 : memref<1x16x128xf32, #tpu.memory_space<vmem>> -> memref<16x128xf32, #tpu.memory_space<vmem>>
      %dma_wait3A_1974 = arith.constant 0 : i32
      %dma_wait3A_1975 = tpu.memref_slice %arg5[%dma_wait3A_1974, %min3A_682] : memref<16x1000000xf32, #tpu.memory_space<hbm>> -> memref<16x128xf32, #tpu.memory_space<hbm>>
      tpu.wait_dma2 semaphore(%arg18 : memref<!tpu.dma_semaphore, #tpu.memory_space<semaphore_mem>>) src(%dma_wait3A_1975 : memref<16x128xf32, #tpu.memory_space<hbm>>) dst(%dma_wait3A_1973 : memref<16x128xf32, #tpu.memory_space<vmem>>)
      %slice3A_1976 = vector.extract_strided_slice %get3A_112 {offsets = [11], sizes = [1], strides = [1]} : vector<16xi32> to vector<1xi32>
      %squeeze3A_1977 = vector.extract %slice3A_1976[0] : i32 from vector<1xi32>
      %shift_right_arithmetic3A_1978 = arith.constant 7 : i32
      %shift_right_arithmetic3A_1979 = arith.shrsi %squeeze3A_1977, %shift_right_arithmetic3A_1978 : i32
      %mul3A_1980 = arith.constant 128 : i32
      %mul3A_1981 = arith.muli %shift_right_arithmetic3A_1979, %mul3A_1980 : i32
      %min3A_1982 = arith.constant 999808 : i32
      %min3A_1983 = arith.minsi %mul3A_1981, %min3A_1982 : i32
      %sub3A_1984 = arith.subi %squeeze3A_1977, %min3A_1983 : i32
      %broadcast_in_dim3A_1985 = arith.constant 11 : i32
      %broadcast_in_dim3A_1986 = vector.broadcast %broadcast_in_dim3A_1985 : i32 to vector<16xi32>
      %min3A_1987 = arith.constant 127 : i32
      %min3A_1988 = arith.minsi %sub3A_1984, %min3A_1987 : i32
      %broadcast_in_dim3A_1989 = vector.broadcast %min3A_1988 : i32 to vector<16xi32>
      %sub3A_1990 = arith.constant 128 : i32
      %sub3A_1991 = arith.subi %sub3A_1984, %sub3A_1990 : i32
      %max3A_1992 = arith.constant 0 : i32
      %max3A_1993 = arith.maxsi %sub3A_1991, %max3A_1992 : i32
      %broadcast_in_dim3A_1994 = vector.broadcast %max3A_1993 : i32 to vector<16xi32>
      %gather3A_1995 = tpu.vector_load_idx %arg11[%broadcast_in_dim3A_1986, %iota3A, %broadcast_in_dim3A_1989] : memref<16x16x128xf32, #tpu.memory_space<vmem>>[vector<16xi32>, vector<16xi32>, vector<16xi32>], vector<16xf32>,
      %gather3A_1996 = tpu.vector_load_idx %arg13[%iota3A, %broadcast_in_dim3A_1994] : memref<16x64xf32, #tpu.memory_space<vmem>>[vector<16xi32>, vector<16xi32>], vector<16xf32>,
      %lt3A_1997 = arith.constant 128 : i32
      %lt3A_1998 = arith.cmpi slt, %sub3A_1984, %lt3A_1997 : i32
      %select_n3A_1999 = arith.select %lt3A_1998, %gather3A_1995, %gather3A_1996 : vector<16xf32>
      %mul3A_2000 = arith.constant 2 : i32
      %mul3A_2001 = arith.muli %scan3A_33, %mul3A_2000 : i32
      %add3A_2002 = arith.constant 1 : i32
      %add3A_2003 = arith.addi %mul3A_2001, %add3A_2002 : i32
      %swap3A_2004 = arith.index_cast %add3A_2003 : i32 to index
      %swap3A_2005 = arith.constant 48 : index
      %swap3A_2006 = tpu.vector_load %arg15[%swap3A_2004, %swap3A_2005] {strides = array<i32>} : memref<64x128xf32, #tpu.memory_space<vmem>>, vector<16xf32>,
      tpu.vector_store %arg15[%swap3A_2004, %swap3A_2005], %select_n3A_1999 {strides = array<i32>} : memref<64x128xf32, #tpu.memory_space<vmem>>, vector<16xf32>,
      %dma_wait3A_2007 = arith.constant 12 : i32
      %dma_wait3A_2008 = arith.constant 0 : i32
      %dma_wait3A_2009 = arith.constant 0 : i32
      %dma_wait3A_2010 = tpu.memref_slice %arg11[%dma_wait3A_2007, %dma_wait3A_2008, %dma_wait3A_2009] : memref<16x16x128xf32, #tpu.memory_space<vmem>> -> memref<1x16x128xf32, #tpu.memory_space<vmem>>
      %dma_wait3A_2011 = tpu.memref_squeeze %dma_wait3A_2010 : memref<1x16x128xf32, #tpu.memory_space<vmem>> -> memref<16x128xf32, #tpu.memory_space<vmem>>
      %dma_wait3A_2012 = arith.constant 0 : i32
      %dma_wait3A_2013 = tpu.memref_slice %arg5[%dma_wait3A_2012, %min3A_703] : memref<16x1000000xf32, #tpu.memory_space<hbm>> -> memref<16x128xf32, #tpu.memory_space<hbm>>
      %dma_wait3A_2014 = arith.constant 0 : i32
      %dma_wait3A_2015 = arith.constant 0 : i32
      %dma_wait3A_2016 = tpu.memref_slice %arg11[%dma_wait3A_2007, %dma_wait3A_2014, %dma_wait3A_2015] : memref<16x16x128xf32, #tpu.memory_space<vmem>> -> memref<1x16x128xf32, #tpu.memory_space<vmem>>
      %dma_wait3A_2017 = tpu.memref_squeeze %dma_wait3A_2016 : memref<1x16x128xf32, #tpu.memory_space<vmem>> -> memref<16x128xf32, #tpu.memory_space<vmem>>
      %dma_wait3A_2018 = arith.constant 0 : i32
      %dma_wait3A_2019 = tpu.memref_slice %arg5[%dma_wait3A_2018, %min3A_703] : memref<16x1000000xf32, #tpu.memory_space<hbm>> -> memref<16x128xf32, #tpu.memory_space<hbm>>
      tpu.wait_dma2 semaphore(%arg18 : memref<!tpu.dma_semaphore, #tpu.memory_space<semaphore_mem>>) src(%dma_wait3A_2019 : memref<16x128xf32, #tpu.memory_space<hbm>>) dst(%dma_wait3A_2017 : memref<16x128xf32, #tpu.memory_space<vmem>>)
      %slice3A_2020 = vector.extract_strided_slice %get3A_112 {offsets = [12], sizes = [1], strides = [1]} : vector<16xi32> to vector<1xi32>
      %squeeze3A_2021 = vector.extract %slice3A_2020[0] : i32 from vector<1xi32>
      %shift_right_arithmetic3A_2022 = arith.constant 7 : i32
      %shift_right_arithmetic3A_2023 = arith.shrsi %squeeze3A_2021, %shift_right_arithmetic3A_2022 : i32
      %mul3A_2024 = arith.constant 128 : i32
      %mul3A_2025 = arith.muli %shift_right_arithmetic3A_2023, %mul3A_2024 : i32
      %min3A_2026 = arith.constant 999808 : i32
      %min3A_2027 = arith.minsi %mul3A_2025, %min3A_2026 : i32
      %sub3A_2028 = arith.subi %squeeze3A_2021, %min3A_2027 : i32
      %broadcast_in_dim3A_2029 = arith.constant 12 : i32
      %broadcast_in_dim3A_2030 = vector.broadcast %broadcast_in_dim3A_2029 : i32 to vector<16xi32>
      %min3A_2031 = arith.constant 127 : i32
      %min3A_2032 = arith.minsi %sub3A_2028, %min3A_2031 : i32
      %broadcast_in_dim3A_2033 = vector.broadcast %min3A_2032 : i32 to vector<16xi32>
      %sub3A_2034 = arith.constant 128 : i32
      %sub3A_2035 = arith.subi %sub3A_2028, %sub3A_2034 : i32
      %max3A_2036 = arith.constant 0 : i32
      %max3A_2037 = arith.maxsi %sub3A_2035, %max3A_2036 : i32
      %broadcast_in_dim3A_2038 = vector.broadcast %max3A_2037 : i32 to vector<16xi32>
      %gather3A_2039 = tpu.vector_load_idx %arg11[%broadcast_in_dim3A_2030, %iota3A, %broadcast_in_dim3A_2033] : memref<16x16x128xf32, #tpu.memory_space<vmem>>[vector<16xi32>, vector<16xi32>, vector<16xi32>], vector<16xf32>,
      %gather3A_2040 = tpu.vector_load_idx %arg13[%iota3A, %broadcast_in_dim3A_2038] : memref<16x64xf32, #tpu.memory_space<vmem>>[vector<16xi32>, vector<16xi32>], vector<16xf32>,
      %lt3A_2041 = arith.constant 128 : i32
      %lt3A_2042 = arith.cmpi slt, %sub3A_2028, %lt3A_2041 : i32
      %select_n3A_2043 = arith.select %lt3A_2042, %gather3A_2039, %gather3A_2040 : vector<16xf32>
      %mul3A_2044 = arith.constant 2 : i32
      %mul3A_2045 = arith.muli %scan3A_33, %mul3A_2044 : i32
      %add3A_2046 = arith.constant 1 : i32
      %add3A_2047 = arith.addi %mul3A_2045, %add3A_2046 : i32
      %swap3A_2048 = arith.index_cast %add3A_2047 : i32 to index
      %swap3A_2049 = arith.constant 64 : index
      %swap3A_2050 = tpu.vector_load %arg15[%swap3A_2048, %swap3A_2049] {strides = array<i32>} : memref<64x128xf32, #tpu.memory_space<vmem>>, vector<16xf32>,
      tpu.vector_store %arg15[%swap3A_2048, %swap3A_2049], %select_n3A_2043 {strides = array<i32>} : memref<64x128xf32, #tpu.memory_space<vmem>>, vector<16xf32>,
      %dma_wait3A_2051 = arith.constant 13 : i32
      %dma_wait3A_2052 = arith.constant 0 : i32
      %dma_wait3A_2053 = arith.constant 0 : i32
      %dma_wait3A_2054 = tpu.memref_slice %arg11[%dma_wait3A_2051, %dma_wait3A_2052, %dma_wait3A_2053] : memref<16x16x128xf32, #tpu.memory_space<vmem>> -> memref<1x16x128xf32, #tpu.memory_space<vmem>>
      %dma_wait3A_2055 = tpu.memref_squeeze %dma_wait3A_2054 : memref<1x16x128xf32, #tpu.memory_space<vmem>> -> memref<16x128xf32, #tpu.memory_space<vmem>>
      %dma_wait3A_2056 = arith.constant 0 : i32
      %dma_wait3A_2057 = tpu.memref_slice %arg5[%dma_wait3A_2056, %min3A_724] : memref<16x1000000xf32, #tpu.memory_space<hbm>> -> memref<16x128xf32, #tpu.memory_space<hbm>>
      %dma_wait3A_2058 = arith.constant 0 : i32
      %dma_wait3A_2059 = arith.constant 0 : i32
      %dma_wait3A_2060 = tpu.memref_slice %arg11[%dma_wait3A_2051, %dma_wait3A_2058, %dma_wait3A_2059] : memref<16x16x128xf32, #tpu.memory_space<vmem>> -> memref<1x16x128xf32, #tpu.memory_space<vmem>>
      %dma_wait3A_2061 = tpu.memref_squeeze %dma_wait3A_2060 : memref<1x16x128xf32, #tpu.memory_space<vmem>> -> memref<16x128xf32, #tpu.memory_space<vmem>>
      %dma_wait3A_2062 = arith.constant 0 : i32
      %dma_wait3A_2063 = tpu.memref_slice %arg5[%dma_wait3A_2062, %min3A_724] : memref<16x1000000xf32, #tpu.memory_space<hbm>> -> memref<16x128xf32, #tpu.memory_space<hbm>>
      tpu.wait_dma2 semaphore(%arg18 : memref<!tpu.dma_semaphore, #tpu.memory_space<semaphore_mem>>) src(%dma_wait3A_2063 : memref<16x128xf32, #tpu.memory_space<hbm>>) dst(%dma_wait3A_2061 : memref<16x128xf32, #tpu.memory_space<vmem>>)
      %slice3A_2064 = vector.extract_strided_slice %get3A_112 {offsets = [13], sizes = [1], strides = [1]} : vector<16xi32> to vector<1xi32>
      %squeeze3A_2065 = vector.extract %slice3A_2064[0] : i32 from vector<1xi32>
      %shift_right_arithmetic3A_2066 = arith.constant 7 : i32
      %shift_right_arithmetic3A_2067 = arith.shrsi %squeeze3A_2065, %shift_right_arithmetic3A_2066 : i32
      %mul3A_2068 = arith.constant 128 : i32
      %mul3A_2069 = arith.muli %shift_right_arithmetic3A_2067, %mul3A_2068 : i32
      %min3A_2070 = arith.constant 999808 : i32
      %min3A_2071 = arith.minsi %mul3A_2069, %min3A_2070 : i32
      %sub3A_2072 = arith.subi %squeeze3A_2065, %min3A_2071 : i32
      %broadcast_in_dim3A_2073 = arith.constant 13 : i32
      %broadcast_in_dim3A_2074 = vector.broadcast %broadcast_in_dim3A_2073 : i32 to vector<16xi32>
      %min3A_2075 = arith.constant 127 : i32
      %min3A_2076 = arith.minsi %sub3A_2072, %min3A_2075 : i32
      %broadcast_in_dim3A_2077 = vector.broadcast %min3A_2076 : i32 to vector<16xi32>
      %sub3A_2078 = arith.constant 128 : i32
      %sub3A_2079 = arith.subi %sub3A_2072, %sub3A_2078 : i32
      %max3A_2080 = arith.constant 0 : i32
      %max3A_2081 = arith.maxsi %sub3A_2079, %max3A_2080 : i32
      %broadcast_in_dim3A_2082 = vector.broadcast %max3A_2081 : i32 to vector<16xi32>
      %gather3A_2083 = tpu.vector_load_idx %arg11[%broadcast_in_dim3A_2074, %iota3A, %broadcast_in_dim3A_2077] : memref<16x16x128xf32, #tpu.memory_space<vmem>>[vector<16xi32>, vector<16xi32>, vector<16xi32>], vector<16xf32>,
      %gather3A_2084 = tpu.vector_load_idx %arg13[%iota3A, %broadcast_in_dim3A_2082] : memref<16x64xf32, #tpu.memory_space<vmem>>[vector<16xi32>, vector<16xi32>], vector<16xf32>,
      %lt3A_2085 = arith.constant 128 : i32
      %lt3A_2086 = arith.cmpi slt, %sub3A_2072, %lt3A_2085 : i32
      %select_n3A_2087 = arith.select %lt3A_2086, %gather3A_2083, %gather3A_2084 : vector<16xf32>
      %mul3A_2088 = arith.constant 2 : i32
      %mul3A_2089 = arith.muli %scan3A_33, %mul3A_2088 : i32
      %add3A_2090 = arith.constant 1 : i32
      %add3A_2091 = arith.addi %mul3A_2089, %add3A_2090 : i32
      %swap3A_2092 = arith.index_cast %add3A_2091 : i32 to index
      %swap3A_2093 = arith.constant 80 : index
      %swap3A_2094 = tpu.vector_load %arg15[%swap3A_2092, %swap3A_2093] {strides = array<i32>} : memref<64x128xf32, #tpu.memory_space<vmem>>, vector<16xf32>,
      tpu.vector_store %arg15[%swap3A_2092, %swap3A_2093], %select_n3A_2087 {strides = array<i32>} : memref<64x128xf32, #tpu.memory_space<vmem>>, vector<16xf32>,
      %dma_wait3A_2095 = arith.constant 14 : i32
      %dma_wait3A_2096 = arith.constant 0 : i32
      %dma_wait3A_2097 = arith.constant 0 : i32
      %dma_wait3A_2098 = tpu.memref_slice %arg11[%dma_wait3A_2095, %dma_wait3A_2096, %dma_wait3A_2097] : memref<16x16x128xf32, #tpu.memory_space<vmem>> -> memref<1x16x128xf32, #tpu.memory_space<vmem>>
      %dma_wait3A_2099 = tpu.memref_squeeze %dma_wait3A_2098 : memref<1x16x128xf32, #tpu.memory_space<vmem>> -> memref<16x128xf32, #tpu.memory_space<vmem>>
      %dma_wait3A_2100 = arith.constant 0 : i32
      %dma_wait3A_2101 = tpu.memref_slice %arg5[%dma_wait3A_2100, %min3A_745] : memref<16x1000000xf32, #tpu.memory_space<hbm>> -> memref<16x128xf32, #tpu.memory_space<hbm>>
      %dma_wait3A_2102 = arith.constant 0 : i32
      %dma_wait3A_2103 = arith.constant 0 : i32
      %dma_wait3A_2104 = tpu.memref_slice %arg11[%dma_wait3A_2095, %dma_wait3A_2102, %dma_wait3A_2103] : memref<16x16x128xf32, #tpu.memory_space<vmem>> -> memref<1x16x128xf32, #tpu.memory_space<vmem>>
      %dma_wait3A_2105 = tpu.memref_squeeze %dma_wait3A_2104 : memref<1x16x128xf32, #tpu.memory_space<vmem>> -> memref<16x128xf32, #tpu.memory_space<vmem>>
      %dma_wait3A_2106 = arith.constant 0 : i32
      %dma_wait3A_2107 = tpu.memref_slice %arg5[%dma_wait3A_2106, %min3A_745] : memref<16x1000000xf32, #tpu.memory_space<hbm>> -> memref<16x128xf32, #tpu.memory_space<hbm>>
      tpu.wait_dma2 semaphore(%arg18 : memref<!tpu.dma_semaphore, #tpu.memory_space<semaphore_mem>>) src(%dma_wait3A_2107 : memref<16x128xf32, #tpu.memory_space<hbm>>) dst(%dma_wait3A_2105 : memref<16x128xf32, #tpu.memory_space<vmem>>)
      %slice3A_2108 = vector.extract_strided_slice %get3A_112 {offsets = [14], sizes = [1], strides = [1]} : vector<16xi32> to vector<1xi32>
      %squeeze3A_2109 = vector.extract %slice3A_2108[0] : i32 from vector<1xi32>
      %shift_right_arithmetic3A_2110 = arith.constant 7 : i32
      %shift_right_arithmetic3A_2111 = arith.shrsi %squeeze3A_2109, %shift_right_arithmetic3A_2110 : i32
      %mul3A_2112 = arith.constant 128 : i32
      %mul3A_2113 = arith.muli %shift_right_arithmetic3A_2111, %mul3A_2112 : i32
      %min3A_2114 = arith.constant 999808 : i32
      %min3A_2115 = arith.minsi %mul3A_2113, %min3A_2114 : i32
      %sub3A_2116 = arith.subi %squeeze3A_2109, %min3A_2115 : i32
      %broadcast_in_dim3A_2117 = arith.constant 14 : i32
      %broadcast_in_dim3A_2118 = vector.broadcast %broadcast_in_dim3A_2117 : i32 to vector<16xi32>
      %min3A_2119 = arith.constant 127 : i32
      %min3A_2120 = arith.minsi %sub3A_2116, %min3A_2119 : i32
      %broadcast_in_dim3A_2121 = vector.broadcast %min3A_2120 : i32 to vector<16xi32>
      %sub3A_2122 = arith.constant 128 : i32
      %sub3A_2123 = arith.subi %sub3A_2116, %sub3A_2122 : i32
      %max3A_2124 = arith.constant 0 : i32
      %max3A_2125 = arith.maxsi %sub3A_2123, %max3A_2124 : i32
      %broadcast_in_dim3A_2126 = vector.broadcast %max3A_2125 : i32 to vector<16xi32>
      %gather3A_2127 = tpu.vector_load_idx %arg11[%broadcast_in_dim3A_2118, %iota3A, %broadcast_in_dim3A_2121] : memref<16x16x128xf32, #tpu.memory_space<vmem>>[vector<16xi32>, vector<16xi32>, vector<16xi32>], vector<16xf32>,
      %gather3A_2128 = tpu.vector_load_idx %arg13[%iota3A, %broadcast_in_dim3A_2126] : memref<16x64xf32, #tpu.memory_space<vmem>>[vector<16xi32>, vector<16xi32>], vector<16xf32>,
      %lt3A_2129 = arith.constant 128 : i32
      %lt3A_2130 = arith.cmpi slt, %sub3A_2116, %lt3A_2129 : i32
      %select_n3A_2131 = arith.select %lt3A_2130, %gather3A_2127, %gather3A_2128 : vector<16xf32>
      %mul3A_2132 = arith.constant 2 : i32
      %mul3A_2133 = arith.muli %scan3A_33, %mul3A_2132 : i32
      %add3A_2134 = arith.constant 1 : i32
      %add3A_2135 = arith.addi %mul3A_2133, %add3A_2134 : i32
      %swap3A_2136 = arith.index_cast %add3A_2135 : i32 to index
      %swap3A_2137 = arith.constant 96 : index
      %swap3A_2138 = tpu.vector_load %arg15[%swap3A_2136, %swap3A_2137] {strides = array<i32>} : memref<64x128xf32, #tpu.memory_space<vmem>>, vector<16xf32>,
      tpu.vector_store %arg15[%swap3A_2136, %swap3A_2137], %select_n3A_2131 {strides = array<i32>} : memref<64x128xf32, #tpu.memory_space<vmem>>, vector<16xf32>,
      %dma_wait3A_2139 = arith.constant 15 : i32
      %dma_wait3A_2140 = arith.constant 0 : i32
      %dma_wait3A_2141 = arith.constant 0 : i32
      %dma_wait3A_2142 = tpu.memref_slice %arg11[%dma_wait3A_2139, %dma_wait3A_2140, %dma_wait3A_2141] : memref<16x16x128xf32, #tpu.memory_space<vmem>> -> memref<1x16x128xf32, #tpu.memory_space<vmem>>
      %dma_wait3A_2143 = tpu.memref_squeeze %dma_wait3A_2142 : memref<1x16x128xf32, #tpu.memory_space<vmem>> -> memref<16x128xf32, #tpu.memory_space<vmem>>
      %dma_wait3A_2144 = arith.constant 0 : i32
      %dma_wait3A_2145 = tpu.memref_slice %arg5[%dma_wait3A_2144, %min3A_766] : memref<16x1000000xf32, #tpu.memory_space<hbm>> -> memref<16x128xf32, #tpu.memory_space<hbm>>
      %dma_wait3A_2146 = arith.constant 0 : i32
      %dma_wait3A_2147 = arith.constant 0 : i32
      %dma_wait3A_2148 = tpu.memref_slice %arg11[%dma_wait3A_2139, %dma_wait3A_2146, %dma_wait3A_2147] : memref<16x16x128xf32, #tpu.memory_space<vmem>> -> memref<1x16x128xf32, #tpu.memory_space<vmem>>
      %dma_wait3A_2149 = tpu.memref_squeeze %dma_wait3A_2148 : memref<1x16x128xf32, #tpu.memory_space<vmem>> -> memref<16x128xf32, #tpu.memory_space<vmem>>
      %dma_wait3A_2150 = arith.constant 0 : i32
      %dma_wait3A_2151 = tpu.memref_slice %arg5[%dma_wait3A_2150, %min3A_766] : memref<16x1000000xf32, #tpu.memory_space<hbm>> -> memref<16x128xf32, #tpu.memory_space<hbm>>
      tpu.wait_dma2 semaphore(%arg18 : memref<!tpu.dma_semaphore, #tpu.memory_space<semaphore_mem>>) src(%dma_wait3A_2151 : memref<16x128xf32, #tpu.memory_space<hbm>>) dst(%dma_wait3A_2149 : memref<16x128xf32, #tpu.memory_space<vmem>>)
      %slice3A_2152 = vector.extract_strided_slice %get3A_112 {offsets = [15], sizes = [1], strides = [1]} : vector<16xi32> to vector<1xi32>
      %squeeze3A_2153 = vector.extract %slice3A_2152[0] : i32 from vector<1xi32>
      %shift_right_arithmetic3A_2154 = arith.constant 7 : i32
      %shift_right_arithmetic3A_2155 = arith.shrsi %squeeze3A_2153, %shift_right_arithmetic3A_2154 : i32
      %mul3A_2156 = arith.constant 128 : i32
      %mul3A_2157 = arith.muli %shift_right_arithmetic3A_2155, %mul3A_2156 : i32
      %min3A_2158 = arith.constant 999808 : i32
      %min3A_2159 = arith.minsi %mul3A_2157, %min3A_2158 : i32
      %sub3A_2160 = arith.subi %squeeze3A_2153, %min3A_2159 : i32
      %broadcast_in_dim3A_2161 = arith.constant 15 : i32
      %broadcast_in_dim3A_2162 = vector.broadcast %broadcast_in_dim3A_2161 : i32 to vector<16xi32>
      %min3A_2163 = arith.constant 127 : i32
      %min3A_2164 = arith.minsi %sub3A_2160, %min3A_2163 : i32
      %broadcast_in_dim3A_2165 = vector.broadcast %min3A_2164 : i32 to vector<16xi32>
      %sub3A_2166 = arith.constant 128 : i32
      %sub3A_2167 = arith.subi %sub3A_2160, %sub3A_2166 : i32
      %max3A_2168 = arith.constant 0 : i32
      %max3A_2169 = arith.maxsi %sub3A_2167, %max3A_2168 : i32
      %broadcast_in_dim3A_2170 = vector.broadcast %max3A_2169 : i32 to vector<16xi32>
      %gather3A_2171 = tpu.vector_load_idx %arg11[%broadcast_in_dim3A_2162, %iota3A, %broadcast_in_dim3A_2165] : memref<16x16x128xf32, #tpu.memory_space<vmem>>[vector<16xi32>, vector<16xi32>, vector<16xi32>], vector<16xf32>,
      %gather3A_2172 = tpu.vector_load_idx %arg13[%iota3A, %broadcast_in_dim3A_2170] : memref<16x64xf32, #tpu.memory_space<vmem>>[vector<16xi32>, vector<16xi32>], vector<16xf32>,
      %lt3A_2173 = arith.constant 128 : i32
      %lt3A_2174 = arith.cmpi slt, %sub3A_2160, %lt3A_2173 : i32
      %select_n3A_2175 = arith.select %lt3A_2174, %gather3A_2171, %gather3A_2172 : vector<16xf32>
      %mul3A_2176 = arith.constant 2 : i32
      %mul3A_2177 = arith.muli %scan3A_33, %mul3A_2176 : i32
      %add3A_2178 = arith.constant 1 : i32
      %add3A_2179 = arith.addi %mul3A_2177, %add3A_2178 : i32
      %swap3A_2180 = arith.index_cast %add3A_2179 : i32 to index
      %swap3A_2181 = arith.constant 112 : index
      %swap3A_2182 = tpu.vector_load %arg15[%swap3A_2180, %swap3A_2181] {strides = array<i32>} : memref<64x128xf32, #tpu.memory_space<vmem>>, vector<16xf32>,
      tpu.vector_store %arg15[%swap3A_2180, %swap3A_2181], %select_n3A_2175 {strides = array<i32>} : memref<64x128xf32, #tpu.memory_space<vmem>>, vector<16xf32>,
      %mul3A_2183 = arith.constant 16 : i32
      %mul3A_2184 = arith.muli %scan3A_33, %mul3A_2183 : i32
      %add3A_2185 = vector.broadcast %mul3A_2184 : i32 to vector<16xi32>
      %add3A_2186 = arith.addi %add3A_2185, %iota3A : vector<16xi32>
      %shift_right_arithmetic3A_2187 = arith.constant 3 : i32
      %shift_right_arithmetic3A_2188 = vector.broadcast %shift_right_arithmetic3A_2187 : i32 to vector<16xi32>
      %shift_right_arithmetic3A_2189 = arith.shrsi %add3A_2186, %shift_right_arithmetic3A_2188 : vector<16xi32>
      %and3A_2190 = arith.constant 7 : i32
      %and3A_2191 = vector.broadcast %and3A_2190 : i32 to vector<16xi32>
      %and3A_2192 = arith.andi %add3A_2186, %and3A_2191 : vector<16xi32>
      %mul3A_2193 = arith.constant 16 : i32
      %mul3A_2194 = vector.broadcast %mul3A_2193 : i32 to vector<16xi32>
      %mul3A_2195 = arith.muli %and3A_2192, %mul3A_2194 : vector<16xi32>
      %broadcast_in_dim3A_2196 = arith.constant 0.000000e+00 : f32
      %broadcast_in_dim3A_2197 = vector.broadcast %broadcast_in_dim3A_2196 : f32 to vector<16xf32>
      %broadcast_in_dim3A_2198 = arith.constant 0.000000e+00 : f32
      %broadcast_in_dim3A_2199 = vector.broadcast %broadcast_in_dim3A_2198 : f32 to vector<16xf32>
      %add3A_2200 = arith.constant 0 : i32
      %add3A_2201 = vector.broadcast %add3A_2200 : i32 to vector<16xi32>
      %add3A_2202 = arith.addi %mul3A_2195, %add3A_2201 : vector<16xi32>
      %gather3A_2203 = tpu.vector_load_idx %arg14[%shift_right_arithmetic3A_2189, %add3A_2202] : memref<64x128xf32, #tpu.memory_space<vmem>>[vector<16xi32>, vector<16xi32>], vector<16xf32>,
      %gather3A_2204 = tpu.vector_load_idx %arg15[%shift_right_arithmetic3A_2189, %add3A_2202] : memref<64x128xf32, #tpu.memory_space<vmem>>[vector<16xi32>, vector<16xi32>], vector<16xf32>,
      %mul3A_2205 = arith.mulf %gather3A_2203, %gather3A_2204 : vector<16xf32>
      tpu.vector_store_idx %arg16[%shift_right_arithmetic3A_2189, %add3A_2202], %mul3A_2205 : memref<64x128xf32, #tpu.memory_space<vmem>>[vector<16xi32>, vector<16xi32>], vector<16xf32>,
      %mul3A_2206 = arith.mulf %gather3A_2203, %gather3A_2203 : vector<16xf32>
      %add3A_2207 = arith.addf %broadcast_in_dim3A_2197, %mul3A_2206 : vector<16xf32>
      %mul3A_2208 = arith.mulf %gather3A_2204, %gather3A_2204 : vector<16xf32>
      %add3A_2209 = arith.addf %broadcast_in_dim3A_2199, %mul3A_2208 : vector<16xf32>
      %add3A_2210 = arith.constant 1 : i32
      %add3A_2211 = vector.broadcast %add3A_2210 : i32 to vector<16xi32>
      %add3A_2212 = arith.addi %mul3A_2195, %add3A_2211 : vector<16xi32>
      %gather3A_2213 = tpu.vector_load_idx %arg14[%shift_right_arithmetic3A_2189, %add3A_2212] : memref<64x128xf32, #tpu.memory_space<vmem>>[vector<16xi32>, vector<16xi32>], vector<16xf32>,
      %gather3A_2214 = tpu.vector_load_idx %arg15[%shift_right_arithmetic3A_2189, %add3A_2212] : memref<64x128xf32, #tpu.memory_space<vmem>>[vector<16xi32>, vector<16xi32>], vector<16xf32>,
      %mul3A_2215 = arith.mulf %gather3A_2213, %gather3A_2214 : vector<16xf32>
      tpu.vector_store_idx %arg16[%shift_right_arithmetic3A_2189, %add3A_2212], %mul3A_2215 : memref<64x128xf32, #tpu.memory_space<vmem>>[vector<16xi32>, vector<16xi32>], vector<16xf32>,
      %mul3A_2216 = arith.mulf %gather3A_2213, %gather3A_2213 : vector<16xf32>
      %add3A_2217 = arith.addf %add3A_2207, %mul3A_2216 : vector<16xf32>
      %mul3A_2218 = arith.mulf %gather3A_2214, %gather3A_2214 : vector<16xf32>
      %add3A_2219 = arith.addf %add3A_2209, %mul3A_2218 : vector<16xf32>
      %add3A_2220 = arith.constant 2 : i32
      %add3A_2221 = vector.broadcast %add3A_2220 : i32 to vector<16xi32>
      %add3A_2222 = arith.addi %mul3A_2195, %add3A_2221 : vector<16xi32>
      %gather3A_2223 = tpu.vector_load_idx %arg14[%shift_right_arithmetic3A_2189, %add3A_2222] : memref<64x128xf32, #tpu.memory_space<vmem>>[vector<16xi32>, vector<16xi32>], vector<16xf32>,
      %gather3A_2224 = tpu.vector_load_idx %arg15[%shift_right_arithmetic3A_2189, %add3A_2222] : memref<64x128xf32, #tpu.memory_space<vmem>>[vector<16xi32>, vector<16xi32>], vector<16xf32>,
      %mul3A_2225 = arith.mulf %gather3A_2223, %gather3A_2224 : vector<16xf32>
      tpu.vector_store_idx %arg16[%shift_right_arithmetic3A_2189, %add3A_2222], %mul3A_2225 : memref<64x128xf32, #tpu.memory_space<vmem>>[vector<16xi32>, vector<16xi32>], vector<16xf32>,
      %mul3A_2226 = arith.mulf %gather3A_2223, %gather3A_2223 : vector<16xf32>
      %add3A_2227 = arith.addf %add3A_2217, %mul3A_2226 : vector<16xf32>
      %mul3A_2228 = arith.mulf %gather3A_2224, %gather3A_2224 : vector<16xf32>
      %add3A_2229 = arith.addf %add3A_2219, %mul3A_2228 : vector<16xf32>
      %add3A_2230 = arith.constant 3 : i32
      %add3A_2231 = vector.broadcast %add3A_2230 : i32 to vector<16xi32>
      %add3A_2232 = arith.addi %mul3A_2195, %add3A_2231 : vector<16xi32>
      %gather3A_2233 = tpu.vector_load_idx %arg14[%shift_right_arithmetic3A_2189, %add3A_2232] : memref<64x128xf32, #tpu.memory_space<vmem>>[vector<16xi32>, vector<16xi32>], vector<16xf32>,
      %gather3A_2234 = tpu.vector_load_idx %arg15[%shift_right_arithmetic3A_2189, %add3A_2232] : memref<64x128xf32, #tpu.memory_space<vmem>>[vector<16xi32>, vector<16xi32>], vector<16xf32>,
      %mul3A_2235 = arith.mulf %gather3A_2233, %gather3A_2234 : vector<16xf32>
      tpu.vector_store_idx %arg16[%shift_right_arithmetic3A_2189, %add3A_2232], %mul3A_2235 : memref<64x128xf32, #tpu.memory_space<vmem>>[vector<16xi32>, vector<16xi32>], vector<16xf32>,
      %mul3A_2236 = arith.mulf %gather3A_2233, %gather3A_2233 : vector<16xf32>
      %add3A_2237 = arith.addf %add3A_2227, %mul3A_2236 : vector<16xf32>
      %mul3A_2238 = arith.mulf %gather3A_2234, %gather3A_2234 : vector<16xf32>
      %add3A_2239 = arith.addf %add3A_2229, %mul3A_2238 : vector<16xf32>
      %add3A_2240 = arith.constant 4 : i32
      %add3A_2241 = vector.broadcast %add3A_2240 : i32 to vector<16xi32>
      %add3A_2242 = arith.addi %mul3A_2195, %add3A_2241 : vector<16xi32>
      %gather3A_2243 = tpu.vector_load_idx %arg14[%shift_right_arithmetic3A_2189, %add3A_2242] : memref<64x128xf32, #tpu.memory_space<vmem>>[vector<16xi32>, vector<16xi32>], vector<16xf32>,
      %gather3A_2244 = tpu.vector_load_idx %arg15[%shift_right_arithmetic3A_2189, %add3A_2242] : memref<64x128xf32, #tpu.memory_space<vmem>>[vector<16xi32>, vector<16xi32>], vector<16xf32>,
      %mul3A_2245 = arith.mulf %gather3A_2243, %gather3A_2244 : vector<16xf32>
      tpu.vector_store_idx %arg16[%shift_right_arithmetic3A_2189, %add3A_2242], %mul3A_2245 : memref<64x128xf32, #tpu.memory_space<vmem>>[vector<16xi32>, vector<16xi32>], vector<16xf32>,
      %mul3A_2246 = arith.mulf %gather3A_2243, %gather3A_2243 : vector<16xf32>
      %add3A_2247 = arith.addf %add3A_2237, %mul3A_2246 : vector<16xf32>
      %mul3A_2248 = arith.mulf %gather3A_2244, %gather3A_2244 : vector<16xf32>
      %add3A_2249 = arith.addf %add3A_2239, %mul3A_2248 : vector<16xf32>
      %add3A_2250 = arith.constant 5 : i32
      %add3A_2251 = vector.broadcast %add3A_2250 : i32 to vector<16xi32>
      %add3A_2252 = arith.addi %mul3A_2195, %add3A_2251 : vector<16xi32>
      %gather3A_2253 = tpu.vector_load_idx %arg14[%shift_right_arithmetic3A_2189, %add3A_2252] : memref<64x128xf32, #tpu.memory_space<vmem>>[vector<16xi32>, vector<16xi32>], vector<16xf32>,
      %gather3A_2254 = tpu.vector_load_idx %arg15[%shift_right_arithmetic3A_2189, %add3A_2252] : memref<64x128xf32, #tpu.memory_space<vmem>>[vector<16xi32>, vector<16xi32>], vector<16xf32>,
      %mul3A_2255 = arith.mulf %gather3A_2253, %gather3A_2254 : vector<16xf32>
      tpu.vector_store_idx %arg16[%shift_right_arithmetic3A_2189, %add3A_2252], %mul3A_2255 : memref<64x128xf32, #tpu.memory_space<vmem>>[vector<16xi32>, vector<16xi32>], vector<16xf32>,
      %mul3A_2256 = arith.mulf %gather3A_2253, %gather3A_2253 : vector<16xf32>
      %add3A_2257 = arith.addf %add3A_2247, %mul3A_2256 : vector<16xf32>
      %mul3A_2258 = arith.mulf %gather3A_2254, %gather3A_2254 : vector<16xf32>
      %add3A_2259 = arith.addf %add3A_2249, %mul3A_2258 : vector<16xf32>
      %add3A_2260 = arith.constant 6 : i32
      %add3A_2261 = vector.broadcast %add3A_2260 : i32 to vector<16xi32>
      %add3A_2262 = arith.addi %mul3A_2195, %add3A_2261 : vector<16xi32>
      %gather3A_2263 = tpu.vector_load_idx %arg14[%shift_right_arithmetic3A_2189, %add3A_2262] : memref<64x128xf32, #tpu.memory_space<vmem>>[vector<16xi32>, vector<16xi32>], vector<16xf32>,
      %gather3A_2264 = tpu.vector_load_idx %arg15[%shift_right_arithmetic3A_2189, %add3A_2262] : memref<64x128xf32, #tpu.memory_space<vmem>>[vector<16xi32>, vector<16xi32>], vector<16xf32>,
      %mul3A_2265 = arith.mulf %gather3A_2263, %gather3A_2264 : vector<16xf32>
      tpu.vector_store_idx %arg16[%shift_right_arithmetic3A_2189, %add3A_2262], %mul3A_2265 : memref<64x128xf32, #tpu.memory_space<vmem>>[vector<16xi32>, vector<16xi32>], vector<16xf32>,
      %mul3A_2266 = arith.mulf %gather3A_2263, %gather3A_2263 : vector<16xf32>
      %add3A_2267 = arith.addf %add3A_2257, %mul3A_2266 : vector<16xf32>
      %mul3A_2268 = arith.mulf %gather3A_2264, %gather3A_2264 : vector<16xf32>
      %add3A_2269 = arith.addf %add3A_2259, %mul3A_2268 : vector<16xf32>
      %add3A_2270 = arith.constant 7 : i32
      %add3A_2271 = vector.broadcast %add3A_2270 : i32 to vector<16xi32>
      %add3A_2272 = arith.addi %mul3A_2195, %add3A_2271 : vector<16xi32>
      %gather3A_2273 = tpu.vector_load_idx %arg14[%shift_right_arithmetic3A_2189, %add3A_2272] : memref<64x128xf32, #tpu.memory_space<vmem>>[vector<16xi32>, vector<16xi32>], vector<16xf32>,
      %gather3A_2274 = tpu.vector_load_idx %arg15[%shift_right_arithmetic3A_2189, %add3A_2272] : memref<64x128xf32, #tpu.memory_space<vmem>>[vector<16xi32>, vector<16xi32>], vector<16xf32>,
      %mul3A_2275 = arith.mulf %gather3A_2273, %gather3A_2274 : vector<16xf32>
      tpu.vector_store_idx %arg16[%shift_right_arithmetic3A_2189, %add3A_2272], %mul3A_2275 : memref<64x128xf32, #tpu.memory_space<vmem>>[vector<16xi32>, vector<16xi32>], vector<16xf32>,
      %mul3A_2276 = arith.mulf %gather3A_2273, %gather3A_2273 : vector<16xf32>
      %add3A_2277 = arith.addf %add3A_2267, %mul3A_2276 : vector<16xf32>
      %mul3A_2278 = arith.mulf %gather3A_2274, %gather3A_2274 : vector<16xf32>
      %add3A_2279 = arith.addf %add3A_2269, %mul3A_2278 : vector<16xf32>
      %add3A_2280 = arith.constant 8 : i32
      %add3A_2281 = vector.broadcast %add3A_2280 : i32 to vector<16xi32>
      %add3A_2282 = arith.addi %mul3A_2195, %add3A_2281 : vector<16xi32>
      %gather3A_2283 = tpu.vector_load_idx %arg14[%shift_right_arithmetic3A_2189, %add3A_2282] : memref<64x128xf32, #tpu.memory_space<vmem>>[vector<16xi32>, vector<16xi32>], vector<16xf32>,
      %gather3A_2284 = tpu.vector_load_idx %arg15[%shift_right_arithmetic3A_2189, %add3A_2282] : memref<64x128xf32, #tpu.memory_space<vmem>>[vector<16xi32>, vector<16xi32>], vector<16xf32>,
      %mul3A_2285 = arith.mulf %gather3A_2283, %gather3A_2284 : vector<16xf32>
      tpu.vector_store_idx %arg16[%shift_right_arithmetic3A_2189, %add3A_2282], %mul3A_2285 : memref<64x128xf32, #tpu.memory_space<vmem>>[vector<16xi32>, vector<16xi32>], vector<16xf32>,
      %mul3A_2286 = arith.mulf %gather3A_2283, %gather3A_2283 : vector<16xf32>
      %add3A_2287 = arith.addf %add3A_2277, %mul3A_2286 : vector<16xf32>
      %mul3A_2288 = arith.mulf %gather3A_2284, %gather3A_2284 : vector<16xf32>
      %add3A_2289 = arith.addf %add3A_2279, %mul3A_2288 : vector<16xf32>
      %add3A_2290 = arith.constant 9 : i32
      %add3A_2291 = vector.broadcast %add3A_2290 : i32 to vector<16xi32>
      %add3A_2292 = arith.addi %mul3A_2195, %add3A_2291 : vector<16xi32>
      %gather3A_2293 = tpu.vector_load_idx %arg14[%shift_right_arithmetic3A_2189, %add3A_2292] : memref<64x128xf32, #tpu.memory_space<vmem>>[vector<16xi32>, vector<16xi32>], vector<16xf32>,
      %gather3A_2294 = tpu.vector_load_idx %arg15[%shift_right_arithmetic3A_2189, %add3A_2292] : memref<64x128xf32, #tpu.memory_space<vmem>>[vector<16xi32>, vector<16xi32>], vector<16xf32>,
      %mul3A_2295 = arith.mulf %gather3A_2293, %gather3A_2294 : vector<16xf32>
      tpu.vector_store_idx %arg16[%shift_right_arithmetic3A_2189, %add3A_2292], %mul3A_2295 : memref<64x128xf32, #tpu.memory_space<vmem>>[vector<16xi32>, vector<16xi32>], vector<16xf32>,
      %mul3A_2296 = arith.mulf %gather3A_2293, %gather3A_2293 : vector<16xf32>
      %add3A_2297 = arith.addf %add3A_2287, %mul3A_2296 : vector<16xf32>
      %mul3A_2298 = arith.mulf %gather3A_2294, %gather3A_2294 : vector<16xf32>
      %add3A_2299 = arith.addf %add3A_2289, %mul3A_2298 : vector<16xf32>
      %add3A_2300 = arith.constant 10 : i32
      %add3A_2301 = vector.broadcast %add3A_2300 : i32 to vector<16xi32>
      %add3A_2302 = arith.addi %mul3A_2195, %add3A_2301 : vector<16xi32>
      %gather3A_2303 = tpu.vector_load_idx %arg14[%shift_right_arithmetic3A_2189, %add3A_2302] : memref<64x128xf32, #tpu.memory_space<vmem>>[vector<16xi32>, vector<16xi32>], vector<16xf32>,
      %gather3A_2304 = tpu.vector_load_idx %arg15[%shift_right_arithmetic3A_2189, %add3A_2302] : memref<64x128xf32, #tpu.memory_space<vmem>>[vector<16xi32>, vector<16xi32>], vector<16xf32>,
      %mul3A_2305 = arith.mulf %gather3A_2303, %gather3A_2304 : vector<16xf32>
      tpu.vector_store_idx %arg16[%shift_right_arithmetic3A_2189, %add3A_2302], %mul3A_2305 : memref<64x128xf32, #tpu.memory_space<vmem>>[vector<16xi32>, vector<16xi32>], vector<16xf32>,
      %mul3A_2306 = arith.mulf %gather3A_2303, %gather3A_2303 : vector<16xf32>
      %add3A_2307 = arith.addf %add3A_2297, %mul3A_2306 : vector<16xf32>
      %mul3A_2308 = arith.mulf %gather3A_2304, %gather3A_2304 : vector<16xf32>
      %add3A_2309 = arith.addf %add3A_2299, %mul3A_2308 : vector<16xf32>
      %add3A_2310 = arith.constant 11 : i32
      %add3A_2311 = vector.broadcast %add3A_2310 : i32 to vector<16xi32>
      %add3A_2312 = arith.addi %mul3A_2195, %add3A_2311 : vector<16xi32>
      %gather3A_2313 = tpu.vector_load_idx %arg14[%shift_right_arithmetic3A_2189, %add3A_2312] : memref<64x128xf32, #tpu.memory_space<vmem>>[vector<16xi32>, vector<16xi32>], vector<16xf32>,
      %gather3A_2314 = tpu.vector_load_idx %arg15[%shift_right_arithmetic3A_2189, %add3A_2312] : memref<64x128xf32, #tpu.memory_space<vmem>>[vector<16xi32>, vector<16xi32>], vector<16xf32>,
      %mul3A_2315 = arith.mulf %gather3A_2313, %gather3A_2314 : vector<16xf32>
      tpu.vector_store_idx %arg16[%shift_right_arithmetic3A_2189, %add3A_2312], %mul3A_2315 : memref<64x128xf32, #tpu.memory_space<vmem>>[vector<16xi32>, vector<16xi32>], vector<16xf32>,
      %mul3A_2316 = arith.mulf %gather3A_2313, %gather3A_2313 : vector<16xf32>
      %add3A_2317 = arith.addf %add3A_2307, %mul3A_2316 : vector<16xf32>
      %mul3A_2318 = arith.mulf %gather3A_2314, %gather3A_2314 : vector<16xf32>
      %add3A_2319 = arith.addf %add3A_2309, %mul3A_2318 : vector<16xf32>
      %add3A_2320 = arith.constant 12 : i32
      %add3A_2321 = vector.broadcast %add3A_2320 : i32 to vector<16xi32>
      %add3A_2322 = arith.addi %mul3A_2195, %add3A_2321 : vector<16xi32>
      %gather3A_2323 = tpu.vector_load_idx %arg14[%shift_right_arithmetic3A_2189, %add3A_2322] : memref<64x128xf32, #tpu.memory_space<vmem>>[vector<16xi32>, vector<16xi32>], vector<16xf32>,
      %gather3A_2324 = tpu.vector_load_idx %arg15[%shift_right_arithmetic3A_2189, %add3A_2322] : memref<64x128xf32, #tpu.memory_space<vmem>>[vector<16xi32>, vector<16xi32>], vector<16xf32>,
      %mul3A_2325 = arith.mulf %gather3A_2323, %gather3A_2324 : vector<16xf32>
      tpu.vector_store_idx %arg16[%shift_right_arithmetic3A_2189, %add3A_2322], %mul3A_2325 : memref<64x128xf32, #tpu.memory_space<vmem>>[vector<16xi32>, vector<16xi32>], vector<16xf32>,
      %mul3A_2326 = arith.mulf %gather3A_2323, %gather3A_2323 : vector<16xf32>
      %add3A_2327 = arith.addf %add3A_2317, %mul3A_2326 : vector<16xf32>
      %mul3A_2328 = arith.mulf %gather3A_2324, %gather3A_2324 : vector<16xf32>
      %add3A_2329 = arith.addf %add3A_2319, %mul3A_2328 : vector<16xf32>
      %add3A_2330 = arith.constant 13 : i32
      %add3A_2331 = vector.broadcast %add3A_2330 : i32 to vector<16xi32>
      %add3A_2332 = arith.addi %mul3A_2195, %add3A_2331 : vector<16xi32>
      %gather3A_2333 = tpu.vector_load_idx %arg14[%shift_right_arithmetic3A_2189, %add3A_2332] : memref<64x128xf32, #tpu.memory_space<vmem>>[vector<16xi32>, vector<16xi32>], vector<16xf32>,
      %gather3A_2334 = tpu.vector_load_idx %arg15[%shift_right_arithmetic3A_2189, %add3A_2332] : memref<64x128xf32, #tpu.memory_space<vmem>>[vector<16xi32>, vector<16xi32>], vector<16xf32>,
      %mul3A_2335 = arith.mulf %gather3A_2333, %gather3A_2334 : vector<16xf32>
      tpu.vector_store_idx %arg16[%shift_right_arithmetic3A_2189, %add3A_2332], %mul3A_2335 : memref<64x128xf32, #tpu.memory_space<vmem>>[vector<16xi32>, vector<16xi32>], vector<16xf32>,
      %mul3A_2336 = arith.mulf %gather3A_2333, %gather3A_2333 : vector<16xf32>
      %add3A_2337 = arith.addf %add3A_2327, %mul3A_2336 : vector<16xf32>
      %mul3A_2338 = arith.mulf %gather3A_2334, %gather3A_2334 : vector<16xf32>
      %add3A_2339 = arith.addf %add3A_2329, %mul3A_2338 : vector<16xf32>
      %add3A_2340 = arith.constant 14 : i32
      %add3A_2341 = vector.broadcast %add3A_2340 : i32 to vector<16xi32>
      %add3A_2342 = arith.addi %mul3A_2195, %add3A_2341 : vector<16xi32>
      %gather3A_2343 = tpu.vector_load_idx %arg14[%shift_right_arithmetic3A_2189, %add3A_2342] : memref<64x128xf32, #tpu.memory_space<vmem>>[vector<16xi32>, vector<16xi32>], vector<16xf32>,
      %gather3A_2344 = tpu.vector_load_idx %arg15[%shift_right_arithmetic3A_2189, %add3A_2342] : memref<64x128xf32, #tpu.memory_space<vmem>>[vector<16xi32>, vector<16xi32>], vector<16xf32>,
      %mul3A_2345 = arith.mulf %gather3A_2343, %gather3A_2344 : vector<16xf32>
      tpu.vector_store_idx %arg16[%shift_right_arithmetic3A_2189, %add3A_2342], %mul3A_2345 : memref<64x128xf32, #tpu.memory_space<vmem>>[vector<16xi32>, vector<16xi32>], vector<16xf32>,
      %mul3A_2346 = arith.mulf %gather3A_2343, %gather3A_2343 : vector<16xf32>
      %add3A_2347 = arith.addf %add3A_2337, %mul3A_2346 : vector<16xf32>
      %mul3A_2348 = arith.mulf %gather3A_2344, %gather3A_2344 : vector<16xf32>
      %add3A_2349 = arith.addf %add3A_2339, %mul3A_2348 : vector<16xf32>
      %add3A_2350 = arith.constant 15 : i32
      %add3A_2351 = vector.broadcast %add3A_2350 : i32 to vector<16xi32>
      %add3A_2352 = arith.addi %mul3A_2195, %add3A_2351 : vector<16xi32>
      %gather3A_2353 = tpu.vector_load_idx %arg14[%shift_right_arithmetic3A_2189, %add3A_2352] : memref<64x128xf32, #tpu.memory_space<vmem>>[vector<16xi32>, vector<16xi32>], vector<16xf32>,
      %gather3A_2354 = tpu.vector_load_idx %arg15[%shift_right_arithmetic3A_2189, %add3A_2352] : memref<64x128xf32, #tpu.memory_space<vmem>>[vector<16xi32>, vector<16xi32>], vector<16xf32>,
      %mul3A_2355 = arith.mulf %gather3A_2353, %gather3A_2354 : vector<16xf32>
      tpu.vector_store_idx %arg16[%shift_right_arithmetic3A_2189, %add3A_2352], %mul3A_2355 : memref<64x128xf32, #tpu.memory_space<vmem>>[vector<16xi32>, vector<16xi32>], vector<16xf32>,
      %mul3A_2356 = arith.mulf %gather3A_2353, %gather3A_2353 : vector<16xf32>
      %add3A_2357 = arith.addf %add3A_2347, %mul3A_2356 : vector<16xf32>
      %mul3A_2358 = arith.mulf %gather3A_2354, %gather3A_2354 : vector<16xf32>
      %add3A_2359 = arith.addf %add3A_2349, %mul3A_2358 : vector<16xf32>
      %bitcast_convert_type3A = tpu.bitcast %add3A_2357 : vector<16xf32> -> vector<16xi32>
      %shift_right_arithmetic3A_2360 = arith.constant 1 : i32
      %shift_right_arithmetic3A_2361 = vector.broadcast %shift_right_arithmetic3A_2360 : i32 to vector<16xi32>
      %shift_right_arithmetic3A_2362 = arith.shrsi %bitcast_convert_type3A, %shift_right_arithmetic3A_2361 : vector<16xi32>
      %sub3A_2363 = arith.constant 1597463007 : i32
      %sub3A_2364 = vector.broadcast %sub3A_2363 : i32 to vector<16xi32>
      %sub3A_2365 = arith.subi %sub3A_2364, %shift_right_arithmetic3A_2362 : vector<16xi32>
      %bitcast_convert_type3A_2366 = tpu.bitcast %sub3A_2365 : vector<16xi32> -> vector<16xf32>
      %mul3A_2367 = arith.constant 5.000000e-01 : f32
      %mul3A_2368 = vector.broadcast %mul3A_2367 : f32 to vector<16xf32>
      %mul3A_2369 = arith.mulf %mul3A_2368, %add3A_2357 : vector<16xf32>
      %mul3A_2370 = arith.mulf %mul3A_2369, %bitcast_convert_type3A_2366 : vector<16xf32>
      %mul3A_2371 = arith.mulf %mul3A_2370, %bitcast_convert_type3A_2366 : vector<16xf32>
      %sub3A_2372 = arith.constant 1.500000e+00 : f32
      %sub3A_2373 = vector.broadcast %sub3A_2372 : f32 to vector<16xf32>
      %sub3A_2374 = arith.subf %sub3A_2373, %mul3A_2371 : vector<16xf32>
      %mul3A_2375 = arith.mulf %bitcast_convert_type3A_2366, %sub3A_2374 : vector<16xf32>
      %mul3A_2376 = arith.constant 5.000000e-01 : f32
      %mul3A_2377 = vector.broadcast %mul3A_2376 : f32 to vector<16xf32>
      %mul3A_2378 = arith.mulf %mul3A_2377, %add3A_2357 : vector<16xf32>
      %mul3A_2379 = arith.mulf %mul3A_2378, %mul3A_2375 : vector<16xf32>
      %mul3A_2380 = arith.mulf %mul3A_2379, %mul3A_2375 : vector<16xf32>
      %sub3A_2381 = arith.constant 1.500000e+00 : f32
      %sub3A_2382 = vector.broadcast %sub3A_2381 : f32 to vector<16xf32>
      %sub3A_2383 = arith.subf %sub3A_2382, %mul3A_2380 : vector<16xf32>
      %mul3A_2384 = arith.mulf %mul3A_2375, %sub3A_2383 : vector<16xf32>
      %mul3A_2385 = arith.constant 5.000000e-01 : f32
      %mul3A_2386 = vector.broadcast %mul3A_2385 : f32 to vector<16xf32>
      %mul3A_2387 = arith.mulf %mul3A_2386, %add3A_2357 : vector<16xf32>
      %mul3A_2388 = arith.mulf %mul3A_2387, %mul3A_2384 : vector<16xf32>
      %mul3A_2389 = arith.mulf %mul3A_2388, %mul3A_2384 : vector<16xf32>
      %sub3A_2390 = arith.constant 1.500000e+00 : f32
      %sub3A_2391 = vector.broadcast %sub3A_2390 : f32 to vector<16xf32>
      %sub3A_2392 = arith.subf %sub3A_2391, %mul3A_2389 : vector<16xf32>
      %mul3A_2393 = arith.mulf %mul3A_2384, %sub3A_2392 : vector<16xf32>
      %mul3A_2394 = arith.mulf %add3A_2357, %mul3A_2393 : vector<16xf32>
      %bitcast_convert_type3A_2395 = tpu.bitcast %add3A_2359 : vector<16xf32> -> vector<16xi32>
      %shift_right_arithmetic3A_2396 = arith.constant 1 : i32
      %shift_right_arithmetic3A_2397 = vector.broadcast %shift_right_arithmetic3A_2396 : i32 to vector<16xi32>
      %shift_right_arithmetic3A_2398 = arith.shrsi %bitcast_convert_type3A_2395, %shift_right_arithmetic3A_2397 : vector<16xi32>
      %sub3A_2399 = arith.constant 1597463007 : i32
      %sub3A_2400 = vector.broadcast %sub3A_2399 : i32 to vector<16xi32>
      %sub3A_2401 = arith.subi %sub3A_2400, %shift_right_arithmetic3A_2398 : vector<16xi32>
      %bitcast_convert_type3A_2402 = tpu.bitcast %sub3A_2401 : vector<16xi32> -> vector<16xf32>
      %mul3A_2403 = arith.constant 5.000000e-01 : f32
      %mul3A_2404 = vector.broadcast %mul3A_2403 : f32 to vector<16xf32>
      %mul3A_2405 = arith.mulf %mul3A_2404, %add3A_2359 : vector<16xf32>
      %mul3A_2406 = arith.mulf %mul3A_2405, %bitcast_convert_type3A_2402 : vector<16xf32>
      %mul3A_2407 = arith.mulf %mul3A_2406, %bitcast_convert_type3A_2402 : vector<16xf32>
      %sub3A_2408 = arith.constant 1.500000e+00 : f32
      %sub3A_2409 = vector.broadcast %sub3A_2408 : f32 to vector<16xf32>
      %sub3A_2410 = arith.subf %sub3A_2409, %mul3A_2407 : vector<16xf32>
      %mul3A_2411 = arith.mulf %bitcast_convert_type3A_2402, %sub3A_2410 : vector<16xf32>
      %mul3A_2412 = arith.constant 5.000000e-01 : f32
      %mul3A_2413 = vector.broadcast %mul3A_2412 : f32 to vector<16xf32>
      %mul3A_2414 = arith.mulf %mul3A_2413, %add3A_2359 : vector<16xf32>
      %mul3A_2415 = arith.mulf %mul3A_2414, %mul3A_2411 : vector<16xf32>
      %mul3A_2416 = arith.mulf %mul3A_2415, %mul3A_2411 : vector<16xf32>
      %sub3A_2417 = arith.constant 1.500000e+00 : f32
      %sub3A_2418 = vector.broadcast %sub3A_2417 : f32 to vector<16xf32>
      %sub3A_2419 = arith.subf %sub3A_2418, %mul3A_2416 : vector<16xf32>
      %mul3A_2420 = arith.mulf %mul3A_2411, %sub3A_2419 : vector<16xf32>
      %mul3A_2421 = arith.constant 5.000000e-01 : f32
      %mul3A_2422 = vector.broadcast %mul3A_2421 : f32 to vector<16xf32>
      %mul3A_2423 = arith.mulf %mul3A_2422, %add3A_2359 : vector<16xf32>
      %mul3A_2424 = arith.mulf %mul3A_2423, %mul3A_2420 : vector<16xf32>
      %mul3A_2425 = arith.mulf %mul3A_2424, %mul3A_2420 : vector<16xf32>
      %sub3A_2426 = arith.constant 1.500000e+00 : f32
      %sub3A_2427 = vector.broadcast %sub3A_2426 : f32 to vector<16xf32>
      %sub3A_2428 = arith.subf %sub3A_2427, %mul3A_2425 : vector<16xf32>
      %mul3A_2429 = arith.mulf %mul3A_2420, %sub3A_2428 : vector<16xf32>
      %mul3A_2430 = arith.mulf %add3A_2359, %mul3A_2429 : vector<16xf32>
      %add3A_2431 = arith.addf %mul3A_2394, %mul3A_2430 : vector<16xf32>
      %mul3A_2432 = arith.constant 9.99999974E-6 : f32
      %mul3A_2433 = vector.broadcast %mul3A_2432 : f32 to vector<16xf32>
      %mul3A_2434 = arith.mulf %mul3A_2433, %add3A_2431 : vector<16xf32>
      %swap3A_2435 = arith.index_cast %mul3A_2184 : i32 to index
      %swap3A_2436 = tpu.vector_load %arg17[%swap3A_2435] {strides = array<i32>} : memref<512xf32, #tpu.memory_space<vmem>>, vector<16xf32>,
      tpu.vector_store %arg17[%swap3A_2435], %mul3A_2434 {strides = array<i32>} : memref<512xf32, #tpu.memory_space<vmem>>, vector<16xf32>,
    }
    %scan3A_30 = arith.constant 32 : i32
    %mul3A_31 = arith.constant 64 : i32
    %mul3A_32 = arith.muli %add3A, %mul3A_31 : i32
    "tpu.region"() ({
      %run_scoped3A_33 = tpu.sem_alloc : memref<!tpu.dma_semaphore, #tpu.memory_space<semaphore_mem>>
      %dma_start3A = arith.constant 0 : i32
      %dma_start3A_34 = tpu.memref_slice %arg6[%mul3A_32, %dma_start3A] : memref<2048x128xf32, #tpu.memory_space<hbm>> -> memref<64x128xf32, #tpu.memory_space<hbm>>
      %dma_start3A_35 = arith.constant 0 : i32
      %dma_start3A_36 = tpu.memref_slice %arg6[%mul3A_32, %dma_start3A_35] : memref<2048x128xf32, #tpu.memory_space<hbm>> -> memref<64x128xf32, #tpu.memory_space<hbm>>
      tpu.enqueue_dma source(%arg16 : memref<64x128xf32, #tpu.memory_space<vmem>>) target(%dma_start3A_36 : memref<64x128xf32, #tpu.memory_space<hbm>>) target_semaphore(%run_scoped3A_33 : memref<!tpu.dma_semaphore, #tpu.memory_space<semaphore_mem>>)
      %dma_wait3A = arith.constant 0 : i32
      %dma_wait3A_37 = tpu.memref_slice %arg6[%mul3A_32, %dma_wait3A] : memref<2048x128xf32, #tpu.memory_space<hbm>> -> memref<64x128xf32, #tpu.memory_space<hbm>>
      %dma_wait3A_38 = arith.constant 0 : i32
      %dma_wait3A_39 = tpu.memref_slice %arg6[%mul3A_32, %dma_wait3A_38] : memref<2048x128xf32, #tpu.memory_space<hbm>> -> memref<64x128xf32, #tpu.memory_space<hbm>>
      tpu.wait_dma2 semaphore(%run_scoped3A_33 : memref<!tpu.dma_semaphore, #tpu.memory_space<semaphore_mem>>) src(%arg16 : memref<64x128xf32, #tpu.memory_space<vmem>>) dst(%dma_wait3A_39 : memref<64x128xf32, #tpu.memory_space<hbm>>)
      tpu.yield
    }) : () -> ()
    "tpu.region"() ({
      %run_scoped3A_33 = tpu.sem_alloc : memref<!tpu.dma_semaphore, #tpu.memory_space<semaphore_mem>>
      %dma_start3A = tpu.memref_slice %arg7[%mul3A_2] : memref<16384xf32, #tpu.memory_space<hbm>> -> memref<512xf32, #tpu.memory_space<hbm>>
      %dma_start3A_34 = tpu.memref_slice %arg7[%mul3A_2] : memref<16384xf32, #tpu.memory_space<hbm>> -> memref<512xf32, #tpu.memory_space<hbm>>
      tpu.enqueue_dma source(%arg17 : memref<512xf32, #tpu.memory_space<vmem>>) target(%dma_start3A_34 : memref<512xf32, #tpu.memory_space<hbm>>) target_semaphore(%run_scoped3A_33 : memref<!tpu.dma_semaphore, #tpu.memory_space<semaphore_mem>>)
      %dma_wait3A = tpu.memref_slice %arg7[%mul3A_2] : memref<16384xf32, #tpu.memory_space<hbm>> -> memref<512xf32, #tpu.memory_space<hbm>>
      %dma_wait3A_35 = tpu.memref_slice %arg7[%mul3A_2] : memref<16384xf32, #tpu.memory_space<hbm>> -> memref<512xf32, #tpu.memory_space<hbm>>
      tpu.wait_dma2 semaphore(%run_scoped3A_33 : memref<!tpu.dma_semaphore, #tpu.memory_space<semaphore_mem>>) src(%arg17 : memref<512xf32, #tpu.memory_space<vmem>>) dst(%dma_wait3A_35 : memref<512xf32, #tpu.memory_space<hbm>>)
      tpu.yield
    }) : () -> ()
    return
  }
}

</mosaic_0001>

<sc_bundles>
// kernel: kernel.3.cloned.1.call-start
scs
__scs_entry_jumppad:
0x0: {  	(pc) =	sbr.rel $0x88, $3  }
0x1: {  	(tag) =	ssettag $0x0;
	lr =	simm.s32 $0x1  }
0x2: {  	[smem:$0x3F9E] =	sst lr;
	_ =	strace $0xD0000000  }
0x3: {  	_ = 	snop  }
0x4: {  	_ = 	snop  }
0x5: {  	_ = 	snop  }
0x6: {  	_ = 	snop  }
0x7: {  	_ = 	snop  }
__scs_overlays_trampoline_lowered:
0x8: {  	[smem:$0x3FAD] =	sst s0  }
0x9: {  	[smem:$0x3FAE] =	sst s1  }
0xa: {  	[smem:$0x3FAF] =	sst s2  }
0xb: {  	[smem:$0x3FB0] =	sst s3  }
0xc: {  	[smem:$0x3FB1] =	sst s4  }
0xd: {  	[smem:$0x3FB2] =	sst s5  }
0xe: {  	[smem:$0x3FB3] =	sst s6  }
0xf: {  	[smem:$0x3FB4] =	sst s7  }
0x10: {  	[smem:$0x3FB5] =	sst s8  }
0x11: {  	[smem:$0x3FB6] =	sst s9;
	s0 =	simm.s32 @!p0 $0x0  }
0x12: {  	s1 =	sld [smem:$0x3F9C];
	s0 =	simm.s32 @p0 $0x1  }
0x13: {  	[smem:$0x3FB7] =	sst s0;
	s0 =	simm.s32 @!p1 $0x0  }
0x14: {  	s2 =	sld [smem:$0x3F9B];
	s0 =	simm.s32 @p1 $0x1  }
0x15: {  	[smem:$0x3FB8] =	sst s0;
	s0 =	simm.s32 @!p2 $0x0  }
0x16: {  	s3 =	sld [smem:$0x3FDB];
	s0 =	simm.s32 @p2 $0x1  }
0x17: {  	s4 =	simm.s32 $0x1BF5;
	[smem:$0x3FBA] =	sst s0  }
0x18: {  	s0 =	sld [smem:$0x3F9D];
	_ =	swait.ge [sflag:s4], $0x0  }
0x19: {  	s7 =	sld [smem:$0x3F9E]  }
0x1a: {  	s8 =	sadd.s32 $0xFFFFE003, lr  }
0x1b: {  	s9 =	sadd.s32 $0xFFFFFEF7, lr;
	s5 =	simm.s32 $0xFFFFFFFF;
	p2 =	slt.u32 s8, $0xFFFFF086  }
0x1c: {  	p1 =	slt.u32 s9, $0xF7A;
	s5 =	simm.s32 @!p2 $0x0  }
0x1d: {  	s5 =	simm.s32 @p1 $0x1;
	p0 =	seq.s32 s7, s2  }
0x1e: {  	s7 =	smul.u32 @!p0 $0xF7A, s2;
	p2 =	seq.s32 @!p0 s5, $0x0  }
0x1f: {  	s9 =	smul.u32 $0xF7A, s1;
	s8 =	simm.s32 @!p0 $0x1BF5;
	p2 =	por !p2, p0  }
0x20: {  	[sflag:s8] =	ssyncset.s32 @!p0 $0xFFFFF086;
	s6 =	sadd.s32 @!p0 s3, s7;
	s7 =	simm.s32 @!p0 $0x108  }
0x21: {  	s3 =	sadd.s32 s3, s9;
	s6 =	sadd.s32 @!p0 $0x88, s6;
	s7 =	simm.s32 @p2 $0x1082  }
0x22: {  	[simem:s7], [sflag:s8] =	dma.local @!p0 [hbm:s6], $0xF7A  }
0x23: {  	s9 =	sor.u32 $0xD0000000, s2;
	s6 =	simm.s32 $0x108;
	_ =	swait.ge @!p0 [sflag:s8], $0x0  }
0x24: {  	s3 =	sadd.s32 $0x88, s3;
	s6 =	simm.s32 @!p1 $0x1082;
	[sflag:s4] =	ssyncset.s32 $0xFFFFF086  }
0x25: {  	[simem:s6], [sflag:s4] =	dma.local [hbm:s3], $0xF7A  }
0x26: {  	[smem:$0x3F9E] =	sst s1;
	(tag) =	ssettag s2;
	_ =	strace s9  }
0x27: {  	s1 =	sld [smem:$0x3FAE]  }
0x28: {  	s2 =	sld [smem:$0x3FAF]  }
0x29: {  	s4 =	sld [smem:$0x3FB1]  }
0x2a: {  	p0 =	seq.s32 s5, $0x0;
	s5 =	sld [smem:$0x3FB2]  }
0x2b: {  	s6 =	sld [smem:$0x3FB3]  }
0x2c: {  	s7 =	sld [smem:$0x3FB4]  }
0x2d: {  	s3 =	simm.s32 $0x108;
	s8 =	sld [smem:$0x3FB5]  }
0x2e: {  	s3 =	simm.s32 @!p0 $0x1082;
	s9 =	sld [smem:$0x3FB6]  }
0x2f: {  	lr =	sadd.s32 s0, s3;
	s0 =	sld [smem:$0x3FAD]  }
0x30: {  	s3 =	sld [smem:$0x3FB0]  }
0x31: {  	[smem:$0x3FB9] =	sst s10  }
0x32: {  	s10 =	sld [smem:$0x3FB7];
	_ =	sdelay $0x3  }
0x33: {  	p0 =	seq.s32 s10, $0x1;
	s10 =	sld [smem:$0x3FB9];
	_ =	sdelay $0x3  }
0x34: {  	[smem:$0x3FB9] =	sst s10  }
0x35: {  	s10 =	sld [smem:$0x3FB8];
	_ =	sdelay $0x3  }
0x36: {  	p1 =	seq.s32 s10, $0x1;
	s10 =	sld [smem:$0x3FB9];
	_ =	sdelay $0x3  }
0x37: {  	[smem:$0x3FB9] =	sst s10  }
0x38: {  	s10 =	sld [smem:$0x3FBA]  }
0x39: {  	_ = 	snop;
	(pc) =	sbr.ind lr, $3  }
0x3a: {  	_ = 	snop  }
0x3b: {  	_ = 	snop  }
0x3c: {  	p2 =	seq.s32 s10, $0x1;
	s10 =	sld [smem:$0x3FB9]  }
0x3d: {  	_ =	shalt  }
0x3e: {  	_ =	shalt  }
0x3f: {  	_ =	shalt  }
0x40: {  	_ =	shalt  }
0x41: {  	_ =	shalt  }
0x42: {  	_ =	shalt  }
0x43: {  	_ =	shalt  }
0x44: {  	_ =	shalt  }
0x45: {  	_ =	shalt  }
0x46: {  	_ =	shalt  }
0x47: {  	_ =	shalt  }
0x48: {  	_ =	shalt  }
0x49: {  	_ =	shalt  }
0x4a: {  	_ =	shalt  }
0x4b: {  	_ =	shalt  }
0x4c: {  	_ =	shalt  }
0x4d: {  	_ =	shalt  }
0x4e: {  	_ =	shalt  }
0x4f: {  	_ =	shalt  }
0x50: {  	_ =	shalt  }
0x51: {  	_ =	shalt  }
0x52: {  	_ =	shalt  }
0x53: {  	_ =	shalt  }
0x54: {  	_ =	shalt  }
0x55: {  	_ =	shalt  }
0x56: {  	_ =	shalt  }
0x57: {  	_ =	shalt  }
0x58: {  	_ =	shalt  }
0x59: {  	_ =	shalt  }
0x5a: {  	_ =	shalt  }
0x5b: {  	_ =	shalt  }
0x5c: {  	_ =	shalt  }
0x5d: {  	_ =	shalt  }
0x5e: {  	_ =	shalt  }
0x5f: {  	_ =	shalt  }
0x60: {  	_ =	shalt  }
0x61: {  	_ =	shalt  }
0x62: {  	_ =	shalt  }
0x63: {  	_ =	shalt  }
0x64: {  	_ =	shalt  }
0x65: {  	_ =	shalt  }
0x66: {  	_ =	shalt  }
0x67: {  	_ =	shalt  }
0x68: {  	_ =	shalt  }
0x69: {  	_ =	shalt  }
0x6a: {  	_ =	shalt  }
0x6b: {  	_ =	shalt  }
0x6c: {  	_ =	shalt  }
0x6d: {  	_ =	shalt  }
0x6e: {  	_ =	shalt  }
0x6f: {  	_ =	shalt  }
0x70: {  	_ =	shalt  }
0x71: {  	_ =	shalt  }
0x72: {  	_ =	shalt  }
0x73: {  	_ =	shalt  }
0x74: {  	_ =	shalt  }
0x75: {  	_ =	shalt  }
0x76: {  	_ =	shalt  }
0x77: {  	_ =	shalt  }
0x78: {  	_ =	shalt  }
0x79: {  	_ =	shalt  }
0x7a: {  	_ =	shalt  }
0x7b: {  	_ =	shalt  }
0x7c: {  	_ =	shalt  }
0x7d: {  	_ =	shalt  }
0x7e: {  	_ =	shalt  }
0x7f: {  	_ =	shalt  }
0x80: {  	_ =	shalt  }
0x81: {  	_ =	shalt  }
0x82: {  	_ =	shalt  }
0x83: {  	_ =	shalt  }
0x84: {  	_ =	shalt  }
0x85: {  	_ =	shalt  }
0x86: {  	_ =	shalt  }
0x87: {  	_ =	shalt  }
.Lfunc_end0:
.L_simem_size_0:
called_computation_lowered:
.L_overlay_start_0:
0x88: {  	s2 =	sld [smem:$0x3FD9]  }
0x89: {  	s3 =	sld [smem:$0x3FFE];
	_ =	sdelay $0x1  }
0x8a: {  	s1 =	srdreg.scid  }
0x8b: {  	s0 =	sand.u32 $0x1, s1  }
0x8c: {  	s14 =	sshll.u32 s0, $0xA;
	s2 =	sadd.s32 s3, s2  }
0x8d: {  	s2 =	sadd.s32 s2, s14  }
0x8e: {  	[smem:$0x3FC5] =	sst s2  }
0x8f: {  	_ = 	snop  }
0x90: {  	s2 =	sld [smem:$0x3FD0];
	_ =	sdelay $0x1  }
0x91: {  	s15 =	sld [smem:$0x3FC8]  }
0x92: {  	s5 =	simm.s32 $0xA;
	s6 =	simm.s32 $0x10;
	s4 =	sld [smem:$0x3FC7]  }
0x93: {  	[smem:s6], [sflag:s5] =	dma.local [hbm:s2], $0x1  }
0x94: {  	_ =	swait.eq [sflag:s5], $0x1  }
0x95: {  	[sflag:s5] =	ssyncset.done $0x0  }
0x96: {  	s16 =	sld [smem:$0x10];
	[sflag:s5] =	ssyncadd.s32 $0xFFFFFFFF  }
0x97: {  	s17 =	sld [smem:$0x11];
	(tm) =	ssettm $0x1  }
0x98: {  	s18 =	sld [smem:$0x3FFB];
	_ =	sdelay $0x3  }
0x99: {  	_ =	strace s18  }
0x9a: {  	s6 =	sld [smem:$0x3FFC];
	_ =	sdelay $0x3  }
0x9b: {  	_ =	strace s6  }
0x9c: {  	s6 =	sld [smem:$0x3FFD];
	_ =	sdelay $0x3  }
0x9d: {  	_ =	strace s6  }
0x9e: {  	_ =	strace $0x8FFFFFFF  }
0x9f: {  	s19 =	sld [smem:$0x3FDB];
	_ =	sdelay $0x1  }
0xa0: {  	s7 =	simm.s32 $_scs_section_size  }
0xa1: {  	s8 =	simm.s32 $_size__tile_overlayer_lowered;
	s9 =	simm.s32 $_tile_overlayer_lowered  }
0xa2: {  	s22 =	simm.s32 $0x1BFF;
	s21 =	sshll.u32 s9, $0x1;
	s6 =	sadd.s32 s7, s19  }
0xa3: {  	s10 =	simm.s32 $0x0;
	s20 =	sshll.u32 s8, $0x1;
	s8 =	sadd.s32 s21, s6  }
0xa4: {  	[timem:s10], [sflag:s22] =	dma.local [hbm:s8], s20  }
0xa5: {  	_ =	swait.ge [sflag:s22], s20  }
0xa6: {  	s7 =	ssub.s32 $0x0, s20;
	[sflag:s22] =	ssyncset.done $0x0  }
0xa7: {  	[sflag:s22] =	ssyncadd.s32 s7;
	_ =	sdelay $0x1  }
0xa8: {  	s23 =	simm.s32 $0x1B8B  }
0xa9: {  	_ =	swait.ge [sflag:s23], $0x1  }
0xaa: {  	[sflag:s23] =	ssyncset.done $0x0  }
0xab: {  	s25 =	simm.s32 $0x1B8E;
	s24 =	sld [smem:$0x3FFE];
	[sflag:s23] =	ssyncadd.s32 $0xFFFFFFFF  }
0xac: {  	s26 =	simm.s32 $execute0_lowered;
	[smem:$0x3FD2] =	sst s25  }
0xad: {  	s8 =	sshll.u32 s26, $0x1;
	_ =	strace $0x80000046;
	[dreg:$0x1] =	wrdreg $0xFFFFFFFF  }
0xae: {  	s28 =	simm.s32 $_size_execute0_lowered;
	s6 =	sadd.s32 s6, s8;
	[dreg:$0x0] =	wrdreg $0x0  }
0xaf: {  	s8 =	sshll.u32 s28, $0x1;
	[dreg:$0x2] =	wrdreg s6  }
0xb0: {  	[dreg:$0x3] =	wrdreg s8  }
0xb1: {  	[dreg:$0x4] =	wrdreg $0xC0  }
0xb2: {  	_ =	task [dreg:s10], $0x5FFFF  }
0xb3: {  	[dreg:$0x1] =	wrdreg $0xFFFFFFFF  }
0xb4: {  	[dreg:$0x0] =	wrdreg $0x60  }
0xb5: {  	[dreg:$0x2] =	wrdreg s24  }
0xb6: {  	[dreg:$0x3] =	wrdreg s15  }
0xb7: {  	[dreg:$0x4] =	wrdreg s4  }
0xb8: {  	[dreg:$0x5] =	wrdreg s16  }
0xb9: {  	[dreg:$0x6] =	wrdreg s17  }
0xba: {  	[dreg:$0x7] =	wrdreg $0x9  }
0xbb: {  	_ =	task.clear_ibuf [dreg:s10], $0x8FFFF;
	_ =	strace $0x90000046  }
0xbc: {  	s29 =	simm.s32 $0x9;
	_ =	strace $0x80000048  }
0xbd: {  	_ =	swait.ge [sflag:s29], $0x1  }
0xbe: {  	[sflag:s29] =	ssyncadd.s32 $0xFFFFFFFF  }
0xbf: {  	_ =	strace $0x90000048  }
0xc0: {  	_ =	sfence  }
0xc1: {  	s30 =	sld [smem:$0x0];
	_ =	sdelay $0x2  }
0xc2: {  	s31 =	sshll.u32 s1, $0xD;
	s1 =	sshrl.u32 s1, $0x2  }
0xc3: {  	s3 =	sand.u32 $0x4000, s31;
	s1 =	sadd.s32 s1, s30  }
0xc4: {  	s0 =	sor.u32 s3, s0;
	s1 =	sshll.u32 s1, $0x11  }
0xc5: {  	s0 =	sor.u32 s1, s0  }
0xc6: {  	s0 =	sadd.s32 $0x8F2B, s0  }
0xc7: {  	[sflag:s0] =	ssyncadd.remote.s32 $0x1  }
0xc8: {  	_ =	sfence.sel $0xFFFF  }
0xc9: {  	[dreg:$0x0] =	wrdreg $0xFFFFFFFF;
	(pc) =	sbr.abs _section_cstart, $3  }
0xca: {  	[dreg:$0x1] =	wrdreg $0xFFFFFFFF  }
0xcb: {  	_ =	task.clear_ibuf [dreg:s10], $0x2FFFF;
	_ =	strace $0x9FFFFFFF  }
0xcc: {  	(tm) =	ssettm $0x7FFFFFFF  }
0xcd: {  	_ =	shalt  }
tec
execute0_lowered:
.L_overlay_start_1:
0x0: {  	(tag) =	ssettag $0x1  }
0x1: {  	s2 =	rddreg [dreg:$0x0]  }
0x2: {  	s9 =	rddreg [dreg:$0x1]  }
0x3: {  	s15 =	rddreg [dreg:$0x2]  }
0x4: {  	s1 =	rddreg [dreg:$0x3]  }
0x5: {  	s0 =	rddreg [dreg:$0x4];
	s10 =	simm.s32 $0x0  }
0x6: {  	s6 =	simm.s32 $0xC00;
	[smem:$0x7FF] =	sst s10  }
0x7: {  	s30 =	simm.s32 $0x1400;
	_ =	strace $0x80000047;
	[dreg:$0x6] =	wrdreg s6  }
0x8: {  	s11 =	simm.s32 $0x2400;
	[dreg:$0x7] =	wrdreg s30  }
0x9: {  	s12 =	simm.s32 $0x2C00;
	[dreg:$0x9] =	wrdreg s11  }
0xa: {  	s13 =	simm.s32 $0x3400;
	[dreg:$0xa] =	wrdreg s12  }
0xb: {  	s16 =	simm.s32 $0x3C00;
	[dreg:$0xb] =	wrdreg s13  }
0xc: {  	s18 =	simm.s32 $0x4400;
	[dreg:$0xc] =	wrdreg s16  }
0xd: {  	s20 =	simm.s32 $0x4C00;
	[dreg:$0xd] =	wrdreg s18  }
0xe: {  	s21 =	simm.s32 $0x5400;
	[dreg:$0xe] =	wrdreg s20  }
0xf: {  	s22 =	simm.s32 $0x5C00;
	[dreg:$0xf] =	wrdreg s21  }
0x10: {  	s24 =	simm.s32 $0x6400;
	[dreg:$0x10] =	wrdreg s22  }
0x11: {  	s26 =	simm.s32 $0x6C00;
	[dreg:$0x11] =	wrdreg s24  }
0x12: {  	s28 =	simm.s32 $0x7400;
	[dreg:$0x12] =	wrdreg s26  }
0x13: {  	[dreg:$0x13] =	wrdreg s28;
	s30 =	simm.s32 $0x7C00  }
0x14: {  	s13 =	sadd.s32 $0xF4200, s9;
	[dreg:$0x14] =	wrdreg s30  }
0x15: {  	s12 =	simm.s32 $0x9400;
	[smem:$0x7F5] =	sst s13  }
0x16: {  	s3 =	srdreg.scid;
	s16 =	sadd.s32 $0xF4200, s15;
	[dreg:$0x16] =	wrdreg s12  }
0x17: {  	s8 =	stileid.u32;
	s18 =	simm.s32 $0xAC00;
	[smem:$0x7F6] =	sst s16  }
0x18: {  	s4 =	sadd.s32 $0x1200, s2;
	s20 =	simm.s32 $0xBC00;
	[dreg:$0x19] =	wrdreg s18  }
0x19: {  	s3 =	sand.u32 $0x1, s3;
	s22 =	simm.s32 $0xC400;
	[dreg:$0x1b] =	wrdreg s20  }
0x1a: {  	s8 =	sshll.u32 s8, $0x1;
	s24 =	simm.s32 $0xD400;
	[dreg:$0x1c] =	wrdreg s22  }
0x1b: {  	s5 =	ssub.s32 $0x2, s3;
	s26 =	simm.s32 $0xE400;
	[dreg:$0x1e] =	wrdreg s24  }
0x1c: {  	s3 =	sor.u32 s3, s8;
	s28 =	simm.s32 $0xEC00;
	[smem:$0x7FA] =	sst s26  }
0x1d: {  	s7 =	sshrl.u32 s5, $0x1;
	[smem:$0x7FB] =	sst s28;
	s30 =	simm.s32 $0xFC00  }
0x1e: {  	s5 =	ssub.s32 s5, s7;
	s7 =	simm.s32 $0x1C00;
	[smem:$0x7FD] =	sst s30  }
0x1f: {  	[dreg:$0x8] =	wrdreg s7;
	s7 =	sshll.u32 s3, $0x6;
	s21 =	smax.u32 s5, $0x1  }
0x20: {  	s2 =	sadd.s32 $0xA00, s2;
	s14 =	sadd.s32 s4, s7;
	[smem:$0x7F9] =	sst s21  }
0x21: {  	s3 =	sshll.u32 s3, $0xA;
	s17 =	sadd.s32 s2, s7;
	[smem:$0x7ED] =	sst s14  }
0x22: {  	s1 =	sadd.s32 s1, s3;
	[smem:$0x7EE] =	sst s17  }
0x23: {  	s19 =	sor.u32 $0x10, s7;
	s0 =	sadd.s32 s0, s7;
	[smem:$0x7F7] =	sst s1  }
0x24: {  	s11 =	sadd.s32 s4, s19;
	[smem:$0x7F8] =	sst s0  }
0x25: {  	v17 =	vlaneseq.u32;
	s23 =	sor.u32 $0x20, s7;
	s8 =	sadd.s32 s2, s19;
	[smem:$0x7EF] =	sst s11  }
0x26: {  	v0 =	vmul.u32 $0x80, v17;
	v14 =	vand.u32 $0x7, v17;
	s29 =	sor.u32 $0x30, s7;
	s25 =	sadd.s32 s4, s23;
	[smem:$0x7F0] =	sst s8  }
0x27: {  	v17 =	vmul.u32 $0x10, v17;
	v14 =	vmul.u32 $0x10, v14;
	s4 =	sadd.s32 s4, s29;
	[smem:$0x7F1] =	sst s25  }
0x28: {  	v1 =	vor.u32 $0x800, v0;
	v2 =	vor.u32 $0x1000, v0;
	v3 =	vor.u32 $0x1800, v0;
	s14 =	simm.s32 $0x9C00;
	[smem:$0x7F3] =	sst s4  }
0x29: {  	v4 =	vor.u32 $0x2000, v0;
	v5 =	vor.u32 $0x2800, v0;
	v6 =	vor.u32 $0x3000, v0;
	s17 =	simm.s32 $0xA400;
	[dreg:$0x17] =	wrdreg s14  }
0x2a: {  	v7 =	vor.u32 $0x3800, v0;
	v8 =	vor.u32 $0x4000, v0;
	v9 =	vor.u32 $0x4800, v0;
	s19 =	simm.s32 $0xB400;
	[dreg:$0x18] =	wrdreg s17  }
0x2b: {  	s31 =	simm.s32 $0x1;
	v10 =	vor.u32 $0x5000, v0;
	v11 =	vor.u32 $0x5800, v0;
	v12 =	vor.u32 $0x6000, v0;
	s8 =	sadd.s32 s2, s23;
	[dreg:$0x1a] =	wrdreg s19  }
0x2c: {  	v13 =	vor.u32 $0x6800, v0;
	v15 =	vor.u32 $0x7000, v0;
	v16 =	vor.u32 $0x7800, v0;
	s18 =	simm.s32 $0x10400;
	s2 =	sadd.s32 s2, s29;
	[smem:$0x7F2] =	sst s8  }
0x2d: {  	v18 =	vor.u32 $0x1, v14;
	v19 =	vor.u32 $0x2, v14;
	v20 =	vor.u32 $0x3, v14;
	s3 =	simm.s32 $0x8400;
	s11 =	simm.s32 $0x8C00;
	[smem:$0x7F4] =	sst s2  }
0x2e: {  	v21 =	vor.u32 $0x4, v14;
	v22 =	vor.u32 $0x5, v14;
	v23 =	vor.u32 $0x6, v14;
	s1 =	simm.s32 $0x2;
	s23 =	simm.s32 $0xCC00;
	[dreg:$0x15] =	wrdreg s11  }
0x2f: {  	v24 =	vor.u32 $0x7, v14;
	v25 =	vor.u32 $0x8, v14;
	v26 =	vor.u32 $0x9, v14;
	s25 =	simm.s32 $0xDC00;
	s29 =	simm.s32 $0xF400;
	[dreg:$0x1d] =	wrdreg s23  }
0x30: {  	v27 =	vor.u32 $0xA, v14;
	v28 =	vor.u32 $0xB, v14;
	v29 =	vor.u32 $0xC, v14;
	s17 =	simm.s32 $0x7A1400;
	s4 =	simm.s32 $0x10C00;
	[dreg:$0x1f] =	wrdreg s25  }
0x31: {  	v30 =	vor.u32 $0xD, v14;
	v31 =	vor.u32 $0xE, v14;
	v32 =	vor.u32 $0xF, v14;
	[smem:$0x7FC] =	sst s29;
	s25 =	simm.s32 $0x400;
	s2 =	simm.s32 $0x0  }
.LBB2_1:
0x32: {  	s0 =	sld [smem:$0x7ED];
	_ =	sdelay $0x1  }
0x33: {  	[smem:$0x7EC] =	sst s2  }
0x34: {  	[tilespmem:s10], [sflag:$0x2] =	stream.linear.gather [hbm4b:s0+s10], $0x80, $0x38;
	[tilespmem:$0x17600] =	vst v63  }
0x35: {  	_ =	swait.ge [sflag:s1], $0x80  }
0x36: {  	s11 =	sld [smem:$0x7EE]  }
0x37: {  	[sflag:s1] =	ssyncset.done $0x0  }
0x38: {  	s5 =	simm.s32 $0x200;
	[sflag:s1] =	ssyncadd.s32 $0xFFFFFF80  }
0x39: {  	[tilespmem:s5], [sflag:$0x2] =	stream.linear.gather [hbm4b:s11+s10], $0x80, $0x38;
	[tilespmem:$0x17600] =	vst v63  }
0x3a: {  	_ =	swait.ge [sflag:s1], $0x80  }
0x3b: {  	s12 =	sld [smem:$0x7EF]  }
0x3c: {  	[sflag:s1] =	ssyncset.done $0x0  }
0x3d: {  	s13 =	simm.s32 $0x80;
	[sflag:s1] =	ssyncadd.s32 $0xFFFFFF80  }
0x3e: {  	[tilespmem:s13], [sflag:$0x2] =	stream.linear.gather [hbm4b:s12+s10], $0x80, $0x38;
	[tilespmem:$0x17600] =	vst v63  }
0x3f: {  	_ =	swait.ge [sflag:s1], $0x80  }
0x40: {  	s14 =	sld [smem:$0x7F0]  }
0x41: {  	[sflag:s1] =	ssyncset.done $0x0  }
0x42: {  	s16 =	simm.s32 $0x280;
	[sflag:s1] =	ssyncadd.s32 $0xFFFFFF80  }
0x43: {  	[tilespmem:s16], [sflag:$0x2] =	stream.linear.gather [hbm4b:s14+s10], $0x80, $0x38;
	[tilespmem:$0x17600] =	vst v63  }
0x44: {  	_ =	swait.ge [sflag:s1], $0x80  }
0x45: {  	s19 =	sld [smem:$0x7F1]  }
0x46: {  	[sflag:s1] =	ssyncset.done $0x0  }
0x47: {  	s20 =	simm.s32 $0x100;
	[sflag:s1] =	ssyncadd.s32 $0xFFFFFF80  }
0x48: {  	[tilespmem:s20], [sflag:$0x2] =	stream.linear.gather [hbm4b:s19+s10], $0x80, $0x38;
	[tilespmem:$0x17600] =	vst v63  }
0x49: {  	_ =	swait.ge [sflag:s1], $0x80  }
0x4a: {  	s21 =	sld [smem:$0x7F2]  }
0x4b: {  	[sflag:s1] =	ssyncset.done $0x0  }
0x4c: {  	s22 =	simm.s32 $0x300;
	[sflag:s1] =	ssyncadd.s32 $0xFFFFFF80  }
0x4d: {  	[tilespmem:s22], [sflag:$0x2] =	stream.linear.gather [hbm4b:s21+s10], $0x80, $0x38;
	[tilespmem:$0x17600] =	vst v63  }
0x4e: {  	_ =	swait.ge [sflag:s1], $0x80  }
0x4f: {  	s23 =	sld [smem:$0x7F3]  }
0x50: {  	[sflag:s1] =	ssyncset.done $0x0  }
0x51: {  	s24 =	simm.s32 $0x180;
	[sflag:s1] =	ssyncadd.s32 $0xFFFFFF80  }
0x52: {  	[tilespmem:s24], [sflag:$0x2] =	stream.linear.gather [hbm4b:s23+s10], $0x80, $0x38;
	[tilespmem:$0x17600] =	vst v63  }
0x53: {  	_ =	swait.ge [sflag:s1], $0x80  }
0x54: {  	s26 =	sld [smem:$0x7F4]  }
0x55: {  	[sflag:s1] =	ssyncset.done $0x0  }
0x56: {  	s28 =	simm.s32 $0x380;
	[sflag:s1] =	ssyncadd.s32 $0xFFFFFF80  }
0x57: {  	[tilespmem:s28], [sflag:$0x2] =	stream.linear.gather [hbm4b:s26+s10], $0x80, $0x38;
	[tilespmem:$0x17600] =	vst v63  }
0x58: {  	_ =	swait.ge [sflag:s1], $0x80  }
0x59: {  	s29 =	sld [smem:$0x7F5]  }
0x5a: {  	[sflag:s1] =	ssyncset.done $0x0  }
0x5b: {  	[sflag:s1] =	ssyncadd.s32 $0xFFFFFF80  }
0x5c: {  	[tilespmem:s18], [sflag:$0x2] =	stream.strided.gather [hbm4b:s29+s25], $0x800, s17, s25, $0x38;
	[tilespmem:$0x17600] =	vst v63  }
0x5d: {  	_ =	swait.ge [sflag:s1], $0x800  }
0x5e: {  	s30 =	sld [smem:$0x7F6]  }
0x5f: {  	[sflag:s1] =	ssyncset.done $0x0  }
0x60: {  	[sflag:s1] =	ssyncadd.s32 $0xFFFFF800  }
0x61: {  	[tilespmem:s4], [sflag:$0x2] =	stream.strided.gather [hbm4b:s30+s25], $0x800, s17, s25, $0x38;
	[tilespmem:$0x17600] =	vst v63  }
0x62: {  	s2 =	simm.s32 $0x0;
	_ =	swait.ge [sflag:s1], $0x800  }
0x63: {  	s0 =	simm.s32 $0x0;
	s23 =	simm.s32 $0x11480;
	[sflag:s1] =	ssyncset.done $0x0  }
0x64: {  	s24 =	simm.s32 $0x13480;
	[sflag:s1] =	ssyncadd.s32 $0xFFFFF800;
	s1 =	simm.s32 $0x17400  }
.LBB2_2:
0x65: {  	v34 =	vld [tilespmem:s0+$0x0];
	_ =	sdelay $0x4  }
0x66: {  	(v2sf) =	vpush v34, $0x0;
	_ =	sdelay $0x2  }
0x67: {  	(v2sf) =	vpush v34, $0x1;
	_ =	sdelay $0x4  }
0x68: {  	(v2sf) =	vpush v34, $0x2;
	_ =	sdelay $0x6  }
0x69: {  	s7 =	spop (v2sf);
	(v2sf) =	vpush v34, $0x3;
	_ =	sdelay $0x2  }
0x6a: {  	s10 =	spop (v2sf);
	(v2sf) =	vpush v34, $0x4;
	_ =	sdelay $0x4  }
0x6b: {  	s13 =	spop (v2sf);
	(v2sf) =	vpush v34, $0x5;
	_ =	sdelay $0x6  }
0x6c: {  	s20 =	spop (v2sf);
	(v2sf) =	vpush v34, $0x6;
	_ =	sdelay $0x2  }
0x6d: {  	s26 =	spop (v2sf);
	(v2sf) =	vpush v34, $0x7;
	_ =	sdelay $0x4  }
0x6e: {  	[smem:$0x7E9] =	sst s2;
	s16 =	sand.u32 $0xFFFFFF80, s7;
	s30 =	spop (v2sf);
	(v2sf) =	vpush v34, $0x8  }
0x6f: {  	[smem:$0x7EA] =	sst s1;
	p0 =	slt.s32 s16, $0xF4180;
	s14 =	sand.u32 $0xFFFFFF80, s10  }
0x70: {  	[smem:$0x7E8] =	sst s0;
	s16 =	simm.s32 @!p0 $0xF4180;
	p0 =	slt.s32 s14, $0xF4180  }
0x71: {  	[smem:$0x7EB] =	sst s5;
	s8 =	sadd.s32 s9, s16;
	s14 =	simm.s32 @!p0 $0xF4180  }
0x72: {  	v33 =	vld [tilespmem:s5+$0x0];
	[tilespmem:s25], [sflag:$0x1] =	stream.strided.gather [hbm4b:s8+s25], $0x800, s17, s25, $0x38  }
0x73: {  	s11 =	rddreg [dreg:$0x6];
	s12 =	sadd.s32 s9, s14  }
0x74: {  	[tilespmem:s11], [sflag:$0x1] =	stream.strided.gather [hbm4b:s12+s25], $0x800, s17, s25, $0x38;
	[tilespmem:$0x17600] =	vst v63  }
0x75: {  	s18 =	rddreg [dreg:$0x7];
	s12 =	sand.u32 $0xFFFFFF80, s13;
	s4 =	spop (v2sf);
	(v2sf) =	vpush v34, $0x9  }
0x76: {  	s21 =	rddreg [dreg:$0x8];
	p0 =	slt.s32 s12, $0xF4180  }
0x77: {  	s28 =	rddreg [dreg:$0x9];
	s12 =	simm.s32 @!p0 $0xF4180  }
0x78: {  	[smem:$0x7BD] =	sst s7;
	s19 =	sadd.s32 s9, s12;
	s7 =	spop (v2sf);
	(v2sf) =	vpush v34, $0xA  }
0x79: {  	[tilespmem:s18], [sflag:$0x1] =	stream.strided.gather [hbm4b:s19+s25], $0x800, s17, s25, $0x38;
	[tilespmem:$0x17600] =	vst v63  }
0x7a: {  	[smem:$0x7BE] =	sst s10;
	s10 =	sand.u32 $0xFFFFFF80, s20  }
0x7b: {  	s1 =	rddreg [dreg:$0xa];
	p0 =	slt.s32 s10, $0xF4180  }
0x7c: {  	s5 =	rddreg [dreg:$0xb];
	s8 =	sand.u32 $0xFFFFFF80, s26;
	s10 =	simm.s32 @!p0 $0xF4180  }
0x7d: {  	p0 =	slt.s32 s8, $0xF4180;
	s19 =	sand.u32 $0xFFFFFF80, s30;
	s18 =	spop (v2sf);
	(v2sf) =	vpush v34, $0xB  }
0x7e: {  	s22 =	sadd.s32 s9, s10;
	s8 =	simm.s32 @!p0 $0xF4180;
	p0 =	slt.s32 s19, $0xF4180  }
0x7f: {  	[tilespmem:s21], [sflag:$0x1] =	stream.strided.gather [hbm4b:s22+s25], $0x800, s17, s25, $0x38;
	[tilespmem:$0x17600] =	vst v63  }
0x80: {  	[smem:$0x7BF] =	sst s13;
	s29 =	sadd.s32 s9, s8;
	s19 =	simm.s32 @!p0 $0xF4180  }
0x81: {  	[tilespmem:s28], [sflag:$0x1] =	stream.strided.gather [hbm4b:s29+s25], $0x800, s17, s25, $0x38;
	[tilespmem:$0x17600] =	vst v63  }
0x82: {  	s11 =	rddreg [dreg:$0xc];
	s2 =	sadd.s32 s9, s19  }
0x83: {  	[tilespmem:s1], [sflag:$0x1] =	stream.strided.gather [hbm4b:s2+s25], $0x800, s17, s25, $0x38;
	[tilespmem:$0x17600] =	vst v63  }
0x84: {  	[smem:$0x7C0] =	sst s20;
	s21 =	sand.u32 $0xFFFFFF80, s4;
	s28 =	spop (v2sf);
	(v2sf) =	vpush v34, $0xC  }
0x85: {  	s20 =	rddreg [dreg:$0xd];
	p0 =	slt.s32 s21, $0xF4180  }
0x86: {  	[smem:$0x7C1] =	sst s26;
	s26 =	sand.u32 $0xFFFFFF80, s7;
	s21 =	simm.s32 @!p0 $0xF4180  }
0x87: {  	p0 =	slt.s32 s26, $0xF4180;
	s0 =	sand.u32 $0xFFFFFF80, s18;
	s2 =	spop (v2sf);
	(v2sf) =	vpush v34, $0xD  }
0x88: {  	s6 =	sadd.s32 s9, s21;
	s26 =	simm.s32 @!p0 $0xF4180;
	p0 =	slt.s32 s0, $0xF4180  }
0x89: {  	[tilespmem:s5], [sflag:$0x1] =	stream.strided.gather [hbm4b:s6+s25], $0x800, s17, s25, $0x38;
	[tilespmem:$0x17600] =	vst v63  }
0x8a: {  	[smem:$0x7C2] =	sst s30;
	s13 =	sadd.s32 s9, s26;
	s0 =	simm.s32 @!p0 $0xF4180  }
0x8b: {  	[tilespmem:s11], [sflag:$0x1] =	stream.strided.gather [hbm4b:s13+s25], $0x800, s17, s25, $0x38;
	[tilespmem:$0x17600] =	vst v63  }
0x8c: {  	s29 =	rddreg [dreg:$0xe];
	s22 =	sadd.s32 s9, s0;
	s11 =	spop (v2sf);
	(v2sf) =	vpush v34, $0xE  }
0x8d: {  	[tilespmem:s20], [sflag:$0x1] =	stream.strided.gather [hbm4b:s22+s25], $0x800, s17, s25, $0x38;
	[tilespmem:$0x17600] =	vst v63  }
0x8e: {  	[smem:$0x7C3] =	sst s4;
	s6 =	sand.u32 $0xFFFFFF80, s28  }
0x8f: {  	s4 =	rddreg [dreg:$0xf];
	p0 =	slt.s32 s6, $0xF4180  }
0x90: {  	[smem:$0x7C4] =	sst s7;
	s5 =	sand.u32 $0xFFFFFF80, s2;
	s6 =	simm.s32 @!p0 $0xF4180  }
0x91: {  	[smem:$0x7C5] =	sst s18;
	p0 =	slt.s32 s5, $0xF4180;
	s30 =	sadd.s32 s9, s6  }
0x92: {  	[tilespmem:s29], [sflag:$0x1] =	stream.strided.gather [hbm4b:s30+s25], $0x800, s17, s25, $0x38;
	[tilespmem:$0x17600] =	vst v63  }
0x93: {  	s5 =	simm.s32 @!p0 $0xF4180;
	s30 =	sand.u32 $0xFFFFFF80, s11;
	s20 =	spop (v2sf);
	(v2sf) =	vpush v34, $0xF  }
0x94: {  	s13 =	rddreg [dreg:$0x10];
	s7 =	sadd.s32 s9, s5;
	p0 =	slt.s32 s30, $0xF4180  }
0x95: {  	[tilespmem:s4], [sflag:$0x1] =	stream.strided.gather [hbm4b:s7+s25], $0x800, s17, s25, $0x38;
	[tilespmem:$0x17600] =	vst v63  }
0x96: {  	s22 =	rddreg [dreg:$0x11];
	s30 =	simm.s32 @!p0 $0xF4180;
	s29 =	spop (v2sf);
	(v2sf) =	vpush v33, $0x0  }
0x97: {  	[smem:$0x7C6] =	sst s28;
	s18 =	sadd.s32 s9, s30  }
0x98: {  	[tilespmem:s13], [sflag:$0x1] =	stream.strided.gather [hbm4b:s18+s25], $0x800, s17, s25, $0x38;
	[tilespmem:$0x17600] =	vst v63  }
0x99: {  	[smem:$0x7C8] =	sst s11;
	s4 =	sand.u32 $0xFFFFFF80, s20  }
0x9a: {  	p0 =	slt.s32 s4, $0xF4180;
	[smem:$0x7CA] =	sst s29;
	s29 =	sand.u32 $0xFFFFFF80, s29  }
0x9b: {  	s11 =	spop (v2sf);
	(v2sf) =	vpush v33, $0x1;
	s4 =	simm.s32 @!p0 $0xF4180;
	p0 =	slt.s32 s29, $0xF4180  }
0x9c: {  	[smem:$0x7C7] =	sst s2;
	s28 =	sadd.s32 s9, s4;
	s29 =	simm.s32 @!p0 $0xF4180  }
0x9d: {  	[tilespmem:s22], [sflag:$0x1] =	stream.strided.gather [hbm4b:s28+s25], $0x800, s17, s25, $0x38;
	[tilespmem:$0x17600] =	vst v63  }
0x9e: {  	s2 =	rddreg [dreg:$0x12];
	s7 =	sadd.s32 s9, s29  }
0x9f: {  	[tilespmem:s2], [sflag:$0x1] =	stream.strided.gather [hbm4b:s7+s25], $0x800, s17, s25, $0x38;
	[tilespmem:$0x17600] =	vst v63  }
0xa0: {  	s2 =	sand.u32 $0xFFFFFF80, s11  }
0xa1: {  	p0 =	slt.s32 s2, $0xF4180  }
0xa2: {  	s2 =	simm.s32 @!p0 $0xF4180;
	s18 =	spop (v2sf);
	(v2sf) =	vpush v33, $0x2  }
0xa3: {  	s13 =	rddreg [dreg:$0x13];
	s7 =	sadd.s32 s9, s2  }
0xa4: {  	[tilespmem:s13], [sflag:$0x1] =	stream.strided.gather [hbm4b:s7+s25], $0x800, s17, s25, $0x38;
	[tilespmem:$0x17600] =	vst v63  }
0xa5: {  	s7 =	spop (v2sf);
	(v2sf) =	vpush v33, $0x3;
	_ =	sdelay $0x4  }
0xa6: {  	s28 =	sand.u32 $0xFFFFFF80, s18;
	s13 =	spop (v2sf);
	(v2sf) =	vpush v33, $0x4  }
0xa7: {  	[smem:$0x7CB] =	sst s11;
	p0 =	slt.s32 s28, $0xF4180;
	s11 =	sand.u32 $0xFFFFFF80, s7  }
0xa8: {  	[smem:$0x7C9] =	sst s20;
	s28 =	simm.s32 @!p0 $0xF4180;
	p0 =	slt.s32 s11, $0xF4180  }
0xa9: {  	s20 =	rddreg [dreg:$0x14];
	s22 =	sadd.s32 s9, s28;
	s11 =	simm.s32 @!p0 $0xF4180  }
0xaa: {  	[tilespmem:s20], [sflag:$0x1] =	stream.strided.gather [hbm4b:s22+s25], $0x800, s17, s25, $0x38;
	[tilespmem:$0x17600] =	vst v63  }
0xab: {  	s9 =	sadd.s32 s15, s11  }
0xac: {  	[tilespmem:s3], [sflag:$0x1] =	stream.strided.gather [hbm4b:s9+s25], $0x800, s17, s25, $0x38;
	[tilespmem:$0x17600] =	vst v63  }
0xad: {  	s3 =	spop (v2sf);
	(v2sf) =	vpush v33, $0x5  }
0xae: {  	s20 =	sand.u32 $0xFFFFFF80, s13  }
0xaf: {  	[smem:$0x7CC] =	sst s18;
	p0 =	slt.s32 s20, $0xF4180  }
0xb0: {  	[smem:$0x7CE] =	sst s13;
	s20 =	simm.s32 @!p0 $0xF4180;
	s13 =	spop (v2sf);
	(v2sf) =	vpush v33, $0x6  }
0xb1: {  	s18 =	rddreg [dreg:$0x15];
	s22 =	sadd.s32 s15, s20  }
0xb2: {  	[tilespmem:s18], [sflag:$0x1] =	stream.strided.gather [hbm4b:s22+s25], $0x800, s17, s25, $0x38;
	[tilespmem:$0x17600] =	vst v63  }
0xb3: {  	s22 =	sand.u32 $0xFFFFFF80, s3  }
0xb4: {  	[smem:$0x7CF] =	sst s3;
	p0 =	slt.s32 s22, $0xF4180  }
0xb5: {  	[smem:$0x7D0] =	sst s13;
	s3 =	sand.u32 $0xFFFFFF80, s13;
	s13 =	spop (v2sf);
	(v2sf) =	vpush v33, $0x7  }
0xb6: {  	[smem:$0x7CD] =	sst s7;
	s22 =	simm.s32 @!p0 $0xF4180;
	p0 =	slt.s32 s3, $0xF4180  }
0xb7: {  	s7 =	rddreg [dreg:$0x16];
	s9 =	sadd.s32 s15, s22;
	s3 =	simm.s32 @!p0 $0xF4180  }
0xb8: {  	[tilespmem:s7], [sflag:$0x1] =	stream.strided.gather [hbm4b:s9+s25], $0x800, s17, s25, $0x38;
	[tilespmem:$0x17600] =	vst v63  }
0xb9: {  	[smem:$0x7D1] =	sst s3;
	s7 =	sadd.s32 s15, s3;
	s3 =	sand.u32 $0xFFFFFF80, s13  }
0xba: {  	s18 =	rddreg [dreg:$0x17];
	p0 =	slt.s32 s3, $0xF4180  }
0xbb: {  	[tilespmem:s18], [sflag:$0x1] =	stream.strided.gather [hbm4b:s7+s25], $0x800, s17, s25, $0x38;
	[tilespmem:$0x17600] =	vst v63  }
0xbc: {  	[smem:$0x7D2] =	sst s13;
	s3 =	simm.s32 @!p0 $0xF4180;
	s13 =	spop (v2sf);
	(v2sf) =	vpush v33, $0x8  }
0xbd: {  	s18 =	rddreg [dreg:$0x18];
	s7 =	sadd.s32 s15, s3  }
0xbe: {  	[tilespmem:s18], [sflag:$0x1] =	stream.strided.gather [hbm4b:s7+s25], $0x800, s17, s25, $0x38;
	[tilespmem:$0x17600] =	vst v63  }
0xbf: {  	[smem:$0x7D3] =	sst s3;
	s3 =	sand.u32 $0xFFFFFF80, s13;
	s7 =	spop (v2sf);
	(v2sf) =	vpush v33, $0x9  }
0xc0: {  	p0 =	slt.s32 s3, $0xF4180  }
0xc1: {  	s18 =	rddreg [dreg:$0x19];
	s3 =	simm.s32 @!p0 $0xF4180  }
0xc2: {  	[smem:$0x7D5] =	sst s3;
	s3 =	sadd.s32 s15, s3  }
0xc3: {  	[tilespmem:s18], [sflag:$0x1] =	stream.strided.gather [hbm4b:s3+s25], $0x800, s17, s25, $0x38;
	[tilespmem:$0x17600] =	vst v63  }
0xc4: {  	s3 =	sand.u32 $0xFFFFFF80, s7;
	s18 =	spop (v2sf);
	(v2sf) =	vpush v33, $0xA  }
0xc5: {  	s9 =	rddreg [dreg:$0x1a];
	p0 =	slt.s32 s3, $0xF4180  }
0xc6: {  	[smem:$0x7D4] =	sst s13;
	s3 =	simm.s32 @!p0 $0xF4180  }
0xc7: {  	[smem:$0x7D6] =	sst s7;
	s13 =	sadd.s32 s15, s3  }
0xc8: {  	[tilespmem:s9], [sflag:$0x1] =	stream.strided.gather [hbm4b:s13+s25], $0x800, s17, s25, $0x38;
	[tilespmem:$0x17600] =	vst v63  }
0xc9: {  	[smem:$0x7D8] =	sst s18;
	s9 =	sand.u32 $0xFFFFFF80, s18  }
0xca: {  	[smem:$0x7D7] =	sst s3;
	p0 =	slt.s32 s9, $0xF4180  }
0xcb: {  	s3 =	rddreg [dreg:$0x1b];
	s9 =	simm.s32 @!p0 $0xF4180;
	s7 =	spop (v2sf);
	(v2sf) =	vpush v33, $0xB  }
0xcc: {  	s13 =	rddreg [dreg:$0x1c];
	s18 =	sadd.s32 s15, s9  }
0xcd: {  	[tilespmem:s3], [sflag:$0x1] =	stream.strided.gather [hbm4b:s18+s25], $0x800, s17, s25, $0x38;
	[tilespmem:$0x17600] =	vst v63  }
0xce: {  	[smem:$0x7D9] =	sst s7;
	s1 =	sand.u32 $0xFFFFFF80, s7;
	s3 =	spop (v2sf)  }
0xcf: {  	(v2sf) =	vpush v33, $0xC;
	p0 =	slt.s32 s1, $0xF4180;
	[smem:$0x7DB] =	sst s3;
	s3 =	sand.u32 $0xFFFFFF80, s3  }
0xd0: {  	s7 =	rddreg [dreg:$0x1d];
	s1 =	simm.s32 @!p0 $0xF4180;
	p0 =	slt.s32 s3, $0xF4180  }
0xd1: {  	[smem:$0x7DA] =	sst s1;
	s1 =	sadd.s32 s15, s1;
	s3 =	simm.s32 @!p0 $0xF4180  }
0xd2: {  	[tilespmem:s13], [sflag:$0x1] =	stream.strided.gather [hbm4b:s1+s25], $0x800, s17, s25, $0x38;
	[tilespmem:$0x17600] =	vst v63  }
0xd3: {  	[smem:$0x7DC] =	sst s3;
	s13 =	sadd.s32 s15, s3;
	s3 =	spop (v2sf)  }
0xd4: {  	(v2sf) =	vpush v33, $0xD;
	[smem:$0x7DD] =	sst s3;
	s3 =	sand.u32 $0xFFFFFF80, s3  }
0xd5: {  	[tilespmem:s7], [sflag:$0x1] =	stream.strided.gather [hbm4b:s13+s25], $0x800, s17, s25, $0x38;
	[tilespmem:$0x17600] =	vst v63  }
0xd6: {  	p0 =	slt.s32 s3, $0xF4180  }
0xd7: {  	s3 =	simm.s32 @!p0 $0xF4180  }
0xd8: {  	s7 =	rddreg [dreg:$0x1e];
	s13 =	sadd.s32 s15, s3  }
0xd9: {  	[tilespmem:s7], [sflag:$0x1] =	stream.strided.gather [hbm4b:s13+s25], $0x800, s17, s25, $0x38;
	[tilespmem:$0x17600] =	vst v63  }
0xda: {  	[smem:$0x7DE] =	sst s3;
	s3 =	spop (v2sf)  }
0xdb: {  	(v2sf) =	vpush v33, $0xE;
	[smem:$0x7DF] =	sst s3;
	s3 =	sand.u32 $0xFFFFFF80, s3  }
0xdc: {  	p0 =	slt.s32 s3, $0xF4180  }
0xdd: {  	s7 =	rddreg [dreg:$0x1f];
	s3 =	simm.s32 @!p0 $0xF4180  }
0xde: {  	[smem:$0x7E0] =	sst s3;
	s13 =	sadd.s32 s15, s3;
	s3 =	spop (v2sf)  }
0xdf: {  	[tilespmem:s7], [sflag:$0x1] =	stream.strided.gather [hbm4b:s13+s25], $0x800, s17, s25, $0x38;
	[tilespmem:$0x17600] =	vst v63  }
0xe0: {  	[smem:$0x7E1] =	sst s3;
	s3 =	sand.u32 $0xFFFFFF80, s3  }
0xe1: {  	s7 =	sld [smem:$0x7FA];
	p0 =	slt.s32 s3, $0xF4180  }
0xe2: {  	(v2sf) =	vpush v33, $0xF;
	s3 =	simm.s32 @!p0 $0xF4180  }
0xe3: {  	[smem:$0x7E2] =	sst s3;
	s13 =	sadd.s32 s15, s3;
	s3 =	spop (v2sf)  }
0xe4: {  	[tilespmem:s7], [sflag:$0x1] =	stream.strided.gather [hbm4b:s13+s25], $0x800, s17, s25, $0x38;
	[tilespmem:$0x17600] =	vst v63  }
0xe5: {  	[smem:$0x7E3] =	sst s3;
	s3 =	sand.u32 $0xFFFFFF80, s3  }
0xe6: {  	s7 =	sld [smem:$0x7FB];
	p0 =	slt.s32 s3, $0xF4180  }
0xe7: {  	s3 =	simm.s32 @!p0 $0xF4180  }
0xe8: {  	s13 =	sadd.s32 s15, s3  }
0xe9: {  	[tilespmem:s7], [sflag:$0x1] =	stream.strided.gather [hbm4b:s13+s25], $0x800, s17, s25, $0x38;
	[tilespmem:$0x17600] =	vst v63  }
0xea: {  	[smem:$0x7E4] =	sst s3;
	s3 =	spop (v2sf)  }
0xeb: {  	[smem:$0x7E5] =	sst s3;
	s3 =	sand.u32 $0xFFFFFF80, s3  }
0xec: {  	s7 =	sld [smem:$0x7FC];
	p0 =	slt.s32 s3, $0xF4180  }
0xed: {  	s3 =	simm.s32 @!p0 $0xF4180  }
0xee: {  	s13 =	sadd.s32 s15, s3  }
0xef: {  	[tilespmem:s7], [sflag:$0x1] =	stream.strided.gather [hbm4b:s13+s25], $0x800, s17, s25, $0x38;
	[tilespmem:$0x17600] =	vst v63  }
0xf0: {  	s7 =	sld [smem:$0x7BD]  }
0xf1: {  	[smem:$0x7E6] =	sst s3;
	s3 =	spop (v2sf)  }
0xf2: {  	[smem:$0x7E7] =	sst s3;
	s13 =	sand.u32 $0xFFFFFF80, s3  }
0xf3: {  	p0 =	slt.s32 s13, $0xF4180;
	s1 =	ssub.s32 s7, s16;
	s16 =	sld [smem:$0x7FD]  }
0xf4: {  	p1 =	slt.s32 s1, $0x7F;
	s18 =	smov.u32 s1;
	s3 =	sadd.s32 $0xFFFFFF80, s1  }
0xf5: {  	s13 =	simm.s32 @!p0 $0xF4180;
	s18 =	simm.s32 @!p1 $0x7F;
	p0 =	sgt.s32 s3, $0x0  }
0xf6: {  	v52 =	vadd.s32 s18, v0;
	s3 =	simm.s32 @!p0 $0x0;
	s18 =	sadd.s32 s15, s13  }
0xf7: {  	[tilespmem:s16], [sflag:$0x1] =	stream.strided.gather [hbm4b:s18+s25], $0x800, s17, s25, $0x38;
	v53 =	vadd.s32 s3, v0;
	[tilespmem:$0x17600] =	vst v63  }
0xf8: {  	_ =	swait.ge [sflag:s31], $0x800  }
0xf9: {  	[sflag:s31] =	ssyncset.done $0x0  }
0xfa: {  	[sflag:s31] =	ssyncadd.s32 $0xFFFFF800  }
0xfb: {  	s18 =	simm.s32 $0x10400;
	s16 =	sld [smem:$0x7BE];
	v33 =	vld.idx.msk [tilespmem:v52+s25+$0x0], $0xffff  }
0xfc: {  	v34 =	vld.idx.msk [tilespmem:v53+s18+$0x0], $0xffff;
	_ =	sdelay $0x1  }
0xfd: {  	s3 =	ssub.s32 s16, s14  }
0xfe: {  	p0 =	slt.s32 s3, $0x7F;
	s14 =	smov.u32 s3;
	s16 =	sadd.s32 $0xFFFFFF80, s3  }
0xff: {  	p5 =	slt.s32 s1, $0x80;
	s14 =	simm.s32 @!p0 $0x7F;
	p0 =	sgt.s32 s16, $0x0  }
0x100: {  	v35 =	vadd.s32 s14, v1;
	s16 =	simm.s32 @!p0 $0x0;
	v33 =	vpsel p5, v33, v34  }
0x101: {  	v54 =	vadd.s32 s16, v0;
	[tilespmem:s23+$0xFFFFFF80] =	vst v33  }
0x102: {  	_ =	swait.ge [sflag:s31], $0x800  }
0x103: {  	[sflag:s31] =	ssyncset.done $0x0  }
0x104: {  	[sflag:s31] =	ssyncadd.s32 $0xFFFFF800  }
0x105: {  	s16 =	sld [smem:$0x7BF];
	v55 =	vld.idx.msk [tilespmem:v35+s25+$0x0], $0xffff  }
0x106: {  	v34 =	vld.idx.msk [tilespmem:v54+s18+$0x0], $0xffff;
	_ =	sdelay $0x1  }
0x107: {  	s1 =	ssub.s32 s16, s12  }
0x108: {  	p0 =	slt.s32 s1, $0x7F;
	s12 =	smov.u32 s1;
	s14 =	sadd.s32 $0xFFFFFF80, s1  }
0x109: {  	p6 =	slt.s32 s3, $0x80;
	s12 =	simm.s32 @!p0 $0x7F;
	p0 =	sgt.s32 s14, $0x0  }
0x10a: {  	v56 =	vadd.s32 s12, v2;
	s14 =	simm.s32 @!p0 $0x0;
	v33 =	vpsel p6, v55, v34  }
0x10b: {  	v57 =	vadd.s32 s14, v0;
	[tilespmem:s23+$0xFFFFFF90] =	vst v33  }
0x10c: {  	_ =	swait.ge [sflag:s31], $0x800  }
0x10d: {  	[sflag:s31] =	ssyncset.done $0x0  }
0x10e: {  	[sflag:s31] =	ssyncadd.s32 $0xFFFFF800  }
0x10f: {  	s12 =	sld [smem:$0x7C0];
	v58 =	vld.idx.msk [tilespmem:v56+s25+$0x0], $0xffff  }
0x110: {  	v34 =	vld.idx.msk [tilespmem:v57+s18+$0x0], $0xffff;
	_ =	sdelay $0x1  }
0x111: {  	s3 =	ssub.s32 s12, s10  }
0x112: {  	p0 =	slt.s32 s3, $0x7F;
	s10 =	smov.u32 s3;
	s12 =	sadd.s32 $0xFFFFFF80, s3  }
0x113: {  	p2 =	slt.s32 s1, $0x80;
	s10 =	simm.s32 @!p0 $0x7F;
	p0 =	sgt.s32 s12, $0x0  }
0x114: {  	v59 =	vadd.s32 s10, v3;
	s12 =	simm.s32 @!p0 $0x0;
	v33 =	vpsel p2, v58, v34  }
0x115: {  	v60 =	vadd.s32 s12, v0;
	[tilespmem:s23+$0xFFFFFFA0] =	vst v33  }
0x116: {  	_ =	swait.ge [sflag:s31], $0x800  }
0x117: {  	[sflag:s31] =	ssyncset.done $0x0  }
0x118: {  	[sflag:s31] =	ssyncadd.s32 $0xFFFFF800  }
0x119: {  	s14 =	sld [smem:$0x7C1];
	v61 =	vld.idx.msk [tilespmem:v59+s25+$0x0], $0xffff  }
0x11a: {  	v34 =	vld.idx.msk [tilespmem:v60+s18+$0x0], $0xffff;
	_ =	sdelay $0x1  }
0x11b: {  	s1 =	ssub.s32 s14, s8  }
0x11c: {  	p0 =	slt.s32 s1, $0x7F;
	s8 =	smov.u32 s1;
	s10 =	sadd.s32 $0xFFFFFF80, s1  }
0x11d: {  	p3 =	slt.s32 s3, $0x80;
	s8 =	simm.s32 @!p0 $0x7F;
	p0 =	sgt.s32 s10, $0x0  }
0x11e: {  	v62 =	vadd.s32 s8, v4;
	s10 =	simm.s32 @!p0 $0x0;
	v33 =	vpsel p3, v61, v34  }
0x11f: {  	v63 =	vadd.s32 s10, v0;
	[tilespmem:s23+$0xFFFFFFB0] =	vst v33  }
0x120: {  	_ =	swait.ge [sflag:s31], $0x800  }
0x121: {  	[sflag:s31] =	ssyncset.done $0x0  }
0x122: {  	[sflag:s31] =	ssyncadd.s32 $0xFFFFF800  }
0x123: {  	s16 =	sld [smem:$0x7C2];
	v36 =	vld.idx.msk [tilespmem:v62+s25+$0x0], $0xffff  }
0x124: {  	v34 =	vld.idx.msk [tilespmem:v63+s18+$0x0], $0xffff;
	_ =	sdelay $0x1  }
0x125: {  	s3 =	ssub.s32 s16, s19  }
0x126: {  	p0 =	slt.s32 s3, $0x7F;
	s8 =	smov.u32 s3;
	s10 =	sadd.s32 $0xFFFFFF80, s3  }
0x127: {  	p4 =	slt.s32 s1, $0x80;
	s8 =	simm.s32 @!p0 $0x7F;
	p0 =	sgt.s32 s10, $0x0  }
0x128: {  	v37 =	vadd.s32 s8, v5;
	s10 =	simm.s32 @!p0 $0x0;
	v33 =	vpsel p4, v36, v34  }
0x129: {  	v38 =	vadd.s32 s10, v0;
	[tilespmem:s23+$0xFFFFFFC0] =	vst v33  }
0x12a: {  	_ =	swait.ge [sflag:s31], $0x800  }
0x12b: {  	[sflag:s31] =	ssyncset.done $0x0  }
0x12c: {  	[sflag:s31] =	ssyncadd.s32 $0xFFFFF800  }
0x12d: {  	s8 =	sld [smem:$0x7C3];
	v39 =	vld.idx.msk [tilespmem:v37+s25+$0x0], $0xffff  }
0x12e: {  	v34 =	vld.idx.msk [tilespmem:v38+s18+$0x0], $0xffff;
	_ =	sdelay $0x1  }
0x12f: {  	s1 =	ssub.s32 s8, s21  }
0x130: {  	p0 =	slt.s32 s1, $0x7F;
	s8 =	smov.u32 s1;
	s10 =	sadd.s32 $0xFFFFFF80, s1  }
0x131: {  	p5 =	slt.s32 s3, $0x80;
	s8 =	simm.s32 @!p0 $0x7F;
	p0 =	sgt.s32 s10, $0x0  }
0x132: {  	v40 =	vadd.s32 s8, v6;
	s10 =	simm.s32 @!p0 $0x0;
	v33 =	vpsel p5, v39, v34  }
0x133: {  	v41 =	vadd.s32 s10, v0;
	[tilespmem:s23+$0xFFFFFFD0] =	vst v33  }
0x134: {  	_ =	swait.ge [sflag:s31], $0x800  }
0x135: {  	[sflag:s31] =	ssyncset.done $0x0  }
0x136: {  	[sflag:s31] =	ssyncadd.s32 $0xFFFFF800  }
0x137: {  	s10 =	sld [smem:$0x7C4];
	v42 =	vld.idx.msk [tilespmem:v40+s25+$0x0], $0xffff  }
0x138: {  	v34 =	vld.idx.msk [tilespmem:v41+s18+$0x0], $0xffff;
	_ =	sdelay $0x1  }
0x139: {  	s3 =	ssub.s32 s10, s26  }
0x13a: {  	p0 =	slt.s32 s3, $0x7F;
	s8 =	smov.u32 s3;
	s10 =	sadd.s32 $0xFFFFFF80, s3  }
0x13b: {  	p6 =	slt.s32 s1, $0x80;
	s8 =	simm.s32 @!p0 $0x7F;
	p0 =	sgt.s32 s10, $0x0  }
0x13c: {  	v43 =	vadd.s32 s8, v7;
	s10 =	simm.s32 @!p0 $0x0;
	v33 =	vpsel p6, v42, v34  }
0x13d: {  	v44 =	vadd.s32 s10, v0;
	[tilespmem:s23+$0xFFFFFFE0] =	vst v33  }
0x13e: {  	_ =	swait.ge [sflag:s31], $0x800  }
0x13f: {  	[sflag:s31] =	ssyncset.done $0x0  }
0x140: {  	[sflag:s31] =	ssyncadd.s32 $0xFFFFF800  }
0x141: {  	s12 =	sld [smem:$0x7C5];
	v45 =	vld.idx.msk [tilespmem:v43+s25+$0x0], $0xffff  }
0x142: {  	v34 =	vld.idx.msk [tilespmem:v44+s18+$0x0], $0xffff;
	_ =	sdelay $0x1  }
0x143: {  	s0 =	ssub.s32 s12, s0  }
0x144: {  	p0 =	slt.s32 s0, $0x7F;
	s1 =	smov.u32 s0;
	s8 =	sadd.s32 $0xFFFFFF80, s0  }
0x145: {  	p2 =	slt.s32 s3, $0x80;
	s1 =	simm.s32 @!p0 $0x7F;
	p0 =	sgt.s32 s8, $0x0  }
0x146: {  	v46 =	vadd.s32 s1, v8;
	s8 =	simm.s32 @!p0 $0x0;
	v33 =	vpsel p2, v45, v34  }
0x147: {  	v47 =	vadd.s32 s8, v0;
	[tilespmem:s23+$0xFFFFFFF0] =	vst v33  }
0x148: {  	_ =	swait.ge [sflag:s31], $0x800  }
0x149: {  	[sflag:s31] =	ssyncset.done $0x0  }
0x14a: {  	[sflag:s31] =	ssyncadd.s32 $0xFFFFF800  }
0x14b: {  	s14 =	sld [smem:$0x7C6];
	v48 =	vld.idx.msk [tilespmem:v46+s25+$0x0], $0xffff  }
0x14c: {  	v34 =	vld.idx.msk [tilespmem:v47+s18+$0x0], $0xffff;
	_ =	sdelay $0x1  }
0x14d: {  	s1 =	ssub.s32 s14, s6  }
0x14e: {  	p0 =	slt.s32 s1, $0x7F;
	s3 =	smov.u32 s1;
	s6 =	sadd.s32 $0xFFFFFF80, s1  }
0x14f: {  	p3 =	slt.s32 s0, $0x80;
	s3 =	simm.s32 @!p0 $0x7F;
	p0 =	sgt.s32 s6, $0x0  }
0x150: {  	v49 =	vadd.s32 s3, v9;
	s6 =	simm.s32 @!p0 $0x0;
	v33 =	vpsel p3, v48, v34  }
0x151: {  	v50 =	vadd.s32 s6, v0;
	[tilespmem:s23+$0x0] =	vst v33  }
0x152: {  	_ =	swait.ge [sflag:s31], $0x800  }
0x153: {  	[sflag:s31] =	ssyncset.done $0x0  }
0x154: {  	[sflag:s31] =	ssyncadd.s32 $0xFFFFF800  }
0x155: {  	s16 =	sld [smem:$0x7C7];
	v51 =	vld.idx.msk [tilespmem:v49+s25+$0x0], $0xffff  }
0x156: {  	v34 =	vld.idx.msk [tilespmem:v50+s18+$0x0], $0xffff;
	_ =	sdelay $0x1  }
0x157: {  	s0 =	ssub.s32 s16, s5  }
0x158: {  	p0 =	slt.s32 s0, $0x7F;
	s3 =	smov.u32 s0;
	s5 =	sadd.s32 $0xFFFFFF80, s0  }
0x159: {  	p4 =	slt.s32 s1, $0x80;
	s3 =	simm.s32 @!p0 $0x7F;
	p0 =	sgt.s32 s5, $0x0  }
0x15a: {  	v52 =	vadd.s32 s3, v10;
	s5 =	simm.s32 @!p0 $0x0;
	v33 =	vpsel p4, v51, v34  }
0x15b: {  	v53 =	vadd.s32 s5, v0;
	[tilespmem:s23+$0x10] =	vst v33  }
0x15c: {  	_ =	swait.ge [sflag:s31], $0x800  }
0x15d: {  	[sflag:s31] =	ssyncset.done $0x0  }
0x15e: {  	[sflag:s31] =	ssyncadd.s32 $0xFFFFF800  }
0x15f: {  	s19 =	sld [smem:$0x7C8];
	v54 =	vld.idx.msk [tilespmem:v52+s25+$0x0], $0xffff  }
0x160: {  	v34 =	vld.idx.msk [tilespmem:v53+s18+$0x0], $0xffff;
	_ =	sdelay $0x1  }
0x161: {  	s1 =	ssub.s32 s19, s30  }
0x162: {  	p0 =	slt.s32 s1, $0x7F;
	s3 =	smov.u32 s1;
	s5 =	sadd.s32 $0xFFFFFF80, s1  }
0x163: {  	p5 =	slt.s32 s0, $0x80;
	s3 =	simm.s32 @!p0 $0x7F;
	p0 =	sgt.s32 s5, $0x0  }
0x164: {  	v55 =	vadd.s32 s3, v11;
	s5 =	simm.s32 @!p0 $0x0;
	v33 =	vpsel p5, v54, v34  }
0x165: {  	v56 =	vadd.s32 s5, v0;
	[tilespmem:s23+$0x20] =	vst v33  }
0x166: {  	_ =	swait.ge [sflag:s31], $0x800  }
0x167: {  	[sflag:s31] =	ssyncset.done $0x0  }
0x168: {  	[sflag:s31] =	ssyncadd.s32 $0xFFFFF800  }
0x169: {  	s21 =	sld [smem:$0x7C9];
	v57 =	vld.idx.msk [tilespmem:v55+s25+$0x0], $0xffff  }
0x16a: {  	v34 =	vld.idx.msk [tilespmem:v56+s18+$0x0], $0xffff;
	_ =	sdelay $0x1  }
0x16b: {  	s0 =	ssub.s32 s21, s4  }
0x16c: {  	p0 =	slt.s32 s0, $0x7F;
	s3 =	smov.u32 s0;
	s4 =	sadd.s32 $0xFFFFFF80, s0  }
0x16d: {  	p6 =	slt.s32 s1, $0x80;
	s3 =	simm.s32 @!p0 $0x7F;
	p0 =	sgt.s32 s4, $0x0  }
0x16e: {  	v58 =	vadd.s32 s3, v12;
	s4 =	simm.s32 @!p0 $0x0;
	v33 =	vpsel p6, v57, v34  }
0x16f: {  	v59 =	vadd.s32 s4, v0;
	[tilespmem:s23+$0x30] =	vst v33  }
0x170: {  	_ =	swait.ge [sflag:s31], $0x800  }
0x171: {  	[sflag:s31] =	ssyncset.done $0x0  }
0x172: {  	[sflag:s31] =	ssyncadd.s32 $0xFFFFF800  }
0x173: {  	s26 =	sld [smem:$0x7CA];
	v60 =	vld.idx.msk [tilespmem:v58+s25+$0x0], $0xffff  }
0x174: {  	v34 =	vld.idx.msk [tilespmem:v59+s18+$0x0], $0xffff;
	_ =	sdelay $0x1  }
0x175: {  	s1 =	ssub.s32 s26, s29  }
0x176: {  	p0 =	slt.s32 s1, $0x7F;
	s3 =	smov.u32 s1;
	s4 =	sadd.s32 $0xFFFFFF80, s1  }
0x177: {  	p2 =	slt.s32 s0, $0x80;
	s3 =	simm.s32 @!p0 $0x7F;
	p0 =	sgt.s32 s4, $0x0  }
0x178: {  	v61 =	vadd.s32 s3, v13;
	s4 =	simm.s32 @!p0 $0x0;
	v33 =	vpsel p2, v60, v34  }
0x179: {  	v62 =	vadd.s32 s4, v0;
	[tilespmem:s23+$0x40] =	vst v33  }
0x17a: {  	_ =	swait.ge [sflag:s31], $0x800  }
0x17b: {  	[sflag:s31] =	ssyncset.done $0x0  }
0x17c: {  	[sflag:s31] =	ssyncadd.s32 $0xFFFFF800  }
0x17d: {  	s29 =	sld [smem:$0x7CB];
	v63 =	vld.idx.msk [tilespmem:v61+s25+$0x0], $0xffff  }
0x17e: {  	v34 =	vld.idx.msk [tilespmem:v62+s18+$0x0], $0xffff;
	_ =	sdelay $0x1  }
0x17f: {  	s0 =	ssub.s32 s29, s2  }
0x180: {  	p0 =	slt.s32 s0, $0x7F;
	s2 =	smov.u32 s0;
	s3 =	sadd.s32 $0xFFFFFF80, s0  }
0x181: {  	p3 =	slt.s32 s1, $0x80;
	s2 =	simm.s32 @!p0 $0x7F;
	p0 =	sgt.s32 s3, $0x0  }
0x182: {  	v36 =	vadd.s32 s2, v15;
	s3 =	simm.s32 @!p0 $0x0;
	v33 =	vpsel p3, v63, v34  }
0x183: {  	v37 =	vadd.s32 s3, v0;
	[tilespmem:s23+$0x50] =	vst v33  }
0x184: {  	_ =	swait.ge [sflag:s31], $0x800  }
0x185: {  	[sflag:s31] =	ssyncset.done $0x0  }
0x186: {  	[sflag:s31] =	ssyncadd.s32 $0xFFFFF800  }
0x187: {  	s30 =	sld [smem:$0x7CC];
	v38 =	vld.idx.msk [tilespmem:v36+s25+$0x0], $0xffff  }
0x188: {  	v34 =	vld.idx.msk [tilespmem:v37+s18+$0x0], $0xffff;
	_ =	sdelay $0x1  }
0x189: {  	s1 =	ssub.s32 s30, s28  }
0x18a: {  	p0 =	slt.s32 s1, $0x7F;
	s2 =	smov.u32 s1;
	s3 =	sadd.s32 $0xFFFFFF80, s1  }
0x18b: {  	p4 =	slt.s32 s0, $0x80;
	s2 =	simm.s32 @!p0 $0x7F;
	p0 =	sgt.s32 s3, $0x0  }
0x18c: {  	v39 =	vadd.s32 s2, v16;
	s3 =	simm.s32 @!p0 $0x0;
	v33 =	vpsel p4, v38, v34  }
0x18d: {  	v40 =	vadd.s32 s3, v0;
	[tilespmem:s23+$0x60] =	vst v33  }
0x18e: {  	_ =	swait.ge [sflag:s31], $0x800  }
0x18f: {  	[sflag:s31] =	ssyncset.done $0x0  }
0x190: {  	[sflag:s31] =	ssyncadd.s32 $0xFFFFF800  }
0x191: {  	s2 =	sld [smem:$0x7CD];
	v41 =	vld.idx.msk [tilespmem:v39+s25+$0x0], $0xffff  }
0x192: {  	v34 =	vld.idx.msk [tilespmem:v40+s18+$0x0], $0xffff;
	_ =	sdelay $0x1  }
0x193: {  	s0 =	ssub.s32 s2, s11  }
0x194: {  	p0 =	slt.s32 s0, $0x7F;
	s2 =	smov.u32 s0;
	s3 =	sadd.s32 $0xFFFFFF80, s0  }
0x195: {  	p5 =	slt.s32 s1, $0x80;
	s2 =	simm.s32 @!p0 $0x7F;
	p0 =	sgt.s32 s3, $0x0  }
0x196: {  	v42 =	vadd.s32 s2, v0;
	s3 =	simm.s32 @!p0 $0x0;
	v33 =	vpsel p5, v41, v34  }
0x197: {  	v43 =	vadd.s32 s3, v0;
	[tilespmem:s23+$0x70] =	vst v33  }
0x198: {  	_ =	swait.ge [sflag:s31], $0x800  }
0x199: {  	[sflag:s31] =	ssyncset.done $0x0  }
0x19a: {  	s7 =	simm.s32 $0x8400;
	[sflag:s31] =	ssyncadd.s32 $0xFFFFF800  }
0x19b: {  	s4 =	simm.s32 $0x10C00;
	s3 =	sld [smem:$0x7CE];
	v44 =	vld.idx.msk [tilespmem:v42+s7+$0x0], $0xffff  }
0x19c: {  	v34 =	vld.idx.msk [tilespmem:v43+s4+$0x0], $0xffff;
	_ =	sdelay $0x1  }
0x19d: {  	s1 =	ssub.s32 s3, s20  }
0x19e: {  	p0 =	slt.s32 s1, $0x7F;
	s2 =	smov.u32 s1;
	s3 =	sadd.s32 $0xFFFFFF80, s1  }
0x19f: {  	p6 =	slt.s32 s0, $0x80;
	s2 =	simm.s32 @!p0 $0x7F;
	p0 =	sgt.s32 s3, $0x0  }
0x1a0: {  	v45 =	vadd.s32 s2, v1;
	s3 =	simm.s32 @!p0 $0x0;
	v33 =	vpsel p6, v44, v34  }
0x1a1: {  	v46 =	vadd.s32 s3, v0;
	[tilespmem:s24+$0xFFFFFF80] =	vst v33  }
0x1a2: {  	_ =	swait.ge [sflag:s31], $0x800  }
0x1a3: {  	[sflag:s31] =	ssyncset.done $0x0  }
0x1a4: {  	[sflag:s31] =	ssyncadd.s32 $0xFFFFF800  }
0x1a5: {  	s8 =	sld [smem:$0x7CF];
	v47 =	vld.idx.msk [tilespmem:v45+s7+$0x0], $0xffff  }
0x1a6: {  	v34 =	vld.idx.msk [tilespmem:v46+s4+$0x0], $0xffff;
	_ =	sdelay $0x1  }
0x1a7: {  	s0 =	ssub.s32 s8, s22  }
0x1a8: {  	p0 =	slt.s32 s0, $0x7F;
	s2 =	smov.u32 s0;
	s3 =	sadd.s32 $0xFFFFFF80, s0  }
0x1a9: {  	p2 =	slt.s32 s1, $0x80;
	s2 =	simm.s32 @!p0 $0x7F;
	p0 =	sgt.s32 s3, $0x0  }
0x1aa: {  	v48 =	vadd.s32 s2, v2;
	s3 =	simm.s32 @!p0 $0x0;
	v33 =	vpsel p2, v47, v34  }
0x1ab: {  	v49 =	vadd.s32 s3, v0;
	[tilespmem:s24+$0xFFFFFF90] =	vst v33  }
0x1ac: {  	_ =	swait.ge [sflag:s31], $0x800  }
0x1ad: {  	[sflag:s31] =	ssyncset.done $0x0  }
0x1ae: {  	s10 =	sld [smem:$0x7D0];
	[sflag:s31] =	ssyncadd.s32 $0xFFFFF800  }
0x1af: {  	s11 =	sld [smem:$0x7D1];
	v50 =	vld.idx.msk [tilespmem:v48+s7+$0x0], $0xffff  }
0x1b0: {  	v34 =	vld.idx.msk [tilespmem:v49+s4+$0x0], $0xffff;
	_ =	sdelay $0x1  }
0x1b1: {  	s1 =	ssub.s32 s10, s11  }
0x1b2: {  	p0 =	slt.s32 s1, $0x7F;
	s2 =	smov.u32 s1;
	s3 =	sadd.s32 $0xFFFFFF80, s1  }
0x1b3: {  	p3 =	slt.s32 s0, $0x80;
	s2 =	simm.s32 @!p0 $0x7F;
	p0 =	sgt.s32 s3, $0x0  }
0x1b4: {  	v51 =	vadd.s32 s2, v3;
	s3 =	simm.s32 @!p0 $0x0;
	v33 =	vpsel p3, v50, v34  }
0x1b5: {  	v52 =	vadd.s32 s3, v0;
	[tilespmem:s24+$0xFFFFFFA0] =	vst v33  }
0x1b6: {  	_ =	swait.ge [sflag:s31], $0x800  }
0x1b7: {  	[sflag:s31] =	ssyncset.done $0x0  }
0x1b8: {  	s12 =	sld [smem:$0x7D2];
	[sflag:s31] =	ssyncadd.s32 $0xFFFFF800  }
0x1b9: {  	s14 =	sld [smem:$0x7D3];
	v53 =	vld.idx.msk [tilespmem:v51+s7+$0x0], $0xffff  }
0x1ba: {  	v33 =	vld.idx.msk [tilespmem:v52+s4+$0x0], $0xffff;
	_ =	sdelay $0x1  }
0x1bb: {  	s0 =	ssub.s32 s12, s14  }
0x1bc: {  	p0 =	slt.s32 s0, $0x7F;
	s2 =	smov.u32 s0;
	s3 =	sadd.s32 $0xFFFFFF80, s0  }
0x1bd: {  	p4 =	slt.s32 s1, $0x80;
	s2 =	simm.s32 @!p0 $0x7F;
	p0 =	sgt.s32 s3, $0x0  }
0x1be: {  	v54 =	vadd.s32 s2, v4;
	s3 =	simm.s32 @!p0 $0x0;
	v33 =	vpsel p4, v53, v33  }
0x1bf: {  	v55 =	vadd.s32 s3, v0;
	[tilespmem:s24+$0xFFFFFFB0] =	vst v33  }
0x1c0: {  	_ =	swait.ge [sflag:s31], $0x800  }
0x1c1: {  	[sflag:s31] =	ssyncset.done $0x0  }
0x1c2: {  	s16 =	sld [smem:$0x7D4];
	[sflag:s31] =	ssyncadd.s32 $0xFFFFF800  }
0x1c3: {  	s19 =	sld [smem:$0x7D5];
	v56 =	vld.idx.msk [tilespmem:v54+s7+$0x0], $0xffff  }
0x1c4: {  	v33 =	vld.idx.msk [tilespmem:v55+s4+$0x0], $0xffff;
	_ =	sdelay $0x1  }
0x1c5: {  	s1 =	ssub.s32 s16, s19  }
0x1c6: {  	p0 =	slt.s32 s1, $0x7F;
	s2 =	smov.u32 s1;
	s3 =	sadd.s32 $0xFFFFFF80, s1  }
0x1c7: {  	p5 =	slt.s32 s0, $0x80;
	s2 =	simm.s32 @!p0 $0x7F;
	p0 =	sgt.s32 s3, $0x0  }
0x1c8: {  	v57 =	vadd.s32 s2, v5;
	s3 =	simm.s32 @!p0 $0x0;
	v33 =	vpsel p5, v56, v33  }
0x1c9: {  	v58 =	vadd.s32 s3, v0;
	[tilespmem:s24+$0xFFFFFFC0] =	vst v33  }
0x1ca: {  	_ =	swait.ge [sflag:s31], $0x800  }
0x1cb: {  	[sflag:s31] =	ssyncset.done $0x0  }
0x1cc: {  	s20 =	sld [smem:$0x7D6];
	[sflag:s31] =	ssyncadd.s32 $0xFFFFF800  }
0x1cd: {  	s21 =	sld [smem:$0x7D7];
	v59 =	vld.idx.msk [tilespmem:v57+s7+$0x0], $0xffff  }
0x1ce: {  	v33 =	vld.idx.msk [tilespmem:v58+s4+$0x0], $0xffff;
	_ =	sdelay $0x1  }
0x1cf: {  	s0 =	ssub.s32 s20, s21  }
0x1d0: {  	p0 =	slt.s32 s0, $0x7F;
	s2 =	smov.u32 s0;
	s3 =	sadd.s32 $0xFFFFFF80, s0  }
0x1d1: {  	p6 =	slt.s32 s1, $0x80;
	s2 =	simm.s32 @!p0 $0x7F;
	p0 =	sgt.s32 s3, $0x0  }
0x1d2: {  	v60 =	vadd.s32 s2, v6;
	s3 =	simm.s32 @!p0 $0x0;
	v33 =	vpsel p6, v59, v33  }
0x1d3: {  	v61 =	vadd.s32 s3, v0;
	[tilespmem:s24+$0xFFFFFFD0] =	vst v33  }
0x1d4: {  	_ =	swait.ge [sflag:s31], $0x800  }
0x1d5: {  	[sflag:s31] =	ssyncset.done $0x0  }
0x1d6: {  	[sflag:s31] =	ssyncadd.s32 $0xFFFFF800  }
0x1d7: {  	s22 =	sld [smem:$0x7D8];
	v62 =	vld.idx.msk [tilespmem:v60+s7+$0x0], $0xffff  }
0x1d8: {  	v33 =	vld.idx.msk [tilespmem:v61+s4+$0x0], $0xffff;
	_ =	sdelay $0x1  }
0x1d9: {  	s1 =	ssub.s32 s22, s9  }
0x1da: {  	p0 =	slt.s32 s1, $0x7F;
	s2 =	smov.u32 s1;
	s3 =	sadd.s32 $0xFFFFFF80, s1  }
0x1db: {  	p2 =	slt.s32 s0, $0x80;
	s2 =	simm.s32 @!p0 $0x7F;
	p0 =	sgt.s32 s3, $0x0  }
0x1dc: {  	v63 =	vadd.s32 s2, v7;
	s3 =	simm.s32 @!p0 $0x0;
	v33 =	vpsel p2, v62, v33  }
0x1dd: {  	v36 =	vadd.s32 s3, v0;
	[tilespmem:s24+$0xFFFFFFE0] =	vst v33  }
0x1de: {  	s9 =	rddreg [dreg:$0x1];
	_ =	swait.ge [sflag:s31], $0x800  }
0x1df: {  	[sflag:s31] =	ssyncset.done $0x0  }
0x1e0: {  	s26 =	sld [smem:$0x7D9];
	[sflag:s31] =	ssyncadd.s32 $0xFFFFF800  }
0x1e1: {  	s28 =	sld [smem:$0x7DA];
	v37 =	vld.idx.msk [tilespmem:v63+s7+$0x0], $0xffff  }
0x1e2: {  	v33 =	vld.idx.msk [tilespmem:v36+s4+$0x0], $0xffff;
	_ =	sdelay $0x1  }
0x1e3: {  	s0 =	ssub.s32 s26, s28  }
0x1e4: {  	p0 =	slt.s32 s0, $0x7F;
	s2 =	smov.u32 s0;
	s3 =	sadd.s32 $0xFFFFFF80, s0  }
0x1e5: {  	p3 =	slt.s32 s1, $0x80;
	s2 =	simm.s32 @!p0 $0x7F;
	p0 =	sgt.s32 s3, $0x0  }
0x1e6: {  	v38 =	vadd.s32 s2, v8;
	s3 =	simm.s32 @!p0 $0x0;
	v33 =	vpsel p3, v37, v33  }
0x1e7: {  	v39 =	vadd.s32 s3, v0;
	[tilespmem:s24+$0xFFFFFFF0] =	vst v33  }
0x1e8: {  	_ =	swait.ge [sflag:s31], $0x800  }
0x1e9: {  	[sflag:s31] =	ssyncset.done $0x0  }
0x1ea: {  	s29 =	sld [smem:$0x7DB];
	[sflag:s31] =	ssyncadd.s32 $0xFFFFF800  }
0x1eb: {  	s30 =	sld [smem:$0x7DC];
	v40 =	vld.idx.msk [tilespmem:v38+s7+$0x0], $0xffff  }
0x1ec: {  	v33 =	vld.idx.msk [tilespmem:v39+s4+$0x0], $0xffff;
	_ =	sdelay $0x1  }
0x1ed: {  	s1 =	ssub.s32 s29, s30  }
0x1ee: {  	p0 =	slt.s32 s1, $0x7F;
	s2 =	smov.u32 s1;
	s3 =	sadd.s32 $0xFFFFFF80, s1  }
0x1ef: {  	p4 =	slt.s32 s0, $0x80;
	s2 =	simm.s32 @!p0 $0x7F;
	p0 =	sgt.s32 s3, $0x0  }
0x1f0: {  	v41 =	vadd.s32 s2, v9;
	s3 =	simm.s32 @!p0 $0x0;
	v33 =	vpsel p4, v40, v33  }
0x1f1: {  	v42 =	vadd.s32 s3, v0;
	[tilespmem:s24+$0x0] =	vst v33  }
0x1f2: {  	_ =	swait.ge [sflag:s31], $0x800  }
0x1f3: {  	[sflag:s31] =	ssyncset.done $0x0  }
0x1f4: {  	s3 =	sld [smem:$0x7DD];
	[sflag:s31] =	ssyncadd.s32 $0xFFFFF800  }
0x1f5: {  	s8 =	sld [smem:$0x7DE];
	v43 =	vld.idx.msk [tilespmem:v41+s7+$0x0], $0xffff  }
0x1f6: {  	v33 =	vld.idx.msk [tilespmem:v42+s4+$0x0], $0xffff;
	_ =	sdelay $0x1  }
0x1f7: {  	s0 =	ssub.s32 s3, s8  }
0x1f8: {  	p0 =	slt.s32 s0, $0x7F;
	s2 =	smov.u32 s0;
	s3 =	sadd.s32 $0xFFFFFF80, s0  }
0x1f9: {  	p5 =	slt.s32 s1, $0x80;
	s2 =	simm.s32 @!p0 $0x7F;
	p0 =	sgt.s32 s3, $0x0  }
0x1fa: {  	v44 =	vadd.s32 s2, v10;
	s3 =	simm.s32 @!p0 $0x0;
	v33 =	vpsel p5, v43, v33  }
0x1fb: {  	v45 =	vadd.s32 s3, v0;
	[tilespmem:s24+$0x10] =	vst v33  }
0x1fc: {  	_ =	swait.ge [sflag:s31], $0x800  }
0x1fd: {  	[sflag:s31] =	ssyncset.done $0x0  }
0x1fe: {  	s10 =	sld [smem:$0x7DF];
	[sflag:s31] =	ssyncadd.s32 $0xFFFFF800  }
0x1ff: {  	s11 =	sld [smem:$0x7E0];
	v46 =	vld.idx.msk [tilespmem:v44+s7+$0x0], $0xffff  }
0x200: {  	v33 =	vld.idx.msk [tilespmem:v45+s4+$0x0], $0xffff;
	_ =	sdelay $0x1  }
0x201: {  	s1 =	ssub.s32 s10, s11  }
0x202: {  	p0 =	slt.s32 s1, $0x7F;
	s2 =	smov.u32 s1;
	s3 =	sadd.s32 $0xFFFFFF80, s1  }
0x203: {  	p6 =	slt.s32 s0, $0x80;
	s2 =	simm.s32 @!p0 $0x7F;
	p0 =	sgt.s32 s3, $0x0  }
0x204: {  	v47 =	vadd.s32 s2, v11;
	s3 =	simm.s32 @!p0 $0x0;
	v33 =	vpsel p6, v46, v33  }
0x205: {  	v48 =	vadd.s32 s3, v0;
	[tilespmem:s24+$0x20] =	vst v33  }
0x206: {  	_ =	swait.ge [sflag:s31], $0x800  }
0x207: {  	[sflag:s31] =	ssyncset.done $0x0  }
0x208: {  	s12 =	sld [smem:$0x7E1];
	[sflag:s31] =	ssyncadd.s32 $0xFFFFF800  }
0x209: {  	s14 =	sld [smem:$0x7E2];
	v49 =	vld.idx.msk [tilespmem:v47+s7+$0x0], $0xffff  }
0x20a: {  	v33 =	vld.idx.msk [tilespmem:v48+s4+$0x0], $0xffff;
	_ =	sdelay $0x1  }
0x20b: {  	s0 =	ssub.s32 s12, s14  }
0x20c: {  	p0 =	slt.s32 s0, $0x7F;
	s2 =	smov.u32 s0;
	s3 =	sadd.s32 $0xFFFFFF80, s0  }
0x20d: {  	p2 =	slt.s32 s1, $0x80;
	s2 =	simm.s32 @!p0 $0x7F;
	p0 =	sgt.s32 s3, $0x0  }
0x20e: {  	v50 =	vadd.s32 s2, v12;
	s3 =	simm.s32 @!p0 $0x0;
	v33 =	vpsel p2, v49, v33  }
0x20f: {  	v51 =	vadd.s32 s3, v0;
	[tilespmem:s24+$0x30] =	vst v33  }
0x210: {  	_ =	swait.ge [sflag:s31], $0x800  }
0x211: {  	[sflag:s31] =	ssyncset.done $0x0  }
0x212: {  	s16 =	sld [smem:$0x7E3];
	[sflag:s31] =	ssyncadd.s32 $0xFFFFF800  }
0x213: {  	s19 =	sld [smem:$0x7E4];
	v52 =	vld.idx.msk [tilespmem:v50+s7+$0x0], $0xffff  }
0x214: {  	v33 =	vld.idx.msk [tilespmem:v51+s4+$0x0], $0xffff;
	_ =	sdelay $0x1  }
0x215: {  	s1 =	ssub.s32 s16, s19  }
0x216: {  	p0 =	slt.s32 s1, $0x7F;
	s2 =	smov.u32 s1;
	s3 =	sadd.s32 $0xFFFFFF80, s1  }
0x217: {  	p3 =	slt.s32 s0, $0x80;
	s2 =	simm.s32 @!p0 $0x7F;
	p0 =	sgt.s32 s3, $0x0  }
0x218: {  	v53 =	vadd.s32 s2, v13;
	s3 =	simm.s32 @!p0 $0x0;
	v33 =	vpsel p3, v52, v33  }
0x219: {  	v54 =	vadd.s32 s3, v0;
	[tilespmem:s24+$0x40] =	vst v33  }
0x21a: {  	_ =	swait.ge [sflag:s31], $0x800  }
0x21b: {  	[sflag:s31] =	ssyncset.done $0x0  }
0x21c: {  	s20 =	sld [smem:$0x7E5];
	[sflag:s31] =	ssyncadd.s32 $0xFFFFF800  }
0x21d: {  	s21 =	sld [smem:$0x7E6];
	v55 =	vld.idx.msk [tilespmem:v53+s7+$0x0], $0xffff  }
0x21e: {  	v33 =	vld.idx.msk [tilespmem:v54+s4+$0x0], $0xffff;
	_ =	sdelay $0x1  }
0x21f: {  	s0 =	ssub.s32 s20, s21  }
0x220: {  	p0 =	slt.s32 s0, $0x7F;
	s2 =	smov.u32 s0;
	s3 =	sadd.s32 $0xFFFFFF80, s0  }
0x221: {  	p4 =	slt.s32 s1, $0x80;
	s2 =	simm.s32 @!p0 $0x7F;
	p0 =	sgt.s32 s3, $0x0  }
0x222: {  	v56 =	vadd.s32 s2, v15;
	s3 =	simm.s32 @!p0 $0x0;
	v33 =	vpsel p4, v55, v33  }
0x223: {  	v57 =	vadd.s32 s3, v0;
	[tilespmem:s24+$0x50] =	vst v33  }
0x224: {  	_ =	swait.ge [sflag:s31], $0x800  }
0x225: {  	[sflag:s31] =	ssyncset.done $0x0  }
0x226: {  	[sflag:s31] =	ssyncadd.s32 $0xFFFFF800  }
0x227: {  	s22 =	sld [smem:$0x7E7];
	v58 =	vld.idx.msk [tilespmem:v56+s7+$0x0], $0xffff  }
0x228: {  	v33 =	vld.idx.msk [tilespmem:v57+s4+$0x0], $0xffff;
	_ =	sdelay $0x1  }
0x229: {  	s1 =	ssub.s32 s22, s13  }
0x22a: {  	p0 =	slt.s32 s1, $0x7F;
	s2 =	smov.u32 s1;
	s3 =	sadd.s32 $0xFFFFFF80, s1  }
0x22b: {  	p5 =	slt.s32 s0, $0x80;
	s2 =	simm.s32 @!p0 $0x7F;
	p0 =	sgt.s32 s3, $0x0  }
0x22c: {  	v59 =	vadd.s32 s2, v16;
	s3 =	simm.s32 @!p0 $0x0;
	v33 =	vpsel p5, v58, v33  }
0x22d: {  	s28 =	sld [smem:$0x7E9];
	v60 =	vadd.s32 s3, v0;
	[tilespmem:s24+$0x60] =	vst v33  }
0x22e: {  	s26 =	sld [smem:$0x7E8];
	_ =	swait.ge [sflag:s31], $0x800  }
0x22f: {  	[sflag:s31] =	ssyncset.done $0x0  }
0x230: {  	v61 =	vmov s28;
	s3 =	simm.s32 $0x8400;
	[sflag:s31] =	ssyncadd.s32 $0xFFFFF800  }
0x231: {  	v33 =	vshll.u32 v61, $0x4;
	v35 =	vld.idx.msk [tilespmem:v59+s3+$0x0], $0xffff  }
0x232: {  	v33 =	vor.u32 v17, v33;
	v34 =	vld.idx.msk [tilespmem:v60+s4+$0x0], $0xffff  }
0x233: {  	v33 =	vand.u32 $0x1F80, v33  }
0x234: {  	v36 =	vor.u32 v14, v33;
	_ =	sdelay $0x1  }
0x235: {  	p6 =	slt.s32 s1, $0x80  }
0x236: {  	v34 =	vpsel p6, v35, v34  }
0x237: {  	s5 =	simm.s32 $0x11400;
	[tilespmem:s24+$0x70] =	vst v34  }
0x238: {  	s6 =	simm.s32 $0x13400;
	v34 =	vld.idx.msk [tilespmem:v36+s5+$0x0], $0xffff  }
0x239: {  	v35 =	vld.idx.msk [tilespmem:v36+s6+$0x0], $0xffff;
	_ =	sdelay $0x2  }
0x23a: {  	v37 =	vor.u32 v18, v33;
	_ =	sdelay $0x1  }
0x23b: {  	v38 =	vmul.f32 v35, v34  }
0x23c: {  	s7 =	simm.s32 $0x15400  }
0x23d: {  	[tilespmem:v36+s7+$0x0] =	vst.idx.msk $0xffff, v38  }
0x23e: {  	v36 =	vld.idx.msk [tilespmem:v37+s5+$0x0], $0xffff  }
0x23f: {  	v38 =	vld.idx.msk [tilespmem:v37+s6+$0x0], $0xffff;
	_ =	sdelay $0x2  }
0x240: {  	v39 =	vor.u32 v19, v33;
	_ =	sdelay $0x1  }
0x241: {  	v40 =	vmul.f32 v38, v36;
	_ =	sdelay $0x1  }
0x242: {  	[tilespmem:v37+s7+$0x0] =	vst.idx.msk $0xffff, v40  }
0x243: {  	v37 =	vld.idx.msk [tilespmem:v39+s5+$0x0], $0xffff  }
0x244: {  	v40 =	vld.idx.msk [tilespmem:v39+s6+$0x0], $0xffff;
	_ =	sdelay $0x2  }
0x245: {  	v41 =	vor.u32 v20, v33;
	_ =	sdelay $0x1  }
0x246: {  	v42 =	vmul.f32 v40, v37;
	_ =	sdelay $0x1  }
0x247: {  	[tilespmem:v39+s7+$0x0] =	vst.idx.msk $0xffff, v42  }
0x248: {  	v39 =	vld.idx.msk [tilespmem:v41+s5+$0x0], $0xffff  }
0x249: {  	v42 =	vld.idx.msk [tilespmem:v41+s6+$0x0], $0xffff;
	_ =	sdelay $0x2  }
0x24a: {  	v43 =	vor.u32 v21, v33;
	_ =	sdelay $0x1  }
0x24b: {  	v44 =	vmul.f32 v42, v39;
	_ =	sdelay $0x1  }
0x24c: {  	[tilespmem:v41+s7+$0x0] =	vst.idx.msk $0xffff, v44  }
0x24d: {  	v41 =	vld.idx.msk [tilespmem:v43+s5+$0x0], $0xffff  }
0x24e: {  	v44 =	vld.idx.msk [tilespmem:v43+s6+$0x0], $0xffff;
	_ =	sdelay $0x2  }
0x24f: {  	v45 =	vor.u32 v22, v33;
	_ =	sdelay $0x1  }
0x250: {  	v46 =	vmul.f32 v44, v41;
	_ =	sdelay $0x1  }
0x251: {  	[tilespmem:v43+s7+$0x0] =	vst.idx.msk $0xffff, v46  }
0x252: {  	v43 =	vld.idx.msk [tilespmem:v45+s5+$0x0], $0xffff  }
0x253: {  	v46 =	vld.idx.msk [tilespmem:v45+s6+$0x0], $0xffff;
	_ =	sdelay $0x2  }
0x254: {  	v47 =	vor.u32 v23, v33;
	_ =	sdelay $0x1  }
0x255: {  	v48 =	vmul.f32 v46, v43;
	_ =	sdelay $0x1  }
0x256: {  	[tilespmem:v45+s7+$0x0] =	vst.idx.msk $0xffff, v48  }
0x257: {  	v45 =	vld.idx.msk [tilespmem:v47+s5+$0x0], $0xffff  }
0x258: {  	v48 =	vld.idx.msk [tilespmem:v47+s6+$0x0], $0xffff;
	_ =	sdelay $0x2  }
0x259: {  	v49 =	vor.u32 v24, v33;
	_ =	sdelay $0x1  }
0x25a: {  	v50 =	vmul.f32 v48, v45;
	_ =	sdelay $0x1  }
0x25b: {  	[tilespmem:v47+s7+$0x0] =	vst.idx.msk $0xffff, v50  }
0x25c: {  	v47 =	vld.idx.msk [tilespmem:v49+s5+$0x0], $0xffff  }
0x25d: {  	v50 =	vld.idx.msk [tilespmem:v49+s6+$0x0], $0xffff;
	_ =	sdelay $0x2  }
0x25e: {  	v51 =	vor.u32 v25, v33;
	_ =	sdelay $0x1  }
0x25f: {  	v52 =	vmul.f32 v50, v47;
	_ =	sdelay $0x1  }
0x260: {  	[tilespmem:v49+s7+$0x0] =	vst.idx.msk $0xffff, v52  }
0x261: {  	v49 =	vld.idx.msk [tilespmem:v51+s5+$0x0], $0xffff  }
0x262: {  	v52 =	vld.idx.msk [tilespmem:v51+s6+$0x0], $0xffff;
	_ =	sdelay $0x2  }
0x263: {  	v53 =	vor.u32 v26, v33;
	_ =	sdelay $0x1  }
0x264: {  	v54 =	vmul.f32 v52, v49;
	_ =	sdelay $0x1  }
0x265: {  	[tilespmem:v51+s7+$0x0] =	vst.idx.msk $0xffff, v54  }
0x266: {  	v51 =	vld.idx.msk [tilespmem:v53+s5+$0x0], $0xffff  }
0x267: {  	v54 =	vld.idx.msk [tilespmem:v53+s6+$0x0], $0xffff;
	_ =	sdelay $0x2  }
0x268: {  	v55 =	vor.u32 v27, v33;
	_ =	sdelay $0x1  }
0x269: {  	v56 =	vmul.f32 v54, v51;
	_ =	sdelay $0x1  }
0x26a: {  	[tilespmem:v53+s7+$0x0] =	vst.idx.msk $0xffff, v56  }
0x26b: {  	v53 =	vld.idx.msk [tilespmem:v55+s5+$0x0], $0xffff  }
0x26c: {  	v56 =	vld.idx.msk [tilespmem:v55+s6+$0x0], $0xffff;
	_ =	sdelay $0x2  }
0x26d: {  	v57 =	vor.u32 v28, v33;
	_ =	sdelay $0x1  }
0x26e: {  	v58 =	vmul.f32 v56, v53;
	_ =	sdelay $0x1  }
0x26f: {  	[tilespmem:v55+s7+$0x0] =	vst.idx.msk $0xffff, v58  }
0x270: {  	v55 =	vld.idx.msk [tilespmem:v57+s5+$0x0], $0xffff  }
0x271: {  	v58 =	vld.idx.msk [tilespmem:v57+s6+$0x0], $0xffff;
	_ =	sdelay $0x2  }
0x272: {  	v59 =	vor.u32 v29, v33;
	_ =	sdelay $0x1  }
0x273: {  	v60 =	vmul.f32 v58, v55;
	_ =	sdelay $0x1  }
0x274: {  	[tilespmem:v57+s7+$0x0] =	vst.idx.msk $0xffff, v60  }
0x275: {  	v57 =	vld.idx.msk [tilespmem:v59+s5+$0x0], $0xffff  }
0x276: {  	v60 =	vld.idx.msk [tilespmem:v59+s6+$0x0], $0xffff;
	_ =	sdelay $0x2  }
0x277: {  	v61 =	vor.u32 v30, v33;
	v34 =	vmul.f32 v34, v34;
	v36 =	vmul.f32 v36, v36  }
0x278: {  	v35 =	vmul.f32 v35, v35;
	v38 =	vmul.f32 v38, v38  }
0x279: {  	v34 =	vadd.f32 v36, v34;
	v62 =	vmul.f32 v37, v37;
	v63 =	vmul.f32 v60, v57  }
0x27a: {  	v35 =	vadd.f32 v38, v35;
	v40 =	vmul.f32 v40, v40  }
0x27b: {  	v34 =	vadd.f32 v62, v34;
	v62 =	vmul.f32 v39, v39;
	[tilespmem:v59+s7+$0x0] =	vst.idx.msk $0xffff, v63  }
0x27c: {  	v35 =	vadd.f32 v40, v35;
	v63 =	vmul.f32 v42, v42;
	v38 =	vld.idx.msk [tilespmem:v61+s5+$0x0], $0xffff  }
0x27d: {  	v34 =	vadd.f32 v62, v34;
	v42 =	vmul.f32 v41, v41;
	v39 =	vld.idx.msk [tilespmem:v61+s6+$0x0], $0xffff  }
0x27e: {  	v59 =	vmul.f32 v44, v44;
	v35 =	vadd.f32 v63, v35  }
0x27f: {  	v62 =	vmul.f32 v43, v43;
	v34 =	vadd.f32 v42, v34  }
0x280: {  	v40 =	vor.u32 v31, v33;
	v63 =	vmul.f32 v46, v46;
	v35 =	vadd.f32 v59, v35  }
0x281: {  	v44 =	vmul.f32 v45, v45;
	v34 =	vadd.f32 v62, v34  }
0x282: {  	v45 =	vmul.f32 v48, v48;
	v35 =	vadd.f32 v63, v35;
	v46 =	vmul.f32 v39, v38  }
0x283: {  	v47 =	vmul.f32 v47, v47;
	v34 =	vadd.f32 v44, v34  }
0x284: {  	v48 =	vmul.f32 v50, v50;
	[tilespmem:v61+s7+$0x0] =	vst.idx.msk $0xffff, v46;
	v35 =	vadd.f32 v45, v35  }
0x285: {  	v50 =	vmul.f32 v49, v49;
	v34 =	vadd.f32 v47, v34;
	v41 =	vld.idx.msk [tilespmem:v40+s5+$0x0], $0xffff  }
0x286: {  	v52 =	vmul.f32 v52, v52;
	v42 =	vld.idx.msk [tilespmem:v40+s6+$0x0], $0xffff;
	v35 =	vadd.f32 v48, v35  }
0x287: {  	v59 =	vmul.f32 v51, v51;
	v34 =	vadd.f32 v50, v34  }
0x288: {  	v61 =	vmul.f32 v54, v54;
	v35 =	vadd.f32 v52, v35  }
0x289: {  	v33 =	vor.u32 v32, v33;
	v62 =	vmul.f32 v53, v53;
	v34 =	vadd.f32 v59, v34  }
0x28a: {  	v63 =	vmul.f32 v56, v56;
	v35 =	vadd.f32 v61, v35  }
0x28b: {  	v45 =	vmul.f32 v55, v55;
	v34 =	vadd.f32 v62, v34;
	v46 =	vmul.f32 v42, v41  }
0x28c: {  	v47 =	vmul.f32 v58, v58;
	v35 =	vadd.f32 v63, v35  }
0x28d: {  	v48 =	vmul.f32 v57, v57;
	[tilespmem:v40+s7+$0x0] =	vst.idx.msk $0xffff, v46;
	v34 =	vadd.f32 v45, v34  }
0x28e: {  	v49 =	vmul.f32 v60, v60;
	v40 =	vld.idx.msk [tilespmem:v33+s5+$0x0], $0xffff;
	v35 =	vadd.f32 v47, v35  }
0x28f: {  	v50 =	vmul.f32 v38, v38;
	v51 =	vld.idx.msk [tilespmem:v33+s6+$0x0], $0xffff;
	v34 =	vadd.f32 v48, v34  }
0x290: {  	v52 =	vmul.f32 v39, v39;
	v35 =	vadd.f32 v49, v35  }
0x291: {  	v53 =	vmul.f32 v41, v41;
	v34 =	vadd.f32 v50, v34  }
0x292: {  	v54 =	vmul.f32 v42, v42;
	v35 =	vadd.f32 v52, v35  }
0x293: {  	v34 =	vadd.f32 v53, v34;
	v55 =	vmul.f32 v40, v40  }
0x294: {  	v56 =	vmul.f32 v51, v51;
	v35 =	vadd.f32 v54, v35  }
0x295: {  	v34 =	vadd.f32 v55, v34  }
0x296: {  	v35 =	vadd.f32 v56, v35  }
0x297: {  	v36 =	vshra.s32 v34, $0x1  }
0x298: {  	v57 =	vmul.f32 $5.000000000e-01, v34;
	v58 =	vshra.s32 v35, $0x1;
	v59 =	vmul.f32 $5.000000000e-01, v35  }
0x299: {  	v36 =	vsub.s32 $0x5F3759DF, v36;
	v39 =	vsub.s32 $0x5F3759DF, v58  }
0x29a: {  	v60 =	vmul.f32 v36, v57;
	v61 =	vmul.f32 v39, v59;
	_ =	sdelay $0x1  }
0x29b: {  	v42 =	vmul.f32 v36, v60;
	v43 =	vmul.f32 v39, v61;
	_ =	sdelay $0x1  }
0x29c: {  	v42 =	vsub.f32 $1.500000000e+00, v42;
	v43 =	vsub.f32 $1.500000000e+00, v43;
	_ =	sdelay $0x1  }
0x29d: {  	v36 =	vmul.f32 v36, v42;
	v39 =	vmul.f32 v39, v43;
	_ =	sdelay $0x1  }
0x29e: {  	v42 =	vmul.f32 v36, v57;
	v43 =	vmul.f32 v39, v59;
	_ =	sdelay $0x1  }
0x29f: {  	v42 =	vmul.f32 v42, v36;
	v43 =	vmul.f32 v43, v39;
	_ =	sdelay $0x1  }
0x2a0: {  	v42 =	vsub.f32 $1.500000000e+00, v42;
	v43 =	vsub.f32 $1.500000000e+00, v43;
	_ =	sdelay $0x1  }
0x2a1: {  	v36 =	vmul.f32 v42, v36;
	v39 =	vmul.f32 v43, v39;
	_ =	sdelay $0x1  }
0x2a2: {  	v37 =	vmul.f32 v36, v57;
	v41 =	vmul.f32 v39, v59;
	_ =	sdelay $0x1  }
0x2a3: {  	v37 =	vmul.f32 v37, v36;
	v41 =	vmul.f32 v41, v39;
	_ =	sdelay $0x1  }
0x2a4: {  	v37 =	vsub.f32 $1.500000000e+00, v37;
	v41 =	vsub.f32 $1.500000000e+00, v41;
	_ =	sdelay $0x1  }
0x2a5: {  	v36 =	vmul.f32 v37, v36;
	v62 =	vmul.f32 v41, v39;
	_ =	sdelay $0x1  }
0x2a6: {  	v34 =	vmul.f32 v36, v34;
	v35 =	vmul.f32 v62, v35  }
0x2a7: {  	p0 =	sne.s32 s28, $0x1F0  }
.Ltmp0:
0x2a8: {  	s29 =	sld [smem:$0x7EA];
	v34 =	vadd.f32 v35, v34;
	(pc) =	sbr.rel @p0 .LBB2_2-.Ltmp0, $4  }
0x2a9: {  	s30 =	sld [smem:$0x7EB];
	v63 =	vmul.f32 v51, v40  }
0x2aa: {  	v34 =	vmul.f32 $9.999999740e-06, v34  }
0x2ab: {  	s23 =	sadd.s32 $0x100, s23;
	s0 =	sadd.s32 $0x10, s26;
	s2 =	sadd.s32 $0x10, s28;
	[tilespmem:v33+s7+$0x0] =	vst.idx.msk $0xffff, v63  }
0x2ac: {  	s1 =	sadd.s32 $0x10, s29;
	s24 =	sadd.s32 $0x100, s24;
	s5 =	sadd.s32 $0x10, s30;
	[tilespmem:s29+$0x0] =	vst v34  }
0x2ad: {  	s0 =	sld [smem:$0x7F7];
	_ =	sdelay $0x1  }
0x2ae: {  	s10 =	simm.s32 $0x0;
	s1 =	simm.s32 $0x2  }
0x2af: {  	[hbm4b:s0+s10] =	stream.linear.scatter [tilespmem:s7], [sflag:$0x2], $0x2000, $0x38;
	[tilespmem:$0x17600] =	vst v63  }
0x2b0: {  	_ =	swait.ge [sflag:s1], $0x2000  }
0x2b1: {  	s28 =	sld [smem:$0x7F8]  }
0x2b2: {  	[sflag:s1] =	ssyncset.done $0x0  }
0x2b3: {  	s2 =	simm.s32 $0x17400;
	[sflag:s1] =	ssyncadd.s32 $0xFFFFE000  }
0x2b4: {  	[hbm4b:s28+s10] =	stream.linear.scatter [tilespmem:s2], [sflag:$0x2], $0x200, $0x38;
	[tilespmem:$0x17600] =	vst v63  }
0x2b5: {  	_ =	swait.ge [sflag:s1], $0x200  }
0x2b6: {  	s29 =	sld [smem:$0x7EC]  }
0x2b7: {  	s30 =	sld [smem:$0x7F9];
	_ =	sdelay $0x1  }
0x2b8: {  	s2 =	sadd.s32 $0x1, s29  }
0x2b9: {  	p0 =	sne.s32 s2, s30  }
.Ltmp1:
0x2ba: {  	_ = 	snop;
	(pc) =	sbr.rel @p0 .LBB2_1-.Ltmp1, $3  }
0x2bb: {  	_ =	sdelay $0x1  }
0x2bc: {  	[sflag:s1] =	ssyncset.done $0x0  }
0x2bd: {  	[sflag:s1] =	ssyncadd.s32 $0xFFFFFE00  }
0x2be: {  	_ =	sfence.sel $0x180000  }
0x2bf: {  	[bflag:$0x0] =	sbarrier.arrive $0xFFFF  }
0x2c0: {  	_ =	strace $0x90000047  }
0x2c1: {  	s0 =	stileid.u32;
	[bflag:$0x2] =	sbarrier.arrive $0xFFFF  }
0x2c2: {  	p0 =	sne.s32 s0, $0x0;
	s0 =	rddreg [dreg:$0x5]  }
0x2c3: {  	s0 =	sadd.s32 @!p0 $0x100000, s0  }
0x2c4: {  	[sflag:s0] =	ssyncadd.tile.s32 @!p0 $0x1;
	_ =	shalt  }
.Lfunc_end2:
_tile_overlayer_lowered:
.L_overlay_start_2:
0x2c5: {  	(tag) =	ssettag $0x2  }
0x2c6: {  	s0 =	rddreg [dreg:$0x0];
	s2 =	stileid.u32  }
0x2c7: {  	s1 =	rddreg [dreg:$0x1];
	p0 =	sne.s32 s2, $0x0  }
0x2c8: {  	s3 =	rddreg [dreg:$0x2];
	[bflag:$0x3] =	sbarrier.arrive $0xFFFF;
	s2 =	simm.s32 @!p0 $0x1C02  }
0x2c9: {  	[timem:s3], [sflag:s2] =	dma.local @!p0 [hbm:s0], s1  }
0x2ca: {  	s0 =	simm.s32 @!p0 $0x2  }
0x2cb: {  	_ =	swait.ge @!p0 [sflag:s0], s1  }
0x2cc: {  	s1 =	ssub.s32 @!p0 $0x0, s1;
	[sflag:s0] =	ssyncset.done @!p0 $0x0  }
0x2cd: {  	[sflag:s0] =	ssyncadd.s32 @!p0 s1  }
0x2ce: {  	[bflag:$0x3] =	sbarrier.arrive $0xFFFF  }
0x2cf: {  	_ =	shalt  }

</sc_bundles>
